<compile_context>
chip_gen: v7x
topology: tpu7x:2x2x1
jax: 0.10.2.dev20260603
libtpu: 0.0.44.dev20260713+nightly
codegen_flags: <defaults>
</compile_context>

<pallas_src>
import functools
import jax
import jax.numpy as jnp
from jax import lax
from jax.experimental import pallas as pl
from jax.experimental.pallas import tpu as pltpu
from jax.experimental.pallas import tpu_sc as plsc

_EPS = 1e-8
_NC = 2
_NS = 16
_LB = 128


def _ceil_to(x, m):
    return (x + m - 1) // m * m


def _make_scatter(epadh, nv, half):
    mesh = plsc.VectorSubcoreMesh(core_axis_name="c", subcore_axis_name="s")
    _G = 5
    ew = epadh // _NS
    nbs = ew // _LB
    ng = nbs // _G
    np_h = _ceil_to(half + 64, _NS * 8)
    zr = np_h // _NS // 8
    cr = half // _NS

    @functools.partial(
        pl.kernel,
        out_type=jax.ShapeDtypeStruct((4, nv, 64), jnp.float32),
        mesh=mesh,
        scratch_types=[
            pltpu.VMEM((zr, 64), jnp.float32),
            pltpu.VMEM((nbs, _LB), jnp.int32),
            pltpu.VMEM((nbs, _LB), jnp.int32),
            pltpu.VMEM((_G, _LB, 64), jnp.float32),
            pltpu.VMEM_SHARED((np_h, 64), jnp.float32),
            pltpu.SemaphoreType.DMA,
            pltpu.SemaphoreType.DMA,
        ],
        compiler_params=pltpu.CompilerParams(use_tc_tiling_on_sc=False),
    )
    def scatter_kernel(tbl, src4, dst, out, zbuf, sidx, didx, rows, acc,
                       gsem, ssem):
        c = lax.axis_index("c")
        s = lax.axis_index("s")
        zv = jnp.zeros((16,), jnp.float32)
        base = c * half

        @pl.loop(0, zr)
        def _(r):
            for q in range(4):
                zbuf[r, pl.ds(q * 16, 16)] = zv

        for chunk in range(4):
            pltpu.sync_copy(src4.at[chunk, c, pl.ds(s * nbs, nbs)], sidx)
            pltpu.sync_copy(dst.at[chunk, c, pl.ds(s * nbs, nbs)], didx)
            for bb in range(8):
                pltpu.sync_copy(
                    zbuf, acc.at[pl.ds(s * (np_h // _NS) + bb * zr, zr)]
                )
            plsc.subcore_barrier()

            @pl.loop(0, ng)
            def _(g):
                gd = [
                    pltpu.async_copy(tbl.at[sidx.at[g * _G + j]],
                                     rows.at[j], gsem)
                    for j in range(_G)
                ]
                for d in gd:
                    d.wait()
                sd = [
                    pltpu.async_copy(rows.at[j], acc.at[didx.at[g * _G + j]],
                                     ssem, add=True)
                    for j in range(_G)
                ]
                for d in sd:
                    d.wait()

            plsc.subcore_barrier()

            k = 0
            while k < cr:
                w = min(_LB, cr - k)
                pltpu.sync_copy(acc.at[pl.ds(s * cr + k, w)],
                                rows.at[0, pl.ds(0, w)])
                pltpu.sync_copy(rows.at[0, pl.ds(0, w)],
                                out.at[chunk, pl.ds(base + s * cr + k, w)])
                k += w

            plsc.subcore_barrier()

    return scatter_kernel


def _row_block_specs(bn):
    return pl.BlockSpec((bn, 256), lambda ii: (ii, 0))


def _chunk_block_spec(bn):
    return pl.BlockSpec((4, bn, 64), lambda ii: (0, ii, 0))


def _scale_a(x, cnt, bn):
    n = x.shape[0]

    def body(x_ref, c_ref, a_ref, xa_ref):
        a = 1.0 / (jnp.sqrt(c_ref[...] + 1.0) + _EPS)
        a_ref[...] = a
        xa = x_ref[...] * a
        for c in range(4):
            xa_ref[c] = xa[:, c * 64:(c + 1) * 64]

    return pl.pallas_call(
        body,
        grid=(n // bn,),
        in_specs=[
            _row_block_specs(bn),
            pl.BlockSpec((bn, 1), lambda ii: (ii, 0)),
        ],
        out_specs=[
            pl.BlockSpec((bn, 1), lambda ii: (ii, 0)),
            _chunk_block_spec(bn),
        ],
        out_shape=[
            jax.ShapeDtypeStruct((n, 1), jnp.float32),
            jax.ShapeDtypeStruct((4, n, 64), jnp.float32),
        ],
    )(x, cnt)


def _layer1(s4, xa4, a, w, bn):
    n = s4.shape[1]

    def body(s_ref, p_ref, a_ref, w_ref, h_ref, ha_ref):
        av = a_ref[...]
        acc = jnp.zeros((s_ref.shape[1], 256), jnp.float32)
        for c in range(4):
            m = av * (s_ref[c] + p_ref[c])
            acc = acc + jnp.dot(m, w_ref[...][c * 64:(c + 1) * 64, :],
                                preferred_element_type=jnp.float32)
        h = jnp.tanh(acc)
        h_ref[...] = h
        hv = av * h
        for c in range(4):
            ha_ref[c] = hv[:, c * 64:(c + 1) * 64]

    return pl.pallas_call(
        body,
        grid=(n // bn,),
        in_specs=[
            _chunk_block_spec(bn),
            _chunk_block_spec(bn),
            pl.BlockSpec((bn, 1), lambda ii: (ii, 0)),
            pl.BlockSpec((256, 256), lambda ii: (0, 0)),
        ],
        out_specs=[
            _row_block_specs(bn),
            _chunk_block_spec(bn),
        ],
        out_shape=[
            jax.ShapeDtypeStruct((n, 256), jnp.float32),
            jax.ShapeDtypeStruct((4, n, 64), jnp.float32),
        ],
    )(s4, xa4, a, w)


def _layer2(s4, pa4, a, w, x, h1, bn):
    n = s4.shape[1]

    def body(s_ref, p_ref, a_ref, w_ref, x_ref, h1_ref, o_ref, o4_ref):
        av = a_ref[...]
        acc = jnp.zeros((s_ref.shape[1], 256), jnp.float32)
        for c in range(4):
            m = av * (s_ref[c] + p_ref[c])
            acc = acc + jnp.dot(m, w_ref[...][c * 64:(c + 1) * 64, :],
                                preferred_element_type=jnp.float32)
        o = (x_ref[...] + h1_ref[...] + jnp.tanh(acc)) * (1.0 / 3.0)
        o_ref[...] = o
        for c in range(4):
            o4_ref[c] = o[:, c * 64:(c + 1) * 64]

    return pl.pallas_call(
        body,
        grid=(n // bn,),
        in_specs=[
            _chunk_block_spec(bn),
            _chunk_block_spec(bn),
            pl.BlockSpec((bn, 1), lambda ii: (ii, 0)),
            pl.BlockSpec((256, 256), lambda ii: (0, 0)),
            _row_block_specs(bn),
            _row_block_specs(bn),
        ],
        out_specs=[
            _row_block_specs(bn),
            _chunk_block_spec(bn),
        ],
        out_shape=[
            jax.ShapeDtypeStruct((n, 256), jnp.float32),
            jax.ShapeDtypeStruct((4, n, 64), jnp.float32),
        ],
    )(s4, pa4, a, w, x, h1)


def _gate_users(il, bl, ft, gw, b2, nrows, bn):
    def body(il_ref, bl_ref, ft_ref, gw_ref, b_ref, o_ref):
        ilv = il_ref[...]
        blv = bl_ref[...]
        m = jnp.concatenate([ilv, blv, ft_ref[...]], axis=1)
        g = jnp.dot(m, gw_ref[...], preferred_element_type=jnp.float32)
        g = g + b_ref[...][0:1, :]
        w0 = 1.0 / (1.0 + jnp.exp(g[:, 1:2] - g[:, 0:1]))
        o_ref[...] = w0 * ilv + (1.0 - w0) * blv

    return pl.pallas_call(
        body,
        grid=(nrows // bn,),
        in_specs=[
            _row_block_specs(bn),
            _row_block_specs(bn),
            _row_block_specs(bn),
            pl.BlockSpec((768, 2), lambda ii: (0, 0)),
            pl.BlockSpec((1, 2), lambda ii: (0, 0)),
        ],
        out_specs=_row_block_specs(bn),
        out_shape=jax.ShapeDtypeStruct((nrows, 256), jnp.float32),
    )(il, bl, ft, gw, b2)


def _gate_bundles(il4, cnt, bl, ft, gw, b2, nrows, u, bn):
    def body(il_ref, c_ref, bl_ref, ft_ref, gw_ref, b_ref, o_ref):
        inv = 1.0 / (c_ref[...] + _EPS)
        ilv = jnp.concatenate(
            [il_ref[c] for c in range(4)], axis=1) * inv
        blv = bl_ref[...]
        m = jnp.concatenate([ilv, blv, ft_ref[...]], axis=1)
        g = jnp.dot(m, gw_ref[...], preferred_element_type=jnp.float32)
        g = g + b_ref[...][0:1, :]
        w0 = 1.0 / (1.0 + jnp.exp(g[:, 1:2] - g[:, 0:1]))
        o_ref[...] = w0 * ilv + (1.0 - w0) * blv

    uoff = u // bn
    return pl.pallas_call(
        body,
        grid=(nrows // bn,),
        in_specs=[
            _chunk_block_spec(bn),
            pl.BlockSpec((bn, 1), lambda ii: (ii, 0)),
            pl.BlockSpec((bn, 256), lambda ii: (ii + uoff, 0)),
            _row_block_specs(bn),
            pl.BlockSpec((768, 2), lambda ii: (0, 0)),
            pl.BlockSpec((1, 2), lambda ii: (0, 0)),
        ],
        out_specs=_row_block_specs(bn),
        out_shape=jax.ShapeDtypeStruct((nrows, 256), jnp.float32),
    )(il4, cnt, bl, ft, gw, b2)


def kernel(ui_edge_index, ub_edge_index, bi_edge_index, users_feature,
           items_feature, bundles_feature, W1_item, W2_item, W1_bundle,
           W2_bundle, gate_W, gate_b):
    u = users_feature.shape[0]
    i = items_feature.shape[0]
    b = bundles_feature.shape[0]
    n = u + i
    e = ui_edge_index.shape[1]

    ui0 = ui_edge_index[0].astype(jnp.int32)
    ui1 = ui_edge_index[1].astype(jnp.int32)
    ub0 = ub_edge_index[0].astype(jnp.int32)
    ub1 = ub_edge_index[1].astype(jnp.int32)
    bi0 = bi_edge_index[0].astype(jnp.int32)
    bi1 = bi_edge_index[1].astype(jnp.int32)

    epadh = _ceil_to(e, _NS * _LB * 8)
    nbt = epadh // _LB
    half = u
    coffs2 = (jnp.arange(4, dtype=jnp.int32) * n)[:, None, None]
    empty = jnp.zeros((0,), jnp.int32)
    spread = jnp.arange(epadh, dtype=jnp.int32) % n

    def padl(src, dl):
        ne = src.shape[0]
        pad = jnp.arange(epadh - ne, dtype=jnp.int32)
        return (jnp.concatenate([src, pad % n]),
                jnp.concatenate([dl, half + pad % 64]))

    def edges2(src0, dl0, src1, dl1):
        s0, d0 = padl(src0, dl0)
        s1, d1 = padl(src1, dl1)
        src2 = jnp.stack([s0, s1])
        d2 = jnp.stack([d0, d1])
        dst4 = jnp.broadcast_to(d2[None], (4, 2, epadh)).reshape(
            4, 2, nbt, _LB)
        src43 = (src2[None] + coffs2).reshape(4, 2, nbt, _LB)
        return src43, dst4

    trash = half + spread % 64
    hist_d = [
        (padl(spread[:e], ui0)[1], padl(spread[:e], ui1)[1]),
        (padl(spread[:e], ub0)[1], padl(spread[:e], ub1)[1]),
        (padl(spread[:e], bi0)[1], trash),
        (trash, trash),
    ]
    s4_h = (jnp.broadcast_to(spread[None, None], (4, 2, epadh)) +
            coffs2).reshape(4, 2, nbt, _LB)
    d_h = jnp.stack([jnp.stack(list(p)) for p in hist_d]).reshape(
        4, 2, nbt, _LB)

    s4_ui, d_ui = edges2(ui1 + u, ui0, ui0, ui1)
    s4_ub, d_ub = edges2(ub1 + u, ub0, ub0, ub1)
    s4_bi, d_bi = edges2(bi1 + u, bi0, empty, empty)

    src4_stack = jnp.stack([s4_h, s4_ui, s4_ui, s4_ub, s4_ub, s4_bi])
    dst_stack = jnp.stack([d_h, d_ui, d_ui, d_ub, d_ub, d_bi])

    scat = _make_scatter(epadh, n, half)
    bn = 1000

    x_ui = jnp.concatenate([users_feature, items_feature], axis=0)
    x_ub = jnp.concatenate([users_feature, bundles_feature], axis=0)
    ones_tbl = jnp.ones((4 * n, 64), jnp.float32)

    zn1 = jnp.zeros((n, 1), jnp.float32)
    znd = jnp.zeros((n, 256), jnp.float32)
    zn4 = jnp.zeros((4, n, 64), jnp.float32)
    stash0 = (zn1, zn1, zn1, zn4, zn4, znd, znd, znd, znd, zn4, zn4)

    def _upd(st, **kw):
        names = ["a_ui", "a_ub", "cnt_bi", "xa4_ui", "xa4_ub", "h1_ui",
                 "h1_ub", "out_ui", "out_ub", "out4_ui", "pooled4"]
        lst = list(st)
        for k, v in kw.items():
            lst[names.index(k)] = v
        return tuple(lst)

    def br_hist(tbl, out4, st):
        a_ui, xa4_ui = _scale_a(x_ui, out4[0, :, 0:1], bn)
        a_ub, xa4_ub = _scale_a(x_ub, out4[1, :, 0:1], bn)
        return xa4_ui.reshape(4 * n, 64), _upd(
            st, a_ui=a_ui, a_ub=a_ub, cnt_bi=out4[2, :, 0:1],
            xa4_ui=xa4_ui, xa4_ub=xa4_ub)

    def br_s1_ui(tbl, out4, st):
        h1, ha4 = _layer1(out4, st[3], st[0], W1_item, bn)
        return ha4.reshape(4 * n, 64), _upd(st, h1_ui=h1)

    def br_s2_ui(tbl, out4, st):
        out, o4 = _layer2(out4, tbl.reshape(4, n, 64), st[0], W2_item, x_ui,
                          st[5], bn)
        return st[4].reshape(4 * n, 64), _upd(st, out_ui=out, out4_ui=o4)

    def br_s1_ub(tbl, out4, st):
        h1, ha4 = _layer1(out4, st[4], st[1], W1_bundle, bn)
        return ha4.reshape(4 * n, 64), _upd(st, h1_ub=h1)

    def br_s2_ub(tbl, out4, st):
        out, _o4 = _layer2(out4, tbl.reshape(4, n, 64), st[1], W2_bundle,
                           x_ub, st[6], bn)
        return st[9].reshape(4 * n, 64), _upd(st, out_ub=out)

    def br_pool(tbl, out4, st):
        return tbl, _upd(st, pooled4=out4)

    branches = [br_hist, br_s1_ui, br_s2_ui, br_s1_ub, br_s2_ub, br_pool]

    def body(carry, xs):
        tbl, st = carry
        src4, dst, pid = xs
        out4 = scat(tbl, src4, dst)
        tbl2, st2 = lax.switch(pid, branches, tbl, out4, st)
        return (tbl2, st2), None

    (_, stash), _ = lax.scan(
        body, (ones_tbl, stash0),
        (src4_stack, dst_stack, jnp.arange(6, dtype=jnp.int32)))

    b2 = gate_b.reshape(1, 2)
    users_out = _gate_users(stash[7], stash[8], users_feature, gate_W, b2,
                            u, bn)
    bundles_out = _gate_bundles(stash[10], stash[2], stash[8],
                                bundles_feature, gate_W, b2, b, u, bn)

    return jnp.concatenate([users_out, bundles_out], axis=0)

# --- scband reference (transcript-rebuilt; emitter-appended) ---
"""Pipeline reference for scband-brecmodel-distance-18030272708768 (READ-ONLY COPY).

The authoritative reference and input builder live on the scoring server;
editing this copy changes nothing except your own understanding.
"""

import jax, jax.numpy as jnp
import numpy as np

U, I, B, D = 10000, 10000, 10000, 256
E = 160000
EPS = 1e-8


def _xavier(key, shape):
    fan_in, fan_out = shape[0], shape[1]
    s = (2.0 / (fan_in + fan_out)) ** 0.5
    return jax.random.normal(key, shape, dtype=jnp.float32) * s


def setup_inputs(seed: int = 0):
    key = jax.random.key(seed)
    ks = jax.random.split(key, 12)
    return {
        "ui_edge_index": jax.random.randint(ks[0], (2, E), 0, U),
        "ub_edge_index": jax.random.randint(ks[1], (2, E), 0, U),
        "bi_edge_index": jax.random.randint(ks[2], (2, E), 0, B),
        "users_feature": _xavier(ks[3], (U, D)),
        "items_feature": _xavier(ks[4], (I, D)),
        "bundles_feature": _xavier(ks[5], (B, D)),
        "W1_item": _xavier(ks[6], (D, D)),
        "W2_item": _xavier(ks[7], (D, D)),
        "W1_bundle": _xavier(ks[8], (D, D)),
        "W2_bundle": _xavier(ks[9], (D, D)),
        "gate_W": _xavier(ks[10], (3 * D, 2)),
        "gate_b": jnp.zeros((2,), dtype=jnp.float32),
    }


def _level(ei, featA, featB, W1, W2, NA, NB):
    # bipartite graph with self loops, symmetrically (Laplacian) normalized,
    # two propagation layers with linear transform (encoder), layer averaging
    N = NA + NB
    loop = jnp.arange(N, dtype=ei.dtype)
    src = jnp.concatenate([ei[0], ei[1] + NA, loop])
    dst = jnp.concatenate([ei[1] + NA, ei[0], loop])
    x = jnp.concatenate([featA, featB], axis=0)
    ones = jnp.ones(src.shape[0], dtype=x.dtype)
    deg = jax.ops.segment_sum(ones, dst, num_segments=N)
    norm = (1.0 / (jnp.sqrt(deg[src]) + EPS)) * (1.0 / (jnp.sqrt(deg[dst]) + EPS))
    h = x
    outs = [x]
    for W in (W1, W2):
        m = jax.ops.segment_sum(h[src] * norm[:, None], dst, num_segments=N)
        h = jnp.tanh(m @ W)
        outs.append(h)
    out = (outs[0] + outs[1] + outs[2]) / 3.0
    return out[:NA], out[NA:]


def reference(ui_edge_index, ub_edge_index, bi_edge_index, users_feature, items_feature, bundles_feature, W1_item, W2_item, W1_bundle, W2_bundle, gate_W, gate_b):
    # itemLevel propagation over user-item graph
    users_il, items_il = _level(ui_edge_index, users_feature, items_feature, W1_item, W2_item, U, I)
    # bundleLevel propagation over user-bundle graph
    users_bl, bundles_bl = _level(ub_edge_index, users_feature, bundles_feature, W1_bundle, W2_bundle, U, B)
    # pooling graph: bundle itemLevel features = degree-normalized mean over member items
    b_idx, i_idx = bi_edge_index[0], bi_edge_index[1]
    pooled = jax.ops.segment_sum(items_il[i_idx], b_idx, num_segments=B)
    cnt = jax.ops.segment_sum(jnp.ones(b_idx.shape[0], dtype=pooled.dtype), b_idx, num_segments=B)
    bundles_il = pooled / (cnt[:, None] + EPS)
    # gate: linear(feat_dim*3 -> 2) mixing itemLevel and bundleLevel views
    gu = jnp.concatenate([users_il, users_bl, users_feature], axis=1) @ gate_W + gate_b
    wu = jax.nn.softmax(gu, axis=1)
    users_out = wu[:, :1] * users_il + wu[:, 1:2] * users_bl
    gb = jnp.concatenate([bundles_il, bundles_bl, bundles_feature], axis=1) @ gate_W + gate_b
    wb = jax.nn.softmax(gb, axis=1)
    bundles_out = wb[:, :1] * bundles_il + wb[:, 1:2] * bundles_bl
    return jnp.concatenate([users_out, bundles_out], axis=0)

if __name__ == "__main__":
    import jax
    _d = setup_inputs()
    print(jax.jit(kernel)(*tuple(_d.values())))

</pallas_src>

<mosaic_0001>
#map = affine_map<(d0, d1) -> (0, 0)>
#map1 = affine_map<(d0, d1) -> (0, 0, 0, 0)>
#map2 = affine_map<(d0, d1) -> (0, 0, 0)>
module attributes {stable_mosaic.version = 14 : i64} {
  func.func @scatter_kernel(%arg0: i32, %arg1: i32, %arg2: memref<80000x64xf32, #tpu.memory_space<hbm>>, %arg3: memref<4x2x1280x128xi32, #tpu.memory_space<hbm>>, %arg4: memref<4x2x1280x128xi32, #tpu.memory_space<hbm>>, %arg5: memref<4x20000x64xf32, #tpu.memory_space<hbm>>, %arg6: memref<79x64xf32, #tpu.memory_space<vmem>>, %arg7: memref<80x128xi32, #tpu.memory_space<vmem>>, %arg8: memref<80x128xi32, #tpu.memory_space<vmem>>, %arg9: memref<5x128x64xf32, #tpu.memory_space<vmem>>, %arg10: memref<10112x64xf32, #tpu.memory_space<vmem_shared>>, %arg11: memref<!tpu.dma_semaphore, #tpu.memory_space<semaphore_mem>>, %arg12: memref<!tpu.dma_semaphore, #tpu.memory_space<semaphore_mem>>) attributes {dimension_semantics = [#tpu.dimension_semantics<core_parallel>, #tpu.dimension_semantics<subcore_parallel>], iteration_bounds = array<i64: 2, 16>, scalar_prefetch = 0 : i64, scratch_operands = 7 : i64, tpu.core_type = #tpu.core_type<sc_vector_subcore>, window_params = [{transform_indices = #map}, {transform_indices = #map1}, {transform_indices = #map1}, {transform_indices = #map2}]} {
    %broadcast_in_dim3A = arith.constant 0.000000e+00 : f32
    %broadcast_in_dim3A_0 = vector.broadcast %broadcast_in_dim3A : f32 to vector<16xf32>
    %mul3A = arith.constant 10000 : i32
    %mul3A_1 = arith.muli %arg0, %mul3A : i32
    %scan3A = arith.constant 0 : i32
    %scan3A_2 = arith.constant 79 : i32
    %scan3A_3 = arith.addi %scan3A, %scan3A_2 : i32
    %scan3A_4 = arith.constant 1 : i32
    scf.for %scan3A_427 = %scan3A to %scan3A_3 step %scan3A_4  : i32 {
      %mul3A_428 = arith.constant 1 : i32
      %mul3A_429 = arith.muli %scan3A_427, %mul3A_428 : i32
      %add3A_430 = arith.constant 0 : i32
      %add3A_431 = arith.addi %add3A_430, %mul3A_429 : i32
      %swap3A = arith.index_cast %add3A_431 : i32 to index
      %swap3A_432 = arith.constant 0 : index
      %swap3A_433 = tpu.vector_load %arg6[%swap3A, %swap3A_432] {strides = array<i32>} : memref<79x64xf32, #tpu.memory_space<vmem>>, vector<1x16xf32>,
      %swap3A_434 = vector.shape_cast %swap3A_433 : vector<1x16xf32> to vector<16xf32>
      %swap3A_435 = vector.shape_cast %broadcast_in_dim3A_0 : vector<16xf32> to vector<1x16xf32>
      tpu.vector_store %arg6[%swap3A, %swap3A_432], %swap3A_435 {strides = array<i32>} : memref<79x64xf32, #tpu.memory_space<vmem>>, vector<1x16xf32>,
      %swap3A_436 = arith.index_cast %add3A_431 : i32 to index
      %swap3A_437 = arith.constant 16 : index
      %swap3A_438 = tpu.vector_load %arg6[%swap3A_436, %swap3A_437] {strides = array<i32>} : memref<79x64xf32, #tpu.memory_space<vmem>>, vector<1x16xf32>,
      %swap3A_439 = vector.shape_cast %swap3A_438 : vector<1x16xf32> to vector<16xf32>
      %swap3A_440 = vector.shape_cast %broadcast_in_dim3A_0 : vector<16xf32> to vector<1x16xf32>
      tpu.vector_store %arg6[%swap3A_436, %swap3A_437], %swap3A_440 {strides = array<i32>} : memref<79x64xf32, #tpu.memory_space<vmem>>, vector<1x16xf32>,
      %swap3A_441 = arith.index_cast %add3A_431 : i32 to index
      %swap3A_442 = arith.constant 32 : index
      %swap3A_443 = tpu.vector_load %arg6[%swap3A_441, %swap3A_442] {strides = array<i32>} : memref<79x64xf32, #tpu.memory_space<vmem>>, vector<1x16xf32>,
      %swap3A_444 = vector.shape_cast %swap3A_443 : vector<1x16xf32> to vector<16xf32>
      %swap3A_445 = vector.shape_cast %broadcast_in_dim3A_0 : vector<16xf32> to vector<1x16xf32>
      tpu.vector_store %arg6[%swap3A_441, %swap3A_442], %swap3A_445 {strides = array<i32>} : memref<79x64xf32, #tpu.memory_space<vmem>>, vector<1x16xf32>,
      %swap3A_446 = arith.index_cast %add3A_431 : i32 to index
      %swap3A_447 = arith.constant 48 : index
      %swap3A_448 = tpu.vector_load %arg6[%swap3A_446, %swap3A_447] {strides = array<i32>} : memref<79x64xf32, #tpu.memory_space<vmem>>, vector<1x16xf32>,
      %swap3A_449 = vector.shape_cast %swap3A_448 : vector<1x16xf32> to vector<16xf32>
      %swap3A_450 = vector.shape_cast %broadcast_in_dim3A_0 : vector<16xf32> to vector<1x16xf32>
      tpu.vector_store %arg6[%swap3A_446, %swap3A_447], %swap3A_450 {strides = array<i32>} : memref<79x64xf32, #tpu.memory_space<vmem>>, vector<1x16xf32>,
    }
    %scan3A_5 = arith.constant 79 : i32
    %mul3A_6 = arith.constant 80 : i32
    %mul3A_7 = arith.muli %arg1, %mul3A_6 : i32
    %run_scoped3A = arith.constant 0 : i32
    "tpu.region"() ({
      %run_scoped3A_427 = tpu.sem_alloc : memref<!tpu.dma_semaphore, #tpu.memory_space<semaphore_mem>>
      %dma_start3A = arith.constant 0 : i32
      %dma_start3A_428 = tpu.memref_slice %arg3[%run_scoped3A, %arg0, %mul3A_7, %dma_start3A] : memref<4x2x1280x128xi32, #tpu.memory_space<hbm>> -> memref<1x1x80x128xi32, #tpu.memory_space<hbm>>
      %dma_start3A_429 = tpu.memref_squeeze %dma_start3A_428 : memref<1x1x80x128xi32, #tpu.memory_space<hbm>> -> memref<80x128xi32, #tpu.memory_space<hbm>>
      %dma_start3A_430 = arith.constant 0 : i32
      %dma_start3A_431 = tpu.memref_slice %arg3[%run_scoped3A, %arg0, %mul3A_7, %dma_start3A_430] : memref<4x2x1280x128xi32, #tpu.memory_space<hbm>> -> memref<1x1x80x128xi32, #tpu.memory_space<hbm>>
      %dma_start3A_432 = tpu.memref_squeeze %dma_start3A_431 : memref<1x1x80x128xi32, #tpu.memory_space<hbm>> -> memref<80x128xi32, #tpu.memory_space<hbm>>
      tpu.enqueue_dma source(%dma_start3A_432 : memref<80x128xi32, #tpu.memory_space<hbm>>) target(%arg7 : memref<80x128xi32, #tpu.memory_space<vmem>>) target_semaphore(%run_scoped3A_427 : memref<!tpu.dma_semaphore, #tpu.memory_space<semaphore_mem>>)
      %dma_wait3A = arith.constant 0 : i32
      %dma_wait3A_433 = tpu.memref_slice %arg3[%run_scoped3A, %arg0, %mul3A_7, %dma_wait3A] : memref<4x2x1280x128xi32, #tpu.memory_space<hbm>> -> memref<1x1x80x128xi32, #tpu.memory_space<hbm>>
      %dma_wait3A_434 = tpu.memref_squeeze %dma_wait3A_433 : memref<1x1x80x128xi32, #tpu.memory_space<hbm>> -> memref<80x128xi32, #tpu.memory_space<hbm>>
      %dma_wait3A_435 = arith.constant 0 : i32
      %dma_wait3A_436 = tpu.memref_slice %arg3[%run_scoped3A, %arg0, %mul3A_7, %dma_wait3A_435] : memref<4x2x1280x128xi32, #tpu.memory_space<hbm>> -> memref<1x1x80x128xi32, #tpu.memory_space<hbm>>
      %dma_wait3A_437 = tpu.memref_squeeze %dma_wait3A_436 : memref<1x1x80x128xi32, #tpu.memory_space<hbm>> -> memref<80x128xi32, #tpu.memory_space<hbm>>
      tpu.wait_dma2 semaphore(%run_scoped3A_427 : memref<!tpu.dma_semaphore, #tpu.memory_space<semaphore_mem>>) src(%dma_wait3A_437 : memref<80x128xi32, #tpu.memory_space<hbm>>) dst(%arg7 : memref<80x128xi32, #tpu.memory_space<vmem>>)
      tpu.yield
    }) : () -> ()
    %mul3A_8 = arith.constant 80 : i32
    %mul3A_9 = arith.muli %arg1, %mul3A_8 : i32
    %run_scoped3A_10 = arith.constant 0 : i32
    "tpu.region"() ({
      %run_scoped3A_427 = tpu.sem_alloc : memref<!tpu.dma_semaphore, #tpu.memory_space<semaphore_mem>>
      %dma_start3A = arith.constant 0 : i32
      %dma_start3A_428 = tpu.memref_slice %arg4[%run_scoped3A_10, %arg0, %mul3A_9, %dma_start3A] : memref<4x2x1280x128xi32, #tpu.memory_space<hbm>> -> memref<1x1x80x128xi32, #tpu.memory_space<hbm>>
      %dma_start3A_429 = tpu.memref_squeeze %dma_start3A_428 : memref<1x1x80x128xi32, #tpu.memory_space<hbm>> -> memref<80x128xi32, #tpu.memory_space<hbm>>
      %dma_start3A_430 = arith.constant 0 : i32
      %dma_start3A_431 = tpu.memref_slice %arg4[%run_scoped3A_10, %arg0, %mul3A_9, %dma_start3A_430] : memref<4x2x1280x128xi32, #tpu.memory_space<hbm>> -> memref<1x1x80x128xi32, #tpu.memory_space<hbm>>
      %dma_start3A_432 = tpu.memref_squeeze %dma_start3A_431 : memref<1x1x80x128xi32, #tpu.memory_space<hbm>> -> memref<80x128xi32, #tpu.memory_space<hbm>>
      tpu.enqueue_dma source(%dma_start3A_432 : memref<80x128xi32, #tpu.memory_space<hbm>>) target(%arg8 : memref<80x128xi32, #tpu.memory_space<vmem>>) target_semaphore(%run_scoped3A_427 : memref<!tpu.dma_semaphore, #tpu.memory_space<semaphore_mem>>)
      %dma_wait3A = arith.constant 0 : i32
      %dma_wait3A_433 = tpu.memref_slice %arg4[%run_scoped3A_10, %arg0, %mul3A_9, %dma_wait3A] : memref<4x2x1280x128xi32, #tpu.memory_space<hbm>> -> memref<1x1x80x128xi32, #tpu.memory_space<hbm>>
      %dma_wait3A_434 = tpu.memref_squeeze %dma_wait3A_433 : memref<1x1x80x128xi32, #tpu.memory_space<hbm>> -> memref<80x128xi32, #tpu.memory_space<hbm>>
      %dma_wait3A_435 = arith.constant 0 : i32
      %dma_wait3A_436 = tpu.memref_slice %arg4[%run_scoped3A_10, %arg0, %mul3A_9, %dma_wait3A_435] : memref<4x2x1280x128xi32, #tpu.memory_space<hbm>> -> memref<1x1x80x128xi32, #tpu.memory_space<hbm>>
      %dma_wait3A_437 = tpu.memref_squeeze %dma_wait3A_436 : memref<1x1x80x128xi32, #tpu.memory_space<hbm>> -> memref<80x128xi32, #tpu.memory_space<hbm>>
      tpu.wait_dma2 semaphore(%run_scoped3A_427 : memref<!tpu.dma_semaphore, #tpu.memory_space<semaphore_mem>>) src(%dma_wait3A_437 : memref<80x128xi32, #tpu.memory_space<hbm>>) dst(%arg8 : memref<80x128xi32, #tpu.memory_space<vmem>>)
      tpu.yield
    }) : () -> ()
    %mul3A_11 = arith.constant 632 : i32
    %mul3A_12 = arith.muli %arg1, %mul3A_11 : i32
    %add3A = arith.constant 0 : i32
    %add3A_13 = arith.addi %mul3A_12, %add3A : i32
    "tpu.region"() ({
      %run_scoped3A_427 = tpu.sem_alloc : memref<!tpu.dma_semaphore, #tpu.memory_space<semaphore_mem>>
      %dma_start3A = arith.constant 0 : i32
      %dma_start3A_428 = tpu.memref_slice %arg10[%add3A_13, %dma_start3A] : memref<10112x64xf32, #tpu.memory_space<vmem_shared>> -> memref<79x64xf32, #tpu.memory_space<vmem_shared>>
      %dma_start3A_429 = arith.constant 0 : i32
      %dma_start3A_430 = tpu.memref_slice %arg10[%add3A_13, %dma_start3A_429] : memref<10112x64xf32, #tpu.memory_space<vmem_shared>> -> memref<79x64xf32, #tpu.memory_space<vmem_shared>>
      tpu.enqueue_dma source(%arg6 : memref<79x64xf32, #tpu.memory_space<vmem>>) target(%dma_start3A_430 : memref<79x64xf32, #tpu.memory_space<vmem_shared>>) target_semaphore(%run_scoped3A_427 : memref<!tpu.dma_semaphore, #tpu.memory_space<semaphore_mem>>)
      %dma_wait3A = arith.constant 0 : i32
      %dma_wait3A_431 = tpu.memref_slice %arg10[%add3A_13, %dma_wait3A] : memref<10112x64xf32, #tpu.memory_space<vmem_shared>> -> memref<79x64xf32, #tpu.memory_space<vmem_shared>>
      %dma_wait3A_432 = arith.constant 0 : i32
      %dma_wait3A_433 = tpu.memref_slice %arg10[%add3A_13, %dma_wait3A_432] : memref<10112x64xf32, #tpu.memory_space<vmem_shared>> -> memref<79x64xf32, #tpu.memory_space<vmem_shared>>
      tpu.wait_dma2 semaphore(%run_scoped3A_427 : memref<!tpu.dma_semaphore, #tpu.memory_space<semaphore_mem>>) src(%arg6 : memref<79x64xf32, #tpu.memory_space<vmem>>) dst(%dma_wait3A_433 : memref<79x64xf32, #tpu.memory_space<vmem_shared>>)
      tpu.yield
    }) : () -> ()
    %mul3A_14 = arith.constant 632 : i32
    %mul3A_15 = arith.muli %arg1, %mul3A_14 : i32
    %add3A_16 = arith.constant 79 : i32
    %add3A_17 = arith.addi %mul3A_15, %add3A_16 : i32
    "tpu.region"() ({
      %run_scoped3A_427 = tpu.sem_alloc : memref<!tpu.dma_semaphore, #tpu.memory_space<semaphore_mem>>
      %dma_start3A = arith.constant 0 : i32
      %dma_start3A_428 = tpu.memref_slice %arg10[%add3A_17, %dma_start3A] : memref<10112x64xf32, #tpu.memory_space<vmem_shared>> -> memref<79x64xf32, #tpu.memory_space<vmem_shared>>
      %dma_start3A_429 = arith.constant 0 : i32
      %dma_start3A_430 = tpu.memref_slice %arg10[%add3A_17, %dma_start3A_429] : memref<10112x64xf32, #tpu.memory_space<vmem_shared>> -> memref<79x64xf32, #tpu.memory_space<vmem_shared>>
      tpu.enqueue_dma source(%arg6 : memref<79x64xf32, #tpu.memory_space<vmem>>) target(%dma_start3A_430 : memref<79x64xf32, #tpu.memory_space<vmem_shared>>) target_semaphore(%run_scoped3A_427 : memref<!tpu.dma_semaphore, #tpu.memory_space<semaphore_mem>>)
      %dma_wait3A = arith.constant 0 : i32
      %dma_wait3A_431 = tpu.memref_slice %arg10[%add3A_17, %dma_wait3A] : memref<10112x64xf32, #tpu.memory_space<vmem_shared>> -> memref<79x64xf32, #tpu.memory_space<vmem_shared>>
      %dma_wait3A_432 = arith.constant 0 : i32
      %dma_wait3A_433 = tpu.memref_slice %arg10[%add3A_17, %dma_wait3A_432] : memref<10112x64xf32, #tpu.memory_space<vmem_shared>> -> memref<79x64xf32, #tpu.memory_space<vmem_shared>>
      tpu.wait_dma2 semaphore(%run_scoped3A_427 : memref<!tpu.dma_semaphore, #tpu.memory_space<semaphore_mem>>) src(%arg6 : memref<79x64xf32, #tpu.memory_space<vmem>>) dst(%dma_wait3A_433 : memref<79x64xf32, #tpu.memory_space<vmem_shared>>)
      tpu.yield
    }) : () -> ()
    %mul3A_18 = arith.constant 632 : i32
    %mul3A_19 = arith.muli %arg1, %mul3A_18 : i32
    %add3A_20 = arith.constant 158 : i32
    %add3A_21 = arith.addi %mul3A_19, %add3A_20 : i32
    "tpu.region"() ({
      %run_scoped3A_427 = tpu.sem_alloc : memref<!tpu.dma_semaphore, #tpu.memory_space<semaphore_mem>>
      %dma_start3A = arith.constant 0 : i32
      %dma_start3A_428 = tpu.memref_slice %arg10[%add3A_21, %dma_start3A] : memref<10112x64xf32, #tpu.memory_space<vmem_shared>> -> memref<79x64xf32, #tpu.memory_space<vmem_shared>>
      %dma_start3A_429 = arith.constant 0 : i32
      %dma_start3A_430 = tpu.memref_slice %arg10[%add3A_21, %dma_start3A_429] : memref<10112x64xf32, #tpu.memory_space<vmem_shared>> -> memref<79x64xf32, #tpu.memory_space<vmem_shared>>
      tpu.enqueue_dma source(%arg6 : memref<79x64xf32, #tpu.memory_space<vmem>>) target(%dma_start3A_430 : memref<79x64xf32, #tpu.memory_space<vmem_shared>>) target_semaphore(%run_scoped3A_427 : memref<!tpu.dma_semaphore, #tpu.memory_space<semaphore_mem>>)
      %dma_wait3A = arith.constant 0 : i32
      %dma_wait3A_431 = tpu.memref_slice %arg10[%add3A_21, %dma_wait3A] : memref<10112x64xf32, #tpu.memory_space<vmem_shared>> -> memref<79x64xf32, #tpu.memory_space<vmem_shared>>
      %dma_wait3A_432 = arith.constant 0 : i32
      %dma_wait3A_433 = tpu.memref_slice %arg10[%add3A_21, %dma_wait3A_432] : memref<10112x64xf32, #tpu.memory_space<vmem_shared>> -> memref<79x64xf32, #tpu.memory_space<vmem_shared>>
      tpu.wait_dma2 semaphore(%run_scoped3A_427 : memref<!tpu.dma_semaphore, #tpu.memory_space<semaphore_mem>>) src(%arg6 : memref<79x64xf32, #tpu.memory_space<vmem>>) dst(%dma_wait3A_433 : memref<79x64xf32, #tpu.memory_space<vmem_shared>>)
      tpu.yield
    }) : () -> ()
    %mul3A_22 = arith.constant 632 : i32
    %mul3A_23 = arith.muli %arg1, %mul3A_22 : i32
    %add3A_24 = arith.constant 237 : i32
    %add3A_25 = arith.addi %mul3A_23, %add3A_24 : i32
    "tpu.region"() ({
      %run_scoped3A_427 = tpu.sem_alloc : memref<!tpu.dma_semaphore, #tpu.memory_space<semaphore_mem>>
      %dma_start3A = arith.constant 0 : i32
      %dma_start3A_428 = tpu.memref_slice %arg10[%add3A_25, %dma_start3A] : memref<10112x64xf32, #tpu.memory_space<vmem_shared>> -> memref<79x64xf32, #tpu.memory_space<vmem_shared>>
      %dma_start3A_429 = arith.constant 0 : i32
      %dma_start3A_430 = tpu.memref_slice %arg10[%add3A_25, %dma_start3A_429] : memref<10112x64xf32, #tpu.memory_space<vmem_shared>> -> memref<79x64xf32, #tpu.memory_space<vmem_shared>>
      tpu.enqueue_dma source(%arg6 : memref<79x64xf32, #tpu.memory_space<vmem>>) target(%dma_start3A_430 : memref<79x64xf32, #tpu.memory_space<vmem_shared>>) target_semaphore(%run_scoped3A_427 : memref<!tpu.dma_semaphore, #tpu.memory_space<semaphore_mem>>)
      %dma_wait3A = arith.constant 0 : i32
      %dma_wait3A_431 = tpu.memref_slice %arg10[%add3A_25, %dma_wait3A] : memref<10112x64xf32, #tpu.memory_space<vmem_shared>> -> memref<79x64xf32, #tpu.memory_space<vmem_shared>>
      %dma_wait3A_432 = arith.constant 0 : i32
      %dma_wait3A_433 = tpu.memref_slice %arg10[%add3A_25, %dma_wait3A_432] : memref<10112x64xf32, #tpu.memory_space<vmem_shared>> -> memref<79x64xf32, #tpu.memory_space<vmem_shared>>
      tpu.wait_dma2 semaphore(%run_scoped3A_427 : memref<!tpu.dma_semaphore, #tpu.memory_space<semaphore_mem>>) src(%arg6 : memref<79x64xf32, #tpu.memory_space<vmem>>) dst(%dma_wait3A_433 : memref<79x64xf32, #tpu.memory_space<vmem_shared>>)
      tpu.yield
    }) : () -> ()
    %mul3A_26 = arith.constant 632 : i32
    %mul3A_27 = arith.muli %arg1, %mul3A_26 : i32
    %add3A_28 = arith.constant 316 : i32
    %add3A_29 = arith.addi %mul3A_27, %add3A_28 : i32
    "tpu.region"() ({
      %run_scoped3A_427 = tpu.sem_alloc : memref<!tpu.dma_semaphore, #tpu.memory_space<semaphore_mem>>
      %dma_start3A = arith.constant 0 : i32
      %dma_start3A_428 = tpu.memref_slice %arg10[%add3A_29, %dma_start3A] : memref<10112x64xf32, #tpu.memory_space<vmem_shared>> -> memref<79x64xf32, #tpu.memory_space<vmem_shared>>
      %dma_start3A_429 = arith.constant 0 : i32
      %dma_start3A_430 = tpu.memref_slice %arg10[%add3A_29, %dma_start3A_429] : memref<10112x64xf32, #tpu.memory_space<vmem_shared>> -> memref<79x64xf32, #tpu.memory_space<vmem_shared>>
      tpu.enqueue_dma source(%arg6 : memref<79x64xf32, #tpu.memory_space<vmem>>) target(%dma_start3A_430 : memref<79x64xf32, #tpu.memory_space<vmem_shared>>) target_semaphore(%run_scoped3A_427 : memref<!tpu.dma_semaphore, #tpu.memory_space<semaphore_mem>>)
      %dma_wait3A = arith.constant 0 : i32
      %dma_wait3A_431 = tpu.memref_slice %arg10[%add3A_29, %dma_wait3A] : memref<10112x64xf32, #tpu.memory_space<vmem_shared>> -> memref<79x64xf32, #tpu.memory_space<vmem_shared>>
      %dma_wait3A_432 = arith.constant 0 : i32
      %dma_wait3A_433 = tpu.memref_slice %arg10[%add3A_29, %dma_wait3A_432] : memref<10112x64xf32, #tpu.memory_space<vmem_shared>> -> memref<79x64xf32, #tpu.memory_space<vmem_shared>>
      tpu.wait_dma2 semaphore(%run_scoped3A_427 : memref<!tpu.dma_semaphore, #tpu.memory_space<semaphore_mem>>) src(%arg6 : memref<79x64xf32, #tpu.memory_space<vmem>>) dst(%dma_wait3A_433 : memref<79x64xf32, #tpu.memory_space<vmem_shared>>)
      tpu.yield
    }) : () -> ()
    %mul3A_30 = arith.constant 632 : i32
    %mul3A_31 = arith.muli %arg1, %mul3A_30 : i32
    %add3A_32 = arith.constant 395 : i32
    %add3A_33 = arith.addi %mul3A_31, %add3A_32 : i32
    "tpu.region"() ({
      %run_scoped3A_427 = tpu.sem_alloc : memref<!tpu.dma_semaphore, #tpu.memory_space<semaphore_mem>>
      %dma_start3A = arith.constant 0 : i32
      %dma_start3A_428 = tpu.memref_slice %arg10[%add3A_33, %dma_start3A] : memref<10112x64xf32, #tpu.memory_space<vmem_shared>> -> memref<79x64xf32, #tpu.memory_space<vmem_shared>>
      %dma_start3A_429 = arith.constant 0 : i32
      %dma_start3A_430 = tpu.memref_slice %arg10[%add3A_33, %dma_start3A_429] : memref<10112x64xf32, #tpu.memory_space<vmem_shared>> -> memref<79x64xf32, #tpu.memory_space<vmem_shared>>
      tpu.enqueue_dma source(%arg6 : memref<79x64xf32, #tpu.memory_space<vmem>>) target(%dma_start3A_430 : memref<79x64xf32, #tpu.memory_space<vmem_shared>>) target_semaphore(%run_scoped3A_427 : memref<!tpu.dma_semaphore, #tpu.memory_space<semaphore_mem>>)
      %dma_wait3A = arith.constant 0 : i32
      %dma_wait3A_431 = tpu.memref_slice %arg10[%add3A_33, %dma_wait3A] : memref<10112x64xf32, #tpu.memory_space<vmem_shared>> -> memref<79x64xf32, #tpu.memory_space<vmem_shared>>
      %dma_wait3A_432 = arith.constant 0 : i32
      %dma_wait3A_433 = tpu.memref_slice %arg10[%add3A_33, %dma_wait3A_432] : memref<10112x64xf32, #tpu.memory_space<vmem_shared>> -> memref<79x64xf32, #tpu.memory_space<vmem_shared>>
      tpu.wait_dma2 semaphore(%run_scoped3A_427 : memref<!tpu.dma_semaphore, #tpu.memory_space<semaphore_mem>>) src(%arg6 : memref<79x64xf32, #tpu.memory_space<vmem>>) dst(%dma_wait3A_433 : memref<79x64xf32, #tpu.memory_space<vmem_shared>>)
      tpu.yield
    }) : () -> ()
    %mul3A_34 = arith.constant 632 : i32
    %mul3A_35 = arith.muli %arg1, %mul3A_34 : i32
    %add3A_36 = arith.constant 474 : i32
    %add3A_37 = arith.addi %mul3A_35, %add3A_36 : i32
    "tpu.region"() ({
      %run_scoped3A_427 = tpu.sem_alloc : memref<!tpu.dma_semaphore, #tpu.memory_space<semaphore_mem>>
      %dma_start3A = arith.constant 0 : i32
      %dma_start3A_428 = tpu.memref_slice %arg10[%add3A_37, %dma_start3A] : memref<10112x64xf32, #tpu.memory_space<vmem_shared>> -> memref<79x64xf32, #tpu.memory_space<vmem_shared>>
      %dma_start3A_429 = arith.constant 0 : i32
      %dma_start3A_430 = tpu.memref_slice %arg10[%add3A_37, %dma_start3A_429] : memref<10112x64xf32, #tpu.memory_space<vmem_shared>> -> memref<79x64xf32, #tpu.memory_space<vmem_shared>>
      tpu.enqueue_dma source(%arg6 : memref<79x64xf32, #tpu.memory_space<vmem>>) target(%dma_start3A_430 : memref<79x64xf32, #tpu.memory_space<vmem_shared>>) target_semaphore(%run_scoped3A_427 : memref<!tpu.dma_semaphore, #tpu.memory_space<semaphore_mem>>)
      %dma_wait3A = arith.constant 0 : i32
      %dma_wait3A_431 = tpu.memref_slice %arg10[%add3A_37, %dma_wait3A] : memref<10112x64xf32, #tpu.memory_space<vmem_shared>> -> memref<79x64xf32, #tpu.memory_space<vmem_shared>>
      %dma_wait3A_432 = arith.constant 0 : i32
      %dma_wait3A_433 = tpu.memref_slice %arg10[%add3A_37, %dma_wait3A_432] : memref<10112x64xf32, #tpu.memory_space<vmem_shared>> -> memref<79x64xf32, #tpu.memory_space<vmem_shared>>
      tpu.wait_dma2 semaphore(%run_scoped3A_427 : memref<!tpu.dma_semaphore, #tpu.memory_space<semaphore_mem>>) src(%arg6 : memref<79x64xf32, #tpu.memory_space<vmem>>) dst(%dma_wait3A_433 : memref<79x64xf32, #tpu.memory_space<vmem_shared>>)
      tpu.yield
    }) : () -> ()
    %mul3A_38 = arith.constant 632 : i32
    %mul3A_39 = arith.muli %arg1, %mul3A_38 : i32
    %add3A_40 = arith.constant 553 : i32
    %add3A_41 = arith.addi %mul3A_39, %add3A_40 : i32
    "tpu.region"() ({
      %run_scoped3A_427 = tpu.sem_alloc : memref<!tpu.dma_semaphore, #tpu.memory_space<semaphore_mem>>
      %dma_start3A = arith.constant 0 : i32
      %dma_start3A_428 = tpu.memref_slice %arg10[%add3A_41, %dma_start3A] : memref<10112x64xf32, #tpu.memory_space<vmem_shared>> -> memref<79x64xf32, #tpu.memory_space<vmem_shared>>
      %dma_start3A_429 = arith.constant 0 : i32
      %dma_start3A_430 = tpu.memref_slice %arg10[%add3A_41, %dma_start3A_429] : memref<10112x64xf32, #tpu.memory_space<vmem_shared>> -> memref<79x64xf32, #tpu.memory_space<vmem_shared>>
      tpu.enqueue_dma source(%arg6 : memref<79x64xf32, #tpu.memory_space<vmem>>) target(%dma_start3A_430 : memref<79x64xf32, #tpu.memory_space<vmem_shared>>) target_semaphore(%run_scoped3A_427 : memref<!tpu.dma_semaphore, #tpu.memory_space<semaphore_mem>>)
      %dma_wait3A = arith.constant 0 : i32
      %dma_wait3A_431 = tpu.memref_slice %arg10[%add3A_41, %dma_wait3A] : memref<10112x64xf32, #tpu.memory_space<vmem_shared>> -> memref<79x64xf32, #tpu.memory_space<vmem_shared>>
      %dma_wait3A_432 = arith.constant 0 : i32
      %dma_wait3A_433 = tpu.memref_slice %arg10[%add3A_41, %dma_wait3A_432] : memref<10112x64xf32, #tpu.memory_space<vmem_shared>> -> memref<79x64xf32, #tpu.memory_space<vmem_shared>>
      tpu.wait_dma2 semaphore(%run_scoped3A_427 : memref<!tpu.dma_semaphore, #tpu.memory_space<semaphore_mem>>) src(%arg6 : memref<79x64xf32, #tpu.memory_space<vmem>>) dst(%dma_wait3A_433 : memref<79x64xf32, #tpu.memory_space<vmem_shared>>)
      tpu.yield
    }) : () -> ()
    %barrier3A = arith.constant 0 : index
    tpu.barrier barrier_id(%barrier3A)
    %scan3A_42 = arith.constant 0 : i32
    %scan3A_43 = arith.constant 16 : i32
    %scan3A_44 = arith.addi %scan3A_42, %scan3A_43 : i32
    %scan3A_45 = arith.constant 1 : i32
    scf.for %scan3A_427 = %scan3A_42 to %scan3A_44 step %scan3A_45  : i32 {
      %mul3A_428 = arith.constant 1 : i32
      %mul3A_429 = arith.muli %scan3A_427, %mul3A_428 : i32
      %add3A_430 = arith.constant 0 : i32
      %add3A_431 = arith.addi %add3A_430, %mul3A_429 : i32
      %mul3A_432 = arith.constant 5 : i32
      %mul3A_433 = arith.muli %add3A_431, %mul3A_432 : i32
      %add3A_434 = arith.constant 0 : i32
      %add3A_435 = arith.addi %mul3A_433, %add3A_434 : i32
      %dma_start3A = arith.constant 0 : i32
      %dma_start3A_436 = arith.constant 0 : i32
      %dma_start3A_437 = arith.constant 0 : i32
      %dma_start3A_438 = tpu.memref_slice %arg9[%dma_start3A, %dma_start3A_436, %dma_start3A_437] : memref<5x128x64xf32, #tpu.memory_space<vmem>> -> memref<1x128x64xf32, #tpu.memory_space<vmem>>
      %dma_start3A_439 = tpu.memref_squeeze %dma_start3A_438 : memref<1x128x64xf32, #tpu.memory_space<vmem>> -> memref<128x64xf32, #tpu.memory_space<vmem>>
      %dma_start3A_440 = arith.constant 0 : i32
      %dma_start3A_441 = tpu.memref_slice %arg7[%add3A_435, %dma_start3A_440] : memref<80x128xi32, #tpu.memory_space<vmem>> -> memref<1x128xi32, #tpu.memory_space<vmem>>
      %dma_start3A_442 = tpu.memref_squeeze %dma_start3A_441 : memref<1x128xi32, #tpu.memory_space<vmem>> -> memref<128xi32, #tpu.memory_space<vmem>>
      %dma_start3A_443 = arith.constant 0 : i32
      %dma_start3A_444 = arith.constant 0 : i32
      %dma_start3A_445 = tpu.memref_slice %arg2[%dma_start3A_443, %dma_start3A_444] : memref<80000x64xf32, #tpu.memory_space<hbm>> -> memref<80000x64xf32, #tpu.memory_space<hbm>>
      tpu.enqueue_indirect_dma source(%dma_start3A_445 : memref<80000x64xf32, #tpu.memory_space<hbm>>) target(%dma_start3A_439 : memref<128x64xf32, #tpu.memory_space<vmem>>) offsets(%dma_start3A_442 : memref<128xi32, #tpu.memory_space<vmem>>) semaphore(%arg11 : memref<!tpu.dma_semaphore, #tpu.memory_space<semaphore_mem>>)
      %mul3A_446 = arith.constant 5 : i32
      %mul3A_447 = arith.muli %add3A_431, %mul3A_446 : i32
      %add3A_448 = arith.constant 1 : i32
      %add3A_449 = arith.addi %mul3A_447, %add3A_448 : i32
      %dma_start3A_450 = arith.constant 1 : i32
      %dma_start3A_451 = arith.constant 0 : i32
      %dma_start3A_452 = arith.constant 0 : i32
      %dma_start3A_453 = tpu.memref_slice %arg9[%dma_start3A_450, %dma_start3A_451, %dma_start3A_452] : memref<5x128x64xf32, #tpu.memory_space<vmem>> -> memref<1x128x64xf32, #tpu.memory_space<vmem>>
      %dma_start3A_454 = tpu.memref_squeeze %dma_start3A_453 : memref<1x128x64xf32, #tpu.memory_space<vmem>> -> memref<128x64xf32, #tpu.memory_space<vmem>>
      %dma_start3A_455 = arith.constant 0 : i32
      %dma_start3A_456 = tpu.memref_slice %arg7[%add3A_449, %dma_start3A_455] : memref<80x128xi32, #tpu.memory_space<vmem>> -> memref<1x128xi32, #tpu.memory_space<vmem>>
      %dma_start3A_457 = tpu.memref_squeeze %dma_start3A_456 : memref<1x128xi32, #tpu.memory_space<vmem>> -> memref<128xi32, #tpu.memory_space<vmem>>
      %dma_start3A_458 = arith.constant 0 : i32
      %dma_start3A_459 = arith.constant 0 : i32
      %dma_start3A_460 = tpu.memref_slice %arg2[%dma_start3A_458, %dma_start3A_459] : memref<80000x64xf32, #tpu.memory_space<hbm>> -> memref<80000x64xf32, #tpu.memory_space<hbm>>
      tpu.enqueue_indirect_dma source(%dma_start3A_460 : memref<80000x64xf32, #tpu.memory_space<hbm>>) target(%dma_start3A_454 : memref<128x64xf32, #tpu.memory_space<vmem>>) offsets(%dma_start3A_457 : memref<128xi32, #tpu.memory_space<vmem>>) semaphore(%arg11 : memref<!tpu.dma_semaphore, #tpu.memory_space<semaphore_mem>>)
      %mul3A_461 = arith.constant 5 : i32
      %mul3A_462 = arith.muli %add3A_431, %mul3A_461 : i32
      %add3A_463 = arith.constant 2 : i32
      %add3A_464 = arith.addi %mul3A_462, %add3A_463 : i32
      %dma_start3A_465 = arith.constant 2 : i32
      %dma_start3A_466 = arith.constant 0 : i32
      %dma_start3A_467 = arith.constant 0 : i32
      %dma_start3A_468 = tpu.memref_slice %arg9[%dma_start3A_465, %dma_start3A_466, %dma_start3A_467] : memref<5x128x64xf32, #tpu.memory_space<vmem>> -> memref<1x128x64xf32, #tpu.memory_space<vmem>>
      %dma_start3A_469 = tpu.memref_squeeze %dma_start3A_468 : memref<1x128x64xf32, #tpu.memory_space<vmem>> -> memref<128x64xf32, #tpu.memory_space<vmem>>
      %dma_start3A_470 = arith.constant 0 : i32
      %dma_start3A_471 = tpu.memref_slice %arg7[%add3A_464, %dma_start3A_470] : memref<80x128xi32, #tpu.memory_space<vmem>> -> memref<1x128xi32, #tpu.memory_space<vmem>>
      %dma_start3A_472 = tpu.memref_squeeze %dma_start3A_471 : memref<1x128xi32, #tpu.memory_space<vmem>> -> memref<128xi32, #tpu.memory_space<vmem>>
      %dma_start3A_473 = arith.constant 0 : i32
      %dma_start3A_474 = arith.constant 0 : i32
      %dma_start3A_475 = tpu.memref_slice %arg2[%dma_start3A_473, %dma_start3A_474] : memref<80000x64xf32, #tpu.memory_space<hbm>> -> memref<80000x64xf32, #tpu.memory_space<hbm>>
      tpu.enqueue_indirect_dma source(%dma_start3A_475 : memref<80000x64xf32, #tpu.memory_space<hbm>>) target(%dma_start3A_469 : memref<128x64xf32, #tpu.memory_space<vmem>>) offsets(%dma_start3A_472 : memref<128xi32, #tpu.memory_space<vmem>>) semaphore(%arg11 : memref<!tpu.dma_semaphore, #tpu.memory_space<semaphore_mem>>)
      %mul3A_476 = arith.constant 5 : i32
      %mul3A_477 = arith.muli %add3A_431, %mul3A_476 : i32
      %add3A_478 = arith.constant 3 : i32
      %add3A_479 = arith.addi %mul3A_477, %add3A_478 : i32
      %dma_start3A_480 = arith.constant 3 : i32
      %dma_start3A_481 = arith.constant 0 : i32
      %dma_start3A_482 = arith.constant 0 : i32
      %dma_start3A_483 = tpu.memref_slice %arg9[%dma_start3A_480, %dma_start3A_481, %dma_start3A_482] : memref<5x128x64xf32, #tpu.memory_space<vmem>> -> memref<1x128x64xf32, #tpu.memory_space<vmem>>
      %dma_start3A_484 = tpu.memref_squeeze %dma_start3A_483 : memref<1x128x64xf32, #tpu.memory_space<vmem>> -> memref<128x64xf32, #tpu.memory_space<vmem>>
      %dma_start3A_485 = arith.constant 0 : i32
      %dma_start3A_486 = tpu.memref_slice %arg7[%add3A_479, %dma_start3A_485] : memref<80x128xi32, #tpu.memory_space<vmem>> -> memref<1x128xi32, #tpu.memory_space<vmem>>
      %dma_start3A_487 = tpu.memref_squeeze %dma_start3A_486 : memref<1x128xi32, #tpu.memory_space<vmem>> -> memref<128xi32, #tpu.memory_space<vmem>>
      %dma_start3A_488 = arith.constant 0 : i32
      %dma_start3A_489 = arith.constant 0 : i32
      %dma_start3A_490 = tpu.memref_slice %arg2[%dma_start3A_488, %dma_start3A_489] : memref<80000x64xf32, #tpu.memory_space<hbm>> -> memref<80000x64xf32, #tpu.memory_space<hbm>>
      tpu.enqueue_indirect_dma source(%dma_start3A_490 : memref<80000x64xf32, #tpu.memory_space<hbm>>) target(%dma_start3A_484 : memref<128x64xf32, #tpu.memory_space<vmem>>) offsets(%dma_start3A_487 : memref<128xi32, #tpu.memory_space<vmem>>) semaphore(%arg11 : memref<!tpu.dma_semaphore, #tpu.memory_space<semaphore_mem>>)
      %mul3A_491 = arith.constant 5 : i32
      %mul3A_492 = arith.muli %add3A_431, %mul3A_491 : i32
      %add3A_493 = arith.constant 4 : i32
      %add3A_494 = arith.addi %mul3A_492, %add3A_493 : i32
      %dma_start3A_495 = arith.constant 4 : i32
      %dma_start3A_496 = arith.constant 0 : i32
      %dma_start3A_497 = arith.constant 0 : i32
      %dma_start3A_498 = tpu.memref_slice %arg9[%dma_start3A_495, %dma_start3A_496, %dma_start3A_497] : memref<5x128x64xf32, #tpu.memory_space<vmem>> -> memref<1x128x64xf32, #tpu.memory_space<vmem>>
      %dma_start3A_499 = tpu.memref_squeeze %dma_start3A_498 : memref<1x128x64xf32, #tpu.memory_space<vmem>> -> memref<128x64xf32, #tpu.memory_space<vmem>>
      %dma_start3A_500 = arith.constant 0 : i32
      %dma_start3A_501 = tpu.memref_slice %arg7[%add3A_494, %dma_start3A_500] : memref<80x128xi32, #tpu.memory_space<vmem>> -> memref<1x128xi32, #tpu.memory_space<vmem>>
      %dma_start3A_502 = tpu.memref_squeeze %dma_start3A_501 : memref<1x128xi32, #tpu.memory_space<vmem>> -> memref<128xi32, #tpu.memory_space<vmem>>
      %dma_start3A_503 = arith.constant 0 : i32
      %dma_start3A_504 = arith.constant 0 : i32
      %dma_start3A_505 = tpu.memref_slice %arg2[%dma_start3A_503, %dma_start3A_504] : memref<80000x64xf32, #tpu.memory_space<hbm>> -> memref<80000x64xf32, #tpu.memory_space<hbm>>
      tpu.enqueue_indirect_dma source(%dma_start3A_505 : memref<80000x64xf32, #tpu.memory_space<hbm>>) target(%dma_start3A_499 : memref<128x64xf32, #tpu.memory_space<vmem>>) offsets(%dma_start3A_502 : memref<128xi32, #tpu.memory_space<vmem>>) semaphore(%arg11 : memref<!tpu.dma_semaphore, #tpu.memory_space<semaphore_mem>>)
      %dma_wait3A = arith.constant 0 : i32
      %dma_wait3A_506 = arith.constant 0 : i32
      %dma_wait3A_507 = arith.constant 0 : i32
      %dma_wait3A_508 = tpu.memref_slice %arg9[%dma_wait3A, %dma_wait3A_506, %dma_wait3A_507] : memref<5x128x64xf32, #tpu.memory_space<vmem>> -> memref<1x128x64xf32, #tpu.memory_space<vmem>>
      %dma_wait3A_509 = tpu.memref_squeeze %dma_wait3A_508 : memref<1x128x64xf32, #tpu.memory_space<vmem>> -> memref<128x64xf32, #tpu.memory_space<vmem>>
      %dma_wait3A_510 = arith.constant 0 : i32
      %dma_wait3A_511 = tpu.memref_slice %arg7[%add3A_435, %dma_wait3A_510] : memref<80x128xi32, #tpu.memory_space<vmem>> -> memref<1x128xi32, #tpu.memory_space<vmem>>
      %dma_wait3A_512 = tpu.memref_squeeze %dma_wait3A_511 : memref<1x128xi32, #tpu.memory_space<vmem>> -> memref<128xi32, #tpu.memory_space<vmem>>
      %dma_wait3A_513 = arith.constant 0 : i32
      %dma_wait3A_514 = arith.constant 0 : i32
      %dma_wait3A_515 = tpu.memref_slice %arg2[%dma_wait3A_513, %dma_wait3A_514] : memref<80000x64xf32, #tpu.memory_space<hbm>> -> memref<80000x64xf32, #tpu.memory_space<hbm>>
      tpu.wait_indirect_dma semaphore(%arg11 : memref<!tpu.dma_semaphore, #tpu.memory_space<semaphore_mem>>) src(%dma_wait3A_515 : memref<80000x64xf32, #tpu.memory_space<hbm>>) dst(%dma_wait3A_509 : memref<128x64xf32, #tpu.memory_space<vmem>>)
      %dma_wait3A_516 = arith.constant 1 : i32
      %dma_wait3A_517 = arith.constant 0 : i32
      %dma_wait3A_518 = arith.constant 0 : i32
      %dma_wait3A_519 = tpu.memref_slice %arg9[%dma_wait3A_516, %dma_wait3A_517, %dma_wait3A_518] : memref<5x128x64xf32, #tpu.memory_space<vmem>> -> memref<1x128x64xf32, #tpu.memory_space<vmem>>
      %dma_wait3A_520 = tpu.memref_squeeze %dma_wait3A_519 : memref<1x128x64xf32, #tpu.memory_space<vmem>> -> memref<128x64xf32, #tpu.memory_space<vmem>>
      %dma_wait3A_521 = arith.constant 0 : i32
      %dma_wait3A_522 = tpu.memref_slice %arg7[%add3A_449, %dma_wait3A_521] : memref<80x128xi32, #tpu.memory_space<vmem>> -> memref<1x128xi32, #tpu.memory_space<vmem>>
      %dma_wait3A_523 = tpu.memref_squeeze %dma_wait3A_522 : memref<1x128xi32, #tpu.memory_space<vmem>> -> memref<128xi32, #tpu.memory_space<vmem>>
      %dma_wait3A_524 = arith.constant 0 : i32
      %dma_wait3A_525 = arith.constant 0 : i32
      %dma_wait3A_526 = tpu.memref_slice %arg2[%dma_wait3A_524, %dma_wait3A_525] : memref<80000x64xf32, #tpu.memory_space<hbm>> -> memref<80000x64xf32, #tpu.memory_space<hbm>>
      tpu.wait_indirect_dma semaphore(%arg11 : memref<!tpu.dma_semaphore, #tpu.memory_space<semaphore_mem>>) src(%dma_wait3A_526 : memref<80000x64xf32, #tpu.memory_space<hbm>>) dst(%dma_wait3A_520 : memref<128x64xf32, #tpu.memory_space<vmem>>)
      %dma_wait3A_527 = arith.constant 2 : i32
      %dma_wait3A_528 = arith.constant 0 : i32
      %dma_wait3A_529 = arith.constant 0 : i32
      %dma_wait3A_530 = tpu.memref_slice %arg9[%dma_wait3A_527, %dma_wait3A_528, %dma_wait3A_529] : memref<5x128x64xf32, #tpu.memory_space<vmem>> -> memref<1x128x64xf32, #tpu.memory_space<vmem>>
      %dma_wait3A_531 = tpu.memref_squeeze %dma_wait3A_530 : memref<1x128x64xf32, #tpu.memory_space<vmem>> -> memref<128x64xf32, #tpu.memory_space<vmem>>
      %dma_wait3A_532 = arith.constant 0 : i32
      %dma_wait3A_533 = tpu.memref_slice %arg7[%add3A_464, %dma_wait3A_532] : memref<80x128xi32, #tpu.memory_space<vmem>> -> memref<1x128xi32, #tpu.memory_space<vmem>>
      %dma_wait3A_534 = tpu.memref_squeeze %dma_wait3A_533 : memref<1x128xi32, #tpu.memory_space<vmem>> -> memref<128xi32, #tpu.memory_space<vmem>>
      %dma_wait3A_535 = arith.constant 0 : i32
      %dma_wait3A_536 = arith.constant 0 : i32
      %dma_wait3A_537 = tpu.memref_slice %arg2[%dma_wait3A_535, %dma_wait3A_536] : memref<80000x64xf32, #tpu.memory_space<hbm>> -> memref<80000x64xf32, #tpu.memory_space<hbm>>
      tpu.wait_indirect_dma semaphore(%arg11 : memref<!tpu.dma_semaphore, #tpu.memory_space<semaphore_mem>>) src(%dma_wait3A_537 : memref<80000x64xf32, #tpu.memory_space<hbm>>) dst(%dma_wait3A_531 : memref<128x64xf32, #tpu.memory_space<vmem>>)
      %dma_wait3A_538 = arith.constant 3 : i32
      %dma_wait3A_539 = arith.constant 0 : i32
      %dma_wait3A_540 = arith.constant 0 : i32
      %dma_wait3A_541 = tpu.memref_slice %arg9[%dma_wait3A_538, %dma_wait3A_539, %dma_wait3A_540] : memref<5x128x64xf32, #tpu.memory_space<vmem>> -> memref<1x128x64xf32, #tpu.memory_space<vmem>>
      %dma_wait3A_542 = tpu.memref_squeeze %dma_wait3A_541 : memref<1x128x64xf32, #tpu.memory_space<vmem>> -> memref<128x64xf32, #tpu.memory_space<vmem>>
      %dma_wait3A_543 = arith.constant 0 : i32
      %dma_wait3A_544 = tpu.memref_slice %arg7[%add3A_479, %dma_wait3A_543] : memref<80x128xi32, #tpu.memory_space<vmem>> -> memref<1x128xi32, #tpu.memory_space<vmem>>
      %dma_wait3A_545 = tpu.memref_squeeze %dma_wait3A_544 : memref<1x128xi32, #tpu.memory_space<vmem>> -> memref<128xi32, #tpu.memory_space<vmem>>
      %dma_wait3A_546 = arith.constant 0 : i32
      %dma_wait3A_547 = arith.constant 0 : i32
      %dma_wait3A_548 = tpu.memref_slice %arg2[%dma_wait3A_546, %dma_wait3A_547] : memref<80000x64xf32, #tpu.memory_space<hbm>> -> memref<80000x64xf32, #tpu.memory_space<hbm>>
      tpu.wait_indirect_dma semaphore(%arg11 : memref<!tpu.dma_semaphore, #tpu.memory_space<semaphore_mem>>) src(%dma_wait3A_548 : memref<80000x64xf32, #tpu.memory_space<hbm>>) dst(%dma_wait3A_542 : memref<128x64xf32, #tpu.memory_space<vmem>>)
      %dma_wait3A_549 = arith.constant 4 : i32
      %dma_wait3A_550 = arith.constant 0 : i32
      %dma_wait3A_551 = arith.constant 0 : i32
      %dma_wait3A_552 = tpu.memref_slice %arg9[%dma_wait3A_549, %dma_wait3A_550, %dma_wait3A_551] : memref<5x128x64xf32, #tpu.memory_space<vmem>> -> memref<1x128x64xf32, #tpu.memory_space<vmem>>
      %dma_wait3A_553 = tpu.memref_squeeze %dma_wait3A_552 : memref<1x128x64xf32, #tpu.memory_space<vmem>> -> memref<128x64xf32, #tpu.memory_space<vmem>>
      %dma_wait3A_554 = arith.constant 0 : i32
      %dma_wait3A_555 = tpu.memref_slice %arg7[%add3A_494, %dma_wait3A_554] : memref<80x128xi32, #tpu.memory_space<vmem>> -> memref<1x128xi32, #tpu.memory_space<vmem>>
      %dma_wait3A_556 = tpu.memref_squeeze %dma_wait3A_555 : memref<1x128xi32, #tpu.memory_space<vmem>> -> memref<128xi32, #tpu.memory_space<vmem>>
      %dma_wait3A_557 = arith.constant 0 : i32
      %dma_wait3A_558 = arith.constant 0 : i32
      %dma_wait3A_559 = tpu.memref_slice %arg2[%dma_wait3A_557, %dma_wait3A_558] : memref<80000x64xf32, #tpu.memory_space<hbm>> -> memref<80000x64xf32, #tpu.memory_space<hbm>>
      tpu.wait_indirect_dma semaphore(%arg11 : memref<!tpu.dma_semaphore, #tpu.memory_space<semaphore_mem>>) src(%dma_wait3A_559 : memref<80000x64xf32, #tpu.memory_space<hbm>>) dst(%dma_wait3A_553 : memref<128x64xf32, #tpu.memory_space<vmem>>)
      %mul3A_560 = arith.constant 5 : i32
      %mul3A_561 = arith.muli %add3A_431, %mul3A_560 : i32
      %add3A_562 = arith.constant 0 : i32
      %add3A_563 = arith.addi %mul3A_561, %add3A_562 : i32
      %dma_start3A_564 = arith.constant 0 : i32
      %dma_start3A_565 = arith.constant 0 : i32
      %dma_start3A_566 = arith.constant 0 : i32
      %dma_start3A_567 = tpu.memref_slice %arg9[%dma_start3A_564, %dma_start3A_565, %dma_start3A_566] : memref<5x128x64xf32, #tpu.memory_space<vmem>> -> memref<1x128x64xf32, #tpu.memory_space<vmem>>
      %dma_start3A_568 = tpu.memref_squeeze %dma_start3A_567 : memref<1x128x64xf32, #tpu.memory_space<vmem>> -> memref<128x64xf32, #tpu.memory_space<vmem>>
      %dma_start3A_569 = arith.constant 0 : i32
      %dma_start3A_570 = tpu.memref_slice %arg8[%add3A_563, %dma_start3A_569] : memref<80x128xi32, #tpu.memory_space<vmem>> -> memref<1x128xi32, #tpu.memory_space<vmem>>
      %dma_start3A_571 = tpu.memref_squeeze %dma_start3A_570 : memref<1x128xi32, #tpu.memory_space<vmem>> -> memref<128xi32, #tpu.memory_space<vmem>>
      %dma_start3A_572 = arith.constant 0 : i32
      %dma_start3A_573 = arith.constant 0 : i32
      %dma_start3A_574 = tpu.memref_slice %arg10[%dma_start3A_572, %dma_start3A_573] : memref<10112x64xf32, #tpu.memory_space<vmem_shared>> -> memref<10112x64xf32, #tpu.memory_space<vmem_shared>>
      tpu.enqueue_indirect_dma source(%dma_start3A_568 : memref<128x64xf32, #tpu.memory_space<vmem>>) target(%dma_start3A_574 : memref<10112x64xf32, #tpu.memory_space<vmem_shared>>) offsets(%dma_start3A_571 : memref<128xi32, #tpu.memory_space<vmem>>) semaphore(%arg12 : memref<!tpu.dma_semaphore, #tpu.memory_space<semaphore_mem>>) {add = true}
      %mul3A_575 = arith.constant 5 : i32
      %mul3A_576 = arith.muli %add3A_431, %mul3A_575 : i32
      %add3A_577 = arith.constant 1 : i32
      %add3A_578 = arith.addi %mul3A_576, %add3A_577 : i32
      %dma_start3A_579 = arith.constant 1 : i32
      %dma_start3A_580 = arith.constant 0 : i32
      %dma_start3A_581 = arith.constant 0 : i32
      %dma_start3A_582 = tpu.memref_slice %arg9[%dma_start3A_579, %dma_start3A_580, %dma_start3A_581] : memref<5x128x64xf32, #tpu.memory_space<vmem>> -> memref<1x128x64xf32, #tpu.memory_space<vmem>>
      %dma_start3A_583 = tpu.memref_squeeze %dma_start3A_582 : memref<1x128x64xf32, #tpu.memory_space<vmem>> -> memref<128x64xf32, #tpu.memory_space<vmem>>
      %dma_start3A_584 = arith.constant 0 : i32
      %dma_start3A_585 = tpu.memref_slice %arg8[%add3A_578, %dma_start3A_584] : memref<80x128xi32, #tpu.memory_space<vmem>> -> memref<1x128xi32, #tpu.memory_space<vmem>>
      %dma_start3A_586 = tpu.memref_squeeze %dma_start3A_585 : memref<1x128xi32, #tpu.memory_space<vmem>> -> memref<128xi32, #tpu.memory_space<vmem>>
      %dma_start3A_587 = arith.constant 0 : i32
      %dma_start3A_588 = arith.constant 0 : i32
      %dma_start3A_589 = tpu.memref_slice %arg10[%dma_start3A_587, %dma_start3A_588] : memref<10112x64xf32, #tpu.memory_space<vmem_shared>> -> memref<10112x64xf32, #tpu.memory_space<vmem_shared>>
      tpu.enqueue_indirect_dma source(%dma_start3A_583 : memref<128x64xf32, #tpu.memory_space<vmem>>) target(%dma_start3A_589 : memref<10112x64xf32, #tpu.memory_space<vmem_shared>>) offsets(%dma_start3A_586 : memref<128xi32, #tpu.memory_space<vmem>>) semaphore(%arg12 : memref<!tpu.dma_semaphore, #tpu.memory_space<semaphore_mem>>) {add = true}
      %mul3A_590 = arith.constant 5 : i32
      %mul3A_591 = arith.muli %add3A_431, %mul3A_590 : i32
      %add3A_592 = arith.constant 2 : i32
      %add3A_593 = arith.addi %mul3A_591, %add3A_592 : i32
      %dma_start3A_594 = arith.constant 2 : i32
      %dma_start3A_595 = arith.constant 0 : i32
      %dma_start3A_596 = arith.constant 0 : i32
      %dma_start3A_597 = tpu.memref_slice %arg9[%dma_start3A_594, %dma_start3A_595, %dma_start3A_596] : memref<5x128x64xf32, #tpu.memory_space<vmem>> -> memref<1x128x64xf32, #tpu.memory_space<vmem>>
      %dma_start3A_598 = tpu.memref_squeeze %dma_start3A_597 : memref<1x128x64xf32, #tpu.memory_space<vmem>> -> memref<128x64xf32, #tpu.memory_space<vmem>>
      %dma_start3A_599 = arith.constant 0 : i32
      %dma_start3A_600 = tpu.memref_slice %arg8[%add3A_593, %dma_start3A_599] : memref<80x128xi32, #tpu.memory_space<vmem>> -> memref<1x128xi32, #tpu.memory_space<vmem>>
      %dma_start3A_601 = tpu.memref_squeeze %dma_start3A_600 : memref<1x128xi32, #tpu.memory_space<vmem>> -> memref<128xi32, #tpu.memory_space<vmem>>
      %dma_start3A_602 = arith.constant 0 : i32
      %dma_start3A_603 = arith.constant 0 : i32
      %dma_start3A_604 = tpu.memref_slice %arg10[%dma_start3A_602, %dma_start3A_603] : memref<10112x64xf32, #tpu.memory_space<vmem_shared>> -> memref<10112x64xf32, #tpu.memory_space<vmem_shared>>
      tpu.enqueue_indirect_dma source(%dma_start3A_598 : memref<128x64xf32, #tpu.memory_space<vmem>>) target(%dma_start3A_604 : memref<10112x64xf32, #tpu.memory_space<vmem_shared>>) offsets(%dma_start3A_601 : memref<128xi32, #tpu.memory_space<vmem>>) semaphore(%arg12 : memref<!tpu.dma_semaphore, #tpu.memory_space<semaphore_mem>>) {add = true}
      %mul3A_605 = arith.constant 5 : i32
      %mul3A_606 = arith.muli %add3A_431, %mul3A_605 : i32
      %add3A_607 = arith.constant 3 : i32
      %add3A_608 = arith.addi %mul3A_606, %add3A_607 : i32
      %dma_start3A_609 = arith.constant 3 : i32
      %dma_start3A_610 = arith.constant 0 : i32
      %dma_start3A_611 = arith.constant 0 : i32
      %dma_start3A_612 = tpu.memref_slice %arg9[%dma_start3A_609, %dma_start3A_610, %dma_start3A_611] : memref<5x128x64xf32, #tpu.memory_space<vmem>> -> memref<1x128x64xf32, #tpu.memory_space<vmem>>
      %dma_start3A_613 = tpu.memref_squeeze %dma_start3A_612 : memref<1x128x64xf32, #tpu.memory_space<vmem>> -> memref<128x64xf32, #tpu.memory_space<vmem>>
      %dma_start3A_614 = arith.constant 0 : i32
      %dma_start3A_615 = tpu.memref_slice %arg8[%add3A_608, %dma_start3A_614] : memref<80x128xi32, #tpu.memory_space<vmem>> -> memref<1x128xi32, #tpu.memory_space<vmem>>
      %dma_start3A_616 = tpu.memref_squeeze %dma_start3A_615 : memref<1x128xi32, #tpu.memory_space<vmem>> -> memref<128xi32, #tpu.memory_space<vmem>>
      %dma_start3A_617 = arith.constant 0 : i32
      %dma_start3A_618 = arith.constant 0 : i32
      %dma_start3A_619 = tpu.memref_slice %arg10[%dma_start3A_617, %dma_start3A_618] : memref<10112x64xf32, #tpu.memory_space<vmem_shared>> -> memref<10112x64xf32, #tpu.memory_space<vmem_shared>>
      tpu.enqueue_indirect_dma source(%dma_start3A_613 : memref<128x64xf32, #tpu.memory_space<vmem>>) target(%dma_start3A_619 : memref<10112x64xf32, #tpu.memory_space<vmem_shared>>) offsets(%dma_start3A_616 : memref<128xi32, #tpu.memory_space<vmem>>) semaphore(%arg12 : memref<!tpu.dma_semaphore, #tpu.memory_space<semaphore_mem>>) {add = true}
      %mul3A_620 = arith.constant 5 : i32
      %mul3A_621 = arith.muli %add3A_431, %mul3A_620 : i32
      %add3A_622 = arith.constant 4 : i32
      %add3A_623 = arith.addi %mul3A_621, %add3A_622 : i32
      %dma_start3A_624 = arith.constant 4 : i32
      %dma_start3A_625 = arith.constant 0 : i32
      %dma_start3A_626 = arith.constant 0 : i32
      %dma_start3A_627 = tpu.memref_slice %arg9[%dma_start3A_624, %dma_start3A_625, %dma_start3A_626] : memref<5x128x64xf32, #tpu.memory_space<vmem>> -> memref<1x128x64xf32, #tpu.memory_space<vmem>>
      %dma_start3A_628 = tpu.memref_squeeze %dma_start3A_627 : memref<1x128x64xf32, #tpu.memory_space<vmem>> -> memref<128x64xf32, #tpu.memory_space<vmem>>
      %dma_start3A_629 = arith.constant 0 : i32
      %dma_start3A_630 = tpu.memref_slice %arg8[%add3A_623, %dma_start3A_629] : memref<80x128xi32, #tpu.memory_space<vmem>> -> memref<1x128xi32, #tpu.memory_space<vmem>>
      %dma_start3A_631 = tpu.memref_squeeze %dma_start3A_630 : memref<1x128xi32, #tpu.memory_space<vmem>> -> memref<128xi32, #tpu.memory_space<vmem>>
      %dma_start3A_632 = arith.constant 0 : i32
      %dma_start3A_633 = arith.constant 0 : i32
      %dma_start3A_634 = tpu.memref_slice %arg10[%dma_start3A_632, %dma_start3A_633] : memref<10112x64xf32, #tpu.memory_space<vmem_shared>> -> memref<10112x64xf32, #tpu.memory_space<vmem_shared>>
      tpu.enqueue_indirect_dma source(%dma_start3A_628 : memref<128x64xf32, #tpu.memory_space<vmem>>) target(%dma_start3A_634 : memref<10112x64xf32, #tpu.memory_space<vmem_shared>>) offsets(%dma_start3A_631 : memref<128xi32, #tpu.memory_space<vmem>>) semaphore(%arg12 : memref<!tpu.dma_semaphore, #tpu.memory_space<semaphore_mem>>) {add = true}
      %dma_wait3A_635 = arith.constant 0 : i32
      %dma_wait3A_636 = arith.constant 0 : i32
      %dma_wait3A_637 = arith.constant 0 : i32
      %dma_wait3A_638 = tpu.memref_slice %arg9[%dma_wait3A_635, %dma_wait3A_636, %dma_wait3A_637] : memref<5x128x64xf32, #tpu.memory_space<vmem>> -> memref<1x128x64xf32, #tpu.memory_space<vmem>>
      %dma_wait3A_639 = tpu.memref_squeeze %dma_wait3A_638 : memref<1x128x64xf32, #tpu.memory_space<vmem>> -> memref<128x64xf32, #tpu.memory_space<vmem>>
      %dma_wait3A_640 = arith.constant 0 : i32
      %dma_wait3A_641 = tpu.memref_slice %arg8[%add3A_563, %dma_wait3A_640] : memref<80x128xi32, #tpu.memory_space<vmem>> -> memref<1x128xi32, #tpu.memory_space<vmem>>
      %dma_wait3A_642 = tpu.memref_squeeze %dma_wait3A_641 : memref<1x128xi32, #tpu.memory_space<vmem>> -> memref<128xi32, #tpu.memory_space<vmem>>
      %dma_wait3A_643 = arith.constant 0 : i32
      %dma_wait3A_644 = arith.constant 0 : i32
      %dma_wait3A_645 = tpu.memref_slice %arg10[%dma_wait3A_643, %dma_wait3A_644] : memref<10112x64xf32, #tpu.memory_space<vmem_shared>> -> memref<10112x64xf32, #tpu.memory_space<vmem_shared>>
      tpu.wait_indirect_dma semaphore(%arg12 : memref<!tpu.dma_semaphore, #tpu.memory_space<semaphore_mem>>) src(%dma_wait3A_639 : memref<128x64xf32, #tpu.memory_space<vmem>>) dst(%dma_wait3A_645 : memref<10112x64xf32, #tpu.memory_space<vmem_shared>>)
      %dma_wait3A_646 = arith.constant 1 : i32
      %dma_wait3A_647 = arith.constant 0 : i32
      %dma_wait3A_648 = arith.constant 0 : i32
      %dma_wait3A_649 = tpu.memref_slice %arg9[%dma_wait3A_646, %dma_wait3A_647, %dma_wait3A_648] : memref<5x128x64xf32, #tpu.memory_space<vmem>> -> memref<1x128x64xf32, #tpu.memory_space<vmem>>
      %dma_wait3A_650 = tpu.memref_squeeze %dma_wait3A_649 : memref<1x128x64xf32, #tpu.memory_space<vmem>> -> memref<128x64xf32, #tpu.memory_space<vmem>>
      %dma_wait3A_651 = arith.constant 0 : i32
      %dma_wait3A_652 = tpu.memref_slice %arg8[%add3A_578, %dma_wait3A_651] : memref<80x128xi32, #tpu.memory_space<vmem>> -> memref<1x128xi32, #tpu.memory_space<vmem>>
      %dma_wait3A_653 = tpu.memref_squeeze %dma_wait3A_652 : memref<1x128xi32, #tpu.memory_space<vmem>> -> memref<128xi32, #tpu.memory_space<vmem>>
      %dma_wait3A_654 = arith.constant 0 : i32
      %dma_wait3A_655 = arith.constant 0 : i32
      %dma_wait3A_656 = tpu.memref_slice %arg10[%dma_wait3A_654, %dma_wait3A_655] : memref<10112x64xf32, #tpu.memory_space<vmem_shared>> -> memref<10112x64xf32, #tpu.memory_space<vmem_shared>>
      tpu.wait_indirect_dma semaphore(%arg12 : memref<!tpu.dma_semaphore, #tpu.memory_space<semaphore_mem>>) src(%dma_wait3A_650 : memref<128x64xf32, #tpu.memory_space<vmem>>) dst(%dma_wait3A_656 : memref<10112x64xf32, #tpu.memory_space<vmem_shared>>)
      %dma_wait3A_657 = arith.constant 2 : i32
      %dma_wait3A_658 = arith.constant 0 : i32
      %dma_wait3A_659 = arith.constant 0 : i32
      %dma_wait3A_660 = tpu.memref_slice %arg9[%dma_wait3A_657, %dma_wait3A_658, %dma_wait3A_659] : memref<5x128x64xf32, #tpu.memory_space<vmem>> -> memref<1x128x64xf32, #tpu.memory_space<vmem>>
      %dma_wait3A_661 = tpu.memref_squeeze %dma_wait3A_660 : memref<1x128x64xf32, #tpu.memory_space<vmem>> -> memref<128x64xf32, #tpu.memory_space<vmem>>
      %dma_wait3A_662 = arith.constant 0 : i32
      %dma_wait3A_663 = tpu.memref_slice %arg8[%add3A_593, %dma_wait3A_662] : memref<80x128xi32, #tpu.memory_space<vmem>> -> memref<1x128xi32, #tpu.memory_space<vmem>>
      %dma_wait3A_664 = tpu.memref_squeeze %dma_wait3A_663 : memref<1x128xi32, #tpu.memory_space<vmem>> -> memref<128xi32, #tpu.memory_space<vmem>>
      %dma_wait3A_665 = arith.constant 0 : i32
      %dma_wait3A_666 = arith.constant 0 : i32
      %dma_wait3A_667 = tpu.memref_slice %arg10[%dma_wait3A_665, %dma_wait3A_666] : memref<10112x64xf32, #tpu.memory_space<vmem_shared>> -> memref<10112x64xf32, #tpu.memory_space<vmem_shared>>
      tpu.wait_indirect_dma semaphore(%arg12 : memref<!tpu.dma_semaphore, #tpu.memory_space<semaphore_mem>>) src(%dma_wait3A_661 : memref<128x64xf32, #tpu.memory_space<vmem>>) dst(%dma_wait3A_667 : memref<10112x64xf32, #tpu.memory_space<vmem_shared>>)
      %dma_wait3A_668 = arith.constant 3 : i32
      %dma_wait3A_669 = arith.constant 0 : i32
      %dma_wait3A_670 = arith.constant 0 : i32
      %dma_wait3A_671 = tpu.memref_slice %arg9[%dma_wait3A_668, %dma_wait3A_669, %dma_wait3A_670] : memref<5x128x64xf32, #tpu.memory_space<vmem>> -> memref<1x128x64xf32, #tpu.memory_space<vmem>>
      %dma_wait3A_672 = tpu.memref_squeeze %dma_wait3A_671 : memref<1x128x64xf32, #tpu.memory_space<vmem>> -> memref<128x64xf32, #tpu.memory_space<vmem>>
      %dma_wait3A_673 = arith.constant 0 : i32
      %dma_wait3A_674 = tpu.memref_slice %arg8[%add3A_608, %dma_wait3A_673] : memref<80x128xi32, #tpu.memory_space<vmem>> -> memref<1x128xi32, #tpu.memory_space<vmem>>
      %dma_wait3A_675 = tpu.memref_squeeze %dma_wait3A_674 : memref<1x128xi32, #tpu.memory_space<vmem>> -> memref<128xi32, #tpu.memory_space<vmem>>
      %dma_wait3A_676 = arith.constant 0 : i32
      %dma_wait3A_677 = arith.constant 0 : i32
      %dma_wait3A_678 = tpu.memref_slice %arg10[%dma_wait3A_676, %dma_wait3A_677] : memref<10112x64xf32, #tpu.memory_space<vmem_shared>> -> memref<10112x64xf32, #tpu.memory_space<vmem_shared>>
      tpu.wait_indirect_dma semaphore(%arg12 : memref<!tpu.dma_semaphore, #tpu.memory_space<semaphore_mem>>) src(%dma_wait3A_672 : memref<128x64xf32, #tpu.memory_space<vmem>>) dst(%dma_wait3A_678 : memref<10112x64xf32, #tpu.memory_space<vmem_shared>>)
      %dma_wait3A_679 = arith.constant 4 : i32
      %dma_wait3A_680 = arith.constant 0 : i32
      %dma_wait3A_681 = arith.constant 0 : i32
      %dma_wait3A_682 = tpu.memref_slice %arg9[%dma_wait3A_679, %dma_wait3A_680, %dma_wait3A_681] : memref<5x128x64xf32, #tpu.memory_space<vmem>> -> memref<1x128x64xf32, #tpu.memory_space<vmem>>
      %dma_wait3A_683 = tpu.memref_squeeze %dma_wait3A_682 : memref<1x128x64xf32, #tpu.memory_space<vmem>> -> memref<128x64xf32, #tpu.memory_space<vmem>>
      %dma_wait3A_684 = arith.constant 0 : i32
      %dma_wait3A_685 = tpu.memref_slice %arg8[%add3A_623, %dma_wait3A_684] : memref<80x128xi32, #tpu.memory_space<vmem>> -> memref<1x128xi32, #tpu.memory_space<vmem>>
      %dma_wait3A_686 = tpu.memref_squeeze %dma_wait3A_685 : memref<1x128xi32, #tpu.memory_space<vmem>> -> memref<128xi32, #tpu.memory_space<vmem>>
      %dma_wait3A_687 = arith.constant 0 : i32
      %dma_wait3A_688 = arith.constant 0 : i32
      %dma_wait3A_689 = tpu.memref_slice %arg10[%dma_wait3A_687, %dma_wait3A_688] : memref<10112x64xf32, #tpu.memory_space<vmem_shared>> -> memref<10112x64xf32, #tpu.memory_space<vmem_shared>>
      tpu.wait_indirect_dma semaphore(%arg12 : memref<!tpu.dma_semaphore, #tpu.memory_space<semaphore_mem>>) src(%dma_wait3A_683 : memref<128x64xf32, #tpu.memory_space<vmem>>) dst(%dma_wait3A_689 : memref<10112x64xf32, #tpu.memory_space<vmem_shared>>)
    }
    %scan3A_46 = arith.constant 16 : i32
    %barrier3A_47 = arith.constant 0 : index
    tpu.barrier barrier_id(%barrier3A_47)
    %mul3A_48 = arith.constant 625 : i32
    %mul3A_49 = arith.muli %arg1, %mul3A_48 : i32
    %add3A_50 = arith.constant 0 : i32
    %add3A_51 = arith.addi %mul3A_49, %add3A_50 : i32
    %run_scoped3A_52 = arith.constant 0 : i32
    "tpu.region"() ({
      %run_scoped3A_427 = tpu.sem_alloc : memref<!tpu.dma_semaphore, #tpu.memory_space<semaphore_mem>>
      %dma_start3A = arith.constant 0 : i32
      %dma_start3A_428 = arith.constant 0 : i32
      %dma_start3A_429 = tpu.memref_slice %arg9[%run_scoped3A_52, %dma_start3A, %dma_start3A_428] : memref<5x128x64xf32, #tpu.memory_space<vmem>> -> memref<1x128x64xf32, #tpu.memory_space<vmem>>
      %dma_start3A_430 = tpu.memref_squeeze %dma_start3A_429 : memref<1x128x64xf32, #tpu.memory_space<vmem>> -> memref<128x64xf32, #tpu.memory_space<vmem>>
      %dma_start3A_431 = arith.constant 0 : i32
      %dma_start3A_432 = tpu.memref_slice %arg10[%add3A_51, %dma_start3A_431] : memref<10112x64xf32, #tpu.memory_space<vmem_shared>> -> memref<128x64xf32, #tpu.memory_space<vmem_shared>>
      %dma_start3A_433 = arith.constant 0 : i32
      %dma_start3A_434 = arith.constant 0 : i32
      %dma_start3A_435 = tpu.memref_slice %arg9[%run_scoped3A_52, %dma_start3A_433, %dma_start3A_434] : memref<5x128x64xf32, #tpu.memory_space<vmem>> -> memref<1x128x64xf32, #tpu.memory_space<vmem>>
      %dma_start3A_436 = tpu.memref_squeeze %dma_start3A_435 : memref<1x128x64xf32, #tpu.memory_space<vmem>> -> memref<128x64xf32, #tpu.memory_space<vmem>>
      %dma_start3A_437 = arith.constant 0 : i32
      %dma_start3A_438 = tpu.memref_slice %arg10[%add3A_51, %dma_start3A_437] : memref<10112x64xf32, #tpu.memory_space<vmem_shared>> -> memref<128x64xf32, #tpu.memory_space<vmem_shared>>
      tpu.enqueue_dma source(%dma_start3A_438 : memref<128x64xf32, #tpu.memory_space<vmem_shared>>) target(%dma_start3A_436 : memref<128x64xf32, #tpu.memory_space<vmem>>) target_semaphore(%run_scoped3A_427 : memref<!tpu.dma_semaphore, #tpu.memory_space<semaphore_mem>>)
      %dma_wait3A = arith.constant 0 : i32
      %dma_wait3A_439 = arith.constant 0 : i32
      %dma_wait3A_440 = tpu.memref_slice %arg9[%run_scoped3A_52, %dma_wait3A, %dma_wait3A_439] : memref<5x128x64xf32, #tpu.memory_space<vmem>> -> memref<1x128x64xf32, #tpu.memory_space<vmem>>
      %dma_wait3A_441 = tpu.memref_squeeze %dma_wait3A_440 : memref<1x128x64xf32, #tpu.memory_space<vmem>> -> memref<128x64xf32, #tpu.memory_space<vmem>>
      %dma_wait3A_442 = arith.constant 0 : i32
      %dma_wait3A_443 = tpu.memref_slice %arg10[%add3A_51, %dma_wait3A_442] : memref<10112x64xf32, #tpu.memory_space<vmem_shared>> -> memref<128x64xf32, #tpu.memory_space<vmem_shared>>
      %dma_wait3A_444 = arith.constant 0 : i32
      %dma_wait3A_445 = arith.constant 0 : i32
      %dma_wait3A_446 = tpu.memref_slice %arg9[%run_scoped3A_52, %dma_wait3A_444, %dma_wait3A_445] : memref<5x128x64xf32, #tpu.memory_space<vmem>> -> memref<1x128x64xf32, #tpu.memory_space<vmem>>
      %dma_wait3A_447 = tpu.memref_squeeze %dma_wait3A_446 : memref<1x128x64xf32, #tpu.memory_space<vmem>> -> memref<128x64xf32, #tpu.memory_space<vmem>>
      %dma_wait3A_448 = arith.constant 0 : i32
      %dma_wait3A_449 = tpu.memref_slice %arg10[%add3A_51, %dma_wait3A_448] : memref<10112x64xf32, #tpu.memory_space<vmem_shared>> -> memref<128x64xf32, #tpu.memory_space<vmem_shared>>
      tpu.wait_dma2 semaphore(%run_scoped3A_427 : memref<!tpu.dma_semaphore, #tpu.memory_space<semaphore_mem>>) src(%dma_wait3A_449 : memref<128x64xf32, #tpu.memory_space<vmem_shared>>) dst(%dma_wait3A_447 : memref<128x64xf32, #tpu.memory_space<vmem>>)
      tpu.yield
    }) : () -> ()
    %mul3A_53 = arith.constant 625 : i32
    %mul3A_54 = arith.muli %arg1, %mul3A_53 : i32
    %add3A_55 = arith.addi %mul3A_1, %mul3A_54 : i32
    %add3A_56 = arith.constant 0 : i32
    %add3A_57 = arith.addi %add3A_55, %add3A_56 : i32
    %run_scoped3A_58 = arith.constant 0 : i32
    %run_scoped3A_59 = arith.constant 0 : i32
    "tpu.region"() ({
      %run_scoped3A_427 = tpu.sem_alloc : memref<!tpu.dma_semaphore, #tpu.memory_space<semaphore_mem>>
      %dma_start3A = arith.constant 0 : i32
      %dma_start3A_428 = arith.constant 0 : i32
      %dma_start3A_429 = tpu.memref_slice %arg9[%run_scoped3A_58, %dma_start3A, %dma_start3A_428] : memref<5x128x64xf32, #tpu.memory_space<vmem>> -> memref<1x128x64xf32, #tpu.memory_space<vmem>>
      %dma_start3A_430 = tpu.memref_squeeze %dma_start3A_429 : memref<1x128x64xf32, #tpu.memory_space<vmem>> -> memref<128x64xf32, #tpu.memory_space<vmem>>
      %dma_start3A_431 = arith.constant 0 : i32
      %dma_start3A_432 = tpu.memref_slice %arg5[%run_scoped3A_59, %add3A_57, %dma_start3A_431] : memref<4x20000x64xf32, #tpu.memory_space<hbm>> -> memref<1x128x64xf32, #tpu.memory_space<hbm>>
      %dma_start3A_433 = tpu.memref_squeeze %dma_start3A_432 : memref<1x128x64xf32, #tpu.memory_space<hbm>> -> memref<128x64xf32, #tpu.memory_space<hbm>>
      %dma_start3A_434 = arith.constant 0 : i32
      %dma_start3A_435 = tpu.memref_slice %arg5[%run_scoped3A_59, %add3A_57, %dma_start3A_434] : memref<4x20000x64xf32, #tpu.memory_space<hbm>> -> memref<1x128x64xf32, #tpu.memory_space<hbm>>
      %dma_start3A_436 = tpu.memref_squeeze %dma_start3A_435 : memref<1x128x64xf32, #tpu.memory_space<hbm>> -> memref<128x64xf32, #tpu.memory_space<hbm>>
      %dma_start3A_437 = arith.constant 0 : i32
      %dma_start3A_438 = arith.constant 0 : i32
      %dma_start3A_439 = tpu.memref_slice %arg9[%run_scoped3A_58, %dma_start3A_437, %dma_start3A_438] : memref<5x128x64xf32, #tpu.memory_space<vmem>> -> memref<1x128x64xf32, #tpu.memory_space<vmem>>
      %dma_start3A_440 = tpu.memref_squeeze %dma_start3A_439 : memref<1x128x64xf32, #tpu.memory_space<vmem>> -> memref<128x64xf32, #tpu.memory_space<vmem>>
      tpu.enqueue_dma source(%dma_start3A_440 : memref<128x64xf32, #tpu.memory_space<vmem>>) target(%dma_start3A_436 : memref<128x64xf32, #tpu.memory_space<hbm>>) target_semaphore(%run_scoped3A_427 : memref<!tpu.dma_semaphore, #tpu.memory_space<semaphore_mem>>)
      %dma_wait3A = arith.constant 0 : i32
      %dma_wait3A_441 = arith.constant 0 : i32
      %dma_wait3A_442 = tpu.memref_slice %arg9[%run_scoped3A_58, %dma_wait3A, %dma_wait3A_441] : memref<5x128x64xf32, #tpu.memory_space<vmem>> -> memref<1x128x64xf32, #tpu.memory_space<vmem>>
      %dma_wait3A_443 = tpu.memref_squeeze %dma_wait3A_442 : memref<1x128x64xf32, #tpu.memory_space<vmem>> -> memref<128x64xf32, #tpu.memory_space<vmem>>
      %dma_wait3A_444 = arith.constant 0 : i32
      %dma_wait3A_445 = tpu.memref_slice %arg5[%run_scoped3A_59, %add3A_57, %dma_wait3A_444] : memref<4x20000x64xf32, #tpu.memory_space<hbm>> -> memref<1x128x64xf32, #tpu.memory_space<hbm>>
      %dma_wait3A_446 = tpu.memref_squeeze %dma_wait3A_445 : memref<1x128x64xf32, #tpu.memory_space<hbm>> -> memref<128x64xf32, #tpu.memory_space<hbm>>
      %dma_wait3A_447 = arith.constant 0 : i32
      %dma_wait3A_448 = tpu.memref_slice %arg5[%run_scoped3A_59, %add3A_57, %dma_wait3A_447] : memref<4x20000x64xf32, #tpu.memory_space<hbm>> -> memref<1x128x64xf32, #tpu.memory_space<hbm>>
      %dma_wait3A_449 = tpu.memref_squeeze %dma_wait3A_448 : memref<1x128x64xf32, #tpu.memory_space<hbm>> -> memref<128x64xf32, #tpu.memory_space<hbm>>
      %dma_wait3A_450 = arith.constant 0 : i32
      %dma_wait3A_451 = arith.constant 0 : i32
      %dma_wait3A_452 = tpu.memref_slice %arg9[%run_scoped3A_58, %dma_wait3A_450, %dma_wait3A_451] : memref<5x128x64xf32, #tpu.memory_space<vmem>> -> memref<1x128x64xf32, #tpu.memory_space<vmem>>
      %dma_wait3A_453 = tpu.memref_squeeze %dma_wait3A_452 : memref<1x128x64xf32, #tpu.memory_space<vmem>> -> memref<128x64xf32, #tpu.memory_space<vmem>>
      tpu.wait_dma2 semaphore(%run_scoped3A_427 : memref<!tpu.dma_semaphore, #tpu.memory_space<semaphore_mem>>) src(%dma_wait3A_453 : memref<128x64xf32, #tpu.memory_space<vmem>>) dst(%dma_wait3A_449 : memref<128x64xf32, #tpu.memory_space<hbm>>)
      tpu.yield
    }) : () -> ()
    %mul3A_60 = arith.constant 625 : i32
    %mul3A_61 = arith.muli %arg1, %mul3A_60 : i32
    %add3A_62 = arith.constant 128 : i32
    %add3A_63 = arith.addi %mul3A_61, %add3A_62 : i32
    %run_scoped3A_64 = arith.constant 0 : i32
    "tpu.region"() ({
      %run_scoped3A_427 = tpu.sem_alloc : memref<!tpu.dma_semaphore, #tpu.memory_space<semaphore_mem>>
      %dma_start3A = arith.constant 0 : i32
      %dma_start3A_428 = arith.constant 0 : i32
      %dma_start3A_429 = tpu.memref_slice %arg9[%run_scoped3A_64, %dma_start3A, %dma_start3A_428] : memref<5x128x64xf32, #tpu.memory_space<vmem>> -> memref<1x128x64xf32, #tpu.memory_space<vmem>>
      %dma_start3A_430 = tpu.memref_squeeze %dma_start3A_429 : memref<1x128x64xf32, #tpu.memory_space<vmem>> -> memref<128x64xf32, #tpu.memory_space<vmem>>
      %dma_start3A_431 = arith.constant 0 : i32
      %dma_start3A_432 = tpu.memref_slice %arg10[%add3A_63, %dma_start3A_431] : memref<10112x64xf32, #tpu.memory_space<vmem_shared>> -> memref<128x64xf32, #tpu.memory_space<vmem_shared>>
      %dma_start3A_433 = arith.constant 0 : i32
      %dma_start3A_434 = arith.constant 0 : i32
      %dma_start3A_435 = tpu.memref_slice %arg9[%run_scoped3A_64, %dma_start3A_433, %dma_start3A_434] : memref<5x128x64xf32, #tpu.memory_space<vmem>> -> memref<1x128x64xf32, #tpu.memory_space<vmem>>
      %dma_start3A_436 = tpu.memref_squeeze %dma_start3A_435 : memref<1x128x64xf32, #tpu.memory_space<vmem>> -> memref<128x64xf32, #tpu.memory_space<vmem>>
      %dma_start3A_437 = arith.constant 0 : i32
      %dma_start3A_438 = tpu.memref_slice %arg10[%add3A_63, %dma_start3A_437] : memref<10112x64xf32, #tpu.memory_space<vmem_shared>> -> memref<128x64xf32, #tpu.memory_space<vmem_shared>>
      tpu.enqueue_dma source(%dma_start3A_438 : memref<128x64xf32, #tpu.memory_space<vmem_shared>>) target(%dma_start3A_436 : memref<128x64xf32, #tpu.memory_space<vmem>>) target_semaphore(%run_scoped3A_427 : memref<!tpu.dma_semaphore, #tpu.memory_space<semaphore_mem>>)
      %dma_wait3A = arith.constant 0 : i32
      %dma_wait3A_439 = arith.constant 0 : i32
      %dma_wait3A_440 = tpu.memref_slice %arg9[%run_scoped3A_64, %dma_wait3A, %dma_wait3A_439] : memref<5x128x64xf32, #tpu.memory_space<vmem>> -> memref<1x128x64xf32, #tpu.memory_space<vmem>>
      %dma_wait3A_441 = tpu.memref_squeeze %dma_wait3A_440 : memref<1x128x64xf32, #tpu.memory_space<vmem>> -> memref<128x64xf32, #tpu.memory_space<vmem>>
      %dma_wait3A_442 = arith.constant 0 : i32
      %dma_wait3A_443 = tpu.memref_slice %arg10[%add3A_63, %dma_wait3A_442] : memref<10112x64xf32, #tpu.memory_space<vmem_shared>> -> memref<128x64xf32, #tpu.memory_space<vmem_shared>>
      %dma_wait3A_444 = arith.constant 0 : i32
      %dma_wait3A_445 = arith.constant 0 : i32
      %dma_wait3A_446 = tpu.memref_slice %arg9[%run_scoped3A_64, %dma_wait3A_444, %dma_wait3A_445] : memref<5x128x64xf32, #tpu.memory_space<vmem>> -> memref<1x128x64xf32, #tpu.memory_space<vmem>>
      %dma_wait3A_447 = tpu.memref_squeeze %dma_wait3A_446 : memref<1x128x64xf32, #tpu.memory_space<vmem>> -> memref<128x64xf32, #tpu.memory_space<vmem>>
      %dma_wait3A_448 = arith.constant 0 : i32
      %dma_wait3A_449 = tpu.memref_slice %arg10[%add3A_63, %dma_wait3A_448] : memref<10112x64xf32, #tpu.memory_space<vmem_shared>> -> memref<128x64xf32, #tpu.memory_space<vmem_shared>>
      tpu.wait_dma2 semaphore(%run_scoped3A_427 : memref<!tpu.dma_semaphore, #tpu.memory_space<semaphore_mem>>) src(%dma_wait3A_449 : memref<128x64xf32, #tpu.memory_space<vmem_shared>>) dst(%dma_wait3A_447 : memref<128x64xf32, #tpu.memory_space<vmem>>)
      tpu.yield
    }) : () -> ()
    %mul3A_65 = arith.constant 625 : i32
    %mul3A_66 = arith.muli %arg1, %mul3A_65 : i32
    %add3A_67 = arith.addi %mul3A_1, %mul3A_66 : i32
    %add3A_68 = arith.constant 128 : i32
    %add3A_69 = arith.addi %add3A_67, %add3A_68 : i32
    %run_scoped3A_70 = arith.constant 0 : i32
    %run_scoped3A_71 = arith.constant 0 : i32
    "tpu.region"() ({
      %run_scoped3A_427 = tpu.sem_alloc : memref<!tpu.dma_semaphore, #tpu.memory_space<semaphore_mem>>
      %dma_start3A = arith.constant 0 : i32
      %dma_start3A_428 = arith.constant 0 : i32
      %dma_start3A_429 = tpu.memref_slice %arg9[%run_scoped3A_70, %dma_start3A, %dma_start3A_428] : memref<5x128x64xf32, #tpu.memory_space<vmem>> -> memref<1x128x64xf32, #tpu.memory_space<vmem>>
      %dma_start3A_430 = tpu.memref_squeeze %dma_start3A_429 : memref<1x128x64xf32, #tpu.memory_space<vmem>> -> memref<128x64xf32, #tpu.memory_space<vmem>>
      %dma_start3A_431 = arith.constant 0 : i32
      %dma_start3A_432 = tpu.memref_slice %arg5[%run_scoped3A_71, %add3A_69, %dma_start3A_431] : memref<4x20000x64xf32, #tpu.memory_space<hbm>> -> memref<1x128x64xf32, #tpu.memory_space<hbm>>
      %dma_start3A_433 = tpu.memref_squeeze %dma_start3A_432 : memref<1x128x64xf32, #tpu.memory_space<hbm>> -> memref<128x64xf32, #tpu.memory_space<hbm>>
      %dma_start3A_434 = arith.constant 0 : i32
      %dma_start3A_435 = tpu.memref_slice %arg5[%run_scoped3A_71, %add3A_69, %dma_start3A_434] : memref<4x20000x64xf32, #tpu.memory_space<hbm>> -> memref<1x128x64xf32, #tpu.memory_space<hbm>>
      %dma_start3A_436 = tpu.memref_squeeze %dma_start3A_435 : memref<1x128x64xf32, #tpu.memory_space<hbm>> -> memref<128x64xf32, #tpu.memory_space<hbm>>
      %dma_start3A_437 = arith.constant 0 : i32
      %dma_start3A_438 = arith.constant 0 : i32
      %dma_start3A_439 = tpu.memref_slice %arg9[%run_scoped3A_70, %dma_start3A_437, %dma_start3A_438] : memref<5x128x64xf32, #tpu.memory_space<vmem>> -> memref<1x128x64xf32, #tpu.memory_space<vmem>>
      %dma_start3A_440 = tpu.memref_squeeze %dma_start3A_439 : memref<1x128x64xf32, #tpu.memory_space<vmem>> -> memref<128x64xf32, #tpu.memory_space<vmem>>
      tpu.enqueue_dma source(%dma_start3A_440 : memref<128x64xf32, #tpu.memory_space<vmem>>) target(%dma_start3A_436 : memref<128x64xf32, #tpu.memory_space<hbm>>) target_semaphore(%run_scoped3A_427 : memref<!tpu.dma_semaphore, #tpu.memory_space<semaphore_mem>>)
      %dma_wait3A = arith.constant 0 : i32
      %dma_wait3A_441 = arith.constant 0 : i32
      %dma_wait3A_442 = tpu.memref_slice %arg9[%run_scoped3A_70, %dma_wait3A, %dma_wait3A_441] : memref<5x128x64xf32, #tpu.memory_space<vmem>> -> memref<1x128x64xf32, #tpu.memory_space<vmem>>
      %dma_wait3A_443 = tpu.memref_squeeze %dma_wait3A_442 : memref<1x128x64xf32, #tpu.memory_space<vmem>> -> memref<128x64xf32, #tpu.memory_space<vmem>>
      %dma_wait3A_444 = arith.constant 0 : i32
      %dma_wait3A_445 = tpu.memref_slice %arg5[%run_scoped3A_71, %add3A_69, %dma_wait3A_444] : memref<4x20000x64xf32, #tpu.memory_space<hbm>> -> memref<1x128x64xf32, #tpu.memory_space<hbm>>
      %dma_wait3A_446 = tpu.memref_squeeze %dma_wait3A_445 : memref<1x128x64xf32, #tpu.memory_space<hbm>> -> memref<128x64xf32, #tpu.memory_space<hbm>>
      %dma_wait3A_447 = arith.constant 0 : i32
      %dma_wait3A_448 = tpu.memref_slice %arg5[%run_scoped3A_71, %add3A_69, %dma_wait3A_447] : memref<4x20000x64xf32, #tpu.memory_space<hbm>> -> memref<1x128x64xf32, #tpu.memory_space<hbm>>
      %dma_wait3A_449 = tpu.memref_squeeze %dma_wait3A_448 : memref<1x128x64xf32, #tpu.memory_space<hbm>> -> memref<128x64xf32, #tpu.memory_space<hbm>>
      %dma_wait3A_450 = arith.constant 0 : i32
      %dma_wait3A_451 = arith.constant 0 : i32
      %dma_wait3A_452 = tpu.memref_slice %arg9[%run_scoped3A_70, %dma_wait3A_450, %dma_wait3A_451] : memref<5x128x64xf32, #tpu.memory_space<vmem>> -> memref<1x128x64xf32, #tpu.memory_space<vmem>>
      %dma_wait3A_453 = tpu.memref_squeeze %dma_wait3A_452 : memref<1x128x64xf32, #tpu.memory_space<vmem>> -> memref<128x64xf32, #tpu.memory_space<vmem>>
      tpu.wait_dma2 semaphore(%run_scoped3A_427 : memref<!tpu.dma_semaphore, #tpu.memory_space<semaphore_mem>>) src(%dma_wait3A_453 : memref<128x64xf32, #tpu.memory_space<vmem>>) dst(%dma_wait3A_449 : memref<128x64xf32, #tpu.memory_space<hbm>>)
      tpu.yield
    }) : () -> ()
    %mul3A_72 = arith.constant 625 : i32
    %mul3A_73 = arith.muli %arg1, %mul3A_72 : i32
    %add3A_74 = arith.constant 256 : i32
    %add3A_75 = arith.addi %mul3A_73, %add3A_74 : i32
    %run_scoped3A_76 = arith.constant 0 : i32
    "tpu.region"() ({
      %run_scoped3A_427 = tpu.sem_alloc : memref<!tpu.dma_semaphore, #tpu.memory_space<semaphore_mem>>
      %dma_start3A = arith.constant 0 : i32
      %dma_start3A_428 = arith.constant 0 : i32
      %dma_start3A_429 = tpu.memref_slice %arg9[%run_scoped3A_76, %dma_start3A, %dma_start3A_428] : memref<5x128x64xf32, #tpu.memory_space<vmem>> -> memref<1x128x64xf32, #tpu.memory_space<vmem>>
      %dma_start3A_430 = tpu.memref_squeeze %dma_start3A_429 : memref<1x128x64xf32, #tpu.memory_space<vmem>> -> memref<128x64xf32, #tpu.memory_space<vmem>>
      %dma_start3A_431 = arith.constant 0 : i32
      %dma_start3A_432 = tpu.memref_slice %arg10[%add3A_75, %dma_start3A_431] : memref<10112x64xf32, #tpu.memory_space<vmem_shared>> -> memref<128x64xf32, #tpu.memory_space<vmem_shared>>
      %dma_start3A_433 = arith.constant 0 : i32
      %dma_start3A_434 = arith.constant 0 : i32
      %dma_start3A_435 = tpu.memref_slice %arg9[%run_scoped3A_76, %dma_start3A_433, %dma_start3A_434] : memref<5x128x64xf32, #tpu.memory_space<vmem>> -> memref<1x128x64xf32, #tpu.memory_space<vmem>>
      %dma_start3A_436 = tpu.memref_squeeze %dma_start3A_435 : memref<1x128x64xf32, #tpu.memory_space<vmem>> -> memref<128x64xf32, #tpu.memory_space<vmem>>
      %dma_start3A_437 = arith.constant 0 : i32
      %dma_start3A_438 = tpu.memref_slice %arg10[%add3A_75, %dma_start3A_437] : memref<10112x64xf32, #tpu.memory_space<vmem_shared>> -> memref<128x64xf32, #tpu.memory_space<vmem_shared>>
      tpu.enqueue_dma source(%dma_start3A_438 : memref<128x64xf32, #tpu.memory_space<vmem_shared>>) target(%dma_start3A_436 : memref<128x64xf32, #tpu.memory_space<vmem>>) target_semaphore(%run_scoped3A_427 : memref<!tpu.dma_semaphore, #tpu.memory_space<semaphore_mem>>)
      %dma_wait3A = arith.constant 0 : i32
      %dma_wait3A_439 = arith.constant 0 : i32
      %dma_wait3A_440 = tpu.memref_slice %arg9[%run_scoped3A_76, %dma_wait3A, %dma_wait3A_439] : memref<5x128x64xf32, #tpu.memory_space<vmem>> -> memref<1x128x64xf32, #tpu.memory_space<vmem>>
      %dma_wait3A_441 = tpu.memref_squeeze %dma_wait3A_440 : memref<1x128x64xf32, #tpu.memory_space<vmem>> -> memref<128x64xf32, #tpu.memory_space<vmem>>
      %dma_wait3A_442 = arith.constant 0 : i32
      %dma_wait3A_443 = tpu.memref_slice %arg10[%add3A_75, %dma_wait3A_442] : memref<10112x64xf32, #tpu.memory_space<vmem_shared>> -> memref<128x64xf32, #tpu.memory_space<vmem_shared>>
      %dma_wait3A_444 = arith.constant 0 : i32
      %dma_wait3A_445 = arith.constant 0 : i32
      %dma_wait3A_446 = tpu.memref_slice %arg9[%run_scoped3A_76, %dma_wait3A_444, %dma_wait3A_445] : memref<5x128x64xf32, #tpu.memory_space<vmem>> -> memref<1x128x64xf32, #tpu.memory_space<vmem>>
      %dma_wait3A_447 = tpu.memref_squeeze %dma_wait3A_446 : memref<1x128x64xf32, #tpu.memory_space<vmem>> -> memref<128x64xf32, #tpu.memory_space<vmem>>
      %dma_wait3A_448 = arith.constant 0 : i32
      %dma_wait3A_449 = tpu.memref_slice %arg10[%add3A_75, %dma_wait3A_448] : memref<10112x64xf32, #tpu.memory_space<vmem_shared>> -> memref<128x64xf32, #tpu.memory_space<vmem_shared>>
      tpu.wait_dma2 semaphore(%run_scoped3A_427 : memref<!tpu.dma_semaphore, #tpu.memory_space<semaphore_mem>>) src(%dma_wait3A_449 : memref<128x64xf32, #tpu.memory_space<vmem_shared>>) dst(%dma_wait3A_447 : memref<128x64xf32, #tpu.memory_space<vmem>>)
      tpu.yield
    }) : () -> ()
    %mul3A_77 = arith.constant 625 : i32
    %mul3A_78 = arith.muli %arg1, %mul3A_77 : i32
    %add3A_79 = arith.addi %mul3A_1, %mul3A_78 : i32
    %add3A_80 = arith.constant 256 : i32
    %add3A_81 = arith.addi %add3A_79, %add3A_80 : i32
    %run_scoped3A_82 = arith.constant 0 : i32
    %run_scoped3A_83 = arith.constant 0 : i32
    "tpu.region"() ({
      %run_scoped3A_427 = tpu.sem_alloc : memref<!tpu.dma_semaphore, #tpu.memory_space<semaphore_mem>>
      %dma_start3A = arith.constant 0 : i32
      %dma_start3A_428 = arith.constant 0 : i32
      %dma_start3A_429 = tpu.memref_slice %arg9[%run_scoped3A_82, %dma_start3A, %dma_start3A_428] : memref<5x128x64xf32, #tpu.memory_space<vmem>> -> memref<1x128x64xf32, #tpu.memory_space<vmem>>
      %dma_start3A_430 = tpu.memref_squeeze %dma_start3A_429 : memref<1x128x64xf32, #tpu.memory_space<vmem>> -> memref<128x64xf32, #tpu.memory_space<vmem>>
      %dma_start3A_431 = arith.constant 0 : i32
      %dma_start3A_432 = tpu.memref_slice %arg5[%run_scoped3A_83, %add3A_81, %dma_start3A_431] : memref<4x20000x64xf32, #tpu.memory_space<hbm>> -> memref<1x128x64xf32, #tpu.memory_space<hbm>>
      %dma_start3A_433 = tpu.memref_squeeze %dma_start3A_432 : memref<1x128x64xf32, #tpu.memory_space<hbm>> -> memref<128x64xf32, #tpu.memory_space<hbm>>
      %dma_start3A_434 = arith.constant 0 : i32
      %dma_start3A_435 = tpu.memref_slice %arg5[%run_scoped3A_83, %add3A_81, %dma_start3A_434] : memref<4x20000x64xf32, #tpu.memory_space<hbm>> -> memref<1x128x64xf32, #tpu.memory_space<hbm>>
      %dma_start3A_436 = tpu.memref_squeeze %dma_start3A_435 : memref<1x128x64xf32, #tpu.memory_space<hbm>> -> memref<128x64xf32, #tpu.memory_space<hbm>>
      %dma_start3A_437 = arith.constant 0 : i32
      %dma_start3A_438 = arith.constant 0 : i32
      %dma_start3A_439 = tpu.memref_slice %arg9[%run_scoped3A_82, %dma_start3A_437, %dma_start3A_438] : memref<5x128x64xf32, #tpu.memory_space<vmem>> -> memref<1x128x64xf32, #tpu.memory_space<vmem>>
      %dma_start3A_440 = tpu.memref_squeeze %dma_start3A_439 : memref<1x128x64xf32, #tpu.memory_space<vmem>> -> memref<128x64xf32, #tpu.memory_space<vmem>>
      tpu.enqueue_dma source(%dma_start3A_440 : memref<128x64xf32, #tpu.memory_space<vmem>>) target(%dma_start3A_436 : memref<128x64xf32, #tpu.memory_space<hbm>>) target_semaphore(%run_scoped3A_427 : memref<!tpu.dma_semaphore, #tpu.memory_space<semaphore_mem>>)
      %dma_wait3A = arith.constant 0 : i32
      %dma_wait3A_441 = arith.constant 0 : i32
      %dma_wait3A_442 = tpu.memref_slice %arg9[%run_scoped3A_82, %dma_wait3A, %dma_wait3A_441] : memref<5x128x64xf32, #tpu.memory_space<vmem>> -> memref<1x128x64xf32, #tpu.memory_space<vmem>>
      %dma_wait3A_443 = tpu.memref_squeeze %dma_wait3A_442 : memref<1x128x64xf32, #tpu.memory_space<vmem>> -> memref<128x64xf32, #tpu.memory_space<vmem>>
      %dma_wait3A_444 = arith.constant 0 : i32
      %dma_wait3A_445 = tpu.memref_slice %arg5[%run_scoped3A_83, %add3A_81, %dma_wait3A_444] : memref<4x20000x64xf32, #tpu.memory_space<hbm>> -> memref<1x128x64xf32, #tpu.memory_space<hbm>>
      %dma_wait3A_446 = tpu.memref_squeeze %dma_wait3A_445 : memref<1x128x64xf32, #tpu.memory_space<hbm>> -> memref<128x64xf32, #tpu.memory_space<hbm>>
      %dma_wait3A_447 = arith.constant 0 : i32
      %dma_wait3A_448 = tpu.memref_slice %arg5[%run_scoped3A_83, %add3A_81, %dma_wait3A_447] : memref<4x20000x64xf32, #tpu.memory_space<hbm>> -> memref<1x128x64xf32, #tpu.memory_space<hbm>>
      %dma_wait3A_449 = tpu.memref_squeeze %dma_wait3A_448 : memref<1x128x64xf32, #tpu.memory_space<hbm>> -> memref<128x64xf32, #tpu.memory_space<hbm>>
      %dma_wait3A_450 = arith.constant 0 : i32
      %dma_wait3A_451 = arith.constant 0 : i32
      %dma_wait3A_452 = tpu.memref_slice %arg9[%run_scoped3A_82, %dma_wait3A_450, %dma_wait3A_451] : memref<5x128x64xf32, #tpu.memory_space<vmem>> -> memref<1x128x64xf32, #tpu.memory_space<vmem>>
      %dma_wait3A_453 = tpu.memref_squeeze %dma_wait3A_452 : memref<1x128x64xf32, #tpu.memory_space<vmem>> -> memref<128x64xf32, #tpu.memory_space<vmem>>
      tpu.wait_dma2 semaphore(%run_scoped3A_427 : memref<!tpu.dma_semaphore, #tpu.memory_space<semaphore_mem>>) src(%dma_wait3A_453 : memref<128x64xf32, #tpu.memory_space<vmem>>) dst(%dma_wait3A_449 : memref<128x64xf32, #tpu.memory_space<hbm>>)
      tpu.yield
    }) : () -> ()
    %mul3A_84 = arith.constant 625 : i32
    %mul3A_85 = arith.muli %arg1, %mul3A_84 : i32
    %add3A_86 = arith.constant 384 : i32
    %add3A_87 = arith.addi %mul3A_85, %add3A_86 : i32
    %run_scoped3A_88 = arith.constant 0 : i32
    "tpu.region"() ({
      %run_scoped3A_427 = tpu.sem_alloc : memref<!tpu.dma_semaphore, #tpu.memory_space<semaphore_mem>>
      %dma_start3A = arith.constant 0 : i32
      %dma_start3A_428 = arith.constant 0 : i32
      %dma_start3A_429 = tpu.memref_slice %arg9[%run_scoped3A_88, %dma_start3A, %dma_start3A_428] : memref<5x128x64xf32, #tpu.memory_space<vmem>> -> memref<1x128x64xf32, #tpu.memory_space<vmem>>
      %dma_start3A_430 = tpu.memref_squeeze %dma_start3A_429 : memref<1x128x64xf32, #tpu.memory_space<vmem>> -> memref<128x64xf32, #tpu.memory_space<vmem>>
      %dma_start3A_431 = arith.constant 0 : i32
      %dma_start3A_432 = tpu.memref_slice %arg10[%add3A_87, %dma_start3A_431] : memref<10112x64xf32, #tpu.memory_space<vmem_shared>> -> memref<128x64xf32, #tpu.memory_space<vmem_shared>>
      %dma_start3A_433 = arith.constant 0 : i32
      %dma_start3A_434 = arith.constant 0 : i32
      %dma_start3A_435 = tpu.memref_slice %arg9[%run_scoped3A_88, %dma_start3A_433, %dma_start3A_434] : memref<5x128x64xf32, #tpu.memory_space<vmem>> -> memref<1x128x64xf32, #tpu.memory_space<vmem>>
      %dma_start3A_436 = tpu.memref_squeeze %dma_start3A_435 : memref<1x128x64xf32, #tpu.memory_space<vmem>> -> memref<128x64xf32, #tpu.memory_space<vmem>>
      %dma_start3A_437 = arith.constant 0 : i32
      %dma_start3A_438 = tpu.memref_slice %arg10[%add3A_87, %dma_start3A_437] : memref<10112x64xf32, #tpu.memory_space<vmem_shared>> -> memref<128x64xf32, #tpu.memory_space<vmem_shared>>
      tpu.enqueue_dma source(%dma_start3A_438 : memref<128x64xf32, #tpu.memory_space<vmem_shared>>) target(%dma_start3A_436 : memref<128x64xf32, #tpu.memory_space<vmem>>) target_semaphore(%run_scoped3A_427 : memref<!tpu.dma_semaphore, #tpu.memory_space<semaphore_mem>>)
      %dma_wait3A = arith.constant 0 : i32
      %dma_wait3A_439 = arith.constant 0 : i32
      %dma_wait3A_440 = tpu.memref_slice %arg9[%run_scoped3A_88, %dma_wait3A, %dma_wait3A_439] : memref<5x128x64xf32, #tpu.memory_space<vmem>> -> memref<1x128x64xf32, #tpu.memory_space<vmem>>
      %dma_wait3A_441 = tpu.memref_squeeze %dma_wait3A_440 : memref<1x128x64xf32, #tpu.memory_space<vmem>> -> memref<128x64xf32, #tpu.memory_space<vmem>>
      %dma_wait3A_442 = arith.constant 0 : i32
      %dma_wait3A_443 = tpu.memref_slice %arg10[%add3A_87, %dma_wait3A_442] : memref<10112x64xf32, #tpu.memory_space<vmem_shared>> -> memref<128x64xf32, #tpu.memory_space<vmem_shared>>
      %dma_wait3A_444 = arith.constant 0 : i32
      %dma_wait3A_445 = arith.constant 0 : i32
      %dma_wait3A_446 = tpu.memref_slice %arg9[%run_scoped3A_88, %dma_wait3A_444, %dma_wait3A_445] : memref<5x128x64xf32, #tpu.memory_space<vmem>> -> memref<1x128x64xf32, #tpu.memory_space<vmem>>
      %dma_wait3A_447 = tpu.memref_squeeze %dma_wait3A_446 : memref<1x128x64xf32, #tpu.memory_space<vmem>> -> memref<128x64xf32, #tpu.memory_space<vmem>>
      %dma_wait3A_448 = arith.constant 0 : i32
      %dma_wait3A_449 = tpu.memref_slice %arg10[%add3A_87, %dma_wait3A_448] : memref<10112x64xf32, #tpu.memory_space<vmem_shared>> -> memref<128x64xf32, #tpu.memory_space<vmem_shared>>
      tpu.wait_dma2 semaphore(%run_scoped3A_427 : memref<!tpu.dma_semaphore, #tpu.memory_space<semaphore_mem>>) src(%dma_wait3A_449 : memref<128x64xf32, #tpu.memory_space<vmem_shared>>) dst(%dma_wait3A_447 : memref<128x64xf32, #tpu.memory_space<vmem>>)
      tpu.yield
    }) : () -> ()
    %mul3A_89 = arith.constant 625 : i32
    %mul3A_90 = arith.muli %arg1, %mul3A_89 : i32
    %add3A_91 = arith.addi %mul3A_1, %mul3A_90 : i32
    %add3A_92 = arith.constant 384 : i32
    %add3A_93 = arith.addi %add3A_91, %add3A_92 : i32
    %run_scoped3A_94 = arith.constant 0 : i32
    %run_scoped3A_95 = arith.constant 0 : i32
    "tpu.region"() ({
      %run_scoped3A_427 = tpu.sem_alloc : memref<!tpu.dma_semaphore, #tpu.memory_space<semaphore_mem>>
      %dma_start3A = arith.constant 0 : i32
      %dma_start3A_428 = arith.constant 0 : i32
      %dma_start3A_429 = tpu.memref_slice %arg9[%run_scoped3A_94, %dma_start3A, %dma_start3A_428] : memref<5x128x64xf32, #tpu.memory_space<vmem>> -> memref<1x128x64xf32, #tpu.memory_space<vmem>>
      %dma_start3A_430 = tpu.memref_squeeze %dma_start3A_429 : memref<1x128x64xf32, #tpu.memory_space<vmem>> -> memref<128x64xf32, #tpu.memory_space<vmem>>
      %dma_start3A_431 = arith.constant 0 : i32
      %dma_start3A_432 = tpu.memref_slice %arg5[%run_scoped3A_95, %add3A_93, %dma_start3A_431] : memref<4x20000x64xf32, #tpu.memory_space<hbm>> -> memref<1x128x64xf32, #tpu.memory_space<hbm>>
      %dma_start3A_433 = tpu.memref_squeeze %dma_start3A_432 : memref<1x128x64xf32, #tpu.memory_space<hbm>> -> memref<128x64xf32, #tpu.memory_space<hbm>>
      %dma_start3A_434 = arith.constant 0 : i32
      %dma_start3A_435 = tpu.memref_slice %arg5[%run_scoped3A_95, %add3A_93, %dma_start3A_434] : memref<4x20000x64xf32, #tpu.memory_space<hbm>> -> memref<1x128x64xf32, #tpu.memory_space<hbm>>
      %dma_start3A_436 = tpu.memref_squeeze %dma_start3A_435 : memref<1x128x64xf32, #tpu.memory_space<hbm>> -> memref<128x64xf32, #tpu.memory_space<hbm>>
      %dma_start3A_437 = arith.constant 0 : i32
      %dma_start3A_438 = arith.constant 0 : i32
      %dma_start3A_439 = tpu.memref_slice %arg9[%run_scoped3A_94, %dma_start3A_437, %dma_start3A_438] : memref<5x128x64xf32, #tpu.memory_space<vmem>> -> memref<1x128x64xf32, #tpu.memory_space<vmem>>
      %dma_start3A_440 = tpu.memref_squeeze %dma_start3A_439 : memref<1x128x64xf32, #tpu.memory_space<vmem>> -> memref<128x64xf32, #tpu.memory_space<vmem>>
      tpu.enqueue_dma source(%dma_start3A_440 : memref<128x64xf32, #tpu.memory_space<vmem>>) target(%dma_start3A_436 : memref<128x64xf32, #tpu.memory_space<hbm>>) target_semaphore(%run_scoped3A_427 : memref<!tpu.dma_semaphore, #tpu.memory_space<semaphore_mem>>)
      %dma_wait3A = arith.constant 0 : i32
      %dma_wait3A_441 = arith.constant 0 : i32
      %dma_wait3A_442 = tpu.memref_slice %arg9[%run_scoped3A_94, %dma_wait3A, %dma_wait3A_441] : memref<5x128x64xf32, #tpu.memory_space<vmem>> -> memref<1x128x64xf32, #tpu.memory_space<vmem>>
      %dma_wait3A_443 = tpu.memref_squeeze %dma_wait3A_442 : memref<1x128x64xf32, #tpu.memory_space<vmem>> -> memref<128x64xf32, #tpu.memory_space<vmem>>
      %dma_wait3A_444 = arith.constant 0 : i32
      %dma_wait3A_445 = tpu.memref_slice %arg5[%run_scoped3A_95, %add3A_93, %dma_wait3A_444] : memref<4x20000x64xf32, #tpu.memory_space<hbm>> -> memref<1x128x64xf32, #tpu.memory_space<hbm>>
      %dma_wait3A_446 = tpu.memref_squeeze %dma_wait3A_445 : memref<1x128x64xf32, #tpu.memory_space<hbm>> -> memref<128x64xf32, #tpu.memory_space<hbm>>
      %dma_wait3A_447 = arith.constant 0 : i32
      %dma_wait3A_448 = tpu.memref_slice %arg5[%run_scoped3A_95, %add3A_93, %dma_wait3A_447] : memref<4x20000x64xf32, #tpu.memory_space<hbm>> -> memref<1x128x64xf32, #tpu.memory_space<hbm>>
      %dma_wait3A_449 = tpu.memref_squeeze %dma_wait3A_448 : memref<1x128x64xf32, #tpu.memory_space<hbm>> -> memref<128x64xf32, #tpu.memory_space<hbm>>
      %dma_wait3A_450 = arith.constant 0 : i32
      %dma_wait3A_451 = arith.constant 0 : i32
      %dma_wait3A_452 = tpu.memref_slice %arg9[%run_scoped3A_94, %dma_wait3A_450, %dma_wait3A_451] : memref<5x128x64xf32, #tpu.memory_space<vmem>> -> memref<1x128x64xf32, #tpu.memory_space<vmem>>
      %dma_wait3A_453 = tpu.memref_squeeze %dma_wait3A_452 : memref<1x128x64xf32, #tpu.memory_space<vmem>> -> memref<128x64xf32, #tpu.memory_space<vmem>>
      tpu.wait_dma2 semaphore(%run_scoped3A_427 : memref<!tpu.dma_semaphore, #tpu.memory_space<semaphore_mem>>) src(%dma_wait3A_453 : memref<128x64xf32, #tpu.memory_space<vmem>>) dst(%dma_wait3A_449 : memref<128x64xf32, #tpu.memory_space<hbm>>)
      tpu.yield
    }) : () -> ()
    %mul3A_96 = arith.constant 625 : i32
    %mul3A_97 = arith.muli %arg1, %mul3A_96 : i32
    %add3A_98 = arith.constant 512 : i32
    %add3A_99 = arith.addi %mul3A_97, %add3A_98 : i32
    %run_scoped3A_100 = arith.constant 0 : i32
    "tpu.region"() ({
      %run_scoped3A_427 = tpu.sem_alloc : memref<!tpu.dma_semaphore, #tpu.memory_space<semaphore_mem>>
      %dma_start3A = arith.constant 0 : i32
      %dma_start3A_428 = arith.constant 0 : i32
      %dma_start3A_429 = tpu.memref_slice %arg9[%run_scoped3A_100, %dma_start3A, %dma_start3A_428] : memref<5x128x64xf32, #tpu.memory_space<vmem>> -> memref<1x113x64xf32, #tpu.memory_space<vmem>>
      %dma_start3A_430 = tpu.memref_squeeze %dma_start3A_429 : memref<1x113x64xf32, #tpu.memory_space<vmem>> -> memref<113x64xf32, #tpu.memory_space<vmem>>
      %dma_start3A_431 = arith.constant 0 : i32
      %dma_start3A_432 = tpu.memref_slice %arg10[%add3A_99, %dma_start3A_431] : memref<10112x64xf32, #tpu.memory_space<vmem_shared>> -> memref<113x64xf32, #tpu.memory_space<vmem_shared>>
      %dma_start3A_433 = arith.constant 0 : i32
      %dma_start3A_434 = arith.constant 0 : i32
      %dma_start3A_435 = tpu.memref_slice %arg9[%run_scoped3A_100, %dma_start3A_433, %dma_start3A_434] : memref<5x128x64xf32, #tpu.memory_space<vmem>> -> memref<1x113x64xf32, #tpu.memory_space<vmem>>
      %dma_start3A_436 = tpu.memref_squeeze %dma_start3A_435 : memref<1x113x64xf32, #tpu.memory_space<vmem>> -> memref<113x64xf32, #tpu.memory_space<vmem>>
      %dma_start3A_437 = arith.constant 0 : i32
      %dma_start3A_438 = tpu.memref_slice %arg10[%add3A_99, %dma_start3A_437] : memref<10112x64xf32, #tpu.memory_space<vmem_shared>> -> memref<113x64xf32, #tpu.memory_space<vmem_shared>>
      tpu.enqueue_dma source(%dma_start3A_438 : memref<113x64xf32, #tpu.memory_space<vmem_shared>>) target(%dma_start3A_436 : memref<113x64xf32, #tpu.memory_space<vmem>>) target_semaphore(%run_scoped3A_427 : memref<!tpu.dma_semaphore, #tpu.memory_space<semaphore_mem>>)
      %dma_wait3A = arith.constant 0 : i32
      %dma_wait3A_439 = arith.constant 0 : i32
      %dma_wait3A_440 = tpu.memref_slice %arg9[%run_scoped3A_100, %dma_wait3A, %dma_wait3A_439] : memref<5x128x64xf32, #tpu.memory_space<vmem>> -> memref<1x113x64xf32, #tpu.memory_space<vmem>>
      %dma_wait3A_441 = tpu.memref_squeeze %dma_wait3A_440 : memref<1x113x64xf32, #tpu.memory_space<vmem>> -> memref<113x64xf32, #tpu.memory_space<vmem>>
      %dma_wait3A_442 = arith.constant 0 : i32
      %dma_wait3A_443 = tpu.memref_slice %arg10[%add3A_99, %dma_wait3A_442] : memref<10112x64xf32, #tpu.memory_space<vmem_shared>> -> memref<113x64xf32, #tpu.memory_space<vmem_shared>>
      %dma_wait3A_444 = arith.constant 0 : i32
      %dma_wait3A_445 = arith.constant 0 : i32
      %dma_wait3A_446 = tpu.memref_slice %arg9[%run_scoped3A_100, %dma_wait3A_444, %dma_wait3A_445] : memref<5x128x64xf32, #tpu.memory_space<vmem>> -> memref<1x113x64xf32, #tpu.memory_space<vmem>>
      %dma_wait3A_447 = tpu.memref_squeeze %dma_wait3A_446 : memref<1x113x64xf32, #tpu.memory_space<vmem>> -> memref<113x64xf32, #tpu.memory_space<vmem>>
      %dma_wait3A_448 = arith.constant 0 : i32
      %dma_wait3A_449 = tpu.memref_slice %arg10[%add3A_99, %dma_wait3A_448] : memref<10112x64xf32, #tpu.memory_space<vmem_shared>> -> memref<113x64xf32, #tpu.memory_space<vmem_shared>>
      tpu.wait_dma2 semaphore(%run_scoped3A_427 : memref<!tpu.dma_semaphore, #tpu.memory_space<semaphore_mem>>) src(%dma_wait3A_449 : memref<113x64xf32, #tpu.memory_space<vmem_shared>>) dst(%dma_wait3A_447 : memref<113x64xf32, #tpu.memory_space<vmem>>)
      tpu.yield
    }) : () -> ()
    %mul3A_101 = arith.constant 625 : i32
    %mul3A_102 = arith.muli %arg1, %mul3A_101 : i32
    %add3A_103 = arith.addi %mul3A_1, %mul3A_102 : i32
    %add3A_104 = arith.constant 512 : i32
    %add3A_105 = arith.addi %add3A_103, %add3A_104 : i32
    %run_scoped3A_106 = arith.constant 0 : i32
    %run_scoped3A_107 = arith.constant 0 : i32
    "tpu.region"() ({
      %run_scoped3A_427 = tpu.sem_alloc : memref<!tpu.dma_semaphore, #tpu.memory_space<semaphore_mem>>
      %dma_start3A = arith.constant 0 : i32
      %dma_start3A_428 = arith.constant 0 : i32
      %dma_start3A_429 = tpu.memref_slice %arg9[%run_scoped3A_106, %dma_start3A, %dma_start3A_428] : memref<5x128x64xf32, #tpu.memory_space<vmem>> -> memref<1x113x64xf32, #tpu.memory_space<vmem>>
      %dma_start3A_430 = tpu.memref_squeeze %dma_start3A_429 : memref<1x113x64xf32, #tpu.memory_space<vmem>> -> memref<113x64xf32, #tpu.memory_space<vmem>>
      %dma_start3A_431 = arith.constant 0 : i32
      %dma_start3A_432 = tpu.memref_slice %arg5[%run_scoped3A_107, %add3A_105, %dma_start3A_431] : memref<4x20000x64xf32, #tpu.memory_space<hbm>> -> memref<1x113x64xf32, #tpu.memory_space<hbm>>
      %dma_start3A_433 = tpu.memref_squeeze %dma_start3A_432 : memref<1x113x64xf32, #tpu.memory_space<hbm>> -> memref<113x64xf32, #tpu.memory_space<hbm>>
      %dma_start3A_434 = arith.constant 0 : i32
      %dma_start3A_435 = tpu.memref_slice %arg5[%run_scoped3A_107, %add3A_105, %dma_start3A_434] : memref<4x20000x64xf32, #tpu.memory_space<hbm>> -> memref<1x113x64xf32, #tpu.memory_space<hbm>>
      %dma_start3A_436 = tpu.memref_squeeze %dma_start3A_435 : memref<1x113x64xf32, #tpu.memory_space<hbm>> -> memref<113x64xf32, #tpu.memory_space<hbm>>
      %dma_start3A_437 = arith.constant 0 : i32
      %dma_start3A_438 = arith.constant 0 : i32
      %dma_start3A_439 = tpu.memref_slice %arg9[%run_scoped3A_106, %dma_start3A_437, %dma_start3A_438] : memref<5x128x64xf32, #tpu.memory_space<vmem>> -> memref<1x113x64xf32, #tpu.memory_space<vmem>>
      %dma_start3A_440 = tpu.memref_squeeze %dma_start3A_439 : memref<1x113x64xf32, #tpu.memory_space<vmem>> -> memref<113x64xf32, #tpu.memory_space<vmem>>
      tpu.enqueue_dma source(%dma_start3A_440 : memref<113x64xf32, #tpu.memory_space<vmem>>) target(%dma_start3A_436 : memref<113x64xf32, #tpu.memory_space<hbm>>) target_semaphore(%run_scoped3A_427 : memref<!tpu.dma_semaphore, #tpu.memory_space<semaphore_mem>>)
      %dma_wait3A = arith.constant 0 : i32
      %dma_wait3A_441 = arith.constant 0 : i32
      %dma_wait3A_442 = tpu.memref_slice %arg9[%run_scoped3A_106, %dma_wait3A, %dma_wait3A_441] : memref<5x128x64xf32, #tpu.memory_space<vmem>> -> memref<1x113x64xf32, #tpu.memory_space<vmem>>
      %dma_wait3A_443 = tpu.memref_squeeze %dma_wait3A_442 : memref<1x113x64xf32, #tpu.memory_space<vmem>> -> memref<113x64xf32, #tpu.memory_space<vmem>>
      %dma_wait3A_444 = arith.constant 0 : i32
      %dma_wait3A_445 = tpu.memref_slice %arg5[%run_scoped3A_107, %add3A_105, %dma_wait3A_444] : memref<4x20000x64xf32, #tpu.memory_space<hbm>> -> memref<1x113x64xf32, #tpu.memory_space<hbm>>
      %dma_wait3A_446 = tpu.memref_squeeze %dma_wait3A_445 : memref<1x113x64xf32, #tpu.memory_space<hbm>> -> memref<113x64xf32, #tpu.memory_space<hbm>>
      %dma_wait3A_447 = arith.constant 0 : i32
      %dma_wait3A_448 = tpu.memref_slice %arg5[%run_scoped3A_107, %add3A_105, %dma_wait3A_447] : memref<4x20000x64xf32, #tpu.memory_space<hbm>> -> memref<1x113x64xf32, #tpu.memory_space<hbm>>
      %dma_wait3A_449 = tpu.memref_squeeze %dma_wait3A_448 : memref<1x113x64xf32, #tpu.memory_space<hbm>> -> memref<113x64xf32, #tpu.memory_space<hbm>>
      %dma_wait3A_450 = arith.constant 0 : i32
      %dma_wait3A_451 = arith.constant 0 : i32
      %dma_wait3A_452 = tpu.memref_slice %arg9[%run_scoped3A_106, %dma_wait3A_450, %dma_wait3A_451] : memref<5x128x64xf32, #tpu.memory_space<vmem>> -> memref<1x113x64xf32, #tpu.memory_space<vmem>>
      %dma_wait3A_453 = tpu.memref_squeeze %dma_wait3A_452 : memref<1x113x64xf32, #tpu.memory_space<vmem>> -> memref<113x64xf32, #tpu.memory_space<vmem>>
      tpu.wait_dma2 semaphore(%run_scoped3A_427 : memref<!tpu.dma_semaphore, #tpu.memory_space<semaphore_mem>>) src(%dma_wait3A_453 : memref<113x64xf32, #tpu.memory_space<vmem>>) dst(%dma_wait3A_449 : memref<113x64xf32, #tpu.memory_space<hbm>>)
      tpu.yield
    }) : () -> ()
    %barrier3A_108 = arith.constant 0 : index
    tpu.barrier barrier_id(%barrier3A_108)
    %mul3A_109 = arith.constant 80 : i32
    %mul3A_110 = arith.muli %arg1, %mul3A_109 : i32
    %run_scoped3A_111 = arith.constant 1 : i32
    "tpu.region"() ({
      %run_scoped3A_427 = tpu.sem_alloc : memref<!tpu.dma_semaphore, #tpu.memory_space<semaphore_mem>>
      %dma_start3A = arith.constant 0 : i32
      %dma_start3A_428 = tpu.memref_slice %arg3[%run_scoped3A_111, %arg0, %mul3A_110, %dma_start3A] : memref<4x2x1280x128xi32, #tpu.memory_space<hbm>> -> memref<1x1x80x128xi32, #tpu.memory_space<hbm>>
      %dma_start3A_429 = tpu.memref_squeeze %dma_start3A_428 : memref<1x1x80x128xi32, #tpu.memory_space<hbm>> -> memref<80x128xi32, #tpu.memory_space<hbm>>
      %dma_start3A_430 = arith.constant 0 : i32
      %dma_start3A_431 = tpu.memref_slice %arg3[%run_scoped3A_111, %arg0, %mul3A_110, %dma_start3A_430] : memref<4x2x1280x128xi32, #tpu.memory_space<hbm>> -> memref<1x1x80x128xi32, #tpu.memory_space<hbm>>
      %dma_start3A_432 = tpu.memref_squeeze %dma_start3A_431 : memref<1x1x80x128xi32, #tpu.memory_space<hbm>> -> memref<80x128xi32, #tpu.memory_space<hbm>>
      tpu.enqueue_dma source(%dma_start3A_432 : memref<80x128xi32, #tpu.memory_space<hbm>>) target(%arg7 : memref<80x128xi32, #tpu.memory_space<vmem>>) target_semaphore(%run_scoped3A_427 : memref<!tpu.dma_semaphore, #tpu.memory_space<semaphore_mem>>)
      %dma_wait3A = arith.constant 0 : i32
      %dma_wait3A_433 = tpu.memref_slice %arg3[%run_scoped3A_111, %arg0, %mul3A_110, %dma_wait3A] : memref<4x2x1280x128xi32, #tpu.memory_space<hbm>> -> memref<1x1x80x128xi32, #tpu.memory_space<hbm>>
      %dma_wait3A_434 = tpu.memref_squeeze %dma_wait3A_433 : memref<1x1x80x128xi32, #tpu.memory_space<hbm>> -> memref<80x128xi32, #tpu.memory_space<hbm>>
      %dma_wait3A_435 = arith.constant 0 : i32
      %dma_wait3A_436 = tpu.memref_slice %arg3[%run_scoped3A_111, %arg0, %mul3A_110, %dma_wait3A_435] : memref<4x2x1280x128xi32, #tpu.memory_space<hbm>> -> memref<1x1x80x128xi32, #tpu.memory_space<hbm>>
      %dma_wait3A_437 = tpu.memref_squeeze %dma_wait3A_436 : memref<1x1x80x128xi32, #tpu.memory_space<hbm>> -> memref<80x128xi32, #tpu.memory_space<hbm>>
      tpu.wait_dma2 semaphore(%run_scoped3A_427 : memref<!tpu.dma_semaphore, #tpu.memory_space<semaphore_mem>>) src(%dma_wait3A_437 : memref<80x128xi32, #tpu.memory_space<hbm>>) dst(%arg7 : memref<80x128xi32, #tpu.memory_space<vmem>>)
      tpu.yield
    }) : () -> ()
    %mul3A_112 = arith.constant 80 : i32
    %mul3A_113 = arith.muli %arg1, %mul3A_112 : i32
    %run_scoped3A_114 = arith.constant 1 : i32
    "tpu.region"() ({
      %run_scoped3A_427 = tpu.sem_alloc : memref<!tpu.dma_semaphore, #tpu.memory_space<semaphore_mem>>
      %dma_start3A = arith.constant 0 : i32
      %dma_start3A_428 = tpu.memref_slice %arg4[%run_scoped3A_114, %arg0, %mul3A_113, %dma_start3A] : memref<4x2x1280x128xi32, #tpu.memory_space<hbm>> -> memref<1x1x80x128xi32, #tpu.memory_space<hbm>>
      %dma_start3A_429 = tpu.memref_squeeze %dma_start3A_428 : memref<1x1x80x128xi32, #tpu.memory_space<hbm>> -> memref<80x128xi32, #tpu.memory_space<hbm>>
      %dma_start3A_430 = arith.constant 0 : i32
      %dma_start3A_431 = tpu.memref_slice %arg4[%run_scoped3A_114, %arg0, %mul3A_113, %dma_start3A_430] : memref<4x2x1280x128xi32, #tpu.memory_space<hbm>> -> memref<1x1x80x128xi32, #tpu.memory_space<hbm>>
      %dma_start3A_432 = tpu.memref_squeeze %dma_start3A_431 : memref<1x1x80x128xi32, #tpu.memory_space<hbm>> -> memref<80x128xi32, #tpu.memory_space<hbm>>
      tpu.enqueue_dma source(%dma_start3A_432 : memref<80x128xi32, #tpu.memory_space<hbm>>) target(%arg8 : memref<80x128xi32, #tpu.memory_space<vmem>>) target_semaphore(%run_scoped3A_427 : memref<!tpu.dma_semaphore, #tpu.memory_space<semaphore_mem>>)
      %dma_wait3A = arith.constant 0 : i32
      %dma_wait3A_433 = tpu.memref_slice %arg4[%run_scoped3A_114, %arg0, %mul3A_113, %dma_wait3A] : memref<4x2x1280x128xi32, #tpu.memory_space<hbm>> -> memref<1x1x80x128xi32, #tpu.memory_space<hbm>>
      %dma_wait3A_434 = tpu.memref_squeeze %dma_wait3A_433 : memref<1x1x80x128xi32, #tpu.memory_space<hbm>> -> memref<80x128xi32, #tpu.memory_space<hbm>>
      %dma_wait3A_435 = arith.constant 0 : i32
      %dma_wait3A_436 = tpu.memref_slice %arg4[%run_scoped3A_114, %arg0, %mul3A_113, %dma_wait3A_435] : memref<4x2x1280x128xi32, #tpu.memory_space<hbm>> -> memref<1x1x80x128xi32, #tpu.memory_space<hbm>>
      %dma_wait3A_437 = tpu.memref_squeeze %dma_wait3A_436 : memref<1x1x80x128xi32, #tpu.memory_space<hbm>> -> memref<80x128xi32, #tpu.memory_space<hbm>>
      tpu.wait_dma2 semaphore(%run_scoped3A_427 : memref<!tpu.dma_semaphore, #tpu.memory_space<semaphore_mem>>) src(%dma_wait3A_437 : memref<80x128xi32, #tpu.memory_space<hbm>>) dst(%arg8 : memref<80x128xi32, #tpu.memory_space<vmem>>)
      tpu.yield
    }) : () -> ()
    %mul3A_115 = arith.constant 632 : i32
    %mul3A_116 = arith.muli %arg1, %mul3A_115 : i32
    %add3A_117 = arith.constant 0 : i32
    %add3A_118 = arith.addi %mul3A_116, %add3A_117 : i32
    "tpu.region"() ({
      %run_scoped3A_427 = tpu.sem_alloc : memref<!tpu.dma_semaphore, #tpu.memory_space<semaphore_mem>>
      %dma_start3A = arith.constant 0 : i32
      %dma_start3A_428 = tpu.memref_slice %arg10[%add3A_118, %dma_start3A] : memref<10112x64xf32, #tpu.memory_space<vmem_shared>> -> memref<79x64xf32, #tpu.memory_space<vmem_shared>>
      %dma_start3A_429 = arith.constant 0 : i32
      %dma_start3A_430 = tpu.memref_slice %arg10[%add3A_118, %dma_start3A_429] : memref<10112x64xf32, #tpu.memory_space<vmem_shared>> -> memref<79x64xf32, #tpu.memory_space<vmem_shared>>
      tpu.enqueue_dma source(%arg6 : memref<79x64xf32, #tpu.memory_space<vmem>>) target(%dma_start3A_430 : memref<79x64xf32, #tpu.memory_space<vmem_shared>>) target_semaphore(%run_scoped3A_427 : memref<!tpu.dma_semaphore, #tpu.memory_space<semaphore_mem>>)
      %dma_wait3A = arith.constant 0 : i32
      %dma_wait3A_431 = tpu.memref_slice %arg10[%add3A_118, %dma_wait3A] : memref<10112x64xf32, #tpu.memory_space<vmem_shared>> -> memref<79x64xf32, #tpu.memory_space<vmem_shared>>
      %dma_wait3A_432 = arith.constant 0 : i32
      %dma_wait3A_433 = tpu.memref_slice %arg10[%add3A_118, %dma_wait3A_432] : memref<10112x64xf32, #tpu.memory_space<vmem_shared>> -> memref<79x64xf32, #tpu.memory_space<vmem_shared>>
      tpu.wait_dma2 semaphore(%run_scoped3A_427 : memref<!tpu.dma_semaphore, #tpu.memory_space<semaphore_mem>>) src(%arg6 : memref<79x64xf32, #tpu.memory_space<vmem>>) dst(%dma_wait3A_433 : memref<79x64xf32, #tpu.memory_space<vmem_shared>>)
      tpu.yield
    }) : () -> ()
    %mul3A_119 = arith.constant 632 : i32
    %mul3A_120 = arith.muli %arg1, %mul3A_119 : i32
    %add3A_121 = arith.constant 79 : i32
    %add3A_122 = arith.addi %mul3A_120, %add3A_121 : i32
    "tpu.region"() ({
      %run_scoped3A_427 = tpu.sem_alloc : memref<!tpu.dma_semaphore, #tpu.memory_space<semaphore_mem>>
      %dma_start3A = arith.constant 0 : i32
      %dma_start3A_428 = tpu.memref_slice %arg10[%add3A_122, %dma_start3A] : memref<10112x64xf32, #tpu.memory_space<vmem_shared>> -> memref<79x64xf32, #tpu.memory_space<vmem_shared>>
      %dma_start3A_429 = arith.constant 0 : i32
      %dma_start3A_430 = tpu.memref_slice %arg10[%add3A_122, %dma_start3A_429] : memref<10112x64xf32, #tpu.memory_space<vmem_shared>> -> memref<79x64xf32, #tpu.memory_space<vmem_shared>>
      tpu.enqueue_dma source(%arg6 : memref<79x64xf32, #tpu.memory_space<vmem>>) target(%dma_start3A_430 : memref<79x64xf32, #tpu.memory_space<vmem_shared>>) target_semaphore(%run_scoped3A_427 : memref<!tpu.dma_semaphore, #tpu.memory_space<semaphore_mem>>)
      %dma_wait3A = arith.constant 0 : i32
      %dma_wait3A_431 = tpu.memref_slice %arg10[%add3A_122, %dma_wait3A] : memref<10112x64xf32, #tpu.memory_space<vmem_shared>> -> memref<79x64xf32, #tpu.memory_space<vmem_shared>>
      %dma_wait3A_432 = arith.constant 0 : i32
      %dma_wait3A_433 = tpu.memref_slice %arg10[%add3A_122, %dma_wait3A_432] : memref<10112x64xf32, #tpu.memory_space<vmem_shared>> -> memref<79x64xf32, #tpu.memory_space<vmem_shared>>
      tpu.wait_dma2 semaphore(%run_scoped3A_427 : memref<!tpu.dma_semaphore, #tpu.memory_space<semaphore_mem>>) src(%arg6 : memref<79x64xf32, #tpu.memory_space<vmem>>) dst(%dma_wait3A_433 : memref<79x64xf32, #tpu.memory_space<vmem_shared>>)
      tpu.yield
    }) : () -> ()
    %mul3A_123 = arith.constant 632 : i32
    %mul3A_124 = arith.muli %arg1, %mul3A_123 : i32
    %add3A_125 = arith.constant 158 : i32
    %add3A_126 = arith.addi %mul3A_124, %add3A_125 : i32
    "tpu.region"() ({
      %run_scoped3A_427 = tpu.sem_alloc : memref<!tpu.dma_semaphore, #tpu.memory_space<semaphore_mem>>
      %dma_start3A = arith.constant 0 : i32
      %dma_start3A_428 = tpu.memref_slice %arg10[%add3A_126, %dma_start3A] : memref<10112x64xf32, #tpu.memory_space<vmem_shared>> -> memref<79x64xf32, #tpu.memory_space<vmem_shared>>
      %dma_start3A_429 = arith.constant 0 : i32
      %dma_start3A_430 = tpu.memref_slice %arg10[%add3A_126, %dma_start3A_429] : memref<10112x64xf32, #tpu.memory_space<vmem_shared>> -> memref<79x64xf32, #tpu.memory_space<vmem_shared>>
      tpu.enqueue_dma source(%arg6 : memref<79x64xf32, #tpu.memory_space<vmem>>) target(%dma_start3A_430 : memref<79x64xf32, #tpu.memory_space<vmem_shared>>) target_semaphore(%run_scoped3A_427 : memref<!tpu.dma_semaphore, #tpu.memory_space<semaphore_mem>>)
      %dma_wait3A = arith.constant 0 : i32
      %dma_wait3A_431 = tpu.memref_slice %arg10[%add3A_126, %dma_wait3A] : memref<10112x64xf32, #tpu.memory_space<vmem_shared>> -> memref<79x64xf32, #tpu.memory_space<vmem_shared>>
      %dma_wait3A_432 = arith.constant 0 : i32
      %dma_wait3A_433 = tpu.memref_slice %arg10[%add3A_126, %dma_wait3A_432] : memref<10112x64xf32, #tpu.memory_space<vmem_shared>> -> memref<79x64xf32, #tpu.memory_space<vmem_shared>>
      tpu.wait_dma2 semaphore(%run_scoped3A_427 : memref<!tpu.dma_semaphore, #tpu.memory_space<semaphore_mem>>) src(%arg6 : memref<79x64xf32, #tpu.memory_space<vmem>>) dst(%dma_wait3A_433 : memref<79x64xf32, #tpu.memory_space<vmem_shared>>)
      tpu.yield
    }) : () -> ()
    %mul3A_127 = arith.constant 632 : i32
    %mul3A_128 = arith.muli %arg1, %mul3A_127 : i32
    %add3A_129 = arith.constant 237 : i32
    %add3A_130 = arith.addi %mul3A_128, %add3A_129 : i32
    "tpu.region"() ({
      %run_scoped3A_427 = tpu.sem_alloc : memref<!tpu.dma_semaphore, #tpu.memory_space<semaphore_mem>>
      %dma_start3A = arith.constant 0 : i32
      %dma_start3A_428 = tpu.memref_slice %arg10[%add3A_130, %dma_start3A] : memref<10112x64xf32, #tpu.memory_space<vmem_shared>> -> memref<79x64xf32, #tpu.memory_space<vmem_shared>>
      %dma_start3A_429 = arith.constant 0 : i32
      %dma_start3A_430 = tpu.memref_slice %arg10[%add3A_130, %dma_start3A_429] : memref<10112x64xf32, #tpu.memory_space<vmem_shared>> -> memref<79x64xf32, #tpu.memory_space<vmem_shared>>
      tpu.enqueue_dma source(%arg6 : memref<79x64xf32, #tpu.memory_space<vmem>>) target(%dma_start3A_430 : memref<79x64xf32, #tpu.memory_space<vmem_shared>>) target_semaphore(%run_scoped3A_427 : memref<!tpu.dma_semaphore, #tpu.memory_space<semaphore_mem>>)
      %dma_wait3A = arith.constant 0 : i32
      %dma_wait3A_431 = tpu.memref_slice %arg10[%add3A_130, %dma_wait3A] : memref<10112x64xf32, #tpu.memory_space<vmem_shared>> -> memref<79x64xf32, #tpu.memory_space<vmem_shared>>
      %dma_wait3A_432 = arith.constant 0 : i32
      %dma_wait3A_433 = tpu.memref_slice %arg10[%add3A_130, %dma_wait3A_432] : memref<10112x64xf32, #tpu.memory_space<vmem_shared>> -> memref<79x64xf32, #tpu.memory_space<vmem_shared>>
      tpu.wait_dma2 semaphore(%run_scoped3A_427 : memref<!tpu.dma_semaphore, #tpu.memory_space<semaphore_mem>>) src(%arg6 : memref<79x64xf32, #tpu.memory_space<vmem>>) dst(%dma_wait3A_433 : memref<79x64xf32, #tpu.memory_space<vmem_shared>>)
      tpu.yield
    }) : () -> ()
    %mul3A_131 = arith.constant 632 : i32
    %mul3A_132 = arith.muli %arg1, %mul3A_131 : i32
    %add3A_133 = arith.constant 316 : i32
    %add3A_134 = arith.addi %mul3A_132, %add3A_133 : i32
    "tpu.region"() ({
      %run_scoped3A_427 = tpu.sem_alloc : memref<!tpu.dma_semaphore, #tpu.memory_space<semaphore_mem>>
      %dma_start3A = arith.constant 0 : i32
      %dma_start3A_428 = tpu.memref_slice %arg10[%add3A_134, %dma_start3A] : memref<10112x64xf32, #tpu.memory_space<vmem_shared>> -> memref<79x64xf32, #tpu.memory_space<vmem_shared>>
      %dma_start3A_429 = arith.constant 0 : i32
      %dma_start3A_430 = tpu.memref_slice %arg10[%add3A_134, %dma_start3A_429] : memref<10112x64xf32, #tpu.memory_space<vmem_shared>> -> memref<79x64xf32, #tpu.memory_space<vmem_shared>>
      tpu.enqueue_dma source(%arg6 : memref<79x64xf32, #tpu.memory_space<vmem>>) target(%dma_start3A_430 : memref<79x64xf32, #tpu.memory_space<vmem_shared>>) target_semaphore(%run_scoped3A_427 : memref<!tpu.dma_semaphore, #tpu.memory_space<semaphore_mem>>)
      %dma_wait3A = arith.constant 0 : i32
      %dma_wait3A_431 = tpu.memref_slice %arg10[%add3A_134, %dma_wait3A] : memref<10112x64xf32, #tpu.memory_space<vmem_shared>> -> memref<79x64xf32, #tpu.memory_space<vmem_shared>>
      %dma_wait3A_432 = arith.constant 0 : i32
      %dma_wait3A_433 = tpu.memref_slice %arg10[%add3A_134, %dma_wait3A_432] : memref<10112x64xf32, #tpu.memory_space<vmem_shared>> -> memref<79x64xf32, #tpu.memory_space<vmem_shared>>
      tpu.wait_dma2 semaphore(%run_scoped3A_427 : memref<!tpu.dma_semaphore, #tpu.memory_space<semaphore_mem>>) src(%arg6 : memref<79x64xf32, #tpu.memory_space<vmem>>) dst(%dma_wait3A_433 : memref<79x64xf32, #tpu.memory_space<vmem_shared>>)
      tpu.yield
    }) : () -> ()
    %mul3A_135 = arith.constant 632 : i32
    %mul3A_136 = arith.muli %arg1, %mul3A_135 : i32
    %add3A_137 = arith.constant 395 : i32
    %add3A_138 = arith.addi %mul3A_136, %add3A_137 : i32
    "tpu.region"() ({
      %run_scoped3A_427 = tpu.sem_alloc : memref<!tpu.dma_semaphore, #tpu.memory_space<semaphore_mem>>
      %dma_start3A = arith.constant 0 : i32
      %dma_start3A_428 = tpu.memref_slice %arg10[%add3A_138, %dma_start3A] : memref<10112x64xf32, #tpu.memory_space<vmem_shared>> -> memref<79x64xf32, #tpu.memory_space<vmem_shared>>
      %dma_start3A_429 = arith.constant 0 : i32
      %dma_start3A_430 = tpu.memref_slice %arg10[%add3A_138, %dma_start3A_429] : memref<10112x64xf32, #tpu.memory_space<vmem_shared>> -> memref<79x64xf32, #tpu.memory_space<vmem_shared>>
      tpu.enqueue_dma source(%arg6 : memref<79x64xf32, #tpu.memory_space<vmem>>) target(%dma_start3A_430 : memref<79x64xf32, #tpu.memory_space<vmem_shared>>) target_semaphore(%run_scoped3A_427 : memref<!tpu.dma_semaphore, #tpu.memory_space<semaphore_mem>>)
      %dma_wait3A = arith.constant 0 : i32
      %dma_wait3A_431 = tpu.memref_slice %arg10[%add3A_138, %dma_wait3A] : memref<10112x64xf32, #tpu.memory_space<vmem_shared>> -> memref<79x64xf32, #tpu.memory_space<vmem_shared>>
      %dma_wait3A_432 = arith.constant 0 : i32
      %dma_wait3A_433 = tpu.memref_slice %arg10[%add3A_138, %dma_wait3A_432] : memref<10112x64xf32, #tpu.memory_space<vmem_shared>> -> memref<79x64xf32, #tpu.memory_space<vmem_shared>>
      tpu.wait_dma2 semaphore(%run_scoped3A_427 : memref<!tpu.dma_semaphore, #tpu.memory_space<semaphore_mem>>) src(%arg6 : memref<79x64xf32, #tpu.memory_space<vmem>>) dst(%dma_wait3A_433 : memref<79x64xf32, #tpu.memory_space<vmem_shared>>)
      tpu.yield
    }) : () -> ()
    %mul3A_139 = arith.constant 632 : i32
    %mul3A_140 = arith.muli %arg1, %mul3A_139 : i32
    %add3A_141 = arith.constant 474 : i32
    %add3A_142 = arith.addi %mul3A_140, %add3A_141 : i32
    "tpu.region"() ({
      %run_scoped3A_427 = tpu.sem_alloc : memref<!tpu.dma_semaphore, #tpu.memory_space<semaphore_mem>>
      %dma_start3A = arith.constant 0 : i32
      %dma_start3A_428 = tpu.memref_slice %arg10[%add3A_142, %dma_start3A] : memref<10112x64xf32, #tpu.memory_space<vmem_shared>> -> memref<79x64xf32, #tpu.memory_space<vmem_shared>>
      %dma_start3A_429 = arith.constant 0 : i32
      %dma_start3A_430 = tpu.memref_slice %arg10[%add3A_142, %dma_start3A_429] : memref<10112x64xf32, #tpu.memory_space<vmem_shared>> -> memref<79x64xf32, #tpu.memory_space<vmem_shared>>
      tpu.enqueue_dma source(%arg6 : memref<79x64xf32, #tpu.memory_space<vmem>>) target(%dma_start3A_430 : memref<79x64xf32, #tpu.memory_space<vmem_shared>>) target_semaphore(%run_scoped3A_427 : memref<!tpu.dma_semaphore, #tpu.memory_space<semaphore_mem>>)
      %dma_wait3A = arith.constant 0 : i32
      %dma_wait3A_431 = tpu.memref_slice %arg10[%add3A_142, %dma_wait3A] : memref<10112x64xf32, #tpu.memory_space<vmem_shared>> -> memref<79x64xf32, #tpu.memory_space<vmem_shared>>
      %dma_wait3A_432 = arith.constant 0 : i32
      %dma_wait3A_433 = tpu.memref_slice %arg10[%add3A_142, %dma_wait3A_432] : memref<10112x64xf32, #tpu.memory_space<vmem_shared>> -> memref<79x64xf32, #tpu.memory_space<vmem_shared>>
      tpu.wait_dma2 semaphore(%run_scoped3A_427 : memref<!tpu.dma_semaphore, #tpu.memory_space<semaphore_mem>>) src(%arg6 : memref<79x64xf32, #tpu.memory_space<vmem>>) dst(%dma_wait3A_433 : memref<79x64xf32, #tpu.memory_space<vmem_shared>>)
      tpu.yield
    }) : () -> ()
    %mul3A_143 = arith.constant 632 : i32
    %mul3A_144 = arith.muli %arg1, %mul3A_143 : i32
    %add3A_145 = arith.constant 553 : i32
    %add3A_146 = arith.addi %mul3A_144, %add3A_145 : i32
    "tpu.region"() ({
      %run_scoped3A_427 = tpu.sem_alloc : memref<!tpu.dma_semaphore, #tpu.memory_space<semaphore_mem>>
      %dma_start3A = arith.constant 0 : i32
      %dma_start3A_428 = tpu.memref_slice %arg10[%add3A_146, %dma_start3A] : memref<10112x64xf32, #tpu.memory_space<vmem_shared>> -> memref<79x64xf32, #tpu.memory_space<vmem_shared>>
      %dma_start3A_429 = arith.constant 0 : i32
      %dma_start3A_430 = tpu.memref_slice %arg10[%add3A_146, %dma_start3A_429] : memref<10112x64xf32, #tpu.memory_space<vmem_shared>> -> memref<79x64xf32, #tpu.memory_space<vmem_shared>>
      tpu.enqueue_dma source(%arg6 : memref<79x64xf32, #tpu.memory_space<vmem>>) target(%dma_start3A_430 : memref<79x64xf32, #tpu.memory_space<vmem_shared>>) target_semaphore(%run_scoped3A_427 : memref<!tpu.dma_semaphore, #tpu.memory_space<semaphore_mem>>)
      %dma_wait3A = arith.constant 0 : i32
      %dma_wait3A_431 = tpu.memref_slice %arg10[%add3A_146, %dma_wait3A] : memref<10112x64xf32, #tpu.memory_space<vmem_shared>> -> memref<79x64xf32, #tpu.memory_space<vmem_shared>>
      %dma_wait3A_432 = arith.constant 0 : i32
      %dma_wait3A_433 = tpu.memref_slice %arg10[%add3A_146, %dma_wait3A_432] : memref<10112x64xf32, #tpu.memory_space<vmem_shared>> -> memref<79x64xf32, #tpu.memory_space<vmem_shared>>
      tpu.wait_dma2 semaphore(%run_scoped3A_427 : memref<!tpu.dma_semaphore, #tpu.memory_space<semaphore_mem>>) src(%arg6 : memref<79x64xf32, #tpu.memory_space<vmem>>) dst(%dma_wait3A_433 : memref<79x64xf32, #tpu.memory_space<vmem_shared>>)
      tpu.yield
    }) : () -> ()
    %barrier3A_147 = arith.constant 0 : index
    tpu.barrier barrier_id(%barrier3A_147)
    %scan3A_148 = arith.constant 0 : i32
    %scan3A_149 = arith.constant 16 : i32
    %scan3A_150 = arith.addi %scan3A_148, %scan3A_149 : i32
    %scan3A_151 = arith.constant 1 : i32
    scf.for %scan3A_427 = %scan3A_148 to %scan3A_150 step %scan3A_151  : i32 {
      %mul3A_428 = arith.constant 1 : i32
      %mul3A_429 = arith.muli %scan3A_427, %mul3A_428 : i32
      %add3A_430 = arith.constant 0 : i32
      %add3A_431 = arith.addi %add3A_430, %mul3A_429 : i32
      %mul3A_432 = arith.constant 5 : i32
      %mul3A_433 = arith.muli %add3A_431, %mul3A_432 : i32
      %add3A_434 = arith.constant 0 : i32
      %add3A_435 = arith.addi %mul3A_433, %add3A_434 : i32
      %dma_start3A = arith.constant 0 : i32
      %dma_start3A_436 = arith.constant 0 : i32
      %dma_start3A_437 = arith.constant 0 : i32
      %dma_start3A_438 = tpu.memref_slice %arg9[%dma_start3A, %dma_start3A_436, %dma_start3A_437] : memref<5x128x64xf32, #tpu.memory_space<vmem>> -> memref<1x128x64xf32, #tpu.memory_space<vmem>>
      %dma_start3A_439 = tpu.memref_squeeze %dma_start3A_438 : memref<1x128x64xf32, #tpu.memory_space<vmem>> -> memref<128x64xf32, #tpu.memory_space<vmem>>
      %dma_start3A_440 = arith.constant 0 : i32
      %dma_start3A_441 = tpu.memref_slice %arg7[%add3A_435, %dma_start3A_440] : memref<80x128xi32, #tpu.memory_space<vmem>> -> memref<1x128xi32, #tpu.memory_space<vmem>>
      %dma_start3A_442 = tpu.memref_squeeze %dma_start3A_441 : memref<1x128xi32, #tpu.memory_space<vmem>> -> memref<128xi32, #tpu.memory_space<vmem>>
      %dma_start3A_443 = arith.constant 0 : i32
      %dma_start3A_444 = arith.constant 0 : i32
      %dma_start3A_445 = tpu.memref_slice %arg2[%dma_start3A_443, %dma_start3A_444] : memref<80000x64xf32, #tpu.memory_space<hbm>> -> memref<80000x64xf32, #tpu.memory_space<hbm>>
      tpu.enqueue_indirect_dma source(%dma_start3A_445 : memref<80000x64xf32, #tpu.memory_space<hbm>>) target(%dma_start3A_439 : memref<128x64xf32, #tpu.memory_space<vmem>>) offsets(%dma_start3A_442 : memref<128xi32, #tpu.memory_space<vmem>>) semaphore(%arg11 : memref<!tpu.dma_semaphore, #tpu.memory_space<semaphore_mem>>)
      %mul3A_446 = arith.constant 5 : i32
      %mul3A_447 = arith.muli %add3A_431, %mul3A_446 : i32
      %add3A_448 = arith.constant 1 : i32
      %add3A_449 = arith.addi %mul3A_447, %add3A_448 : i32
      %dma_start3A_450 = arith.constant 1 : i32
      %dma_start3A_451 = arith.constant 0 : i32
      %dma_start3A_452 = arith.constant 0 : i32
      %dma_start3A_453 = tpu.memref_slice %arg9[%dma_start3A_450, %dma_start3A_451, %dma_start3A_452] : memref<5x128x64xf32, #tpu.memory_space<vmem>> -> memref<1x128x64xf32, #tpu.memory_space<vmem>>
      %dma_start3A_454 = tpu.memref_squeeze %dma_start3A_453 : memref<1x128x64xf32, #tpu.memory_space<vmem>> -> memref<128x64xf32, #tpu.memory_space<vmem>>
      %dma_start3A_455 = arith.constant 0 : i32
      %dma_start3A_456 = tpu.memref_slice %arg7[%add3A_449, %dma_start3A_455] : memref<80x128xi32, #tpu.memory_space<vmem>> -> memref<1x128xi32, #tpu.memory_space<vmem>>
      %dma_start3A_457 = tpu.memref_squeeze %dma_start3A_456 : memref<1x128xi32, #tpu.memory_space<vmem>> -> memref<128xi32, #tpu.memory_space<vmem>>
      %dma_start3A_458 = arith.constant 0 : i32
      %dma_start3A_459 = arith.constant 0 : i32
      %dma_start3A_460 = tpu.memref_slice %arg2[%dma_start3A_458, %dma_start3A_459] : memref<80000x64xf32, #tpu.memory_space<hbm>> -> memref<80000x64xf32, #tpu.memory_space<hbm>>
      tpu.enqueue_indirect_dma source(%dma_start3A_460 : memref<80000x64xf32, #tpu.memory_space<hbm>>) target(%dma_start3A_454 : memref<128x64xf32, #tpu.memory_space<vmem>>) offsets(%dma_start3A_457 : memref<128xi32, #tpu.memory_space<vmem>>) semaphore(%arg11 : memref<!tpu.dma_semaphore, #tpu.memory_space<semaphore_mem>>)
      %mul3A_461 = arith.constant 5 : i32
      %mul3A_462 = arith.muli %add3A_431, %mul3A_461 : i32
      %add3A_463 = arith.constant 2 : i32
      %add3A_464 = arith.addi %mul3A_462, %add3A_463 : i32
      %dma_start3A_465 = arith.constant 2 : i32
      %dma_start3A_466 = arith.constant 0 : i32
      %dma_start3A_467 = arith.constant 0 : i32
      %dma_start3A_468 = tpu.memref_slice %arg9[%dma_start3A_465, %dma_start3A_466, %dma_start3A_467] : memref<5x128x64xf32, #tpu.memory_space<vmem>> -> memref<1x128x64xf32, #tpu.memory_space<vmem>>
      %dma_start3A_469 = tpu.memref_squeeze %dma_start3A_468 : memref<1x128x64xf32, #tpu.memory_space<vmem>> -> memref<128x64xf32, #tpu.memory_space<vmem>>
      %dma_start3A_470 = arith.constant 0 : i32
      %dma_start3A_471 = tpu.memref_slice %arg7[%add3A_464, %dma_start3A_470] : memref<80x128xi32, #tpu.memory_space<vmem>> -> memref<1x128xi32, #tpu.memory_space<vmem>>
      %dma_start3A_472 = tpu.memref_squeeze %dma_start3A_471 : memref<1x128xi32, #tpu.memory_space<vmem>> -> memref<128xi32, #tpu.memory_space<vmem>>
      %dma_start3A_473 = arith.constant 0 : i32
      %dma_start3A_474 = arith.constant 0 : i32
      %dma_start3A_475 = tpu.memref_slice %arg2[%dma_start3A_473, %dma_start3A_474] : memref<80000x64xf32, #tpu.memory_space<hbm>> -> memref<80000x64xf32, #tpu.memory_space<hbm>>
      tpu.enqueue_indirect_dma source(%dma_start3A_475 : memref<80000x64xf32, #tpu.memory_space<hbm>>) target(%dma_start3A_469 : memref<128x64xf32, #tpu.memory_space<vmem>>) offsets(%dma_start3A_472 : memref<128xi32, #tpu.memory_space<vmem>>) semaphore(%arg11 : memref<!tpu.dma_semaphore, #tpu.memory_space<semaphore_mem>>)
      %mul3A_476 = arith.constant 5 : i32
      %mul3A_477 = arith.muli %add3A_431, %mul3A_476 : i32
      %add3A_478 = arith.constant 3 : i32
      %add3A_479 = arith.addi %mul3A_477, %add3A_478 : i32
      %dma_start3A_480 = arith.constant 3 : i32
      %dma_start3A_481 = arith.constant 0 : i32
      %dma_start3A_482 = arith.constant 0 : i32
      %dma_start3A_483 = tpu.memref_slice %arg9[%dma_start3A_480, %dma_start3A_481, %dma_start3A_482] : memref<5x128x64xf32, #tpu.memory_space<vmem>> -> memref<1x128x64xf32, #tpu.memory_space<vmem>>
      %dma_start3A_484 = tpu.memref_squeeze %dma_start3A_483 : memref<1x128x64xf32, #tpu.memory_space<vmem>> -> memref<128x64xf32, #tpu.memory_space<vmem>>
      %dma_start3A_485 = arith.constant 0 : i32
      %dma_start3A_486 = tpu.memref_slice %arg7[%add3A_479, %dma_start3A_485] : memref<80x128xi32, #tpu.memory_space<vmem>> -> memref<1x128xi32, #tpu.memory_space<vmem>>
      %dma_start3A_487 = tpu.memref_squeeze %dma_start3A_486 : memref<1x128xi32, #tpu.memory_space<vmem>> -> memref<128xi32, #tpu.memory_space<vmem>>
      %dma_start3A_488 = arith.constant 0 : i32
      %dma_start3A_489 = arith.constant 0 : i32
      %dma_start3A_490 = tpu.memref_slice %arg2[%dma_start3A_488, %dma_start3A_489] : memref<80000x64xf32, #tpu.memory_space<hbm>> -> memref<80000x64xf32, #tpu.memory_space<hbm>>
      tpu.enqueue_indirect_dma source(%dma_start3A_490 : memref<80000x64xf32, #tpu.memory_space<hbm>>) target(%dma_start3A_484 : memref<128x64xf32, #tpu.memory_space<vmem>>) offsets(%dma_start3A_487 : memref<128xi32, #tpu.memory_space<vmem>>) semaphore(%arg11 : memref<!tpu.dma_semaphore, #tpu.memory_space<semaphore_mem>>)
      %mul3A_491 = arith.constant 5 : i32
      %mul3A_492 = arith.muli %add3A_431, %mul3A_491 : i32
      %add3A_493 = arith.constant 4 : i32
      %add3A_494 = arith.addi %mul3A_492, %add3A_493 : i32
      %dma_start3A_495 = arith.constant 4 : i32
      %dma_start3A_496 = arith.constant 0 : i32
      %dma_start3A_497 = arith.constant 0 : i32
      %dma_start3A_498 = tpu.memref_slice %arg9[%dma_start3A_495, %dma_start3A_496, %dma_start3A_497] : memref<5x128x64xf32, #tpu.memory_space<vmem>> -> memref<1x128x64xf32, #tpu.memory_space<vmem>>
      %dma_start3A_499 = tpu.memref_squeeze %dma_start3A_498 : memref<1x128x64xf32, #tpu.memory_space<vmem>> -> memref<128x64xf32, #tpu.memory_space<vmem>>
      %dma_start3A_500 = arith.constant 0 : i32
      %dma_start3A_501 = tpu.memref_slice %arg7[%add3A_494, %dma_start3A_500] : memref<80x128xi32, #tpu.memory_space<vmem>> -> memref<1x128xi32, #tpu.memory_space<vmem>>
      %dma_start3A_502 = tpu.memref_squeeze %dma_start3A_501 : memref<1x128xi32, #tpu.memory_space<vmem>> -> memref<128xi32, #tpu.memory_space<vmem>>
      %dma_start3A_503 = arith.constant 0 : i32
      %dma_start3A_504 = arith.constant 0 : i32
      %dma_start3A_505 = tpu.memref_slice %arg2[%dma_start3A_503, %dma_start3A_504] : memref<80000x64xf32, #tpu.memory_space<hbm>> -> memref<80000x64xf32, #tpu.memory_space<hbm>>
      tpu.enqueue_indirect_dma source(%dma_start3A_505 : memref<80000x64xf32, #tpu.memory_space<hbm>>) target(%dma_start3A_499 : memref<128x64xf32, #tpu.memory_space<vmem>>) offsets(%dma_start3A_502 : memref<128xi32, #tpu.memory_space<vmem>>) semaphore(%arg11 : memref<!tpu.dma_semaphore, #tpu.memory_space<semaphore_mem>>)
      %dma_wait3A = arith.constant 0 : i32
      %dma_wait3A_506 = arith.constant 0 : i32
      %dma_wait3A_507 = arith.constant 0 : i32
      %dma_wait3A_508 = tpu.memref_slice %arg9[%dma_wait3A, %dma_wait3A_506, %dma_wait3A_507] : memref<5x128x64xf32, #tpu.memory_space<vmem>> -> memref<1x128x64xf32, #tpu.memory_space<vmem>>
      %dma_wait3A_509 = tpu.memref_squeeze %dma_wait3A_508 : memref<1x128x64xf32, #tpu.memory_space<vmem>> -> memref<128x64xf32, #tpu.memory_space<vmem>>
      %dma_wait3A_510 = arith.constant 0 : i32
      %dma_wait3A_511 = tpu.memref_slice %arg7[%add3A_435, %dma_wait3A_510] : memref<80x128xi32, #tpu.memory_space<vmem>> -> memref<1x128xi32, #tpu.memory_space<vmem>>
      %dma_wait3A_512 = tpu.memref_squeeze %dma_wait3A_511 : memref<1x128xi32, #tpu.memory_space<vmem>> -> memref<128xi32, #tpu.memory_space<vmem>>
      %dma_wait3A_513 = arith.constant 0 : i32
      %dma_wait3A_514 = arith.constant 0 : i32
      %dma_wait3A_515 = tpu.memref_slice %arg2[%dma_wait3A_513, %dma_wait3A_514] : memref<80000x64xf32, #tpu.memory_space<hbm>> -> memref<80000x64xf32, #tpu.memory_space<hbm>>
      tpu.wait_indirect_dma semaphore(%arg11 : memref<!tpu.dma_semaphore, #tpu.memory_space<semaphore_mem>>) src(%dma_wait3A_515 : memref<80000x64xf32, #tpu.memory_space<hbm>>) dst(%dma_wait3A_509 : memref<128x64xf32, #tpu.memory_space<vmem>>)
      %dma_wait3A_516 = arith.constant 1 : i32
      %dma_wait3A_517 = arith.constant 0 : i32
      %dma_wait3A_518 = arith.constant 0 : i32
      %dma_wait3A_519 = tpu.memref_slice %arg9[%dma_wait3A_516, %dma_wait3A_517, %dma_wait3A_518] : memref<5x128x64xf32, #tpu.memory_space<vmem>> -> memref<1x128x64xf32, #tpu.memory_space<vmem>>
      %dma_wait3A_520 = tpu.memref_squeeze %dma_wait3A_519 : memref<1x128x64xf32, #tpu.memory_space<vmem>> -> memref<128x64xf32, #tpu.memory_space<vmem>>
      %dma_wait3A_521 = arith.constant 0 : i32
      %dma_wait3A_522 = tpu.memref_slice %arg7[%add3A_449, %dma_wait3A_521] : memref<80x128xi32, #tpu.memory_space<vmem>> -> memref<1x128xi32, #tpu.memory_space<vmem>>
      %dma_wait3A_523 = tpu.memref_squeeze %dma_wait3A_522 : memref<1x128xi32, #tpu.memory_space<vmem>> -> memref<128xi32, #tpu.memory_space<vmem>>
      %dma_wait3A_524 = arith.constant 0 : i32
      %dma_wait3A_525 = arith.constant 0 : i32
      %dma_wait3A_526 = tpu.memref_slice %arg2[%dma_wait3A_524, %dma_wait3A_525] : memref<80000x64xf32, #tpu.memory_space<hbm>> -> memref<80000x64xf32, #tpu.memory_space<hbm>>
      tpu.wait_indirect_dma semaphore(%arg11 : memref<!tpu.dma_semaphore, #tpu.memory_space<semaphore_mem>>) src(%dma_wait3A_526 : memref<80000x64xf32, #tpu.memory_space<hbm>>) dst(%dma_wait3A_520 : memref<128x64xf32, #tpu.memory_space<vmem>>)
      %dma_wait3A_527 = arith.constant 2 : i32
      %dma_wait3A_528 = arith.constant 0 : i32
      %dma_wait3A_529 = arith.constant 0 : i32
      %dma_wait3A_530 = tpu.memref_slice %arg9[%dma_wait3A_527, %dma_wait3A_528, %dma_wait3A_529] : memref<5x128x64xf32, #tpu.memory_space<vmem>> -> memref<1x128x64xf32, #tpu.memory_space<vmem>>
      %dma_wait3A_531 = tpu.memref_squeeze %dma_wait3A_530 : memref<1x128x64xf32, #tpu.memory_space<vmem>> -> memref<128x64xf32, #tpu.memory_space<vmem>>
      %dma_wait3A_532 = arith.constant 0 : i32
      %dma_wait3A_533 = tpu.memref_slice %arg7[%add3A_464, %dma_wait3A_532] : memref<80x128xi32, #tpu.memory_space<vmem>> -> memref<1x128xi32, #tpu.memory_space<vmem>>
      %dma_wait3A_534 = tpu.memref_squeeze %dma_wait3A_533 : memref<1x128xi32, #tpu.memory_space<vmem>> -> memref<128xi32, #tpu.memory_space<vmem>>
      %dma_wait3A_535 = arith.constant 0 : i32
      %dma_wait3A_536 = arith.constant 0 : i32
      %dma_wait3A_537 = tpu.memref_slice %arg2[%dma_wait3A_535, %dma_wait3A_536] : memref<80000x64xf32, #tpu.memory_space<hbm>> -> memref<80000x64xf32, #tpu.memory_space<hbm>>
      tpu.wait_indirect_dma semaphore(%arg11 : memref<!tpu.dma_semaphore, #tpu.memory_space<semaphore_mem>>) src(%dma_wait3A_537 : memref<80000x64xf32, #tpu.memory_space<hbm>>) dst(%dma_wait3A_531 : memref<128x64xf32, #tpu.memory_space<vmem>>)
      %dma_wait3A_538 = arith.constant 3 : i32
      %dma_wait3A_539 = arith.constant 0 : i32
      %dma_wait3A_540 = arith.constant 0 : i32
      %dma_wait3A_541 = tpu.memref_slice %arg9[%dma_wait3A_538, %dma_wait3A_539, %dma_wait3A_540] : memref<5x128x64xf32, #tpu.memory_space<vmem>> -> memref<1x128x64xf32, #tpu.memory_space<vmem>>
      %dma_wait3A_542 = tpu.memref_squeeze %dma_wait3A_541 : memref<1x128x64xf32, #tpu.memory_space<vmem>> -> memref<128x64xf32, #tpu.memory_space<vmem>>
      %dma_wait3A_543 = arith.constant 0 : i32
      %dma_wait3A_544 = tpu.memref_slice %arg7[%add3A_479, %dma_wait3A_543] : memref<80x128xi32, #tpu.memory_space<vmem>> -> memref<1x128xi32, #tpu.memory_space<vmem>>
      %dma_wait3A_545 = tpu.memref_squeeze %dma_wait3A_544 : memref<1x128xi32, #tpu.memory_space<vmem>> -> memref<128xi32, #tpu.memory_space<vmem>>
      %dma_wait3A_546 = arith.constant 0 : i32
      %dma_wait3A_547 = arith.constant 0 : i32
      %dma_wait3A_548 = tpu.memref_slice %arg2[%dma_wait3A_546, %dma_wait3A_547] : memref<80000x64xf32, #tpu.memory_space<hbm>> -> memref<80000x64xf32, #tpu.memory_space<hbm>>
      tpu.wait_indirect_dma semaphore(%arg11 : memref<!tpu.dma_semaphore, #tpu.memory_space<semaphore_mem>>) src(%dma_wait3A_548 : memref<80000x64xf32, #tpu.memory_space<hbm>>) dst(%dma_wait3A_542 : memref<128x64xf32, #tpu.memory_space<vmem>>)
      %dma_wait3A_549 = arith.constant 4 : i32
      %dma_wait3A_550 = arith.constant 0 : i32
      %dma_wait3A_551 = arith.constant 0 : i32
      %dma_wait3A_552 = tpu.memref_slice %arg9[%dma_wait3A_549, %dma_wait3A_550, %dma_wait3A_551] : memref<5x128x64xf32, #tpu.memory_space<vmem>> -> memref<1x128x64xf32, #tpu.memory_space<vmem>>
      %dma_wait3A_553 = tpu.memref_squeeze %dma_wait3A_552 : memref<1x128x64xf32, #tpu.memory_space<vmem>> -> memref<128x64xf32, #tpu.memory_space<vmem>>
      %dma_wait3A_554 = arith.constant 0 : i32
      %dma_wait3A_555 = tpu.memref_slice %arg7[%add3A_494, %dma_wait3A_554] : memref<80x128xi32, #tpu.memory_space<vmem>> -> memref<1x128xi32, #tpu.memory_space<vmem>>
      %dma_wait3A_556 = tpu.memref_squeeze %dma_wait3A_555 : memref<1x128xi32, #tpu.memory_space<vmem>> -> memref<128xi32, #tpu.memory_space<vmem>>
      %dma_wait3A_557 = arith.constant 0 : i32
      %dma_wait3A_558 = arith.constant 0 : i32
      %dma_wait3A_559 = tpu.memref_slice %arg2[%dma_wait3A_557, %dma_wait3A_558] : memref<80000x64xf32, #tpu.memory_space<hbm>> -> memref<80000x64xf32, #tpu.memory_space<hbm>>
      tpu.wait_indirect_dma semaphore(%arg11 : memref<!tpu.dma_semaphore, #tpu.memory_space<semaphore_mem>>) src(%dma_wait3A_559 : memref<80000x64xf32, #tpu.memory_space<hbm>>) dst(%dma_wait3A_553 : memref<128x64xf32, #tpu.memory_space<vmem>>)
      %mul3A_560 = arith.constant 5 : i32
      %mul3A_561 = arith.muli %add3A_431, %mul3A_560 : i32
      %add3A_562 = arith.constant 0 : i32
      %add3A_563 = arith.addi %mul3A_561, %add3A_562 : i32
      %dma_start3A_564 = arith.constant 0 : i32
      %dma_start3A_565 = arith.constant 0 : i32
      %dma_start3A_566 = arith.constant 0 : i32
      %dma_start3A_567 = tpu.memref_slice %arg9[%dma_start3A_564, %dma_start3A_565, %dma_start3A_566] : memref<5x128x64xf32, #tpu.memory_space<vmem>> -> memref<1x128x64xf32, #tpu.memory_space<vmem>>
      %dma_start3A_568 = tpu.memref_squeeze %dma_start3A_567 : memref<1x128x64xf32, #tpu.memory_space<vmem>> -> memref<128x64xf32, #tpu.memory_space<vmem>>
      %dma_start3A_569 = arith.constant 0 : i32
      %dma_start3A_570 = tpu.memref_slice %arg8[%add3A_563, %dma_start3A_569] : memref<80x128xi32, #tpu.memory_space<vmem>> -> memref<1x128xi32, #tpu.memory_space<vmem>>
      %dma_start3A_571 = tpu.memref_squeeze %dma_start3A_570 : memref<1x128xi32, #tpu.memory_space<vmem>> -> memref<128xi32, #tpu.memory_space<vmem>>
      %dma_start3A_572 = arith.constant 0 : i32
      %dma_start3A_573 = arith.constant 0 : i32
      %dma_start3A_574 = tpu.memref_slice %arg10[%dma_start3A_572, %dma_start3A_573] : memref<10112x64xf32, #tpu.memory_space<vmem_shared>> -> memref<10112x64xf32, #tpu.memory_space<vmem_shared>>
      tpu.enqueue_indirect_dma source(%dma_start3A_568 : memref<128x64xf32, #tpu.memory_space<vmem>>) target(%dma_start3A_574 : memref<10112x64xf32, #tpu.memory_space<vmem_shared>>) offsets(%dma_start3A_571 : memref<128xi32, #tpu.memory_space<vmem>>) semaphore(%arg12 : memref<!tpu.dma_semaphore, #tpu.memory_space<semaphore_mem>>) {add = true}
      %mul3A_575 = arith.constant 5 : i32
      %mul3A_576 = arith.muli %add3A_431, %mul3A_575 : i32
      %add3A_577 = arith.constant 1 : i32
      %add3A_578 = arith.addi %mul3A_576, %add3A_577 : i32
      %dma_start3A_579 = arith.constant 1 : i32
      %dma_start3A_580 = arith.constant 0 : i32
      %dma_start3A_581 = arith.constant 0 : i32
      %dma_start3A_582 = tpu.memref_slice %arg9[%dma_start3A_579, %dma_start3A_580, %dma_start3A_581] : memref<5x128x64xf32, #tpu.memory_space<vmem>> -> memref<1x128x64xf32, #tpu.memory_space<vmem>>
      %dma_start3A_583 = tpu.memref_squeeze %dma_start3A_582 : memref<1x128x64xf32, #tpu.memory_space<vmem>> -> memref<128x64xf32, #tpu.memory_space<vmem>>
      %dma_start3A_584 = arith.constant 0 : i32
      %dma_start3A_585 = tpu.memref_slice %arg8[%add3A_578, %dma_start3A_584] : memref<80x128xi32, #tpu.memory_space<vmem>> -> memref<1x128xi32, #tpu.memory_space<vmem>>
      %dma_start3A_586 = tpu.memref_squeeze %dma_start3A_585 : memref<1x128xi32, #tpu.memory_space<vmem>> -> memref<128xi32, #tpu.memory_space<vmem>>
      %dma_start3A_587 = arith.constant 0 : i32
      %dma_start3A_588 = arith.constant 0 : i32
      %dma_start3A_589 = tpu.memref_slice %arg10[%dma_start3A_587, %dma_start3A_588] : memref<10112x64xf32, #tpu.memory_space<vmem_shared>> -> memref<10112x64xf32, #tpu.memory_space<vmem_shared>>
      tpu.enqueue_indirect_dma source(%dma_start3A_583 : memref<128x64xf32, #tpu.memory_space<vmem>>) target(%dma_start3A_589 : memref<10112x64xf32, #tpu.memory_space<vmem_shared>>) offsets(%dma_start3A_586 : memref<128xi32, #tpu.memory_space<vmem>>) semaphore(%arg12 : memref<!tpu.dma_semaphore, #tpu.memory_space<semaphore_mem>>) {add = true}
      %mul3A_590 = arith.constant 5 : i32
      %mul3A_591 = arith.muli %add3A_431, %mul3A_590 : i32
      %add3A_592 = arith.constant 2 : i32
      %add3A_593 = arith.addi %mul3A_591, %add3A_592 : i32
      %dma_start3A_594 = arith.constant 2 : i32
      %dma_start3A_595 = arith.constant 0 : i32
      %dma_start3A_596 = arith.constant 0 : i32
      %dma_start3A_597 = tpu.memref_slice %arg9[%dma_start3A_594, %dma_start3A_595, %dma_start3A_596] : memref<5x128x64xf32, #tpu.memory_space<vmem>> -> memref<1x128x64xf32, #tpu.memory_space<vmem>>
      %dma_start3A_598 = tpu.memref_squeeze %dma_start3A_597 : memref<1x128x64xf32, #tpu.memory_space<vmem>> -> memref<128x64xf32, #tpu.memory_space<vmem>>
      %dma_start3A_599 = arith.constant 0 : i32
      %dma_start3A_600 = tpu.memref_slice %arg8[%add3A_593, %dma_start3A_599] : memref<80x128xi32, #tpu.memory_space<vmem>> -> memref<1x128xi32, #tpu.memory_space<vmem>>
      %dma_start3A_601 = tpu.memref_squeeze %dma_start3A_600 : memref<1x128xi32, #tpu.memory_space<vmem>> -> memref<128xi32, #tpu.memory_space<vmem>>
      %dma_start3A_602 = arith.constant 0 : i32
      %dma_start3A_603 = arith.constant 0 : i32
      %dma_start3A_604 = tpu.memref_slice %arg10[%dma_start3A_602, %dma_start3A_603] : memref<10112x64xf32, #tpu.memory_space<vmem_shared>> -> memref<10112x64xf32, #tpu.memory_space<vmem_shared>>
      tpu.enqueue_indirect_dma source(%dma_start3A_598 : memref<128x64xf32, #tpu.memory_space<vmem>>) target(%dma_start3A_604 : memref<10112x64xf32, #tpu.memory_space<vmem_shared>>) offsets(%dma_start3A_601 : memref<128xi32, #tpu.memory_space<vmem>>) semaphore(%arg12 : memref<!tpu.dma_semaphore, #tpu.memory_space<semaphore_mem>>) {add = true}
      %mul3A_605 = arith.constant 5 : i32
      %mul3A_606 = arith.muli %add3A_431, %mul3A_605 : i32
      %add3A_607 = arith.constant 3 : i32
      %add3A_608 = arith.addi %mul3A_606, %add3A_607 : i32
      %dma_start3A_609 = arith.constant 3 : i32
      %dma_start3A_610 = arith.constant 0 : i32
      %dma_start3A_611 = arith.constant 0 : i32
      %dma_start3A_612 = tpu.memref_slice %arg9[%dma_start3A_609, %dma_start3A_610, %dma_start3A_611] : memref<5x128x64xf32, #tpu.memory_space<vmem>> -> memref<1x128x64xf32, #tpu.memory_space<vmem>>
      %dma_start3A_613 = tpu.memref_squeeze %dma_start3A_612 : memref<1x128x64xf32, #tpu.memory_space<vmem>> -> memref<128x64xf32, #tpu.memory_space<vmem>>
      %dma_start3A_614 = arith.constant 0 : i32
      %dma_start3A_615 = tpu.memref_slice %arg8[%add3A_608, %dma_start3A_614] : memref<80x128xi32, #tpu.memory_space<vmem>> -> memref<1x128xi32, #tpu.memory_space<vmem>>
      %dma_start3A_616 = tpu.memref_squeeze %dma_start3A_615 : memref<1x128xi32, #tpu.memory_space<vmem>> -> memref<128xi32, #tpu.memory_space<vmem>>
      %dma_start3A_617 = arith.constant 0 : i32
      %dma_start3A_618 = arith.constant 0 : i32
      %dma_start3A_619 = tpu.memref_slice %arg10[%dma_start3A_617, %dma_start3A_618] : memref<10112x64xf32, #tpu.memory_space<vmem_shared>> -> memref<10112x64xf32, #tpu.memory_space<vmem_shared>>
      tpu.enqueue_indirect_dma source(%dma_start3A_613 : memref<128x64xf32, #tpu.memory_space<vmem>>) target(%dma_start3A_619 : memref<10112x64xf32, #tpu.memory_space<vmem_shared>>) offsets(%dma_start3A_616 : memref<128xi32, #tpu.memory_space<vmem>>) semaphore(%arg12 : memref<!tpu.dma_semaphore, #tpu.memory_space<semaphore_mem>>) {add = true}
      %mul3A_620 = arith.constant 5 : i32
      %mul3A_621 = arith.muli %add3A_431, %mul3A_620 : i32
      %add3A_622 = arith.constant 4 : i32
      %add3A_623 = arith.addi %mul3A_621, %add3A_622 : i32
      %dma_start3A_624 = arith.constant 4 : i32
      %dma_start3A_625 = arith.constant 0 : i32
      %dma_start3A_626 = arith.constant 0 : i32
      %dma_start3A_627 = tpu.memref_slice %arg9[%dma_start3A_624, %dma_start3A_625, %dma_start3A_626] : memref<5x128x64xf32, #tpu.memory_space<vmem>> -> memref<1x128x64xf32, #tpu.memory_space<vmem>>
      %dma_start3A_628 = tpu.memref_squeeze %dma_start3A_627 : memref<1x128x64xf32, #tpu.memory_space<vmem>> -> memref<128x64xf32, #tpu.memory_space<vmem>>
      %dma_start3A_629 = arith.constant 0 : i32
      %dma_start3A_630 = tpu.memref_slice %arg8[%add3A_623, %dma_start3A_629] : memref<80x128xi32, #tpu.memory_space<vmem>> -> memref<1x128xi32, #tpu.memory_space<vmem>>
      %dma_start3A_631 = tpu.memref_squeeze %dma_start3A_630 : memref<1x128xi32, #tpu.memory_space<vmem>> -> memref<128xi32, #tpu.memory_space<vmem>>
      %dma_start3A_632 = arith.constant 0 : i32
      %dma_start3A_633 = arith.constant 0 : i32
      %dma_start3A_634 = tpu.memref_slice %arg10[%dma_start3A_632, %dma_start3A_633] : memref<10112x64xf32, #tpu.memory_space<vmem_shared>> -> memref<10112x64xf32, #tpu.memory_space<vmem_shared>>
      tpu.enqueue_indirect_dma source(%dma_start3A_628 : memref<128x64xf32, #tpu.memory_space<vmem>>) target(%dma_start3A_634 : memref<10112x64xf32, #tpu.memory_space<vmem_shared>>) offsets(%dma_start3A_631 : memref<128xi32, #tpu.memory_space<vmem>>) semaphore(%arg12 : memref<!tpu.dma_semaphore, #tpu.memory_space<semaphore_mem>>) {add = true}
      %dma_wait3A_635 = arith.constant 0 : i32
      %dma_wait3A_636 = arith.constant 0 : i32
      %dma_wait3A_637 = arith.constant 0 : i32
      %dma_wait3A_638 = tpu.memref_slice %arg9[%dma_wait3A_635, %dma_wait3A_636, %dma_wait3A_637] : memref<5x128x64xf32, #tpu.memory_space<vmem>> -> memref<1x128x64xf32, #tpu.memory_space<vmem>>
      %dma_wait3A_639 = tpu.memref_squeeze %dma_wait3A_638 : memref<1x128x64xf32, #tpu.memory_space<vmem>> -> memref<128x64xf32, #tpu.memory_space<vmem>>
      %dma_wait3A_640 = arith.constant 0 : i32
      %dma_wait3A_641 = tpu.memref_slice %arg8[%add3A_563, %dma_wait3A_640] : memref<80x128xi32, #tpu.memory_space<vmem>> -> memref<1x128xi32, #tpu.memory_space<vmem>>
      %dma_wait3A_642 = tpu.memref_squeeze %dma_wait3A_641 : memref<1x128xi32, #tpu.memory_space<vmem>> -> memref<128xi32, #tpu.memory_space<vmem>>
      %dma_wait3A_643 = arith.constant 0 : i32
      %dma_wait3A_644 = arith.constant 0 : i32
      %dma_wait3A_645 = tpu.memref_slice %arg10[%dma_wait3A_643, %dma_wait3A_644] : memref<10112x64xf32, #tpu.memory_space<vmem_shared>> -> memref<10112x64xf32, #tpu.memory_space<vmem_shared>>
      tpu.wait_indirect_dma semaphore(%arg12 : memref<!tpu.dma_semaphore, #tpu.memory_space<semaphore_mem>>) src(%dma_wait3A_639 : memref<128x64xf32, #tpu.memory_space<vmem>>) dst(%dma_wait3A_645 : memref<10112x64xf32, #tpu.memory_space<vmem_shared>>)
      %dma_wait3A_646 = arith.constant 1 : i32
      %dma_wait3A_647 = arith.constant 0 : i32
      %dma_wait3A_648 = arith.constant 0 : i32
      %dma_wait3A_649 = tpu.memref_slice %arg9[%dma_wait3A_646, %dma_wait3A_647, %dma_wait3A_648] : memref<5x128x64xf32, #tpu.memory_space<vmem>> -> memref<1x128x64xf32, #tpu.memory_space<vmem>>
      %dma_wait3A_650 = tpu.memref_squeeze %dma_wait3A_649 : memref<1x128x64xf32, #tpu.memory_space<vmem>> -> memref<128x64xf32, #tpu.memory_space<vmem>>
      %dma_wait3A_651 = arith.constant 0 : i32
      %dma_wait3A_652 = tpu.memref_slice %arg8[%add3A_578, %dma_wait3A_651] : memref<80x128xi32, #tpu.memory_space<vmem>> -> memref<1x128xi32, #tpu.memory_space<vmem>>
      %dma_wait3A_653 = tpu.memref_squeeze %dma_wait3A_652 : memref<1x128xi32, #tpu.memory_space<vmem>> -> memref<128xi32, #tpu.memory_space<vmem>>
      %dma_wait3A_654 = arith.constant 0 : i32
      %dma_wait3A_655 = arith.constant 0 : i32
      %dma_wait3A_656 = tpu.memref_slice %arg10[%dma_wait3A_654, %dma_wait3A_655] : memref<10112x64xf32, #tpu.memory_space<vmem_shared>> -> memref<10112x64xf32, #tpu.memory_space<vmem_shared>>
      tpu.wait_indirect_dma semaphore(%arg12 : memref<!tpu.dma_semaphore, #tpu.memory_space<semaphore_mem>>) src(%dma_wait3A_650 : memref<128x64xf32, #tpu.memory_space<vmem>>) dst(%dma_wait3A_656 : memref<10112x64xf32, #tpu.memory_space<vmem_shared>>)
      %dma_wait3A_657 = arith.constant 2 : i32
      %dma_wait3A_658 = arith.constant 0 : i32
      %dma_wait3A_659 = arith.constant 0 : i32
      %dma_wait3A_660 = tpu.memref_slice %arg9[%dma_wait3A_657, %dma_wait3A_658, %dma_wait3A_659] : memref<5x128x64xf32, #tpu.memory_space<vmem>> -> memref<1x128x64xf32, #tpu.memory_space<vmem>>
      %dma_wait3A_661 = tpu.memref_squeeze %dma_wait3A_660 : memref<1x128x64xf32, #tpu.memory_space<vmem>> -> memref<128x64xf32, #tpu.memory_space<vmem>>
      %dma_wait3A_662 = arith.constant 0 : i32
      %dma_wait3A_663 = tpu.memref_slice %arg8[%add3A_593, %dma_wait3A_662] : memref<80x128xi32, #tpu.memory_space<vmem>> -> memref<1x128xi32, #tpu.memory_space<vmem>>
      %dma_wait3A_664 = tpu.memref_squeeze %dma_wait3A_663 : memref<1x128xi32, #tpu.memory_space<vmem>> -> memref<128xi32, #tpu.memory_space<vmem>>
      %dma_wait3A_665 = arith.constant 0 : i32
      %dma_wait3A_666 = arith.constant 0 : i32
      %dma_wait3A_667 = tpu.memref_slice %arg10[%dma_wait3A_665, %dma_wait3A_666] : memref<10112x64xf32, #tpu.memory_space<vmem_shared>> -> memref<10112x64xf32, #tpu.memory_space<vmem_shared>>
      tpu.wait_indirect_dma semaphore(%arg12 : memref<!tpu.dma_semaphore, #tpu.memory_space<semaphore_mem>>) src(%dma_wait3A_661 : memref<128x64xf32, #tpu.memory_space<vmem>>) dst(%dma_wait3A_667 : memref<10112x64xf32, #tpu.memory_space<vmem_shared>>)
      %dma_wait3A_668 = arith.constant 3 : i32
      %dma_wait3A_669 = arith.constant 0 : i32
      %dma_wait3A_670 = arith.constant 0 : i32
      %dma_wait3A_671 = tpu.memref_slice %arg9[%dma_wait3A_668, %dma_wait3A_669, %dma_wait3A_670] : memref<5x128x64xf32, #tpu.memory_space<vmem>> -> memref<1x128x64xf32, #tpu.memory_space<vmem>>
      %dma_wait3A_672 = tpu.memref_squeeze %dma_wait3A_671 : memref<1x128x64xf32, #tpu.memory_space<vmem>> -> memref<128x64xf32, #tpu.memory_space<vmem>>
      %dma_wait3A_673 = arith.constant 0 : i32
      %dma_wait3A_674 = tpu.memref_slice %arg8[%add3A_608, %dma_wait3A_673] : memref<80x128xi32, #tpu.memory_space<vmem>> -> memref<1x128xi32, #tpu.memory_space<vmem>>
      %dma_wait3A_675 = tpu.memref_squeeze %dma_wait3A_674 : memref<1x128xi32, #tpu.memory_space<vmem>> -> memref<128xi32, #tpu.memory_space<vmem>>
      %dma_wait3A_676 = arith.constant 0 : i32
      %dma_wait3A_677 = arith.constant 0 : i32
      %dma_wait3A_678 = tpu.memref_slice %arg10[%dma_wait3A_676, %dma_wait3A_677] : memref<10112x64xf32, #tpu.memory_space<vmem_shared>> -> memref<10112x64xf32, #tpu.memory_space<vmem_shared>>
      tpu.wait_indirect_dma semaphore(%arg12 : memref<!tpu.dma_semaphore, #tpu.memory_space<semaphore_mem>>) src(%dma_wait3A_672 : memref<128x64xf32, #tpu.memory_space<vmem>>) dst(%dma_wait3A_678 : memref<10112x64xf32, #tpu.memory_space<vmem_shared>>)
      %dma_wait3A_679 = arith.constant 4 : i32
      %dma_wait3A_680 = arith.constant 0 : i32
      %dma_wait3A_681 = arith.constant 0 : i32
      %dma_wait3A_682 = tpu.memref_slice %arg9[%dma_wait3A_679, %dma_wait3A_680, %dma_wait3A_681] : memref<5x128x64xf32, #tpu.memory_space<vmem>> -> memref<1x128x64xf32, #tpu.memory_space<vmem>>
      %dma_wait3A_683 = tpu.memref_squeeze %dma_wait3A_682 : memref<1x128x64xf32, #tpu.memory_space<vmem>> -> memref<128x64xf32, #tpu.memory_space<vmem>>
      %dma_wait3A_684 = arith.constant 0 : i32
      %dma_wait3A_685 = tpu.memref_slice %arg8[%add3A_623, %dma_wait3A_684] : memref<80x128xi32, #tpu.memory_space<vmem>> -> memref<1x128xi32, #tpu.memory_space<vmem>>
      %dma_wait3A_686 = tpu.memref_squeeze %dma_wait3A_685 : memref<1x128xi32, #tpu.memory_space<vmem>> -> memref<128xi32, #tpu.memory_space<vmem>>
      %dma_wait3A_687 = arith.constant 0 : i32
      %dma_wait3A_688 = arith.constant 0 : i32
      %dma_wait3A_689 = tpu.memref_slice %arg10[%dma_wait3A_687, %dma_wait3A_688] : memref<10112x64xf32, #tpu.memory_space<vmem_shared>> -> memref<10112x64xf32, #tpu.memory_space<vmem_shared>>
      tpu.wait_indirect_dma semaphore(%arg12 : memref<!tpu.dma_semaphore, #tpu.memory_space<semaphore_mem>>) src(%dma_wait3A_683 : memref<128x64xf32, #tpu.memory_space<vmem>>) dst(%dma_wait3A_689 : memref<10112x64xf32, #tpu.memory_space<vmem_shared>>)
    }
    %scan3A_152 = arith.constant 16 : i32
    %barrier3A_153 = arith.constant 0 : index
    tpu.barrier barrier_id(%barrier3A_153)
    %mul3A_154 = arith.constant 625 : i32
    %mul3A_155 = arith.muli %arg1, %mul3A_154 : i32
    %add3A_156 = arith.constant 0 : i32
    %add3A_157 = arith.addi %mul3A_155, %add3A_156 : i32
    %run_scoped3A_158 = arith.constant 0 : i32
    "tpu.region"() ({
      %run_scoped3A_427 = tpu.sem_alloc : memref<!tpu.dma_semaphore, #tpu.memory_space<semaphore_mem>>
      %dma_start3A = arith.constant 0 : i32
      %dma_start3A_428 = arith.constant 0 : i32
      %dma_start3A_429 = tpu.memref_slice %arg9[%run_scoped3A_158, %dma_start3A, %dma_start3A_428] : memref<5x128x64xf32, #tpu.memory_space<vmem>> -> memref<1x128x64xf32, #tpu.memory_space<vmem>>
      %dma_start3A_430 = tpu.memref_squeeze %dma_start3A_429 : memref<1x128x64xf32, #tpu.memory_space<vmem>> -> memref<128x64xf32, #tpu.memory_space<vmem>>
      %dma_start3A_431 = arith.constant 0 : i32
      %dma_start3A_432 = tpu.memref_slice %arg10[%add3A_157, %dma_start3A_431] : memref<10112x64xf32, #tpu.memory_space<vmem_shared>> -> memref<128x64xf32, #tpu.memory_space<vmem_shared>>
      %dma_start3A_433 = arith.constant 0 : i32
      %dma_start3A_434 = arith.constant 0 : i32
      %dma_start3A_435 = tpu.memref_slice %arg9[%run_scoped3A_158, %dma_start3A_433, %dma_start3A_434] : memref<5x128x64xf32, #tpu.memory_space<vmem>> -> memref<1x128x64xf32, #tpu.memory_space<vmem>>
      %dma_start3A_436 = tpu.memref_squeeze %dma_start3A_435 : memref<1x128x64xf32, #tpu.memory_space<vmem>> -> memref<128x64xf32, #tpu.memory_space<vmem>>
      %dma_start3A_437 = arith.constant 0 : i32
      %dma_start3A_438 = tpu.memref_slice %arg10[%add3A_157, %dma_start3A_437] : memref<10112x64xf32, #tpu.memory_space<vmem_shared>> -> memref<128x64xf32, #tpu.memory_space<vmem_shared>>
      tpu.enqueue_dma source(%dma_start3A_438 : memref<128x64xf32, #tpu.memory_space<vmem_shared>>) target(%dma_start3A_436 : memref<128x64xf32, #tpu.memory_space<vmem>>) target_semaphore(%run_scoped3A_427 : memref<!tpu.dma_semaphore, #tpu.memory_space<semaphore_mem>>)
      %dma_wait3A = arith.constant 0 : i32
      %dma_wait3A_439 = arith.constant 0 : i32
      %dma_wait3A_440 = tpu.memref_slice %arg9[%run_scoped3A_158, %dma_wait3A, %dma_wait3A_439] : memref<5x128x64xf32, #tpu.memory_space<vmem>> -> memref<1x128x64xf32, #tpu.memory_space<vmem>>
      %dma_wait3A_441 = tpu.memref_squeeze %dma_wait3A_440 : memref<1x128x64xf32, #tpu.memory_space<vmem>> -> memref<128x64xf32, #tpu.memory_space<vmem>>
      %dma_wait3A_442 = arith.constant 0 : i32
      %dma_wait3A_443 = tpu.memref_slice %arg10[%add3A_157, %dma_wait3A_442] : memref<10112x64xf32, #tpu.memory_space<vmem_shared>> -> memref<128x64xf32, #tpu.memory_space<vmem_shared>>
      %dma_wait3A_444 = arith.constant 0 : i32
      %dma_wait3A_445 = arith.constant 0 : i32
      %dma_wait3A_446 = tpu.memref_slice %arg9[%run_scoped3A_158, %dma_wait3A_444, %dma_wait3A_445] : memref<5x128x64xf32, #tpu.memory_space<vmem>> -> memref<1x128x64xf32, #tpu.memory_space<vmem>>
      %dma_wait3A_447 = tpu.memref_squeeze %dma_wait3A_446 : memref<1x128x64xf32, #tpu.memory_space<vmem>> -> memref<128x64xf32, #tpu.memory_space<vmem>>
      %dma_wait3A_448 = arith.constant 0 : i32
      %dma_wait3A_449 = tpu.memref_slice %arg10[%add3A_157, %dma_wait3A_448] : memref<10112x64xf32, #tpu.memory_space<vmem_shared>> -> memref<128x64xf32, #tpu.memory_space<vmem_shared>>
      tpu.wait_dma2 semaphore(%run_scoped3A_427 : memref<!tpu.dma_semaphore, #tpu.memory_space<semaphore_mem>>) src(%dma_wait3A_449 : memref<128x64xf32, #tpu.memory_space<vmem_shared>>) dst(%dma_wait3A_447 : memref<128x64xf32, #tpu.memory_space<vmem>>)
      tpu.yield
    }) : () -> ()
    %mul3A_159 = arith.constant 625 : i32
    %mul3A_160 = arith.muli %arg1, %mul3A_159 : i32
    %add3A_161 = arith.addi %mul3A_1, %mul3A_160 : i32
    %add3A_162 = arith.constant 0 : i32
    %add3A_163 = arith.addi %add3A_161, %add3A_162 : i32
    %run_scoped3A_164 = arith.constant 0 : i32
    %run_scoped3A_165 = arith.constant 1 : i32
    "tpu.region"() ({
      %run_scoped3A_427 = tpu.sem_alloc : memref<!tpu.dma_semaphore, #tpu.memory_space<semaphore_mem>>
      %dma_start3A = arith.constant 0 : i32
      %dma_start3A_428 = arith.constant 0 : i32
      %dma_start3A_429 = tpu.memref_slice %arg9[%run_scoped3A_164, %dma_start3A, %dma_start3A_428] : memref<5x128x64xf32, #tpu.memory_space<vmem>> -> memref<1x128x64xf32, #tpu.memory_space<vmem>>
      %dma_start3A_430 = tpu.memref_squeeze %dma_start3A_429 : memref<1x128x64xf32, #tpu.memory_space<vmem>> -> memref<128x64xf32, #tpu.memory_space<vmem>>
      %dma_start3A_431 = arith.constant 0 : i32
      %dma_start3A_432 = tpu.memref_slice %arg5[%run_scoped3A_165, %add3A_163, %dma_start3A_431] : memref<4x20000x64xf32, #tpu.memory_space<hbm>> -> memref<1x128x64xf32, #tpu.memory_space<hbm>>
      %dma_start3A_433 = tpu.memref_squeeze %dma_start3A_432 : memref<1x128x64xf32, #tpu.memory_space<hbm>> -> memref<128x64xf32, #tpu.memory_space<hbm>>
      %dma_start3A_434 = arith.constant 0 : i32
      %dma_start3A_435 = tpu.memref_slice %arg5[%run_scoped3A_165, %add3A_163, %dma_start3A_434] : memref<4x20000x64xf32, #tpu.memory_space<hbm>> -> memref<1x128x64xf32, #tpu.memory_space<hbm>>
      %dma_start3A_436 = tpu.memref_squeeze %dma_start3A_435 : memref<1x128x64xf32, #tpu.memory_space<hbm>> -> memref<128x64xf32, #tpu.memory_space<hbm>>
      %dma_start3A_437 = arith.constant 0 : i32
      %dma_start3A_438 = arith.constant 0 : i32
      %dma_start3A_439 = tpu.memref_slice %arg9[%run_scoped3A_164, %dma_start3A_437, %dma_start3A_438] : memref<5x128x64xf32, #tpu.memory_space<vmem>> -> memref<1x128x64xf32, #tpu.memory_space<vmem>>
      %dma_start3A_440 = tpu.memref_squeeze %dma_start3A_439 : memref<1x128x64xf32, #tpu.memory_space<vmem>> -> memref<128x64xf32, #tpu.memory_space<vmem>>
      tpu.enqueue_dma source(%dma_start3A_440 : memref<128x64xf32, #tpu.memory_space<vmem>>) target(%dma_start3A_436 : memref<128x64xf32, #tpu.memory_space<hbm>>) target_semaphore(%run_scoped3A_427 : memref<!tpu.dma_semaphore, #tpu.memory_space<semaphore_mem>>)
      %dma_wait3A = arith.constant 0 : i32
      %dma_wait3A_441 = arith.constant 0 : i32
      %dma_wait3A_442 = tpu.memref_slice %arg9[%run_scoped3A_164, %dma_wait3A, %dma_wait3A_441] : memref<5x128x64xf32, #tpu.memory_space<vmem>> -> memref<1x128x64xf32, #tpu.memory_space<vmem>>
      %dma_wait3A_443 = tpu.memref_squeeze %dma_wait3A_442 : memref<1x128x64xf32, #tpu.memory_space<vmem>> -> memref<128x64xf32, #tpu.memory_space<vmem>>
      %dma_wait3A_444 = arith.constant 0 : i32
      %dma_wait3A_445 = tpu.memref_slice %arg5[%run_scoped3A_165, %add3A_163, %dma_wait3A_444] : memref<4x20000x64xf32, #tpu.memory_space<hbm>> -> memref<1x128x64xf32, #tpu.memory_space<hbm>>
      %dma_wait3A_446 = tpu.memref_squeeze %dma_wait3A_445 : memref<1x128x64xf32, #tpu.memory_space<hbm>> -> memref<128x64xf32, #tpu.memory_space<hbm>>
      %dma_wait3A_447 = arith.constant 0 : i32
      %dma_wait3A_448 = tpu.memref_slice %arg5[%run_scoped3A_165, %add3A_163, %dma_wait3A_447] : memref<4x20000x64xf32, #tpu.memory_space<hbm>> -> memref<1x128x64xf32, #tpu.memory_space<hbm>>
      %dma_wait3A_449 = tpu.memref_squeeze %dma_wait3A_448 : memref<1x128x64xf32, #tpu.memory_space<hbm>> -> memref<128x64xf32, #tpu.memory_space<hbm>>
      %dma_wait3A_450 = arith.constant 0 : i32
      %dma_wait3A_451 = arith.constant 0 : i32
      %dma_wait3A_452 = tpu.memref_slice %arg9[%run_scoped3A_164, %dma_wait3A_450, %dma_wait3A_451] : memref<5x128x64xf32, #tpu.memory_space<vmem>> -> memref<1x128x64xf32, #tpu.memory_space<vmem>>
      %dma_wait3A_453 = tpu.memref_squeeze %dma_wait3A_452 : memref<1x128x64xf32, #tpu.memory_space<vmem>> -> memref<128x64xf32, #tpu.memory_space<vmem>>
      tpu.wait_dma2 semaphore(%run_scoped3A_427 : memref<!tpu.dma_semaphore, #tpu.memory_space<semaphore_mem>>) src(%dma_wait3A_453 : memref<128x64xf32, #tpu.memory_space<vmem>>) dst(%dma_wait3A_449 : memref<128x64xf32, #tpu.memory_space<hbm>>)
      tpu.yield
    }) : () -> ()
    %mul3A_166 = arith.constant 625 : i32
    %mul3A_167 = arith.muli %arg1, %mul3A_166 : i32
    %add3A_168 = arith.constant 128 : i32
    %add3A_169 = arith.addi %mul3A_167, %add3A_168 : i32
    %run_scoped3A_170 = arith.constant 0 : i32
    "tpu.region"() ({
      %run_scoped3A_427 = tpu.sem_alloc : memref<!tpu.dma_semaphore, #tpu.memory_space<semaphore_mem>>
      %dma_start3A = arith.constant 0 : i32
      %dma_start3A_428 = arith.constant 0 : i32
      %dma_start3A_429 = tpu.memref_slice %arg9[%run_scoped3A_170, %dma_start3A, %dma_start3A_428] : memref<5x128x64xf32, #tpu.memory_space<vmem>> -> memref<1x128x64xf32, #tpu.memory_space<vmem>>
      %dma_start3A_430 = tpu.memref_squeeze %dma_start3A_429 : memref<1x128x64xf32, #tpu.memory_space<vmem>> -> memref<128x64xf32, #tpu.memory_space<vmem>>
      %dma_start3A_431 = arith.constant 0 : i32
      %dma_start3A_432 = tpu.memref_slice %arg10[%add3A_169, %dma_start3A_431] : memref<10112x64xf32, #tpu.memory_space<vmem_shared>> -> memref<128x64xf32, #tpu.memory_space<vmem_shared>>
      %dma_start3A_433 = arith.constant 0 : i32
      %dma_start3A_434 = arith.constant 0 : i32
      %dma_start3A_435 = tpu.memref_slice %arg9[%run_scoped3A_170, %dma_start3A_433, %dma_start3A_434] : memref<5x128x64xf32, #tpu.memory_space<vmem>> -> memref<1x128x64xf32, #tpu.memory_space<vmem>>
      %dma_start3A_436 = tpu.memref_squeeze %dma_start3A_435 : memref<1x128x64xf32, #tpu.memory_space<vmem>> -> memref<128x64xf32, #tpu.memory_space<vmem>>
      %dma_start3A_437 = arith.constant 0 : i32
      %dma_start3A_438 = tpu.memref_slice %arg10[%add3A_169, %dma_start3A_437] : memref<10112x64xf32, #tpu.memory_space<vmem_shared>> -> memref<128x64xf32, #tpu.memory_space<vmem_shared>>
      tpu.enqueue_dma source(%dma_start3A_438 : memref<128x64xf32, #tpu.memory_space<vmem_shared>>) target(%dma_start3A_436 : memref<128x64xf32, #tpu.memory_space<vmem>>) target_semaphore(%run_scoped3A_427 : memref<!tpu.dma_semaphore, #tpu.memory_space<semaphore_mem>>)
      %dma_wait3A = arith.constant 0 : i32
      %dma_wait3A_439 = arith.constant 0 : i32
      %dma_wait3A_440 = tpu.memref_slice %arg9[%run_scoped3A_170, %dma_wait3A, %dma_wait3A_439] : memref<5x128x64xf32, #tpu.memory_space<vmem>> -> memref<1x128x64xf32, #tpu.memory_space<vmem>>
      %dma_wait3A_441 = tpu.memref_squeeze %dma_wait3A_440 : memref<1x128x64xf32, #tpu.memory_space<vmem>> -> memref<128x64xf32, #tpu.memory_space<vmem>>
      %dma_wait3A_442 = arith.constant 0 : i32
      %dma_wait3A_443 = tpu.memref_slice %arg10[%add3A_169, %dma_wait3A_442] : memref<10112x64xf32, #tpu.memory_space<vmem_shared>> -> memref<128x64xf32, #tpu.memory_space<vmem_shared>>
      %dma_wait3A_444 = arith.constant 0 : i32
      %dma_wait3A_445 = arith.constant 0 : i32
      %dma_wait3A_446 = tpu.memref_slice %arg9[%run_scoped3A_170, %dma_wait3A_444, %dma_wait3A_445] : memref<5x128x64xf32, #tpu.memory_space<vmem>> -> memref<1x128x64xf32, #tpu.memory_space<vmem>>
      %dma_wait3A_447 = tpu.memref_squeeze %dma_wait3A_446 : memref<1x128x64xf32, #tpu.memory_space<vmem>> -> memref<128x64xf32, #tpu.memory_space<vmem>>
      %dma_wait3A_448 = arith.constant 0 : i32
      %dma_wait3A_449 = tpu.memref_slice %arg10[%add3A_169, %dma_wait3A_448] : memref<10112x64xf32, #tpu.memory_space<vmem_shared>> -> memref<128x64xf32, #tpu.memory_space<vmem_shared>>
      tpu.wait_dma2 semaphore(%run_scoped3A_427 : memref<!tpu.dma_semaphore, #tpu.memory_space<semaphore_mem>>) src(%dma_wait3A_449 : memref<128x64xf32, #tpu.memory_space<vmem_shared>>) dst(%dma_wait3A_447 : memref<128x64xf32, #tpu.memory_space<vmem>>)
      tpu.yield
    }) : () -> ()
    %mul3A_171 = arith.constant 625 : i32
    %mul3A_172 = arith.muli %arg1, %mul3A_171 : i32
    %add3A_173 = arith.addi %mul3A_1, %mul3A_172 : i32
    %add3A_174 = arith.constant 128 : i32
    %add3A_175 = arith.addi %add3A_173, %add3A_174 : i32
    %run_scoped3A_176 = arith.constant 0 : i32
    %run_scoped3A_177 = arith.constant 1 : i32
    "tpu.region"() ({
      %run_scoped3A_427 = tpu.sem_alloc : memref<!tpu.dma_semaphore, #tpu.memory_space<semaphore_mem>>
      %dma_start3A = arith.constant 0 : i32
      %dma_start3A_428 = arith.constant 0 : i32
      %dma_start3A_429 = tpu.memref_slice %arg9[%run_scoped3A_176, %dma_start3A, %dma_start3A_428] : memref<5x128x64xf32, #tpu.memory_space<vmem>> -> memref<1x128x64xf32, #tpu.memory_space<vmem>>
      %dma_start3A_430 = tpu.memref_squeeze %dma_start3A_429 : memref<1x128x64xf32, #tpu.memory_space<vmem>> -> memref<128x64xf32, #tpu.memory_space<vmem>>
      %dma_start3A_431 = arith.constant 0 : i32
      %dma_start3A_432 = tpu.memref_slice %arg5[%run_scoped3A_177, %add3A_175, %dma_start3A_431] : memref<4x20000x64xf32, #tpu.memory_space<hbm>> -> memref<1x128x64xf32, #tpu.memory_space<hbm>>
      %dma_start3A_433 = tpu.memref_squeeze %dma_start3A_432 : memref<1x128x64xf32, #tpu.memory_space<hbm>> -> memref<128x64xf32, #tpu.memory_space<hbm>>
      %dma_start3A_434 = arith.constant 0 : i32
      %dma_start3A_435 = tpu.memref_slice %arg5[%run_scoped3A_177, %add3A_175, %dma_start3A_434] : memref<4x20000x64xf32, #tpu.memory_space<hbm>> -> memref<1x128x64xf32, #tpu.memory_space<hbm>>
      %dma_start3A_436 = tpu.memref_squeeze %dma_start3A_435 : memref<1x128x64xf32, #tpu.memory_space<hbm>> -> memref<128x64xf32, #tpu.memory_space<hbm>>
      %dma_start3A_437 = arith.constant 0 : i32
      %dma_start3A_438 = arith.constant 0 : i32
      %dma_start3A_439 = tpu.memref_slice %arg9[%run_scoped3A_176, %dma_start3A_437, %dma_start3A_438] : memref<5x128x64xf32, #tpu.memory_space<vmem>> -> memref<1x128x64xf32, #tpu.memory_space<vmem>>
      %dma_start3A_440 = tpu.memref_squeeze %dma_start3A_439 : memref<1x128x64xf32, #tpu.memory_space<vmem>> -> memref<128x64xf32, #tpu.memory_space<vmem>>
      tpu.enqueue_dma source(%dma_start3A_440 : memref<128x64xf32, #tpu.memory_space<vmem>>) target(%dma_start3A_436 : memref<128x64xf32, #tpu.memory_space<hbm>>) target_semaphore(%run_scoped3A_427 : memref<!tpu.dma_semaphore, #tpu.memory_space<semaphore_mem>>)
      %dma_wait3A = arith.constant 0 : i32
      %dma_wait3A_441 = arith.constant 0 : i32
      %dma_wait3A_442 = tpu.memref_slice %arg9[%run_scoped3A_176, %dma_wait3A, %dma_wait3A_441] : memref<5x128x64xf32, #tpu.memory_space<vmem>> -> memref<1x128x64xf32, #tpu.memory_space<vmem>>
      %dma_wait3A_443 = tpu.memref_squeeze %dma_wait3A_442 : memref<1x128x64xf32, #tpu.memory_space<vmem>> -> memref<128x64xf32, #tpu.memory_space<vmem>>
      %dma_wait3A_444 = arith.constant 0 : i32
      %dma_wait3A_445 = tpu.memref_slice %arg5[%run_scoped3A_177, %add3A_175, %dma_wait3A_444] : memref<4x20000x64xf32, #tpu.memory_space<hbm>> -> memref<1x128x64xf32, #tpu.memory_space<hbm>>
      %dma_wait3A_446 = tpu.memref_squeeze %dma_wait3A_445 : memref<1x128x64xf32, #tpu.memory_space<hbm>> -> memref<128x64xf32, #tpu.memory_space<hbm>>
      %dma_wait3A_447 = arith.constant 0 : i32
      %dma_wait3A_448 = tpu.memref_slice %arg5[%run_scoped3A_177, %add3A_175, %dma_wait3A_447] : memref<4x20000x64xf32, #tpu.memory_space<hbm>> -> memref<1x128x64xf32, #tpu.memory_space<hbm>>
      %dma_wait3A_449 = tpu.memref_squeeze %dma_wait3A_448 : memref<1x128x64xf32, #tpu.memory_space<hbm>> -> memref<128x64xf32, #tpu.memory_space<hbm>>
      %dma_wait3A_450 = arith.constant 0 : i32
      %dma_wait3A_451 = arith.constant 0 : i32
      %dma_wait3A_452 = tpu.memref_slice %arg9[%run_scoped3A_176, %dma_wait3A_450, %dma_wait3A_451] : memref<5x128x64xf32, #tpu.memory_space<vmem>> -> memref<1x128x64xf32, #tpu.memory_space<vmem>>
      %dma_wait3A_453 = tpu.memref_squeeze %dma_wait3A_452 : memref<1x128x64xf32, #tpu.memory_space<vmem>> -> memref<128x64xf32, #tpu.memory_space<vmem>>
      tpu.wait_dma2 semaphore(%run_scoped3A_427 : memref<!tpu.dma_semaphore, #tpu.memory_space<semaphore_mem>>) src(%dma_wait3A_453 : memref<128x64xf32, #tpu.memory_space<vmem>>) dst(%dma_wait3A_449 : memref<128x64xf32, #tpu.memory_space<hbm>>)
      tpu.yield
    }) : () -> ()
    %mul3A_178 = arith.constant 625 : i32
    %mul3A_179 = arith.muli %arg1, %mul3A_178 : i32
    %add3A_180 = arith.constant 256 : i32
    %add3A_181 = arith.addi %mul3A_179, %add3A_180 : i32
    %run_scoped3A_182 = arith.constant 0 : i32
    "tpu.region"() ({
      %run_scoped3A_427 = tpu.sem_alloc : memref<!tpu.dma_semaphore, #tpu.memory_space<semaphore_mem>>
      %dma_start3A = arith.constant 0 : i32
      %dma_start3A_428 = arith.constant 0 : i32
      %dma_start3A_429 = tpu.memref_slice %arg9[%run_scoped3A_182, %dma_start3A, %dma_start3A_428] : memref<5x128x64xf32, #tpu.memory_space<vmem>> -> memref<1x128x64xf32, #tpu.memory_space<vmem>>
      %dma_start3A_430 = tpu.memref_squeeze %dma_start3A_429 : memref<1x128x64xf32, #tpu.memory_space<vmem>> -> memref<128x64xf32, #tpu.memory_space<vmem>>
      %dma_start3A_431 = arith.constant 0 : i32
      %dma_start3A_432 = tpu.memref_slice %arg10[%add3A_181, %dma_start3A_431] : memref<10112x64xf32, #tpu.memory_space<vmem_shared>> -> memref<128x64xf32, #tpu.memory_space<vmem_shared>>
      %dma_start3A_433 = arith.constant 0 : i32
      %dma_start3A_434 = arith.constant 0 : i32
      %dma_start3A_435 = tpu.memref_slice %arg9[%run_scoped3A_182, %dma_start3A_433, %dma_start3A_434] : memref<5x128x64xf32, #tpu.memory_space<vmem>> -> memref<1x128x64xf32, #tpu.memory_space<vmem>>
      %dma_start3A_436 = tpu.memref_squeeze %dma_start3A_435 : memref<1x128x64xf32, #tpu.memory_space<vmem>> -> memref<128x64xf32, #tpu.memory_space<vmem>>
      %dma_start3A_437 = arith.constant 0 : i32
      %dma_start3A_438 = tpu.memref_slice %arg10[%add3A_181, %dma_start3A_437] : memref<10112x64xf32, #tpu.memory_space<vmem_shared>> -> memref<128x64xf32, #tpu.memory_space<vmem_shared>>
      tpu.enqueue_dma source(%dma_start3A_438 : memref<128x64xf32, #tpu.memory_space<vmem_shared>>) target(%dma_start3A_436 : memref<128x64xf32, #tpu.memory_space<vmem>>) target_semaphore(%run_scoped3A_427 : memref<!tpu.dma_semaphore, #tpu.memory_space<semaphore_mem>>)
      %dma_wait3A = arith.constant 0 : i32
      %dma_wait3A_439 = arith.constant 0 : i32
      %dma_wait3A_440 = tpu.memref_slice %arg9[%run_scoped3A_182, %dma_wait3A, %dma_wait3A_439] : memref<5x128x64xf32, #tpu.memory_space<vmem>> -> memref<1x128x64xf32, #tpu.memory_space<vmem>>
      %dma_wait3A_441 = tpu.memref_squeeze %dma_wait3A_440 : memref<1x128x64xf32, #tpu.memory_space<vmem>> -> memref<128x64xf32, #tpu.memory_space<vmem>>
      %dma_wait3A_442 = arith.constant 0 : i32
      %dma_wait3A_443 = tpu.memref_slice %arg10[%add3A_181, %dma_wait3A_442] : memref<10112x64xf32, #tpu.memory_space<vmem_shared>> -> memref<128x64xf32, #tpu.memory_space<vmem_shared>>
      %dma_wait3A_444 = arith.constant 0 : i32
      %dma_wait3A_445 = arith.constant 0 : i32
      %dma_wait3A_446 = tpu.memref_slice %arg9[%run_scoped3A_182, %dma_wait3A_444, %dma_wait3A_445] : memref<5x128x64xf32, #tpu.memory_space<vmem>> -> memref<1x128x64xf32, #tpu.memory_space<vmem>>
      %dma_wait3A_447 = tpu.memref_squeeze %dma_wait3A_446 : memref<1x128x64xf32, #tpu.memory_space<vmem>> -> memref<128x64xf32, #tpu.memory_space<vmem>>
      %dma_wait3A_448 = arith.constant 0 : i32
      %dma_wait3A_449 = tpu.memref_slice %arg10[%add3A_181, %dma_wait3A_448] : memref<10112x64xf32, #tpu.memory_space<vmem_shared>> -> memref<128x64xf32, #tpu.memory_space<vmem_shared>>
      tpu.wait_dma2 semaphore(%run_scoped3A_427 : memref<!tpu.dma_semaphore, #tpu.memory_space<semaphore_mem>>) src(%dma_wait3A_449 : memref<128x64xf32, #tpu.memory_space<vmem_shared>>) dst(%dma_wait3A_447 : memref<128x64xf32, #tpu.memory_space<vmem>>)
      tpu.yield
    }) : () -> ()
    %mul3A_183 = arith.constant 625 : i32
    %mul3A_184 = arith.muli %arg1, %mul3A_183 : i32
    %add3A_185 = arith.addi %mul3A_1, %mul3A_184 : i32
    %add3A_186 = arith.constant 256 : i32
    %add3A_187 = arith.addi %add3A_185, %add3A_186 : i32
    %run_scoped3A_188 = arith.constant 0 : i32
    %run_scoped3A_189 = arith.constant 1 : i32
    "tpu.region"() ({
      %run_scoped3A_427 = tpu.sem_alloc : memref<!tpu.dma_semaphore, #tpu.memory_space<semaphore_mem>>
      %dma_start3A = arith.constant 0 : i32
      %dma_start3A_428 = arith.constant 0 : i32
      %dma_start3A_429 = tpu.memref_slice %arg9[%run_scoped3A_188, %dma_start3A, %dma_start3A_428] : memref<5x128x64xf32, #tpu.memory_space<vmem>> -> memref<1x128x64xf32, #tpu.memory_space<vmem>>
      %dma_start3A_430 = tpu.memref_squeeze %dma_start3A_429 : memref<1x128x64xf32, #tpu.memory_space<vmem>> -> memref<128x64xf32, #tpu.memory_space<vmem>>
      %dma_start3A_431 = arith.constant 0 : i32
      %dma_start3A_432 = tpu.memref_slice %arg5[%run_scoped3A_189, %add3A_187, %dma_start3A_431] : memref<4x20000x64xf32, #tpu.memory_space<hbm>> -> memref<1x128x64xf32, #tpu.memory_space<hbm>>
      %dma_start3A_433 = tpu.memref_squeeze %dma_start3A_432 : memref<1x128x64xf32, #tpu.memory_space<hbm>> -> memref<128x64xf32, #tpu.memory_space<hbm>>
      %dma_start3A_434 = arith.constant 0 : i32
      %dma_start3A_435 = tpu.memref_slice %arg5[%run_scoped3A_189, %add3A_187, %dma_start3A_434] : memref<4x20000x64xf32, #tpu.memory_space<hbm>> -> memref<1x128x64xf32, #tpu.memory_space<hbm>>
      %dma_start3A_436 = tpu.memref_squeeze %dma_start3A_435 : memref<1x128x64xf32, #tpu.memory_space<hbm>> -> memref<128x64xf32, #tpu.memory_space<hbm>>
      %dma_start3A_437 = arith.constant 0 : i32
      %dma_start3A_438 = arith.constant 0 : i32
      %dma_start3A_439 = tpu.memref_slice %arg9[%run_scoped3A_188, %dma_start3A_437, %dma_start3A_438] : memref<5x128x64xf32, #tpu.memory_space<vmem>> -> memref<1x128x64xf32, #tpu.memory_space<vmem>>
      %dma_start3A_440 = tpu.memref_squeeze %dma_start3A_439 : memref<1x128x64xf32, #tpu.memory_space<vmem>> -> memref<128x64xf32, #tpu.memory_space<vmem>>
      tpu.enqueue_dma source(%dma_start3A_440 : memref<128x64xf32, #tpu.memory_space<vmem>>) target(%dma_start3A_436 : memref<128x64xf32, #tpu.memory_space<hbm>>) target_semaphore(%run_scoped3A_427 : memref<!tpu.dma_semaphore, #tpu.memory_space<semaphore_mem>>)
      %dma_wait3A = arith.constant 0 : i32
      %dma_wait3A_441 = arith.constant 0 : i32
      %dma_wait3A_442 = tpu.memref_slice %arg9[%run_scoped3A_188, %dma_wait3A, %dma_wait3A_441] : memref<5x128x64xf32, #tpu.memory_space<vmem>> -> memref<1x128x64xf32, #tpu.memory_space<vmem>>
      %dma_wait3A_443 = tpu.memref_squeeze %dma_wait3A_442 : memref<1x128x64xf32, #tpu.memory_space<vmem>> -> memref<128x64xf32, #tpu.memory_space<vmem>>
      %dma_wait3A_444 = arith.constant 0 : i32
      %dma_wait3A_445 = tpu.memref_slice %arg5[%run_scoped3A_189, %add3A_187, %dma_wait3A_444] : memref<4x20000x64xf32, #tpu.memory_space<hbm>> -> memref<1x128x64xf32, #tpu.memory_space<hbm>>
      %dma_wait3A_446 = tpu.memref_squeeze %dma_wait3A_445 : memref<1x128x64xf32, #tpu.memory_space<hbm>> -> memref<128x64xf32, #tpu.memory_space<hbm>>
      %dma_wait3A_447 = arith.constant 0 : i32
      %dma_wait3A_448 = tpu.memref_slice %arg5[%run_scoped3A_189, %add3A_187, %dma_wait3A_447] : memref<4x20000x64xf32, #tpu.memory_space<hbm>> -> memref<1x128x64xf32, #tpu.memory_space<hbm>>
      %dma_wait3A_449 = tpu.memref_squeeze %dma_wait3A_448 : memref<1x128x64xf32, #tpu.memory_space<hbm>> -> memref<128x64xf32, #tpu.memory_space<hbm>>
      %dma_wait3A_450 = arith.constant 0 : i32
      %dma_wait3A_451 = arith.constant 0 : i32
      %dma_wait3A_452 = tpu.memref_slice %arg9[%run_scoped3A_188, %dma_wait3A_450, %dma_wait3A_451] : memref<5x128x64xf32, #tpu.memory_space<vmem>> -> memref<1x128x64xf32, #tpu.memory_space<vmem>>
      %dma_wait3A_453 = tpu.memref_squeeze %dma_wait3A_452 : memref<1x128x64xf32, #tpu.memory_space<vmem>> -> memref<128x64xf32, #tpu.memory_space<vmem>>
      tpu.wait_dma2 semaphore(%run_scoped3A_427 : memref<!tpu.dma_semaphore, #tpu.memory_space<semaphore_mem>>) src(%dma_wait3A_453 : memref<128x64xf32, #tpu.memory_space<vmem>>) dst(%dma_wait3A_449 : memref<128x64xf32, #tpu.memory_space<hbm>>)
      tpu.yield
    }) : () -> ()
    %mul3A_190 = arith.constant 625 : i32
    %mul3A_191 = arith.muli %arg1, %mul3A_190 : i32
    %add3A_192 = arith.constant 384 : i32
    %add3A_193 = arith.addi %mul3A_191, %add3A_192 : i32
    %run_scoped3A_194 = arith.constant 0 : i32
    "tpu.region"() ({
      %run_scoped3A_427 = tpu.sem_alloc : memref<!tpu.dma_semaphore, #tpu.memory_space<semaphore_mem>>
      %dma_start3A = arith.constant 0 : i32
      %dma_start3A_428 = arith.constant 0 : i32
      %dma_start3A_429 = tpu.memref_slice %arg9[%run_scoped3A_194, %dma_start3A, %dma_start3A_428] : memref<5x128x64xf32, #tpu.memory_space<vmem>> -> memref<1x128x64xf32, #tpu.memory_space<vmem>>
      %dma_start3A_430 = tpu.memref_squeeze %dma_start3A_429 : memref<1x128x64xf32, #tpu.memory_space<vmem>> -> memref<128x64xf32, #tpu.memory_space<vmem>>
      %dma_start3A_431 = arith.constant 0 : i32
      %dma_start3A_432 = tpu.memref_slice %arg10[%add3A_193, %dma_start3A_431] : memref<10112x64xf32, #tpu.memory_space<vmem_shared>> -> memref<128x64xf32, #tpu.memory_space<vmem_shared>>
      %dma_start3A_433 = arith.constant 0 : i32
      %dma_start3A_434 = arith.constant 0 : i32
      %dma_start3A_435 = tpu.memref_slice %arg9[%run_scoped3A_194, %dma_start3A_433, %dma_start3A_434] : memref<5x128x64xf32, #tpu.memory_space<vmem>> -> memref<1x128x64xf32, #tpu.memory_space<vmem>>
      %dma_start3A_436 = tpu.memref_squeeze %dma_start3A_435 : memref<1x128x64xf32, #tpu.memory_space<vmem>> -> memref<128x64xf32, #tpu.memory_space<vmem>>
      %dma_start3A_437 = arith.constant 0 : i32
      %dma_start3A_438 = tpu.memref_slice %arg10[%add3A_193, %dma_start3A_437] : memref<10112x64xf32, #tpu.memory_space<vmem_shared>> -> memref<128x64xf32, #tpu.memory_space<vmem_shared>>
      tpu.enqueue_dma source(%dma_start3A_438 : memref<128x64xf32, #tpu.memory_space<vmem_shared>>) target(%dma_start3A_436 : memref<128x64xf32, #tpu.memory_space<vmem>>) target_semaphore(%run_scoped3A_427 : memref<!tpu.dma_semaphore, #tpu.memory_space<semaphore_mem>>)
      %dma_wait3A = arith.constant 0 : i32
      %dma_wait3A_439 = arith.constant 0 : i32
      %dma_wait3A_440 = tpu.memref_slice %arg9[%run_scoped3A_194, %dma_wait3A, %dma_wait3A_439] : memref<5x128x64xf32, #tpu.memory_space<vmem>> -> memref<1x128x64xf32, #tpu.memory_space<vmem>>
      %dma_wait3A_441 = tpu.memref_squeeze %dma_wait3A_440 : memref<1x128x64xf32, #tpu.memory_space<vmem>> -> memref<128x64xf32, #tpu.memory_space<vmem>>
      %dma_wait3A_442 = arith.constant 0 : i32
      %dma_wait3A_443 = tpu.memref_slice %arg10[%add3A_193, %dma_wait3A_442] : memref<10112x64xf32, #tpu.memory_space<vmem_shared>> -> memref<128x64xf32, #tpu.memory_space<vmem_shared>>
      %dma_wait3A_444 = arith.constant 0 : i32
      %dma_wait3A_445 = arith.constant 0 : i32
      %dma_wait3A_446 = tpu.memref_slice %arg9[%run_scoped3A_194, %dma_wait3A_444, %dma_wait3A_445] : memref<5x128x64xf32, #tpu.memory_space<vmem>> -> memref<1x128x64xf32, #tpu.memory_space<vmem>>
      %dma_wait3A_447 = tpu.memref_squeeze %dma_wait3A_446 : memref<1x128x64xf32, #tpu.memory_space<vmem>> -> memref<128x64xf32, #tpu.memory_space<vmem>>
      %dma_wait3A_448 = arith.constant 0 : i32
      %dma_wait3A_449 = tpu.memref_slice %arg10[%add3A_193, %dma_wait3A_448] : memref<10112x64xf32, #tpu.memory_space<vmem_shared>> -> memref<128x64xf32, #tpu.memory_space<vmem_shared>>
      tpu.wait_dma2 semaphore(%run_scoped3A_427 : memref<!tpu.dma_semaphore, #tpu.memory_space<semaphore_mem>>) src(%dma_wait3A_449 : memref<128x64xf32, #tpu.memory_space<vmem_shared>>) dst(%dma_wait3A_447 : memref<128x64xf32, #tpu.memory_space<vmem>>)
      tpu.yield
    }) : () -> ()
    %mul3A_195 = arith.constant 625 : i32
    %mul3A_196 = arith.muli %arg1, %mul3A_195 : i32
    %add3A_197 = arith.addi %mul3A_1, %mul3A_196 : i32
    %add3A_198 = arith.constant 384 : i32
    %add3A_199 = arith.addi %add3A_197, %add3A_198 : i32
    %run_scoped3A_200 = arith.constant 0 : i32
    %run_scoped3A_201 = arith.constant 1 : i32
    "tpu.region"() ({
      %run_scoped3A_427 = tpu.sem_alloc : memref<!tpu.dma_semaphore, #tpu.memory_space<semaphore_mem>>
      %dma_start3A = arith.constant 0 : i32
      %dma_start3A_428 = arith.constant 0 : i32
      %dma_start3A_429 = tpu.memref_slice %arg9[%run_scoped3A_200, %dma_start3A, %dma_start3A_428] : memref<5x128x64xf32, #tpu.memory_space<vmem>> -> memref<1x128x64xf32, #tpu.memory_space<vmem>>
      %dma_start3A_430 = tpu.memref_squeeze %dma_start3A_429 : memref<1x128x64xf32, #tpu.memory_space<vmem>> -> memref<128x64xf32, #tpu.memory_space<vmem>>
      %dma_start3A_431 = arith.constant 0 : i32
      %dma_start3A_432 = tpu.memref_slice %arg5[%run_scoped3A_201, %add3A_199, %dma_start3A_431] : memref<4x20000x64xf32, #tpu.memory_space<hbm>> -> memref<1x128x64xf32, #tpu.memory_space<hbm>>
      %dma_start3A_433 = tpu.memref_squeeze %dma_start3A_432 : memref<1x128x64xf32, #tpu.memory_space<hbm>> -> memref<128x64xf32, #tpu.memory_space<hbm>>
      %dma_start3A_434 = arith.constant 0 : i32
      %dma_start3A_435 = tpu.memref_slice %arg5[%run_scoped3A_201, %add3A_199, %dma_start3A_434] : memref<4x20000x64xf32, #tpu.memory_space<hbm>> -> memref<1x128x64xf32, #tpu.memory_space<hbm>>
      %dma_start3A_436 = tpu.memref_squeeze %dma_start3A_435 : memref<1x128x64xf32, #tpu.memory_space<hbm>> -> memref<128x64xf32, #tpu.memory_space<hbm>>
      %dma_start3A_437 = arith.constant 0 : i32
      %dma_start3A_438 = arith.constant 0 : i32
      %dma_start3A_439 = tpu.memref_slice %arg9[%run_scoped3A_200, %dma_start3A_437, %dma_start3A_438] : memref<5x128x64xf32, #tpu.memory_space<vmem>> -> memref<1x128x64xf32, #tpu.memory_space<vmem>>
      %dma_start3A_440 = tpu.memref_squeeze %dma_start3A_439 : memref<1x128x64xf32, #tpu.memory_space<vmem>> -> memref<128x64xf32, #tpu.memory_space<vmem>>
      tpu.enqueue_dma source(%dma_start3A_440 : memref<128x64xf32, #tpu.memory_space<vmem>>) target(%dma_start3A_436 : memref<128x64xf32, #tpu.memory_space<hbm>>) target_semaphore(%run_scoped3A_427 : memref<!tpu.dma_semaphore, #tpu.memory_space<semaphore_mem>>)
      %dma_wait3A = arith.constant 0 : i32
      %dma_wait3A_441 = arith.constant 0 : i32
      %dma_wait3A_442 = tpu.memref_slice %arg9[%run_scoped3A_200, %dma_wait3A, %dma_wait3A_441] : memref<5x128x64xf32, #tpu.memory_space<vmem>> -> memref<1x128x64xf32, #tpu.memory_space<vmem>>
      %dma_wait3A_443 = tpu.memref_squeeze %dma_wait3A_442 : memref<1x128x64xf32, #tpu.memory_space<vmem>> -> memref<128x64xf32, #tpu.memory_space<vmem>>
      %dma_wait3A_444 = arith.constant 0 : i32
      %dma_wait3A_445 = tpu.memref_slice %arg5[%run_scoped3A_201, %add3A_199, %dma_wait3A_444] : memref<4x20000x64xf32, #tpu.memory_space<hbm>> -> memref<1x128x64xf32, #tpu.memory_space<hbm>>
      %dma_wait3A_446 = tpu.memref_squeeze %dma_wait3A_445 : memref<1x128x64xf32, #tpu.memory_space<hbm>> -> memref<128x64xf32, #tpu.memory_space<hbm>>
      %dma_wait3A_447 = arith.constant 0 : i32
      %dma_wait3A_448 = tpu.memref_slice %arg5[%run_scoped3A_201, %add3A_199, %dma_wait3A_447] : memref<4x20000x64xf32, #tpu.memory_space<hbm>> -> memref<1x128x64xf32, #tpu.memory_space<hbm>>
      %dma_wait3A_449 = tpu.memref_squeeze %dma_wait3A_448 : memref<1x128x64xf32, #tpu.memory_space<hbm>> -> memref<128x64xf32, #tpu.memory_space<hbm>>
      %dma_wait3A_450 = arith.constant 0 : i32
      %dma_wait3A_451 = arith.constant 0 : i32
      %dma_wait3A_452 = tpu.memref_slice %arg9[%run_scoped3A_200, %dma_wait3A_450, %dma_wait3A_451] : memref<5x128x64xf32, #tpu.memory_space<vmem>> -> memref<1x128x64xf32, #tpu.memory_space<vmem>>
      %dma_wait3A_453 = tpu.memref_squeeze %dma_wait3A_452 : memref<1x128x64xf32, #tpu.memory_space<vmem>> -> memref<128x64xf32, #tpu.memory_space<vmem>>
      tpu.wait_dma2 semaphore(%run_scoped3A_427 : memref<!tpu.dma_semaphore, #tpu.memory_space<semaphore_mem>>) src(%dma_wait3A_453 : memref<128x64xf32, #tpu.memory_space<vmem>>) dst(%dma_wait3A_449 : memref<128x64xf32, #tpu.memory_space<hbm>>)
      tpu.yield
    }) : () -> ()
    %mul3A_202 = arith.constant 625 : i32
    %mul3A_203 = arith.muli %arg1, %mul3A_202 : i32
    %add3A_204 = arith.constant 512 : i32
    %add3A_205 = arith.addi %mul3A_203, %add3A_204 : i32
    %run_scoped3A_206 = arith.constant 0 : i32
    "tpu.region"() ({
      %run_scoped3A_427 = tpu.sem_alloc : memref<!tpu.dma_semaphore, #tpu.memory_space<semaphore_mem>>
      %dma_start3A = arith.constant 0 : i32
      %dma_start3A_428 = arith.constant 0 : i32
      %dma_start3A_429 = tpu.memref_slice %arg9[%run_scoped3A_206, %dma_start3A, %dma_start3A_428] : memref<5x128x64xf32, #tpu.memory_space<vmem>> -> memref<1x113x64xf32, #tpu.memory_space<vmem>>
      %dma_start3A_430 = tpu.memref_squeeze %dma_start3A_429 : memref<1x113x64xf32, #tpu.memory_space<vmem>> -> memref<113x64xf32, #tpu.memory_space<vmem>>
      %dma_start3A_431 = arith.constant 0 : i32
      %dma_start3A_432 = tpu.memref_slice %arg10[%add3A_205, %dma_start3A_431] : memref<10112x64xf32, #tpu.memory_space<vmem_shared>> -> memref<113x64xf32, #tpu.memory_space<vmem_shared>>
      %dma_start3A_433 = arith.constant 0 : i32
      %dma_start3A_434 = arith.constant 0 : i32
      %dma_start3A_435 = tpu.memref_slice %arg9[%run_scoped3A_206, %dma_start3A_433, %dma_start3A_434] : memref<5x128x64xf32, #tpu.memory_space<vmem>> -> memref<1x113x64xf32, #tpu.memory_space<vmem>>
      %dma_start3A_436 = tpu.memref_squeeze %dma_start3A_435 : memref<1x113x64xf32, #tpu.memory_space<vmem>> -> memref<113x64xf32, #tpu.memory_space<vmem>>
      %dma_start3A_437 = arith.constant 0 : i32
      %dma_start3A_438 = tpu.memref_slice %arg10[%add3A_205, %dma_start3A_437] : memref<10112x64xf32, #tpu.memory_space<vmem_shared>> -> memref<113x64xf32, #tpu.memory_space<vmem_shared>>
      tpu.enqueue_dma source(%dma_start3A_438 : memref<113x64xf32, #tpu.memory_space<vmem_shared>>) target(%dma_start3A_436 : memref<113x64xf32, #tpu.memory_space<vmem>>) target_semaphore(%run_scoped3A_427 : memref<!tpu.dma_semaphore, #tpu.memory_space<semaphore_mem>>)
      %dma_wait3A = arith.constant 0 : i32
      %dma_wait3A_439 = arith.constant 0 : i32
      %dma_wait3A_440 = tpu.memref_slice %arg9[%run_scoped3A_206, %dma_wait3A, %dma_wait3A_439] : memref<5x128x64xf32, #tpu.memory_space<vmem>> -> memref<1x113x64xf32, #tpu.memory_space<vmem>>
      %dma_wait3A_441 = tpu.memref_squeeze %dma_wait3A_440 : memref<1x113x64xf32, #tpu.memory_space<vmem>> -> memref<113x64xf32, #tpu.memory_space<vmem>>
      %dma_wait3A_442 = arith.constant 0 : i32
      %dma_wait3A_443 = tpu.memref_slice %arg10[%add3A_205, %dma_wait3A_442] : memref<10112x64xf32, #tpu.memory_space<vmem_shared>> -> memref<113x64xf32, #tpu.memory_space<vmem_shared>>
      %dma_wait3A_444 = arith.constant 0 : i32
      %dma_wait3A_445 = arith.constant 0 : i32
      %dma_wait3A_446 = tpu.memref_slice %arg9[%run_scoped3A_206, %dma_wait3A_444, %dma_wait3A_445] : memref<5x128x64xf32, #tpu.memory_space<vmem>> -> memref<1x113x64xf32, #tpu.memory_space<vmem>>
      %dma_wait3A_447 = tpu.memref_squeeze %dma_wait3A_446 : memref<1x113x64xf32, #tpu.memory_space<vmem>> -> memref<113x64xf32, #tpu.memory_space<vmem>>
      %dma_wait3A_448 = arith.constant 0 : i32
      %dma_wait3A_449 = tpu.memref_slice %arg10[%add3A_205, %dma_wait3A_448] : memref<10112x64xf32, #tpu.memory_space<vmem_shared>> -> memref<113x64xf32, #tpu.memory_space<vmem_shared>>
      tpu.wait_dma2 semaphore(%run_scoped3A_427 : memref<!tpu.dma_semaphore, #tpu.memory_space<semaphore_mem>>) src(%dma_wait3A_449 : memref<113x64xf32, #tpu.memory_space<vmem_shared>>) dst(%dma_wait3A_447 : memref<113x64xf32, #tpu.memory_space<vmem>>)
      tpu.yield
    }) : () -> ()
    %mul3A_207 = arith.constant 625 : i32
    %mul3A_208 = arith.muli %arg1, %mul3A_207 : i32
    %add3A_209 = arith.addi %mul3A_1, %mul3A_208 : i32
    %add3A_210 = arith.constant 512 : i32
    %add3A_211 = arith.addi %add3A_209, %add3A_210 : i32
    %run_scoped3A_212 = arith.constant 0 : i32
    %run_scoped3A_213 = arith.constant 1 : i32
    "tpu.region"() ({
      %run_scoped3A_427 = tpu.sem_alloc : memref<!tpu.dma_semaphore, #tpu.memory_space<semaphore_mem>>
      %dma_start3A = arith.constant 0 : i32
      %dma_start3A_428 = arith.constant 0 : i32
      %dma_start3A_429 = tpu.memref_slice %arg9[%run_scoped3A_212, %dma_start3A, %dma_start3A_428] : memref<5x128x64xf32, #tpu.memory_space<vmem>> -> memref<1x113x64xf32, #tpu.memory_space<vmem>>
      %dma_start3A_430 = tpu.memref_squeeze %dma_start3A_429 : memref<1x113x64xf32, #tpu.memory_space<vmem>> -> memref<113x64xf32, #tpu.memory_space<vmem>>
      %dma_start3A_431 = arith.constant 0 : i32
      %dma_start3A_432 = tpu.memref_slice %arg5[%run_scoped3A_213, %add3A_211, %dma_start3A_431] : memref<4x20000x64xf32, #tpu.memory_space<hbm>> -> memref<1x113x64xf32, #tpu.memory_space<hbm>>
      %dma_start3A_433 = tpu.memref_squeeze %dma_start3A_432 : memref<1x113x64xf32, #tpu.memory_space<hbm>> -> memref<113x64xf32, #tpu.memory_space<hbm>>
      %dma_start3A_434 = arith.constant 0 : i32
      %dma_start3A_435 = tpu.memref_slice %arg5[%run_scoped3A_213, %add3A_211, %dma_start3A_434] : memref<4x20000x64xf32, #tpu.memory_space<hbm>> -> memref<1x113x64xf32, #tpu.memory_space<hbm>>
      %dma_start3A_436 = tpu.memref_squeeze %dma_start3A_435 : memref<1x113x64xf32, #tpu.memory_space<hbm>> -> memref<113x64xf32, #tpu.memory_space<hbm>>
      %dma_start3A_437 = arith.constant 0 : i32
      %dma_start3A_438 = arith.constant 0 : i32
      %dma_start3A_439 = tpu.memref_slice %arg9[%run_scoped3A_212, %dma_start3A_437, %dma_start3A_438] : memref<5x128x64xf32, #tpu.memory_space<vmem>> -> memref<1x113x64xf32, #tpu.memory_space<vmem>>
      %dma_start3A_440 = tpu.memref_squeeze %dma_start3A_439 : memref<1x113x64xf32, #tpu.memory_space<vmem>> -> memref<113x64xf32, #tpu.memory_space<vmem>>
      tpu.enqueue_dma source(%dma_start3A_440 : memref<113x64xf32, #tpu.memory_space<vmem>>) target(%dma_start3A_436 : memref<113x64xf32, #tpu.memory_space<hbm>>) target_semaphore(%run_scoped3A_427 : memref<!tpu.dma_semaphore, #tpu.memory_space<semaphore_mem>>)
      %dma_wait3A = arith.constant 0 : i32
      %dma_wait3A_441 = arith.constant 0 : i32
      %dma_wait3A_442 = tpu.memref_slice %arg9[%run_scoped3A_212, %dma_wait3A, %dma_wait3A_441] : memref<5x128x64xf32, #tpu.memory_space<vmem>> -> memref<1x113x64xf32, #tpu.memory_space<vmem>>
      %dma_wait3A_443 = tpu.memref_squeeze %dma_wait3A_442 : memref<1x113x64xf32, #tpu.memory_space<vmem>> -> memref<113x64xf32, #tpu.memory_space<vmem>>
      %dma_wait3A_444 = arith.constant 0 : i32
      %dma_wait3A_445 = tpu.memref_slice %arg5[%run_scoped3A_213, %add3A_211, %dma_wait3A_444] : memref<4x20000x64xf32, #tpu.memory_space<hbm>> -> memref<1x113x64xf32, #tpu.memory_space<hbm>>
      %dma_wait3A_446 = tpu.memref_squeeze %dma_wait3A_445 : memref<1x113x64xf32, #tpu.memory_space<hbm>> -> memref<113x64xf32, #tpu.memory_space<hbm>>
      %dma_wait3A_447 = arith.constant 0 : i32
      %dma_wait3A_448 = tpu.memref_slice %arg5[%run_scoped3A_213, %add3A_211, %dma_wait3A_447] : memref<4x20000x64xf32, #tpu.memory_space<hbm>> -> memref<1x113x64xf32, #tpu.memory_space<hbm>>
      %dma_wait3A_449 = tpu.memref_squeeze %dma_wait3A_448 : memref<1x113x64xf32, #tpu.memory_space<hbm>> -> memref<113x64xf32, #tpu.memory_space<hbm>>
      %dma_wait3A_450 = arith.constant 0 : i32
      %dma_wait3A_451 = arith.constant 0 : i32
      %dma_wait3A_452 = tpu.memref_slice %arg9[%run_scoped3A_212, %dma_wait3A_450, %dma_wait3A_451] : memref<5x128x64xf32, #tpu.memory_space<vmem>> -> memref<1x113x64xf32, #tpu.memory_space<vmem>>
      %dma_wait3A_453 = tpu.memref_squeeze %dma_wait3A_452 : memref<1x113x64xf32, #tpu.memory_space<vmem>> -> memref<113x64xf32, #tpu.memory_space<vmem>>
      tpu.wait_dma2 semaphore(%run_scoped3A_427 : memref<!tpu.dma_semaphore, #tpu.memory_space<semaphore_mem>>) src(%dma_wait3A_453 : memref<113x64xf32, #tpu.memory_space<vmem>>) dst(%dma_wait3A_449 : memref<113x64xf32, #tpu.memory_space<hbm>>)
      tpu.yield
    }) : () -> ()
    %barrier3A_214 = arith.constant 0 : index
    tpu.barrier barrier_id(%barrier3A_214)
    %mul3A_215 = arith.constant 80 : i32
    %mul3A_216 = arith.muli %arg1, %mul3A_215 : i32
    %run_scoped3A_217 = arith.constant 2 : i32
    "tpu.region"() ({
      %run_scoped3A_427 = tpu.sem_alloc : memref<!tpu.dma_semaphore, #tpu.memory_space<semaphore_mem>>
      %dma_start3A = arith.constant 0 : i32
      %dma_start3A_428 = tpu.memref_slice %arg3[%run_scoped3A_217, %arg0, %mul3A_216, %dma_start3A] : memref<4x2x1280x128xi32, #tpu.memory_space<hbm>> -> memref<1x1x80x128xi32, #tpu.memory_space<hbm>>
      %dma_start3A_429 = tpu.memref_squeeze %dma_start3A_428 : memref<1x1x80x128xi32, #tpu.memory_space<hbm>> -> memref<80x128xi32, #tpu.memory_space<hbm>>
      %dma_start3A_430 = arith.constant 0 : i32
      %dma_start3A_431 = tpu.memref_slice %arg3[%run_scoped3A_217, %arg0, %mul3A_216, %dma_start3A_430] : memref<4x2x1280x128xi32, #tpu.memory_space<hbm>> -> memref<1x1x80x128xi32, #tpu.memory_space<hbm>>
      %dma_start3A_432 = tpu.memref_squeeze %dma_start3A_431 : memref<1x1x80x128xi32, #tpu.memory_space<hbm>> -> memref<80x128xi32, #tpu.memory_space<hbm>>
      tpu.enqueue_dma source(%dma_start3A_432 : memref<80x128xi32, #tpu.memory_space<hbm>>) target(%arg7 : memref<80x128xi32, #tpu.memory_space<vmem>>) target_semaphore(%run_scoped3A_427 : memref<!tpu.dma_semaphore, #tpu.memory_space<semaphore_mem>>)
      %dma_wait3A = arith.constant 0 : i32
      %dma_wait3A_433 = tpu.memref_slice %arg3[%run_scoped3A_217, %arg0, %mul3A_216, %dma_wait3A] : memref<4x2x1280x128xi32, #tpu.memory_space<hbm>> -> memref<1x1x80x128xi32, #tpu.memory_space<hbm>>
      %dma_wait3A_434 = tpu.memref_squeeze %dma_wait3A_433 : memref<1x1x80x128xi32, #tpu.memory_space<hbm>> -> memref<80x128xi32, #tpu.memory_space<hbm>>
      %dma_wait3A_435 = arith.constant 0 : i32
      %dma_wait3A_436 = tpu.memref_slice %arg3[%run_scoped3A_217, %arg0, %mul3A_216, %dma_wait3A_435] : memref<4x2x1280x128xi32, #tpu.memory_space<hbm>> -> memref<1x1x80x128xi32, #tpu.memory_space<hbm>>
      %dma_wait3A_437 = tpu.memref_squeeze %dma_wait3A_436 : memref<1x1x80x128xi32, #tpu.memory_space<hbm>> -> memref<80x128xi32, #tpu.memory_space<hbm>>
      tpu.wait_dma2 semaphore(%run_scoped3A_427 : memref<!tpu.dma_semaphore, #tpu.memory_space<semaphore_mem>>) src(%dma_wait3A_437 : memref<80x128xi32, #tpu.memory_space<hbm>>) dst(%arg7 : memref<80x128xi32, #tpu.memory_space<vmem>>)
      tpu.yield
    }) : () -> ()
    %mul3A_218 = arith.constant 80 : i32
    %mul3A_219 = arith.muli %arg1, %mul3A_218 : i32
    %run_scoped3A_220 = arith.constant 2 : i32
    "tpu.region"() ({
      %run_scoped3A_427 = tpu.sem_alloc : memref<!tpu.dma_semaphore, #tpu.memory_space<semaphore_mem>>
      %dma_start3A = arith.constant 0 : i32
      %dma_start3A_428 = tpu.memref_slice %arg4[%run_scoped3A_220, %arg0, %mul3A_219, %dma_start3A] : memref<4x2x1280x128xi32, #tpu.memory_space<hbm>> -> memref<1x1x80x128xi32, #tpu.memory_space<hbm>>
      %dma_start3A_429 = tpu.memref_squeeze %dma_start3A_428 : memref<1x1x80x128xi32, #tpu.memory_space<hbm>> -> memref<80x128xi32, #tpu.memory_space<hbm>>
      %dma_start3A_430 = arith.constant 0 : i32
      %dma_start3A_431 = tpu.memref_slice %arg4[%run_scoped3A_220, %arg0, %mul3A_219, %dma_start3A_430] : memref<4x2x1280x128xi32, #tpu.memory_space<hbm>> -> memref<1x1x80x128xi32, #tpu.memory_space<hbm>>
      %dma_start3A_432 = tpu.memref_squeeze %dma_start3A_431 : memref<1x1x80x128xi32, #tpu.memory_space<hbm>> -> memref<80x128xi32, #tpu.memory_space<hbm>>
      tpu.enqueue_dma source(%dma_start3A_432 : memref<80x128xi32, #tpu.memory_space<hbm>>) target(%arg8 : memref<80x128xi32, #tpu.memory_space<vmem>>) target_semaphore(%run_scoped3A_427 : memref<!tpu.dma_semaphore, #tpu.memory_space<semaphore_mem>>)
      %dma_wait3A = arith.constant 0 : i32
      %dma_wait3A_433 = tpu.memref_slice %arg4[%run_scoped3A_220, %arg0, %mul3A_219, %dma_wait3A] : memref<4x2x1280x128xi32, #tpu.memory_space<hbm>> -> memref<1x1x80x128xi32, #tpu.memory_space<hbm>>
      %dma_wait3A_434 = tpu.memref_squeeze %dma_wait3A_433 : memref<1x1x80x128xi32, #tpu.memory_space<hbm>> -> memref<80x128xi32, #tpu.memory_space<hbm>>
      %dma_wait3A_435 = arith.constant 0 : i32
      %dma_wait3A_436 = tpu.memref_slice %arg4[%run_scoped3A_220, %arg0, %mul3A_219, %dma_wait3A_435] : memref<4x2x1280x128xi32, #tpu.memory_space<hbm>> -> memref<1x1x80x128xi32, #tpu.memory_space<hbm>>
      %dma_wait3A_437 = tpu.memref_squeeze %dma_wait3A_436 : memref<1x1x80x128xi32, #tpu.memory_space<hbm>> -> memref<80x128xi32, #tpu.memory_space<hbm>>
      tpu.wait_dma2 semaphore(%run_scoped3A_427 : memref<!tpu.dma_semaphore, #tpu.memory_space<semaphore_mem>>) src(%dma_wait3A_437 : memref<80x128xi32, #tpu.memory_space<hbm>>) dst(%arg8 : memref<80x128xi32, #tpu.memory_space<vmem>>)
      tpu.yield
    }) : () -> ()
    %mul3A_221 = arith.constant 632 : i32
    %mul3A_222 = arith.muli %arg1, %mul3A_221 : i32
    %add3A_223 = arith.constant 0 : i32
    %add3A_224 = arith.addi %mul3A_222, %add3A_223 : i32
    "tpu.region"() ({
      %run_scoped3A_427 = tpu.sem_alloc : memref<!tpu.dma_semaphore, #tpu.memory_space<semaphore_mem>>
      %dma_start3A = arith.constant 0 : i32
      %dma_start3A_428 = tpu.memref_slice %arg10[%add3A_224, %dma_start3A] : memref<10112x64xf32, #tpu.memory_space<vmem_shared>> -> memref<79x64xf32, #tpu.memory_space<vmem_shared>>
      %dma_start3A_429 = arith.constant 0 : i32
      %dma_start3A_430 = tpu.memref_slice %arg10[%add3A_224, %dma_start3A_429] : memref<10112x64xf32, #tpu.memory_space<vmem_shared>> -> memref<79x64xf32, #tpu.memory_space<vmem_shared>>
      tpu.enqueue_dma source(%arg6 : memref<79x64xf32, #tpu.memory_space<vmem>>) target(%dma_start3A_430 : memref<79x64xf32, #tpu.memory_space<vmem_shared>>) target_semaphore(%run_scoped3A_427 : memref<!tpu.dma_semaphore, #tpu.memory_space<semaphore_mem>>)
      %dma_wait3A = arith.constant 0 : i32
      %dma_wait3A_431 = tpu.memref_slice %arg10[%add3A_224, %dma_wait3A] : memref<10112x64xf32, #tpu.memory_space<vmem_shared>> -> memref<79x64xf32, #tpu.memory_space<vmem_shared>>
      %dma_wait3A_432 = arith.constant 0 : i32
      %dma_wait3A_433 = tpu.memref_slice %arg10[%add3A_224, %dma_wait3A_432] : memref<10112x64xf32, #tpu.memory_space<vmem_shared>> -> memref<79x64xf32, #tpu.memory_space<vmem_shared>>
      tpu.wait_dma2 semaphore(%run_scoped3A_427 : memref<!tpu.dma_semaphore, #tpu.memory_space<semaphore_mem>>) src(%arg6 : memref<79x64xf32, #tpu.memory_space<vmem>>) dst(%dma_wait3A_433 : memref<79x64xf32, #tpu.memory_space<vmem_shared>>)
      tpu.yield
    }) : () -> ()
    %mul3A_225 = arith.constant 632 : i32
    %mul3A_226 = arith.muli %arg1, %mul3A_225 : i32
    %add3A_227 = arith.constant 79 : i32
    %add3A_228 = arith.addi %mul3A_226, %add3A_227 : i32
    "tpu.region"() ({
      %run_scoped3A_427 = tpu.sem_alloc : memref<!tpu.dma_semaphore, #tpu.memory_space<semaphore_mem>>
      %dma_start3A = arith.constant 0 : i32
      %dma_start3A_428 = tpu.memref_slice %arg10[%add3A_228, %dma_start3A] : memref<10112x64xf32, #tpu.memory_space<vmem_shared>> -> memref<79x64xf32, #tpu.memory_space<vmem_shared>>
      %dma_start3A_429 = arith.constant 0 : i32
      %dma_start3A_430 = tpu.memref_slice %arg10[%add3A_228, %dma_start3A_429] : memref<10112x64xf32, #tpu.memory_space<vmem_shared>> -> memref<79x64xf32, #tpu.memory_space<vmem_shared>>
      tpu.enqueue_dma source(%arg6 : memref<79x64xf32, #tpu.memory_space<vmem>>) target(%dma_start3A_430 : memref<79x64xf32, #tpu.memory_space<vmem_shared>>) target_semaphore(%run_scoped3A_427 : memref<!tpu.dma_semaphore, #tpu.memory_space<semaphore_mem>>)
      %dma_wait3A = arith.constant 0 : i32
      %dma_wait3A_431 = tpu.memref_slice %arg10[%add3A_228, %dma_wait3A] : memref<10112x64xf32, #tpu.memory_space<vmem_shared>> -> memref<79x64xf32, #tpu.memory_space<vmem_shared>>
      %dma_wait3A_432 = arith.constant 0 : i32
      %dma_wait3A_433 = tpu.memref_slice %arg10[%add3A_228, %dma_wait3A_432] : memref<10112x64xf32, #tpu.memory_space<vmem_shared>> -> memref<79x64xf32, #tpu.memory_space<vmem_shared>>
      tpu.wait_dma2 semaphore(%run_scoped3A_427 : memref<!tpu.dma_semaphore, #tpu.memory_space<semaphore_mem>>) src(%arg6 : memref<79x64xf32, #tpu.memory_space<vmem>>) dst(%dma_wait3A_433 : memref<79x64xf32, #tpu.memory_space<vmem_shared>>)
      tpu.yield
    }) : () -> ()
    %mul3A_229 = arith.constant 632 : i32
    %mul3A_230 = arith.muli %arg1, %mul3A_229 : i32
    %add3A_231 = arith.constant 158 : i32
    %add3A_232 = arith.addi %mul3A_230, %add3A_231 : i32
    "tpu.region"() ({
      %run_scoped3A_427 = tpu.sem_alloc : memref<!tpu.dma_semaphore, #tpu.memory_space<semaphore_mem>>
      %dma_start3A = arith.constant 0 : i32
      %dma_start3A_428 = tpu.memref_slice %arg10[%add3A_232, %dma_start3A] : memref<10112x64xf32, #tpu.memory_space<vmem_shared>> -> memref<79x64xf32, #tpu.memory_space<vmem_shared>>
      %dma_start3A_429 = arith.constant 0 : i32
      %dma_start3A_430 = tpu.memref_slice %arg10[%add3A_232, %dma_start3A_429] : memref<10112x64xf32, #tpu.memory_space<vmem_shared>> -> memref<79x64xf32, #tpu.memory_space<vmem_shared>>
      tpu.enqueue_dma source(%arg6 : memref<79x64xf32, #tpu.memory_space<vmem>>) target(%dma_start3A_430 : memref<79x64xf32, #tpu.memory_space<vmem_shared>>) target_semaphore(%run_scoped3A_427 : memref<!tpu.dma_semaphore, #tpu.memory_space<semaphore_mem>>)
      %dma_wait3A = arith.constant 0 : i32
      %dma_wait3A_431 = tpu.memref_slice %arg10[%add3A_232, %dma_wait3A] : memref<10112x64xf32, #tpu.memory_space<vmem_shared>> -> memref<79x64xf32, #tpu.memory_space<vmem_shared>>
      %dma_wait3A_432 = arith.constant 0 : i32
      %dma_wait3A_433 = tpu.memref_slice %arg10[%add3A_232, %dma_wait3A_432] : memref<10112x64xf32, #tpu.memory_space<vmem_shared>> -> memref<79x64xf32, #tpu.memory_space<vmem_shared>>
      tpu.wait_dma2 semaphore(%run_scoped3A_427 : memref<!tpu.dma_semaphore, #tpu.memory_space<semaphore_mem>>) src(%arg6 : memref<79x64xf32, #tpu.memory_space<vmem>>) dst(%dma_wait3A_433 : memref<79x64xf32, #tpu.memory_space<vmem_shared>>)
      tpu.yield
    }) : () -> ()
    %mul3A_233 = arith.constant 632 : i32
    %mul3A_234 = arith.muli %arg1, %mul3A_233 : i32
    %add3A_235 = arith.constant 237 : i32
    %add3A_236 = arith.addi %mul3A_234, %add3A_235 : i32
    "tpu.region"() ({
      %run_scoped3A_427 = tpu.sem_alloc : memref<!tpu.dma_semaphore, #tpu.memory_space<semaphore_mem>>
      %dma_start3A = arith.constant 0 : i32
      %dma_start3A_428 = tpu.memref_slice %arg10[%add3A_236, %dma_start3A] : memref<10112x64xf32, #tpu.memory_space<vmem_shared>> -> memref<79x64xf32, #tpu.memory_space<vmem_shared>>
      %dma_start3A_429 = arith.constant 0 : i32
      %dma_start3A_430 = tpu.memref_slice %arg10[%add3A_236, %dma_start3A_429] : memref<10112x64xf32, #tpu.memory_space<vmem_shared>> -> memref<79x64xf32, #tpu.memory_space<vmem_shared>>
      tpu.enqueue_dma source(%arg6 : memref<79x64xf32, #tpu.memory_space<vmem>>) target(%dma_start3A_430 : memref<79x64xf32, #tpu.memory_space<vmem_shared>>) target_semaphore(%run_scoped3A_427 : memref<!tpu.dma_semaphore, #tpu.memory_space<semaphore_mem>>)
      %dma_wait3A = arith.constant 0 : i32
      %dma_wait3A_431 = tpu.memref_slice %arg10[%add3A_236, %dma_wait3A] : memref<10112x64xf32, #tpu.memory_space<vmem_shared>> -> memref<79x64xf32, #tpu.memory_space<vmem_shared>>
      %dma_wait3A_432 = arith.constant 0 : i32
      %dma_wait3A_433 = tpu.memref_slice %arg10[%add3A_236, %dma_wait3A_432] : memref<10112x64xf32, #tpu.memory_space<vmem_shared>> -> memref<79x64xf32, #tpu.memory_space<vmem_shared>>
      tpu.wait_dma2 semaphore(%run_scoped3A_427 : memref<!tpu.dma_semaphore, #tpu.memory_space<semaphore_mem>>) src(%arg6 : memref<79x64xf32, #tpu.memory_space<vmem>>) dst(%dma_wait3A_433 : memref<79x64xf32, #tpu.memory_space<vmem_shared>>)
      tpu.yield
    }) : () -> ()
    %mul3A_237 = arith.constant 632 : i32
    %mul3A_238 = arith.muli %arg1, %mul3A_237 : i32
    %add3A_239 = arith.constant 316 : i32
    %add3A_240 = arith.addi %mul3A_238, %add3A_239 : i32
    "tpu.region"() ({
      %run_scoped3A_427 = tpu.sem_alloc : memref<!tpu.dma_semaphore, #tpu.memory_space<semaphore_mem>>
      %dma_start3A = arith.constant 0 : i32
      %dma_start3A_428 = tpu.memref_slice %arg10[%add3A_240, %dma_start3A] : memref<10112x64xf32, #tpu.memory_space<vmem_shared>> -> memref<79x64xf32, #tpu.memory_space<vmem_shared>>
      %dma_start3A_429 = arith.constant 0 : i32
      %dma_start3A_430 = tpu.memref_slice %arg10[%add3A_240, %dma_start3A_429] : memref<10112x64xf32, #tpu.memory_space<vmem_shared>> -> memref<79x64xf32, #tpu.memory_space<vmem_shared>>
      tpu.enqueue_dma source(%arg6 : memref<79x64xf32, #tpu.memory_space<vmem>>) target(%dma_start3A_430 : memref<79x64xf32, #tpu.memory_space<vmem_shared>>) target_semaphore(%run_scoped3A_427 : memref<!tpu.dma_semaphore, #tpu.memory_space<semaphore_mem>>)
      %dma_wait3A = arith.constant 0 : i32
      %dma_wait3A_431 = tpu.memref_slice %arg10[%add3A_240, %dma_wait3A] : memref<10112x64xf32, #tpu.memory_space<vmem_shared>> -> memref<79x64xf32, #tpu.memory_space<vmem_shared>>
      %dma_wait3A_432 = arith.constant 0 : i32
      %dma_wait3A_433 = tpu.memref_slice %arg10[%add3A_240, %dma_wait3A_432] : memref<10112x64xf32, #tpu.memory_space<vmem_shared>> -> memref<79x64xf32, #tpu.memory_space<vmem_shared>>
      tpu.wait_dma2 semaphore(%run_scoped3A_427 : memref<!tpu.dma_semaphore, #tpu.memory_space<semaphore_mem>>) src(%arg6 : memref<79x64xf32, #tpu.memory_space<vmem>>) dst(%dma_wait3A_433 : memref<79x64xf32, #tpu.memory_space<vmem_shared>>)
      tpu.yield
    }) : () -> ()
    %mul3A_241 = arith.constant 632 : i32
    %mul3A_242 = arith.muli %arg1, %mul3A_241 : i32
    %add3A_243 = arith.constant 395 : i32
    %add3A_244 = arith.addi %mul3A_242, %add3A_243 : i32
    "tpu.region"() ({
      %run_scoped3A_427 = tpu.sem_alloc : memref<!tpu.dma_semaphore, #tpu.memory_space<semaphore_mem>>
      %dma_start3A = arith.constant 0 : i32
      %dma_start3A_428 = tpu.memref_slice %arg10[%add3A_244, %dma_start3A] : memref<10112x64xf32, #tpu.memory_space<vmem_shared>> -> memref<79x64xf32, #tpu.memory_space<vmem_shared>>
      %dma_start3A_429 = arith.constant 0 : i32
      %dma_start3A_430 = tpu.memref_slice %arg10[%add3A_244, %dma_start3A_429] : memref<10112x64xf32, #tpu.memory_space<vmem_shared>> -> memref<79x64xf32, #tpu.memory_space<vmem_shared>>
      tpu.enqueue_dma source(%arg6 : memref<79x64xf32, #tpu.memory_space<vmem>>) target(%dma_start3A_430 : memref<79x64xf32, #tpu.memory_space<vmem_shared>>) target_semaphore(%run_scoped3A_427 : memref<!tpu.dma_semaphore, #tpu.memory_space<semaphore_mem>>)
      %dma_wait3A = arith.constant 0 : i32
      %dma_wait3A_431 = tpu.memref_slice %arg10[%add3A_244, %dma_wait3A] : memref<10112x64xf32, #tpu.memory_space<vmem_shared>> -> memref<79x64xf32, #tpu.memory_space<vmem_shared>>
      %dma_wait3A_432 = arith.constant 0 : i32
      %dma_wait3A_433 = tpu.memref_slice %arg10[%add3A_244, %dma_wait3A_432] : memref<10112x64xf32, #tpu.memory_space<vmem_shared>> -> memref<79x64xf32, #tpu.memory_space<vmem_shared>>
      tpu.wait_dma2 semaphore(%run_scoped3A_427 : memref<!tpu.dma_semaphore, #tpu.memory_space<semaphore_mem>>) src(%arg6 : memref<79x64xf32, #tpu.memory_space<vmem>>) dst(%dma_wait3A_433 : memref<79x64xf32, #tpu.memory_space<vmem_shared>>)
      tpu.yield
    }) : () -> ()
    %mul3A_245 = arith.constant 632 : i32
    %mul3A_246 = arith.muli %arg1, %mul3A_245 : i32
    %add3A_247 = arith.constant 474 : i32
    %add3A_248 = arith.addi %mul3A_246, %add3A_247 : i32
    "tpu.region"() ({
      %run_scoped3A_427 = tpu.sem_alloc : memref<!tpu.dma_semaphore, #tpu.memory_space<semaphore_mem>>
      %dma_start3A = arith.constant 0 : i32
      %dma_start3A_428 = tpu.memref_slice %arg10[%add3A_248, %dma_start3A] : memref<10112x64xf32, #tpu.memory_space<vmem_shared>> -> memref<79x64xf32, #tpu.memory_space<vmem_shared>>
      %dma_start3A_429 = arith.constant 0 : i32
      %dma_start3A_430 = tpu.memref_slice %arg10[%add3A_248, %dma_start3A_429] : memref<10112x64xf32, #tpu.memory_space<vmem_shared>> -> memref<79x64xf32, #tpu.memory_space<vmem_shared>>
      tpu.enqueue_dma source(%arg6 : memref<79x64xf32, #tpu.memory_space<vmem>>) target(%dma_start3A_430 : memref<79x64xf32, #tpu.memory_space<vmem_shared>>) target_semaphore(%run_scoped3A_427 : memref<!tpu.dma_semaphore, #tpu.memory_space<semaphore_mem>>)
      %dma_wait3A = arith.constant 0 : i32
      %dma_wait3A_431 = tpu.memref_slice %arg10[%add3A_248, %dma_wait3A] : memref<10112x64xf32, #tpu.memory_space<vmem_shared>> -> memref<79x64xf32, #tpu.memory_space<vmem_shared>>
      %dma_wait3A_432 = arith.constant 0 : i32
      %dma_wait3A_433 = tpu.memref_slice %arg10[%add3A_248, %dma_wait3A_432] : memref<10112x64xf32, #tpu.memory_space<vmem_shared>> -> memref<79x64xf32, #tpu.memory_space<vmem_shared>>
      tpu.wait_dma2 semaphore(%run_scoped3A_427 : memref<!tpu.dma_semaphore, #tpu.memory_space<semaphore_mem>>) src(%arg6 : memref<79x64xf32, #tpu.memory_space<vmem>>) dst(%dma_wait3A_433 : memref<79x64xf32, #tpu.memory_space<vmem_shared>>)
      tpu.yield
    }) : () -> ()
    %mul3A_249 = arith.constant 632 : i32
    %mul3A_250 = arith.muli %arg1, %mul3A_249 : i32
    %add3A_251 = arith.constant 553 : i32
    %add3A_252 = arith.addi %mul3A_250, %add3A_251 : i32
    "tpu.region"() ({
      %run_scoped3A_427 = tpu.sem_alloc : memref<!tpu.dma_semaphore, #tpu.memory_space<semaphore_mem>>
      %dma_start3A = arith.constant 0 : i32
      %dma_start3A_428 = tpu.memref_slice %arg10[%add3A_252, %dma_start3A] : memref<10112x64xf32, #tpu.memory_space<vmem_shared>> -> memref<79x64xf32, #tpu.memory_space<vmem_shared>>
      %dma_start3A_429 = arith.constant 0 : i32
      %dma_start3A_430 = tpu.memref_slice %arg10[%add3A_252, %dma_start3A_429] : memref<10112x64xf32, #tpu.memory_space<vmem_shared>> -> memref<79x64xf32, #tpu.memory_space<vmem_shared>>
      tpu.enqueue_dma source(%arg6 : memref<79x64xf32, #tpu.memory_space<vmem>>) target(%dma_start3A_430 : memref<79x64xf32, #tpu.memory_space<vmem_shared>>) target_semaphore(%run_scoped3A_427 : memref<!tpu.dma_semaphore, #tpu.memory_space<semaphore_mem>>)
      %dma_wait3A = arith.constant 0 : i32
      %dma_wait3A_431 = tpu.memref_slice %arg10[%add3A_252, %dma_wait3A] : memref<10112x64xf32, #tpu.memory_space<vmem_shared>> -> memref<79x64xf32, #tpu.memory_space<vmem_shared>>
      %dma_wait3A_432 = arith.constant 0 : i32
      %dma_wait3A_433 = tpu.memref_slice %arg10[%add3A_252, %dma_wait3A_432] : memref<10112x64xf32, #tpu.memory_space<vmem_shared>> -> memref<79x64xf32, #tpu.memory_space<vmem_shared>>
      tpu.wait_dma2 semaphore(%run_scoped3A_427 : memref<!tpu.dma_semaphore, #tpu.memory_space<semaphore_mem>>) src(%arg6 : memref<79x64xf32, #tpu.memory_space<vmem>>) dst(%dma_wait3A_433 : memref<79x64xf32, #tpu.memory_space<vmem_shared>>)
      tpu.yield
    }) : () -> ()
    %barrier3A_253 = arith.constant 0 : index
    tpu.barrier barrier_id(%barrier3A_253)
    %scan3A_254 = arith.constant 0 : i32
    %scan3A_255 = arith.constant 16 : i32
    %scan3A_256 = arith.addi %scan3A_254, %scan3A_255 : i32
    %scan3A_257 = arith.constant 1 : i32
    scf.for %scan3A_427 = %scan3A_254 to %scan3A_256 step %scan3A_257  : i32 {
      %mul3A_428 = arith.constant 1 : i32
      %mul3A_429 = arith.muli %scan3A_427, %mul3A_428 : i32
      %add3A_430 = arith.constant 0 : i32
      %add3A_431 = arith.addi %add3A_430, %mul3A_429 : i32
      %mul3A_432 = arith.constant 5 : i32
      %mul3A_433 = arith.muli %add3A_431, %mul3A_432 : i32
      %add3A_434 = arith.constant 0 : i32
      %add3A_435 = arith.addi %mul3A_433, %add3A_434 : i32
      %dma_start3A = arith.constant 0 : i32
      %dma_start3A_436 = arith.constant 0 : i32
      %dma_start3A_437 = arith.constant 0 : i32
      %dma_start3A_438 = tpu.memref_slice %arg9[%dma_start3A, %dma_start3A_436, %dma_start3A_437] : memref<5x128x64xf32, #tpu.memory_space<vmem>> -> memref<1x128x64xf32, #tpu.memory_space<vmem>>
      %dma_start3A_439 = tpu.memref_squeeze %dma_start3A_438 : memref<1x128x64xf32, #tpu.memory_space<vmem>> -> memref<128x64xf32, #tpu.memory_space<vmem>>
      %dma_start3A_440 = arith.constant 0 : i32
      %dma_start3A_441 = tpu.memref_slice %arg7[%add3A_435, %dma_start3A_440] : memref<80x128xi32, #tpu.memory_space<vmem>> -> memref<1x128xi32, #tpu.memory_space<vmem>>
      %dma_start3A_442 = tpu.memref_squeeze %dma_start3A_441 : memref<1x128xi32, #tpu.memory_space<vmem>> -> memref<128xi32, #tpu.memory_space<vmem>>
      %dma_start3A_443 = arith.constant 0 : i32
      %dma_start3A_444 = arith.constant 0 : i32
      %dma_start3A_445 = tpu.memref_slice %arg2[%dma_start3A_443, %dma_start3A_444] : memref<80000x64xf32, #tpu.memory_space<hbm>> -> memref<80000x64xf32, #tpu.memory_space<hbm>>
      tpu.enqueue_indirect_dma source(%dma_start3A_445 : memref<80000x64xf32, #tpu.memory_space<hbm>>) target(%dma_start3A_439 : memref<128x64xf32, #tpu.memory_space<vmem>>) offsets(%dma_start3A_442 : memref<128xi32, #tpu.memory_space<vmem>>) semaphore(%arg11 : memref<!tpu.dma_semaphore, #tpu.memory_space<semaphore_mem>>)
      %mul3A_446 = arith.constant 5 : i32
      %mul3A_447 = arith.muli %add3A_431, %mul3A_446 : i32
      %add3A_448 = arith.constant 1 : i32
      %add3A_449 = arith.addi %mul3A_447, %add3A_448 : i32
      %dma_start3A_450 = arith.constant 1 : i32
      %dma_start3A_451 = arith.constant 0 : i32
      %dma_start3A_452 = arith.constant 0 : i32
      %dma_start3A_453 = tpu.memref_slice %arg9[%dma_start3A_450, %dma_start3A_451, %dma_start3A_452] : memref<5x128x64xf32, #tpu.memory_space<vmem>> -> memref<1x128x64xf32, #tpu.memory_space<vmem>>
      %dma_start3A_454 = tpu.memref_squeeze %dma_start3A_453 : memref<1x128x64xf32, #tpu.memory_space<vmem>> -> memref<128x64xf32, #tpu.memory_space<vmem>>
      %dma_start3A_455 = arith.constant 0 : i32
      %dma_start3A_456 = tpu.memref_slice %arg7[%add3A_449, %dma_start3A_455] : memref<80x128xi32, #tpu.memory_space<vmem>> -> memref<1x128xi32, #tpu.memory_space<vmem>>
      %dma_start3A_457 = tpu.memref_squeeze %dma_start3A_456 : memref<1x128xi32, #tpu.memory_space<vmem>> -> memref<128xi32, #tpu.memory_space<vmem>>
      %dma_start3A_458 = arith.constant 0 : i32
      %dma_start3A_459 = arith.constant 0 : i32
      %dma_start3A_460 = tpu.memref_slice %arg2[%dma_start3A_458, %dma_start3A_459] : memref<80000x64xf32, #tpu.memory_space<hbm>> -> memref<80000x64xf32, #tpu.memory_space<hbm>>
      tpu.enqueue_indirect_dma source(%dma_start3A_460 : memref<80000x64xf32, #tpu.memory_space<hbm>>) target(%dma_start3A_454 : memref<128x64xf32, #tpu.memory_space<vmem>>) offsets(%dma_start3A_457 : memref<128xi32, #tpu.memory_space<vmem>>) semaphore(%arg11 : memref<!tpu.dma_semaphore, #tpu.memory_space<semaphore_mem>>)
      %mul3A_461 = arith.constant 5 : i32
      %mul3A_462 = arith.muli %add3A_431, %mul3A_461 : i32
      %add3A_463 = arith.constant 2 : i32
      %add3A_464 = arith.addi %mul3A_462, %add3A_463 : i32
      %dma_start3A_465 = arith.constant 2 : i32
      %dma_start3A_466 = arith.constant 0 : i32
      %dma_start3A_467 = arith.constant 0 : i32
      %dma_start3A_468 = tpu.memref_slice %arg9[%dma_start3A_465, %dma_start3A_466, %dma_start3A_467] : memref<5x128x64xf32, #tpu.memory_space<vmem>> -> memref<1x128x64xf32, #tpu.memory_space<vmem>>
      %dma_start3A_469 = tpu.memref_squeeze %dma_start3A_468 : memref<1x128x64xf32, #tpu.memory_space<vmem>> -> memref<128x64xf32, #tpu.memory_space<vmem>>
      %dma_start3A_470 = arith.constant 0 : i32
      %dma_start3A_471 = tpu.memref_slice %arg7[%add3A_464, %dma_start3A_470] : memref<80x128xi32, #tpu.memory_space<vmem>> -> memref<1x128xi32, #tpu.memory_space<vmem>>
      %dma_start3A_472 = tpu.memref_squeeze %dma_start3A_471 : memref<1x128xi32, #tpu.memory_space<vmem>> -> memref<128xi32, #tpu.memory_space<vmem>>
      %dma_start3A_473 = arith.constant 0 : i32
      %dma_start3A_474 = arith.constant 0 : i32
      %dma_start3A_475 = tpu.memref_slice %arg2[%dma_start3A_473, %dma_start3A_474] : memref<80000x64xf32, #tpu.memory_space<hbm>> -> memref<80000x64xf32, #tpu.memory_space<hbm>>
      tpu.enqueue_indirect_dma source(%dma_start3A_475 : memref<80000x64xf32, #tpu.memory_space<hbm>>) target(%dma_start3A_469 : memref<128x64xf32, #tpu.memory_space<vmem>>) offsets(%dma_start3A_472 : memref<128xi32, #tpu.memory_space<vmem>>) semaphore(%arg11 : memref<!tpu.dma_semaphore, #tpu.memory_space<semaphore_mem>>)
      %mul3A_476 = arith.constant 5 : i32
      %mul3A_477 = arith.muli %add3A_431, %mul3A_476 : i32
      %add3A_478 = arith.constant 3 : i32
      %add3A_479 = arith.addi %mul3A_477, %add3A_478 : i32
      %dma_start3A_480 = arith.constant 3 : i32
      %dma_start3A_481 = arith.constant 0 : i32
      %dma_start3A_482 = arith.constant 0 : i32
      %dma_start3A_483 = tpu.memref_slice %arg9[%dma_start3A_480, %dma_start3A_481, %dma_start3A_482] : memref<5x128x64xf32, #tpu.memory_space<vmem>> -> memref<1x128x64xf32, #tpu.memory_space<vmem>>
      %dma_start3A_484 = tpu.memref_squeeze %dma_start3A_483 : memref<1x128x64xf32, #tpu.memory_space<vmem>> -> memref<128x64xf32, #tpu.memory_space<vmem>>
      %dma_start3A_485 = arith.constant 0 : i32
      %dma_start3A_486 = tpu.memref_slice %arg7[%add3A_479, %dma_start3A_485] : memref<80x128xi32, #tpu.memory_space<vmem>> -> memref<1x128xi32, #tpu.memory_space<vmem>>
      %dma_start3A_487 = tpu.memref_squeeze %dma_start3A_486 : memref<1x128xi32, #tpu.memory_space<vmem>> -> memref<128xi32, #tpu.memory_space<vmem>>
      %dma_start3A_488 = arith.constant 0 : i32
      %dma_start3A_489 = arith.constant 0 : i32
      %dma_start3A_490 = tpu.memref_slice %arg2[%dma_start3A_488, %dma_start3A_489] : memref<80000x64xf32, #tpu.memory_space<hbm>> -> memref<80000x64xf32, #tpu.memory_space<hbm>>
      tpu.enqueue_indirect_dma source(%dma_start3A_490 : memref<80000x64xf32, #tpu.memory_space<hbm>>) target(%dma_start3A_484 : memref<128x64xf32, #tpu.memory_space<vmem>>) offsets(%dma_start3A_487 : memref<128xi32, #tpu.memory_space<vmem>>) semaphore(%arg11 : memref<!tpu.dma_semaphore, #tpu.memory_space<semaphore_mem>>)
      %mul3A_491 = arith.constant 5 : i32
      %mul3A_492 = arith.muli %add3A_431, %mul3A_491 : i32
      %add3A_493 = arith.constant 4 : i32
      %add3A_494 = arith.addi %mul3A_492, %add3A_493 : i32
      %dma_start3A_495 = arith.constant 4 : i32
      %dma_start3A_496 = arith.constant 0 : i32
      %dma_start3A_497 = arith.constant 0 : i32
      %dma_start3A_498 = tpu.memref_slice %arg9[%dma_start3A_495, %dma_start3A_496, %dma_start3A_497] : memref<5x128x64xf32, #tpu.memory_space<vmem>> -> memref<1x128x64xf32, #tpu.memory_space<vmem>>
      %dma_start3A_499 = tpu.memref_squeeze %dma_start3A_498 : memref<1x128x64xf32, #tpu.memory_space<vmem>> -> memref<128x64xf32, #tpu.memory_space<vmem>>
      %dma_start3A_500 = arith.constant 0 : i32
      %dma_start3A_501 = tpu.memref_slice %arg7[%add3A_494, %dma_start3A_500] : memref<80x128xi32, #tpu.memory_space<vmem>> -> memref<1x128xi32, #tpu.memory_space<vmem>>
      %dma_start3A_502 = tpu.memref_squeeze %dma_start3A_501 : memref<1x128xi32, #tpu.memory_space<vmem>> -> memref<128xi32, #tpu.memory_space<vmem>>
      %dma_start3A_503 = arith.constant 0 : i32
      %dma_start3A_504 = arith.constant 0 : i32
      %dma_start3A_505 = tpu.memref_slice %arg2[%dma_start3A_503, %dma_start3A_504] : memref<80000x64xf32, #tpu.memory_space<hbm>> -> memref<80000x64xf32, #tpu.memory_space<hbm>>
      tpu.enqueue_indirect_dma source(%dma_start3A_505 : memref<80000x64xf32, #tpu.memory_space<hbm>>) target(%dma_start3A_499 : memref<128x64xf32, #tpu.memory_space<vmem>>) offsets(%dma_start3A_502 : memref<128xi32, #tpu.memory_space<vmem>>) semaphore(%arg11 : memref<!tpu.dma_semaphore, #tpu.memory_space<semaphore_mem>>)
      %dma_wait3A = arith.constant 0 : i32
      %dma_wait3A_506 = arith.constant 0 : i32
      %dma_wait3A_507 = arith.constant 0 : i32
      %dma_wait3A_508 = tpu.memref_slice %arg9[%dma_wait3A, %dma_wait3A_506, %dma_wait3A_507] : memref<5x128x64xf32, #tpu.memory_space<vmem>> -> memref<1x128x64xf32, #tpu.memory_space<vmem>>
      %dma_wait3A_509 = tpu.memref_squeeze %dma_wait3A_508 : memref<1x128x64xf32, #tpu.memory_space<vmem>> -> memref<128x64xf32, #tpu.memory_space<vmem>>
      %dma_wait3A_510 = arith.constant 0 : i32
      %dma_wait3A_511 = tpu.memref_slice %arg7[%add3A_435, %dma_wait3A_510] : memref<80x128xi32, #tpu.memory_space<vmem>> -> memref<1x128xi32, #tpu.memory_space<vmem>>
      %dma_wait3A_512 = tpu.memref_squeeze %dma_wait3A_511 : memref<1x128xi32, #tpu.memory_space<vmem>> -> memref<128xi32, #tpu.memory_space<vmem>>
      %dma_wait3A_513 = arith.constant 0 : i32
      %dma_wait3A_514 = arith.constant 0 : i32
      %dma_wait3A_515 = tpu.memref_slice %arg2[%dma_wait3A_513, %dma_wait3A_514] : memref<80000x64xf32, #tpu.memory_space<hbm>> -> memref<80000x64xf32, #tpu.memory_space<hbm>>
      tpu.wait_indirect_dma semaphore(%arg11 : memref<!tpu.dma_semaphore, #tpu.memory_space<semaphore_mem>>) src(%dma_wait3A_515 : memref<80000x64xf32, #tpu.memory_space<hbm>>) dst(%dma_wait3A_509 : memref<128x64xf32, #tpu.memory_space<vmem>>)
      %dma_wait3A_516 = arith.constant 1 : i32
      %dma_wait3A_517 = arith.constant 0 : i32
      %dma_wait3A_518 = arith.constant 0 : i32
      %dma_wait3A_519 = tpu.memref_slice %arg9[%dma_wait3A_516, %dma_wait3A_517, %dma_wait3A_518] : memref<5x128x64xf32, #tpu.memory_space<vmem>> -> memref<1x128x64xf32, #tpu.memory_space<vmem>>
      %dma_wait3A_520 = tpu.memref_squeeze %dma_wait3A_519 : memref<1x128x64xf32, #tpu.memory_space<vmem>> -> memref<128x64xf32, #tpu.memory_space<vmem>>
      %dma_wait3A_521 = arith.constant 0 : i32
      %dma_wait3A_522 = tpu.memref_slice %arg7[%add3A_449, %dma_wait3A_521] : memref<80x128xi32, #tpu.memory_space<vmem>> -> memref<1x128xi32, #tpu.memory_space<vmem>>
      %dma_wait3A_523 = tpu.memref_squeeze %dma_wait3A_522 : memref<1x128xi32, #tpu.memory_space<vmem>> -> memref<128xi32, #tpu.memory_space<vmem>>
      %dma_wait3A_524 = arith.constant 0 : i32
      %dma_wait3A_525 = arith.constant 0 : i32
      %dma_wait3A_526 = tpu.memref_slice %arg2[%dma_wait3A_524, %dma_wait3A_525] : memref<80000x64xf32, #tpu.memory_space<hbm>> -> memref<80000x64xf32, #tpu.memory_space<hbm>>
      tpu.wait_indirect_dma semaphore(%arg11 : memref<!tpu.dma_semaphore, #tpu.memory_space<semaphore_mem>>) src(%dma_wait3A_526 : memref<80000x64xf32, #tpu.memory_space<hbm>>) dst(%dma_wait3A_520 : memref<128x64xf32, #tpu.memory_space<vmem>>)
      %dma_wait3A_527 = arith.constant 2 : i32
      %dma_wait3A_528 = arith.constant 0 : i32
      %dma_wait3A_529 = arith.constant 0 : i32
      %dma_wait3A_530 = tpu.memref_slice %arg9[%dma_wait3A_527, %dma_wait3A_528, %dma_wait3A_529] : memref<5x128x64xf32, #tpu.memory_space<vmem>> -> memref<1x128x64xf32, #tpu.memory_space<vmem>>
      %dma_wait3A_531 = tpu.memref_squeeze %dma_wait3A_530 : memref<1x128x64xf32, #tpu.memory_space<vmem>> -> memref<128x64xf32, #tpu.memory_space<vmem>>
      %dma_wait3A_532 = arith.constant 0 : i32
      %dma_wait3A_533 = tpu.memref_slice %arg7[%add3A_464, %dma_wait3A_532] : memref<80x128xi32, #tpu.memory_space<vmem>> -> memref<1x128xi32, #tpu.memory_space<vmem>>
      %dma_wait3A_534 = tpu.memref_squeeze %dma_wait3A_533 : memref<1x128xi32, #tpu.memory_space<vmem>> -> memref<128xi32, #tpu.memory_space<vmem>>
      %dma_wait3A_535 = arith.constant 0 : i32
      %dma_wait3A_536 = arith.constant 0 : i32
      %dma_wait3A_537 = tpu.memref_slice %arg2[%dma_wait3A_535, %dma_wait3A_536] : memref<80000x64xf32, #tpu.memory_space<hbm>> -> memref<80000x64xf32, #tpu.memory_space<hbm>>
      tpu.wait_indirect_dma semaphore(%arg11 : memref<!tpu.dma_semaphore, #tpu.memory_space<semaphore_mem>>) src(%dma_wait3A_537 : memref<80000x64xf32, #tpu.memory_space<hbm>>) dst(%dma_wait3A_531 : memref<128x64xf32, #tpu.memory_space<vmem>>)
      %dma_wait3A_538 = arith.constant 3 : i32
      %dma_wait3A_539 = arith.constant 0 : i32
      %dma_wait3A_540 = arith.constant 0 : i32
      %dma_wait3A_541 = tpu.memref_slice %arg9[%dma_wait3A_538, %dma_wait3A_539, %dma_wait3A_540] : memref<5x128x64xf32, #tpu.memory_space<vmem>> -> memref<1x128x64xf32, #tpu.memory_space<vmem>>
      %dma_wait3A_542 = tpu.memref_squeeze %dma_wait3A_541 : memref<1x128x64xf32, #tpu.memory_space<vmem>> -> memref<128x64xf32, #tpu.memory_space<vmem>>
      %dma_wait3A_543 = arith.constant 0 : i32
      %dma_wait3A_544 = tpu.memref_slice %arg7[%add3A_479, %dma_wait3A_543] : memref<80x128xi32, #tpu.memory_space<vmem>> -> memref<1x128xi32, #tpu.memory_space<vmem>>
      %dma_wait3A_545 = tpu.memref_squeeze %dma_wait3A_544 : memref<1x128xi32, #tpu.memory_space<vmem>> -> memref<128xi32, #tpu.memory_space<vmem>>
      %dma_wait3A_546 = arith.constant 0 : i32
      %dma_wait3A_547 = arith.constant 0 : i32
      %dma_wait3A_548 = tpu.memref_slice %arg2[%dma_wait3A_546, %dma_wait3A_547] : memref<80000x64xf32, #tpu.memory_space<hbm>> -> memref<80000x64xf32, #tpu.memory_space<hbm>>
      tpu.wait_indirect_dma semaphore(%arg11 : memref<!tpu.dma_semaphore, #tpu.memory_space<semaphore_mem>>) src(%dma_wait3A_548 : memref<80000x64xf32, #tpu.memory_space<hbm>>) dst(%dma_wait3A_542 : memref<128x64xf32, #tpu.memory_space<vmem>>)
      %dma_wait3A_549 = arith.constant 4 : i32
      %dma_wait3A_550 = arith.constant 0 : i32
      %dma_wait3A_551 = arith.constant 0 : i32
      %dma_wait3A_552 = tpu.memref_slice %arg9[%dma_wait3A_549, %dma_wait3A_550, %dma_wait3A_551] : memref<5x128x64xf32, #tpu.memory_space<vmem>> -> memref<1x128x64xf32, #tpu.memory_space<vmem>>
      %dma_wait3A_553 = tpu.memref_squeeze %dma_wait3A_552 : memref<1x128x64xf32, #tpu.memory_space<vmem>> -> memref<128x64xf32, #tpu.memory_space<vmem>>
      %dma_wait3A_554 = arith.constant 0 : i32
      %dma_wait3A_555 = tpu.memref_slice %arg7[%add3A_494, %dma_wait3A_554] : memref<80x128xi32, #tpu.memory_space<vmem>> -> memref<1x128xi32, #tpu.memory_space<vmem>>
      %dma_wait3A_556 = tpu.memref_squeeze %dma_wait3A_555 : memref<1x128xi32, #tpu.memory_space<vmem>> -> memref<128xi32, #tpu.memory_space<vmem>>
      %dma_wait3A_557 = arith.constant 0 : i32
      %dma_wait3A_558 = arith.constant 0 : i32
      %dma_wait3A_559 = tpu.memref_slice %arg2[%dma_wait3A_557, %dma_wait3A_558] : memref<80000x64xf32, #tpu.memory_space<hbm>> -> memref<80000x64xf32, #tpu.memory_space<hbm>>
      tpu.wait_indirect_dma semaphore(%arg11 : memref<!tpu.dma_semaphore, #tpu.memory_space<semaphore_mem>>) src(%dma_wait3A_559 : memref<80000x64xf32, #tpu.memory_space<hbm>>) dst(%dma_wait3A_553 : memref<128x64xf32, #tpu.memory_space<vmem>>)
      %mul3A_560 = arith.constant 5 : i32
      %mul3A_561 = arith.muli %add3A_431, %mul3A_560 : i32
      %add3A_562 = arith.constant 0 : i32
      %add3A_563 = arith.addi %mul3A_561, %add3A_562 : i32
      %dma_start3A_564 = arith.constant 0 : i32
      %dma_start3A_565 = arith.constant 0 : i32
      %dma_start3A_566 = arith.constant 0 : i32
      %dma_start3A_567 = tpu.memref_slice %arg9[%dma_start3A_564, %dma_start3A_565, %dma_start3A_566] : memref<5x128x64xf32, #tpu.memory_space<vmem>> -> memref<1x128x64xf32, #tpu.memory_space<vmem>>
      %dma_start3A_568 = tpu.memref_squeeze %dma_start3A_567 : memref<1x128x64xf32, #tpu.memory_space<vmem>> -> memref<128x64xf32, #tpu.memory_space<vmem>>
      %dma_start3A_569 = arith.constant 0 : i32
      %dma_start3A_570 = tpu.memref_slice %arg8[%add3A_563, %dma_start3A_569] : memref<80x128xi32, #tpu.memory_space<vmem>> -> memref<1x128xi32, #tpu.memory_space<vmem>>
      %dma_start3A_571 = tpu.memref_squeeze %dma_start3A_570 : memref<1x128xi32, #tpu.memory_space<vmem>> -> memref<128xi32, #tpu.memory_space<vmem>>
      %dma_start3A_572 = arith.constant 0 : i32
      %dma_start3A_573 = arith.constant 0 : i32
      %dma_start3A_574 = tpu.memref_slice %arg10[%dma_start3A_572, %dma_start3A_573] : memref<10112x64xf32, #tpu.memory_space<vmem_shared>> -> memref<10112x64xf32, #tpu.memory_space<vmem_shared>>
      tpu.enqueue_indirect_dma source(%dma_start3A_568 : memref<128x64xf32, #tpu.memory_space<vmem>>) target(%dma_start3A_574 : memref<10112x64xf32, #tpu.memory_space<vmem_shared>>) offsets(%dma_start3A_571 : memref<128xi32, #tpu.memory_space<vmem>>) semaphore(%arg12 : memref<!tpu.dma_semaphore, #tpu.memory_space<semaphore_mem>>) {add = true}
      %mul3A_575 = arith.constant 5 : i32
      %mul3A_576 = arith.muli %add3A_431, %mul3A_575 : i32
      %add3A_577 = arith.constant 1 : i32
      %add3A_578 = arith.addi %mul3A_576, %add3A_577 : i32
      %dma_start3A_579 = arith.constant 1 : i32
      %dma_start3A_580 = arith.constant 0 : i32
      %dma_start3A_581 = arith.constant 0 : i32
      %dma_start3A_582 = tpu.memref_slice %arg9[%dma_start3A_579, %dma_start3A_580, %dma_start3A_581] : memref<5x128x64xf32, #tpu.memory_space<vmem>> -> memref<1x128x64xf32, #tpu.memory_space<vmem>>
      %dma_start3A_583 = tpu.memref_squeeze %dma_start3A_582 : memref<1x128x64xf32, #tpu.memory_space<vmem>> -> memref<128x64xf32, #tpu.memory_space<vmem>>
      %dma_start3A_584 = arith.constant 0 : i32
      %dma_start3A_585 = tpu.memref_slice %arg8[%add3A_578, %dma_start3A_584] : memref<80x128xi32, #tpu.memory_space<vmem>> -> memref<1x128xi32, #tpu.memory_space<vmem>>
      %dma_start3A_586 = tpu.memref_squeeze %dma_start3A_585 : memref<1x128xi32, #tpu.memory_space<vmem>> -> memref<128xi32, #tpu.memory_space<vmem>>
      %dma_start3A_587 = arith.constant 0 : i32
      %dma_start3A_588 = arith.constant 0 : i32
      %dma_start3A_589 = tpu.memref_slice %arg10[%dma_start3A_587, %dma_start3A_588] : memref<10112x64xf32, #tpu.memory_space<vmem_shared>> -> memref<10112x64xf32, #tpu.memory_space<vmem_shared>>
      tpu.enqueue_indirect_dma source(%dma_start3A_583 : memref<128x64xf32, #tpu.memory_space<vmem>>) target(%dma_start3A_589 : memref<10112x64xf32, #tpu.memory_space<vmem_shared>>) offsets(%dma_start3A_586 : memref<128xi32, #tpu.memory_space<vmem>>) semaphore(%arg12 : memref<!tpu.dma_semaphore, #tpu.memory_space<semaphore_mem>>) {add = true}
      %mul3A_590 = arith.constant 5 : i32
      %mul3A_591 = arith.muli %add3A_431, %mul3A_590 : i32
      %add3A_592 = arith.constant 2 : i32
      %add3A_593 = arith.addi %mul3A_591, %add3A_592 : i32
      %dma_start3A_594 = arith.constant 2 : i32
      %dma_start3A_595 = arith.constant 0 : i32
      %dma_start3A_596 = arith.constant 0 : i32
      %dma_start3A_597 = tpu.memref_slice %arg9[%dma_start3A_594, %dma_start3A_595, %dma_start3A_596] : memref<5x128x64xf32, #tpu.memory_space<vmem>> -> memref<1x128x64xf32, #tpu.memory_space<vmem>>
      %dma_start3A_598 = tpu.memref_squeeze %dma_start3A_597 : memref<1x128x64xf32, #tpu.memory_space<vmem>> -> memref<128x64xf32, #tpu.memory_space<vmem>>
      %dma_start3A_599 = arith.constant 0 : i32
      %dma_start3A_600 = tpu.memref_slice %arg8[%add3A_593, %dma_start3A_599] : memref<80x128xi32, #tpu.memory_space<vmem>> -> memref<1x128xi32, #tpu.memory_space<vmem>>
      %dma_start3A_601 = tpu.memref_squeeze %dma_start3A_600 : memref<1x128xi32, #tpu.memory_space<vmem>> -> memref<128xi32, #tpu.memory_space<vmem>>
      %dma_start3A_602 = arith.constant 0 : i32
      %dma_start3A_603 = arith.constant 0 : i32
      %dma_start3A_604 = tpu.memref_slice %arg10[%dma_start3A_602, %dma_start3A_603] : memref<10112x64xf32, #tpu.memory_space<vmem_shared>> -> memref<10112x64xf32, #tpu.memory_space<vmem_shared>>
      tpu.enqueue_indirect_dma source(%dma_start3A_598 : memref<128x64xf32, #tpu.memory_space<vmem>>) target(%dma_start3A_604 : memref<10112x64xf32, #tpu.memory_space<vmem_shared>>) offsets(%dma_start3A_601 : memref<128xi32, #tpu.memory_space<vmem>>) semaphore(%arg12 : memref<!tpu.dma_semaphore, #tpu.memory_space<semaphore_mem>>) {add = true}
      %mul3A_605 = arith.constant 5 : i32
      %mul3A_606 = arith.muli %add3A_431, %mul3A_605 : i32
      %add3A_607 = arith.constant 3 : i32
      %add3A_608 = arith.addi %mul3A_606, %add3A_607 : i32
      %dma_start3A_609 = arith.constant 3 : i32
      %dma_start3A_610 = arith.constant 0 : i32
      %dma_start3A_611 = arith.constant 0 : i32
      %dma_start3A_612 = tpu.memref_slice %arg9[%dma_start3A_609, %dma_start3A_610, %dma_start3A_611] : memref<5x128x64xf32, #tpu.memory_space<vmem>> -> memref<1x128x64xf32, #tpu.memory_space<vmem>>
      %dma_start3A_613 = tpu.memref_squeeze %dma_start3A_612 : memref<1x128x64xf32, #tpu.memory_space<vmem>> -> memref<128x64xf32, #tpu.memory_space<vmem>>
      %dma_start3A_614 = arith.constant 0 : i32
      %dma_start3A_615 = tpu.memref_slice %arg8[%add3A_608, %dma_start3A_614] : memref<80x128xi32, #tpu.memory_space<vmem>> -> memref<1x128xi32, #tpu.memory_space<vmem>>
      %dma_start3A_616 = tpu.memref_squeeze %dma_start3A_615 : memref<1x128xi32, #tpu.memory_space<vmem>> -> memref<128xi32, #tpu.memory_space<vmem>>
      %dma_start3A_617 = arith.constant 0 : i32
      %dma_start3A_618 = arith.constant 0 : i32
      %dma_start3A_619 = tpu.memref_slice %arg10[%dma_start3A_617, %dma_start3A_618] : memref<10112x64xf32, #tpu.memory_space<vmem_shared>> -> memref<10112x64xf32, #tpu.memory_space<vmem_shared>>
      tpu.enqueue_indirect_dma source(%dma_start3A_613 : memref<128x64xf32, #tpu.memory_space<vmem>>) target(%dma_start3A_619 : memref<10112x64xf32, #tpu.memory_space<vmem_shared>>) offsets(%dma_start3A_616 : memref<128xi32, #tpu.memory_space<vmem>>) semaphore(%arg12 : memref<!tpu.dma_semaphore, #tpu.memory_space<semaphore_mem>>) {add = true}
      %mul3A_620 = arith.constant 5 : i32
      %mul3A_621 = arith.muli %add3A_431, %mul3A_620 : i32
      %add3A_622 = arith.constant 4 : i32
      %add3A_623 = arith.addi %mul3A_621, %add3A_622 : i32
      %dma_start3A_624 = arith.constant 4 : i32
      %dma_start3A_625 = arith.constant 0 : i32
      %dma_start3A_626 = arith.constant 0 : i32
      %dma_start3A_627 = tpu.memref_slice %arg9[%dma_start3A_624, %dma_start3A_625, %dma_start3A_626] : memref<5x128x64xf32, #tpu.memory_space<vmem>> -> memref<1x128x64xf32, #tpu.memory_space<vmem>>
      %dma_start3A_628 = tpu.memref_squeeze %dma_start3A_627 : memref<1x128x64xf32, #tpu.memory_space<vmem>> -> memref<128x64xf32, #tpu.memory_space<vmem>>
      %dma_start3A_629 = arith.constant 0 : i32
      %dma_start3A_630 = tpu.memref_slice %arg8[%add3A_623, %dma_start3A_629] : memref<80x128xi32, #tpu.memory_space<vmem>> -> memref<1x128xi32, #tpu.memory_space<vmem>>
      %dma_start3A_631 = tpu.memref_squeeze %dma_start3A_630 : memref<1x128xi32, #tpu.memory_space<vmem>> -> memref<128xi32, #tpu.memory_space<vmem>>
      %dma_start3A_632 = arith.constant 0 : i32
      %dma_start3A_633 = arith.constant 0 : i32
      %dma_start3A_634 = tpu.memref_slice %arg10[%dma_start3A_632, %dma_start3A_633] : memref<10112x64xf32, #tpu.memory_space<vmem_shared>> -> memref<10112x64xf32, #tpu.memory_space<vmem_shared>>
      tpu.enqueue_indirect_dma source(%dma_start3A_628 : memref<128x64xf32, #tpu.memory_space<vmem>>) target(%dma_start3A_634 : memref<10112x64xf32, #tpu.memory_space<vmem_shared>>) offsets(%dma_start3A_631 : memref<128xi32, #tpu.memory_space<vmem>>) semaphore(%arg12 : memref<!tpu.dma_semaphore, #tpu.memory_space<semaphore_mem>>) {add = true}
      %dma_wait3A_635 = arith.constant 0 : i32
      %dma_wait3A_636 = arith.constant 0 : i32
      %dma_wait3A_637 = arith.constant 0 : i32
      %dma_wait3A_638 = tpu.memref_slice %arg9[%dma_wait3A_635, %dma_wait3A_636, %dma_wait3A_637] : memref<5x128x64xf32, #tpu.memory_space<vmem>> -> memref<1x128x64xf32, #tpu.memory_space<vmem>>
      %dma_wait3A_639 = tpu.memref_squeeze %dma_wait3A_638 : memref<1x128x64xf32, #tpu.memory_space<vmem>> -> memref<128x64xf32, #tpu.memory_space<vmem>>
      %dma_wait3A_640 = arith.constant 0 : i32
      %dma_wait3A_641 = tpu.memref_slice %arg8[%add3A_563, %dma_wait3A_640] : memref<80x128xi32, #tpu.memory_space<vmem>> -> memref<1x128xi32, #tpu.memory_space<vmem>>
      %dma_wait3A_642 = tpu.memref_squeeze %dma_wait3A_641 : memref<1x128xi32, #tpu.memory_space<vmem>> -> memref<128xi32, #tpu.memory_space<vmem>>
      %dma_wait3A_643 = arith.constant 0 : i32
      %dma_wait3A_644 = arith.constant 0 : i32
      %dma_wait3A_645 = tpu.memref_slice %arg10[%dma_wait3A_643, %dma_wait3A_644] : memref<10112x64xf32, #tpu.memory_space<vmem_shared>> -> memref<10112x64xf32, #tpu.memory_space<vmem_shared>>
      tpu.wait_indirect_dma semaphore(%arg12 : memref<!tpu.dma_semaphore, #tpu.memory_space<semaphore_mem>>) src(%dma_wait3A_639 : memref<128x64xf32, #tpu.memory_space<vmem>>) dst(%dma_wait3A_645 : memref<10112x64xf32, #tpu.memory_space<vmem_shared>>)
      %dma_wait3A_646 = arith.constant 1 : i32
      %dma_wait3A_647 = arith.constant 0 : i32
      %dma_wait3A_648 = arith.constant 0 : i32
      %dma_wait3A_649 = tpu.memref_slice %arg9[%dma_wait3A_646, %dma_wait3A_647, %dma_wait3A_648] : memref<5x128x64xf32, #tpu.memory_space<vmem>> -> memref<1x128x64xf32, #tpu.memory_space<vmem>>
      %dma_wait3A_650 = tpu.memref_squeeze %dma_wait3A_649 : memref<1x128x64xf32, #tpu.memory_space<vmem>> -> memref<128x64xf32, #tpu.memory_space<vmem>>
      %dma_wait3A_651 = arith.constant 0 : i32
      %dma_wait3A_652 = tpu.memref_slice %arg8[%add3A_578, %dma_wait3A_651] : memref<80x128xi32, #tpu.memory_space<vmem>> -> memref<1x128xi32, #tpu.memory_space<vmem>>
      %dma_wait3A_653 = tpu.memref_squeeze %dma_wait3A_652 : memref<1x128xi32, #tpu.memory_space<vmem>> -> memref<128xi32, #tpu.memory_space<vmem>>
      %dma_wait3A_654 = arith.constant 0 : i32
      %dma_wait3A_655 = arith.constant 0 : i32
      %dma_wait3A_656 = tpu.memref_slice %arg10[%dma_wait3A_654, %dma_wait3A_655] : memref<10112x64xf32, #tpu.memory_space<vmem_shared>> -> memref<10112x64xf32, #tpu.memory_space<vmem_shared>>
      tpu.wait_indirect_dma semaphore(%arg12 : memref<!tpu.dma_semaphore, #tpu.memory_space<semaphore_mem>>) src(%dma_wait3A_650 : memref<128x64xf32, #tpu.memory_space<vmem>>) dst(%dma_wait3A_656 : memref<10112x64xf32, #tpu.memory_space<vmem_shared>>)
      %dma_wait3A_657 = arith.constant 2 : i32
      %dma_wait3A_658 = arith.constant 0 : i32
      %dma_wait3A_659 = arith.constant 0 : i32
      %dma_wait3A_660 = tpu.memref_slice %arg9[%dma_wait3A_657, %dma_wait3A_658, %dma_wait3A_659] : memref<5x128x64xf32, #tpu.memory_space<vmem>> -> memref<1x128x64xf32, #tpu.memory_space<vmem>>
      %dma_wait3A_661 = tpu.memref_squeeze %dma_wait3A_660 : memref<1x128x64xf32, #tpu.memory_space<vmem>> -> memref<128x64xf32, #tpu.memory_space<vmem>>
      %dma_wait3A_662 = arith.constant 0 : i32
      %dma_wait3A_663 = tpu.memref_slice %arg8[%add3A_593, %dma_wait3A_662] : memref<80x128xi32, #tpu.memory_space<vmem>> -> memref<1x128xi32, #tpu.memory_space<vmem>>
      %dma_wait3A_664 = tpu.memref_squeeze %dma_wait3A_663 : memref<1x128xi32, #tpu.memory_space<vmem>> -> memref<128xi32, #tpu.memory_space<vmem>>
      %dma_wait3A_665 = arith.constant 0 : i32
      %dma_wait3A_666 = arith.constant 0 : i32
      %dma_wait3A_667 = tpu.memref_slice %arg10[%dma_wait3A_665, %dma_wait3A_666] : memref<10112x64xf32, #tpu.memory_space<vmem_shared>> -> memref<10112x64xf32, #tpu.memory_space<vmem_shared>>
      tpu.wait_indirect_dma semaphore(%arg12 : memref<!tpu.dma_semaphore, #tpu.memory_space<semaphore_mem>>) src(%dma_wait3A_661 : memref<128x64xf32, #tpu.memory_space<vmem>>) dst(%dma_wait3A_667 : memref<10112x64xf32, #tpu.memory_space<vmem_shared>>)
      %dma_wait3A_668 = arith.constant 3 : i32
      %dma_wait3A_669 = arith.constant 0 : i32
      %dma_wait3A_670 = arith.constant 0 : i32
      %dma_wait3A_671 = tpu.memref_slice %arg9[%dma_wait3A_668, %dma_wait3A_669, %dma_wait3A_670] : memref<5x128x64xf32, #tpu.memory_space<vmem>> -> memref<1x128x64xf32, #tpu.memory_space<vmem>>
      %dma_wait3A_672 = tpu.memref_squeeze %dma_wait3A_671 : memref<1x128x64xf32, #tpu.memory_space<vmem>> -> memref<128x64xf32, #tpu.memory_space<vmem>>
      %dma_wait3A_673 = arith.constant 0 : i32
      %dma_wait3A_674 = tpu.memref_slice %arg8[%add3A_608, %dma_wait3A_673] : memref<80x128xi32, #tpu.memory_space<vmem>> -> memref<1x128xi32, #tpu.memory_space<vmem>>
      %dma_wait3A_675 = tpu.memref_squeeze %dma_wait3A_674 : memref<1x128xi32, #tpu.memory_space<vmem>> -> memref<128xi32, #tpu.memory_space<vmem>>
      %dma_wait3A_676 = arith.constant 0 : i32
      %dma_wait3A_677 = arith.constant 0 : i32
      %dma_wait3A_678 = tpu.memref_slice %arg10[%dma_wait3A_676, %dma_wait3A_677] : memref<10112x64xf32, #tpu.memory_space<vmem_shared>> -> memref<10112x64xf32, #tpu.memory_space<vmem_shared>>
      tpu.wait_indirect_dma semaphore(%arg12 : memref<!tpu.dma_semaphore, #tpu.memory_space<semaphore_mem>>) src(%dma_wait3A_672 : memref<128x64xf32, #tpu.memory_space<vmem>>) dst(%dma_wait3A_678 : memref<10112x64xf32, #tpu.memory_space<vmem_shared>>)
      %dma_wait3A_679 = arith.constant 4 : i32
      %dma_wait3A_680 = arith.constant 0 : i32
      %dma_wait3A_681 = arith.constant 0 : i32
      %dma_wait3A_682 = tpu.memref_slice %arg9[%dma_wait3A_679, %dma_wait3A_680, %dma_wait3A_681] : memref<5x128x64xf32, #tpu.memory_space<vmem>> -> memref<1x128x64xf32, #tpu.memory_space<vmem>>
      %dma_wait3A_683 = tpu.memref_squeeze %dma_wait3A_682 : memref<1x128x64xf32, #tpu.memory_space<vmem>> -> memref<128x64xf32, #tpu.memory_space<vmem>>
      %dma_wait3A_684 = arith.constant 0 : i32
      %dma_wait3A_685 = tpu.memref_slice %arg8[%add3A_623, %dma_wait3A_684] : memref<80x128xi32, #tpu.memory_space<vmem>> -> memref<1x128xi32, #tpu.memory_space<vmem>>
      %dma_wait3A_686 = tpu.memref_squeeze %dma_wait3A_685 : memref<1x128xi32, #tpu.memory_space<vmem>> -> memref<128xi32, #tpu.memory_space<vmem>>
      %dma_wait3A_687 = arith.constant 0 : i32
      %dma_wait3A_688 = arith.constant 0 : i32
      %dma_wait3A_689 = tpu.memref_slice %arg10[%dma_wait3A_687, %dma_wait3A_688] : memref<10112x64xf32, #tpu.memory_space<vmem_shared>> -> memref<10112x64xf32, #tpu.memory_space<vmem_shared>>
      tpu.wait_indirect_dma semaphore(%arg12 : memref<!tpu.dma_semaphore, #tpu.memory_space<semaphore_mem>>) src(%dma_wait3A_683 : memref<128x64xf32, #tpu.memory_space<vmem>>) dst(%dma_wait3A_689 : memref<10112x64xf32, #tpu.memory_space<vmem_shared>>)
    }
    %scan3A_258 = arith.constant 16 : i32
    %barrier3A_259 = arith.constant 0 : index
    tpu.barrier barrier_id(%barrier3A_259)
    %mul3A_260 = arith.constant 625 : i32
    %mul3A_261 = arith.muli %arg1, %mul3A_260 : i32
    %add3A_262 = arith.constant 0 : i32
    %add3A_263 = arith.addi %mul3A_261, %add3A_262 : i32
    %run_scoped3A_264 = arith.constant 0 : i32
    "tpu.region"() ({
      %run_scoped3A_427 = tpu.sem_alloc : memref<!tpu.dma_semaphore, #tpu.memory_space<semaphore_mem>>
      %dma_start3A = arith.constant 0 : i32
      %dma_start3A_428 = arith.constant 0 : i32
      %dma_start3A_429 = tpu.memref_slice %arg9[%run_scoped3A_264, %dma_start3A, %dma_start3A_428] : memref<5x128x64xf32, #tpu.memory_space<vmem>> -> memref<1x128x64xf32, #tpu.memory_space<vmem>>
      %dma_start3A_430 = tpu.memref_squeeze %dma_start3A_429 : memref<1x128x64xf32, #tpu.memory_space<vmem>> -> memref<128x64xf32, #tpu.memory_space<vmem>>
      %dma_start3A_431 = arith.constant 0 : i32
      %dma_start3A_432 = tpu.memref_slice %arg10[%add3A_263, %dma_start3A_431] : memref<10112x64xf32, #tpu.memory_space<vmem_shared>> -> memref<128x64xf32, #tpu.memory_space<vmem_shared>>
      %dma_start3A_433 = arith.constant 0 : i32
      %dma_start3A_434 = arith.constant 0 : i32
      %dma_start3A_435 = tpu.memref_slice %arg9[%run_scoped3A_264, %dma_start3A_433, %dma_start3A_434] : memref<5x128x64xf32, #tpu.memory_space<vmem>> -> memref<1x128x64xf32, #tpu.memory_space<vmem>>
      %dma_start3A_436 = tpu.memref_squeeze %dma_start3A_435 : memref<1x128x64xf32, #tpu.memory_space<vmem>> -> memref<128x64xf32, #tpu.memory_space<vmem>>
      %dma_start3A_437 = arith.constant 0 : i32
      %dma_start3A_438 = tpu.memref_slice %arg10[%add3A_263, %dma_start3A_437] : memref<10112x64xf32, #tpu.memory_space<vmem_shared>> -> memref<128x64xf32, #tpu.memory_space<vmem_shared>>
      tpu.enqueue_dma source(%dma_start3A_438 : memref<128x64xf32, #tpu.memory_space<vmem_shared>>) target(%dma_start3A_436 : memref<128x64xf32, #tpu.memory_space<vmem>>) target_semaphore(%run_scoped3A_427 : memref<!tpu.dma_semaphore, #tpu.memory_space<semaphore_mem>>)
      %dma_wait3A = arith.constant 0 : i32
      %dma_wait3A_439 = arith.constant 0 : i32
      %dma_wait3A_440 = tpu.memref_slice %arg9[%run_scoped3A_264, %dma_wait3A, %dma_wait3A_439] : memref<5x128x64xf32, #tpu.memory_space<vmem>> -> memref<1x128x64xf32, #tpu.memory_space<vmem>>
      %dma_wait3A_441 = tpu.memref_squeeze %dma_wait3A_440 : memref<1x128x64xf32, #tpu.memory_space<vmem>> -> memref<128x64xf32, #tpu.memory_space<vmem>>
      %dma_wait3A_442 = arith.constant 0 : i32
      %dma_wait3A_443 = tpu.memref_slice %arg10[%add3A_263, %dma_wait3A_442] : memref<10112x64xf32, #tpu.memory_space<vmem_shared>> -> memref<128x64xf32, #tpu.memory_space<vmem_shared>>
      %dma_wait3A_444 = arith.constant 0 : i32
      %dma_wait3A_445 = arith.constant 0 : i32
      %dma_wait3A_446 = tpu.memref_slice %arg9[%run_scoped3A_264, %dma_wait3A_444, %dma_wait3A_445] : memref<5x128x64xf32, #tpu.memory_space<vmem>> -> memref<1x128x64xf32, #tpu.memory_space<vmem>>
      %dma_wait3A_447 = tpu.memref_squeeze %dma_wait3A_446 : memref<1x128x64xf32, #tpu.memory_space<vmem>> -> memref<128x64xf32, #tpu.memory_space<vmem>>
      %dma_wait3A_448 = arith.constant 0 : i32
      %dma_wait3A_449 = tpu.memref_slice %arg10[%add3A_263, %dma_wait3A_448] : memref<10112x64xf32, #tpu.memory_space<vmem_shared>> -> memref<128x64xf32, #tpu.memory_space<vmem_shared>>
      tpu.wait_dma2 semaphore(%run_scoped3A_427 : memref<!tpu.dma_semaphore, #tpu.memory_space<semaphore_mem>>) src(%dma_wait3A_449 : memref<128x64xf32, #tpu.memory_space<vmem_shared>>) dst(%dma_wait3A_447 : memref<128x64xf32, #tpu.memory_space<vmem>>)
      tpu.yield
    }) : () -> ()
    %mul3A_265 = arith.constant 625 : i32
    %mul3A_266 = arith.muli %arg1, %mul3A_265 : i32
    %add3A_267 = arith.addi %mul3A_1, %mul3A_266 : i32
    %add3A_268 = arith.constant 0 : i32
    %add3A_269 = arith.addi %add3A_267, %add3A_268 : i32
    %run_scoped3A_270 = arith.constant 0 : i32
    %run_scoped3A_271 = arith.constant 2 : i32
    "tpu.region"() ({
      %run_scoped3A_427 = tpu.sem_alloc : memref<!tpu.dma_semaphore, #tpu.memory_space<semaphore_mem>>
      %dma_start3A = arith.constant 0 : i32
      %dma_start3A_428 = arith.constant 0 : i32
      %dma_start3A_429 = tpu.memref_slice %arg9[%run_scoped3A_270, %dma_start3A, %dma_start3A_428] : memref<5x128x64xf32, #tpu.memory_space<vmem>> -> memref<1x128x64xf32, #tpu.memory_space<vmem>>
      %dma_start3A_430 = tpu.memref_squeeze %dma_start3A_429 : memref<1x128x64xf32, #tpu.memory_space<vmem>> -> memref<128x64xf32, #tpu.memory_space<vmem>>
      %dma_start3A_431 = arith.constant 0 : i32
      %dma_start3A_432 = tpu.memref_slice %arg5[%run_scoped3A_271, %add3A_269, %dma_start3A_431] : memref<4x20000x64xf32, #tpu.memory_space<hbm>> -> memref<1x128x64xf32, #tpu.memory_space<hbm>>
      %dma_start3A_433 = tpu.memref_squeeze %dma_start3A_432 : memref<1x128x64xf32, #tpu.memory_space<hbm>> -> memref<128x64xf32, #tpu.memory_space<hbm>>
      %dma_start3A_434 = arith.constant 0 : i32
      %dma_start3A_435 = tpu.memref_slice %arg5[%run_scoped3A_271, %add3A_269, %dma_start3A_434] : memref<4x20000x64xf32, #tpu.memory_space<hbm>> -> memref<1x128x64xf32, #tpu.memory_space<hbm>>
      %dma_start3A_436 = tpu.memref_squeeze %dma_start3A_435 : memref<1x128x64xf32, #tpu.memory_space<hbm>> -> memref<128x64xf32, #tpu.memory_space<hbm>>
      %dma_start3A_437 = arith.constant 0 : i32
      %dma_start3A_438 = arith.constant 0 : i32
      %dma_start3A_439 = tpu.memref_slice %arg9[%run_scoped3A_270, %dma_start3A_437, %dma_start3A_438] : memref<5x128x64xf32, #tpu.memory_space<vmem>> -> memref<1x128x64xf32, #tpu.memory_space<vmem>>
      %dma_start3A_440 = tpu.memref_squeeze %dma_start3A_439 : memref<1x128x64xf32, #tpu.memory_space<vmem>> -> memref<128x64xf32, #tpu.memory_space<vmem>>
      tpu.enqueue_dma source(%dma_start3A_440 : memref<128x64xf32, #tpu.memory_space<vmem>>) target(%dma_start3A_436 : memref<128x64xf32, #tpu.memory_space<hbm>>) target_semaphore(%run_scoped3A_427 : memref<!tpu.dma_semaphore, #tpu.memory_space<semaphore_mem>>)
      %dma_wait3A = arith.constant 0 : i32
      %dma_wait3A_441 = arith.constant 0 : i32
      %dma_wait3A_442 = tpu.memref_slice %arg9[%run_scoped3A_270, %dma_wait3A, %dma_wait3A_441] : memref<5x128x64xf32, #tpu.memory_space<vmem>> -> memref<1x128x64xf32, #tpu.memory_space<vmem>>
      %dma_wait3A_443 = tpu.memref_squeeze %dma_wait3A_442 : memref<1x128x64xf32, #tpu.memory_space<vmem>> -> memref<128x64xf32, #tpu.memory_space<vmem>>
      %dma_wait3A_444 = arith.constant 0 : i32
      %dma_wait3A_445 = tpu.memref_slice %arg5[%run_scoped3A_271, %add3A_269, %dma_wait3A_444] : memref<4x20000x64xf32, #tpu.memory_space<hbm>> -> memref<1x128x64xf32, #tpu.memory_space<hbm>>
      %dma_wait3A_446 = tpu.memref_squeeze %dma_wait3A_445 : memref<1x128x64xf32, #tpu.memory_space<hbm>> -> memref<128x64xf32, #tpu.memory_space<hbm>>
      %dma_wait3A_447 = arith.constant 0 : i32
      %dma_wait3A_448 = tpu.memref_slice %arg5[%run_scoped3A_271, %add3A_269, %dma_wait3A_447] : memref<4x20000x64xf32, #tpu.memory_space<hbm>> -> memref<1x128x64xf32, #tpu.memory_space<hbm>>
      %dma_wait3A_449 = tpu.memref_squeeze %dma_wait3A_448 : memref<1x128x64xf32, #tpu.memory_space<hbm>> -> memref<128x64xf32, #tpu.memory_space<hbm>>
      %dma_wait3A_450 = arith.constant 0 : i32
      %dma_wait3A_451 = arith.constant 0 : i32
      %dma_wait3A_452 = tpu.memref_slice %arg9[%run_scoped3A_270, %dma_wait3A_450, %dma_wait3A_451] : memref<5x128x64xf32, #tpu.memory_space<vmem>> -> memref<1x128x64xf32, #tpu.memory_space<vmem>>
      %dma_wait3A_453 = tpu.memref_squeeze %dma_wait3A_452 : memref<1x128x64xf32, #tpu.memory_space<vmem>> -> memref<128x64xf32, #tpu.memory_space<vmem>>
      tpu.wait_dma2 semaphore(%run_scoped3A_427 : memref<!tpu.dma_semaphore, #tpu.memory_space<semaphore_mem>>) src(%dma_wait3A_453 : memref<128x64xf32, #tpu.memory_space<vmem>>) dst(%dma_wait3A_449 : memref<128x64xf32, #tpu.memory_space<hbm>>)
      tpu.yield
    }) : () -> ()
    %mul3A_272 = arith.constant 625 : i32
    %mul3A_273 = arith.muli %arg1, %mul3A_272 : i32
    %add3A_274 = arith.constant 128 : i32
    %add3A_275 = arith.addi %mul3A_273, %add3A_274 : i32
    %run_scoped3A_276 = arith.constant 0 : i32
    "tpu.region"() ({
      %run_scoped3A_427 = tpu.sem_alloc : memref<!tpu.dma_semaphore, #tpu.memory_space<semaphore_mem>>
      %dma_start3A = arith.constant 0 : i32
      %dma_start3A_428 = arith.constant 0 : i32
      %dma_start3A_429 = tpu.memref_slice %arg9[%run_scoped3A_276, %dma_start3A, %dma_start3A_428] : memref<5x128x64xf32, #tpu.memory_space<vmem>> -> memref<1x128x64xf32, #tpu.memory_space<vmem>>
      %dma_start3A_430 = tpu.memref_squeeze %dma_start3A_429 : memref<1x128x64xf32, #tpu.memory_space<vmem>> -> memref<128x64xf32, #tpu.memory_space<vmem>>
      %dma_start3A_431 = arith.constant 0 : i32
      %dma_start3A_432 = tpu.memref_slice %arg10[%add3A_275, %dma_start3A_431] : memref<10112x64xf32, #tpu.memory_space<vmem_shared>> -> memref<128x64xf32, #tpu.memory_space<vmem_shared>>
      %dma_start3A_433 = arith.constant 0 : i32
      %dma_start3A_434 = arith.constant 0 : i32
      %dma_start3A_435 = tpu.memref_slice %arg9[%run_scoped3A_276, %dma_start3A_433, %dma_start3A_434] : memref<5x128x64xf32, #tpu.memory_space<vmem>> -> memref<1x128x64xf32, #tpu.memory_space<vmem>>
      %dma_start3A_436 = tpu.memref_squeeze %dma_start3A_435 : memref<1x128x64xf32, #tpu.memory_space<vmem>> -> memref<128x64xf32, #tpu.memory_space<vmem>>
      %dma_start3A_437 = arith.constant 0 : i32
      %dma_start3A_438 = tpu.memref_slice %arg10[%add3A_275, %dma_start3A_437] : memref<10112x64xf32, #tpu.memory_space<vmem_shared>> -> memref<128x64xf32, #tpu.memory_space<vmem_shared>>
      tpu.enqueue_dma source(%dma_start3A_438 : memref<128x64xf32, #tpu.memory_space<vmem_shared>>) target(%dma_start3A_436 : memref<128x64xf32, #tpu.memory_space<vmem>>) target_semaphore(%run_scoped3A_427 : memref<!tpu.dma_semaphore, #tpu.memory_space<semaphore_mem>>)
      %dma_wait3A = arith.constant 0 : i32
      %dma_wait3A_439 = arith.constant 0 : i32
      %dma_wait3A_440 = tpu.memref_slice %arg9[%run_scoped3A_276, %dma_wait3A, %dma_wait3A_439] : memref<5x128x64xf32, #tpu.memory_space<vmem>> -> memref<1x128x64xf32, #tpu.memory_space<vmem>>
      %dma_wait3A_441 = tpu.memref_squeeze %dma_wait3A_440 : memref<1x128x64xf32, #tpu.memory_space<vmem>> -> memref<128x64xf32, #tpu.memory_space<vmem>>
      %dma_wait3A_442 = arith.constant 0 : i32
      %dma_wait3A_443 = tpu.memref_slice %arg10[%add3A_275, %dma_wait3A_442] : memref<10112x64xf32, #tpu.memory_space<vmem_shared>> -> memref<128x64xf32, #tpu.memory_space<vmem_shared>>
      %dma_wait3A_444 = arith.constant 0 : i32
      %dma_wait3A_445 = arith.constant 0 : i32
      %dma_wait3A_446 = tpu.memref_slice %arg9[%run_scoped3A_276, %dma_wait3A_444, %dma_wait3A_445] : memref<5x128x64xf32, #tpu.memory_space<vmem>> -> memref<1x128x64xf32, #tpu.memory_space<vmem>>
      %dma_wait3A_447 = tpu.memref_squeeze %dma_wait3A_446 : memref<1x128x64xf32, #tpu.memory_space<vmem>> -> memref<128x64xf32, #tpu.memory_space<vmem>>
      %dma_wait3A_448 = arith.constant 0 : i32
      %dma_wait3A_449 = tpu.memref_slice %arg10[%add3A_275, %dma_wait3A_448] : memref<10112x64xf32, #tpu.memory_space<vmem_shared>> -> memref<128x64xf32, #tpu.memory_space<vmem_shared>>
      tpu.wait_dma2 semaphore(%run_scoped3A_427 : memref<!tpu.dma_semaphore, #tpu.memory_space<semaphore_mem>>) src(%dma_wait3A_449 : memref<128x64xf32, #tpu.memory_space<vmem_shared>>) dst(%dma_wait3A_447 : memref<128x64xf32, #tpu.memory_space<vmem>>)
      tpu.yield
    }) : () -> ()
    %mul3A_277 = arith.constant 625 : i32
    %mul3A_278 = arith.muli %arg1, %mul3A_277 : i32
    %add3A_279 = arith.addi %mul3A_1, %mul3A_278 : i32
    %add3A_280 = arith.constant 128 : i32
    %add3A_281 = arith.addi %add3A_279, %add3A_280 : i32
    %run_scoped3A_282 = arith.constant 0 : i32
    %run_scoped3A_283 = arith.constant 2 : i32
    "tpu.region"() ({
      %run_scoped3A_427 = tpu.sem_alloc : memref<!tpu.dma_semaphore, #tpu.memory_space<semaphore_mem>>
      %dma_start3A = arith.constant 0 : i32
      %dma_start3A_428 = arith.constant 0 : i32
      %dma_start3A_429 = tpu.memref_slice %arg9[%run_scoped3A_282, %dma_start3A, %dma_start3A_428] : memref<5x128x64xf32, #tpu.memory_space<vmem>> -> memref<1x128x64xf32, #tpu.memory_space<vmem>>
      %dma_start3A_430 = tpu.memref_squeeze %dma_start3A_429 : memref<1x128x64xf32, #tpu.memory_space<vmem>> -> memref<128x64xf32, #tpu.memory_space<vmem>>
      %dma_start3A_431 = arith.constant 0 : i32
      %dma_start3A_432 = tpu.memref_slice %arg5[%run_scoped3A_283, %add3A_281, %dma_start3A_431] : memref<4x20000x64xf32, #tpu.memory_space<hbm>> -> memref<1x128x64xf32, #tpu.memory_space<hbm>>
      %dma_start3A_433 = tpu.memref_squeeze %dma_start3A_432 : memref<1x128x64xf32, #tpu.memory_space<hbm>> -> memref<128x64xf32, #tpu.memory_space<hbm>>
      %dma_start3A_434 = arith.constant 0 : i32
      %dma_start3A_435 = tpu.memref_slice %arg5[%run_scoped3A_283, %add3A_281, %dma_start3A_434] : memref<4x20000x64xf32, #tpu.memory_space<hbm>> -> memref<1x128x64xf32, #tpu.memory_space<hbm>>
      %dma_start3A_436 = tpu.memref_squeeze %dma_start3A_435 : memref<1x128x64xf32, #tpu.memory_space<hbm>> -> memref<128x64xf32, #tpu.memory_space<hbm>>
      %dma_start3A_437 = arith.constant 0 : i32
      %dma_start3A_438 = arith.constant 0 : i32
      %dma_start3A_439 = tpu.memref_slice %arg9[%run_scoped3A_282, %dma_start3A_437, %dma_start3A_438] : memref<5x128x64xf32, #tpu.memory_space<vmem>> -> memref<1x128x64xf32, #tpu.memory_space<vmem>>
      %dma_start3A_440 = tpu.memref_squeeze %dma_start3A_439 : memref<1x128x64xf32, #tpu.memory_space<vmem>> -> memref<128x64xf32, #tpu.memory_space<vmem>>
      tpu.enqueue_dma source(%dma_start3A_440 : memref<128x64xf32, #tpu.memory_space<vmem>>) target(%dma_start3A_436 : memref<128x64xf32, #tpu.memory_space<hbm>>) target_semaphore(%run_scoped3A_427 : memref<!tpu.dma_semaphore, #tpu.memory_space<semaphore_mem>>)
      %dma_wait3A = arith.constant 0 : i32
      %dma_wait3A_441 = arith.constant 0 : i32
      %dma_wait3A_442 = tpu.memref_slice %arg9[%run_scoped3A_282, %dma_wait3A, %dma_wait3A_441] : memref<5x128x64xf32, #tpu.memory_space<vmem>> -> memref<1x128x64xf32, #tpu.memory_space<vmem>>
      %dma_wait3A_443 = tpu.memref_squeeze %dma_wait3A_442 : memref<1x128x64xf32, #tpu.memory_space<vmem>> -> memref<128x64xf32, #tpu.memory_space<vmem>>
      %dma_wait3A_444 = arith.constant 0 : i32
      %dma_wait3A_445 = tpu.memref_slice %arg5[%run_scoped3A_283, %add3A_281, %dma_wait3A_444] : memref<4x20000x64xf32, #tpu.memory_space<hbm>> -> memref<1x128x64xf32, #tpu.memory_space<hbm>>
      %dma_wait3A_446 = tpu.memref_squeeze %dma_wait3A_445 : memref<1x128x64xf32, #tpu.memory_space<hbm>> -> memref<128x64xf32, #tpu.memory_space<hbm>>
      %dma_wait3A_447 = arith.constant 0 : i32
      %dma_wait3A_448 = tpu.memref_slice %arg5[%run_scoped3A_283, %add3A_281, %dma_wait3A_447] : memref<4x20000x64xf32, #tpu.memory_space<hbm>> -> memref<1x128x64xf32, #tpu.memory_space<hbm>>
      %dma_wait3A_449 = tpu.memref_squeeze %dma_wait3A_448 : memref<1x128x64xf32, #tpu.memory_space<hbm>> -> memref<128x64xf32, #tpu.memory_space<hbm>>
      %dma_wait3A_450 = arith.constant 0 : i32
      %dma_wait3A_451 = arith.constant 0 : i32
      %dma_wait3A_452 = tpu.memref_slice %arg9[%run_scoped3A_282, %dma_wait3A_450, %dma_wait3A_451] : memref<5x128x64xf32, #tpu.memory_space<vmem>> -> memref<1x128x64xf32, #tpu.memory_space<vmem>>
      %dma_wait3A_453 = tpu.memref_squeeze %dma_wait3A_452 : memref<1x128x64xf32, #tpu.memory_space<vmem>> -> memref<128x64xf32, #tpu.memory_space<vmem>>
      tpu.wait_dma2 semaphore(%run_scoped3A_427 : memref<!tpu.dma_semaphore, #tpu.memory_space<semaphore_mem>>) src(%dma_wait3A_453 : memref<128x64xf32, #tpu.memory_space<vmem>>) dst(%dma_wait3A_449 : memref<128x64xf32, #tpu.memory_space<hbm>>)
      tpu.yield
    }) : () -> ()
    %mul3A_284 = arith.constant 625 : i32
    %mul3A_285 = arith.muli %arg1, %mul3A_284 : i32
    %add3A_286 = arith.constant 256 : i32
    %add3A_287 = arith.addi %mul3A_285, %add3A_286 : i32
    %run_scoped3A_288 = arith.constant 0 : i32
    "tpu.region"() ({
      %run_scoped3A_427 = tpu.sem_alloc : memref<!tpu.dma_semaphore, #tpu.memory_space<semaphore_mem>>
      %dma_start3A = arith.constant 0 : i32
      %dma_start3A_428 = arith.constant 0 : i32
      %dma_start3A_429 = tpu.memref_slice %arg9[%run_scoped3A_288, %dma_start3A, %dma_start3A_428] : memref<5x128x64xf32, #tpu.memory_space<vmem>> -> memref<1x128x64xf32, #tpu.memory_space<vmem>>
      %dma_start3A_430 = tpu.memref_squeeze %dma_start3A_429 : memref<1x128x64xf32, #tpu.memory_space<vmem>> -> memref<128x64xf32, #tpu.memory_space<vmem>>
      %dma_start3A_431 = arith.constant 0 : i32
      %dma_start3A_432 = tpu.memref_slice %arg10[%add3A_287, %dma_start3A_431] : memref<10112x64xf32, #tpu.memory_space<vmem_shared>> -> memref<128x64xf32, #tpu.memory_space<vmem_shared>>
      %dma_start3A_433 = arith.constant 0 : i32
      %dma_start3A_434 = arith.constant 0 : i32
      %dma_start3A_435 = tpu.memref_slice %arg9[%run_scoped3A_288, %dma_start3A_433, %dma_start3A_434] : memref<5x128x64xf32, #tpu.memory_space<vmem>> -> memref<1x128x64xf32, #tpu.memory_space<vmem>>
      %dma_start3A_436 = tpu.memref_squeeze %dma_start3A_435 : memref<1x128x64xf32, #tpu.memory_space<vmem>> -> memref<128x64xf32, #tpu.memory_space<vmem>>
      %dma_start3A_437 = arith.constant 0 : i32
      %dma_start3A_438 = tpu.memref_slice %arg10[%add3A_287, %dma_start3A_437] : memref<10112x64xf32, #tpu.memory_space<vmem_shared>> -> memref<128x64xf32, #tpu.memory_space<vmem_shared>>
      tpu.enqueue_dma source(%dma_start3A_438 : memref<128x64xf32, #tpu.memory_space<vmem_shared>>) target(%dma_start3A_436 : memref<128x64xf32, #tpu.memory_space<vmem>>) target_semaphore(%run_scoped3A_427 : memref<!tpu.dma_semaphore, #tpu.memory_space<semaphore_mem>>)
      %dma_wait3A = arith.constant 0 : i32
      %dma_wait3A_439 = arith.constant 0 : i32
      %dma_wait3A_440 = tpu.memref_slice %arg9[%run_scoped3A_288, %dma_wait3A, %dma_wait3A_439] : memref<5x128x64xf32, #tpu.memory_space<vmem>> -> memref<1x128x64xf32, #tpu.memory_space<vmem>>
      %dma_wait3A_441 = tpu.memref_squeeze %dma_wait3A_440 : memref<1x128x64xf32, #tpu.memory_space<vmem>> -> memref<128x64xf32, #tpu.memory_space<vmem>>
      %dma_wait3A_442 = arith.constant 0 : i32
      %dma_wait3A_443 = tpu.memref_slice %arg10[%add3A_287, %dma_wait3A_442] : memref<10112x64xf32, #tpu.memory_space<vmem_shared>> -> memref<128x64xf32, #tpu.memory_space<vmem_shared>>
      %dma_wait3A_444 = arith.constant 0 : i32
      %dma_wait3A_445 = arith.constant 0 : i32
      %dma_wait3A_446 = tpu.memref_slice %arg9[%run_scoped3A_288, %dma_wait3A_444, %dma_wait3A_445] : memref<5x128x64xf32, #tpu.memory_space<vmem>> -> memref<1x128x64xf32, #tpu.memory_space<vmem>>
      %dma_wait3A_447 = tpu.memref_squeeze %dma_wait3A_446 : memref<1x128x64xf32, #tpu.memory_space<vmem>> -> memref<128x64xf32, #tpu.memory_space<vmem>>
      %dma_wait3A_448 = arith.constant 0 : i32
      %dma_wait3A_449 = tpu.memref_slice %arg10[%add3A_287, %dma_wait3A_448] : memref<10112x64xf32, #tpu.memory_space<vmem_shared>> -> memref<128x64xf32, #tpu.memory_space<vmem_shared>>
      tpu.wait_dma2 semaphore(%run_scoped3A_427 : memref<!tpu.dma_semaphore, #tpu.memory_space<semaphore_mem>>) src(%dma_wait3A_449 : memref<128x64xf32, #tpu.memory_space<vmem_shared>>) dst(%dma_wait3A_447 : memref<128x64xf32, #tpu.memory_space<vmem>>)
      tpu.yield
    }) : () -> ()
    %mul3A_289 = arith.constant 625 : i32
    %mul3A_290 = arith.muli %arg1, %mul3A_289 : i32
    %add3A_291 = arith.addi %mul3A_1, %mul3A_290 : i32
    %add3A_292 = arith.constant 256 : i32
    %add3A_293 = arith.addi %add3A_291, %add3A_292 : i32
    %run_scoped3A_294 = arith.constant 0 : i32
    %run_scoped3A_295 = arith.constant 2 : i32
    "tpu.region"() ({
      %run_scoped3A_427 = tpu.sem_alloc : memref<!tpu.dma_semaphore, #tpu.memory_space<semaphore_mem>>
      %dma_start3A = arith.constant 0 : i32
      %dma_start3A_428 = arith.constant 0 : i32
      %dma_start3A_429 = tpu.memref_slice %arg9[%run_scoped3A_294, %dma_start3A, %dma_start3A_428] : memref<5x128x64xf32, #tpu.memory_space<vmem>> -> memref<1x128x64xf32, #tpu.memory_space<vmem>>
      %dma_start3A_430 = tpu.memref_squeeze %dma_start3A_429 : memref<1x128x64xf32, #tpu.memory_space<vmem>> -> memref<128x64xf32, #tpu.memory_space<vmem>>
      %dma_start3A_431 = arith.constant 0 : i32
      %dma_start3A_432 = tpu.memref_slice %arg5[%run_scoped3A_295, %add3A_293, %dma_start3A_431] : memref<4x20000x64xf32, #tpu.memory_space<hbm>> -> memref<1x128x64xf32, #tpu.memory_space<hbm>>
      %dma_start3A_433 = tpu.memref_squeeze %dma_start3A_432 : memref<1x128x64xf32, #tpu.memory_space<hbm>> -> memref<128x64xf32, #tpu.memory_space<hbm>>
      %dma_start3A_434 = arith.constant 0 : i32
      %dma_start3A_435 = tpu.memref_slice %arg5[%run_scoped3A_295, %add3A_293, %dma_start3A_434] : memref<4x20000x64xf32, #tpu.memory_space<hbm>> -> memref<1x128x64xf32, #tpu.memory_space<hbm>>
      %dma_start3A_436 = tpu.memref_squeeze %dma_start3A_435 : memref<1x128x64xf32, #tpu.memory_space<hbm>> -> memref<128x64xf32, #tpu.memory_space<hbm>>
      %dma_start3A_437 = arith.constant 0 : i32
      %dma_start3A_438 = arith.constant 0 : i32
      %dma_start3A_439 = tpu.memref_slice %arg9[%run_scoped3A_294, %dma_start3A_437, %dma_start3A_438] : memref<5x128x64xf32, #tpu.memory_space<vmem>> -> memref<1x128x64xf32, #tpu.memory_space<vmem>>
      %dma_start3A_440 = tpu.memref_squeeze %dma_start3A_439 : memref<1x128x64xf32, #tpu.memory_space<vmem>> -> memref<128x64xf32, #tpu.memory_space<vmem>>
      tpu.enqueue_dma source(%dma_start3A_440 : memref<128x64xf32, #tpu.memory_space<vmem>>) target(%dma_start3A_436 : memref<128x64xf32, #tpu.memory_space<hbm>>) target_semaphore(%run_scoped3A_427 : memref<!tpu.dma_semaphore, #tpu.memory_space<semaphore_mem>>)
      %dma_wait3A = arith.constant 0 : i32
      %dma_wait3A_441 = arith.constant 0 : i32
      %dma_wait3A_442 = tpu.memref_slice %arg9[%run_scoped3A_294, %dma_wait3A, %dma_wait3A_441] : memref<5x128x64xf32, #tpu.memory_space<vmem>> -> memref<1x128x64xf32, #tpu.memory_space<vmem>>
      %dma_wait3A_443 = tpu.memref_squeeze %dma_wait3A_442 : memref<1x128x64xf32, #tpu.memory_space<vmem>> -> memref<128x64xf32, #tpu.memory_space<vmem>>
      %dma_wait3A_444 = arith.constant 0 : i32
      %dma_wait3A_445 = tpu.memref_slice %arg5[%run_scoped3A_295, %add3A_293, %dma_wait3A_444] : memref<4x20000x64xf32, #tpu.memory_space<hbm>> -> memref<1x128x64xf32, #tpu.memory_space<hbm>>
      %dma_wait3A_446 = tpu.memref_squeeze %dma_wait3A_445 : memref<1x128x64xf32, #tpu.memory_space<hbm>> -> memref<128x64xf32, #tpu.memory_space<hbm>>
      %dma_wait3A_447 = arith.constant 0 : i32
      %dma_wait3A_448 = tpu.memref_slice %arg5[%run_scoped3A_295, %add3A_293, %dma_wait3A_447] : memref<4x20000x64xf32, #tpu.memory_space<hbm>> -> memref<1x128x64xf32, #tpu.memory_space<hbm>>
      %dma_wait3A_449 = tpu.memref_squeeze %dma_wait3A_448 : memref<1x128x64xf32, #tpu.memory_space<hbm>> -> memref<128x64xf32, #tpu.memory_space<hbm>>
      %dma_wait3A_450 = arith.constant 0 : i32
      %dma_wait3A_451 = arith.constant 0 : i32
      %dma_wait3A_452 = tpu.memref_slice %arg9[%run_scoped3A_294, %dma_wait3A_450, %dma_wait3A_451] : memref<5x128x64xf32, #tpu.memory_space<vmem>> -> memref<1x128x64xf32, #tpu.memory_space<vmem>>
      %dma_wait3A_453 = tpu.memref_squeeze %dma_wait3A_452 : memref<1x128x64xf32, #tpu.memory_space<vmem>> -> memref<128x64xf32, #tpu.memory_space<vmem>>
      tpu.wait_dma2 semaphore(%run_scoped3A_427 : memref<!tpu.dma_semaphore, #tpu.memory_space<semaphore_mem>>) src(%dma_wait3A_453 : memref<128x64xf32, #tpu.memory_space<vmem>>) dst(%dma_wait3A_449 : memref<128x64xf32, #tpu.memory_space<hbm>>)
      tpu.yield
    }) : () -> ()
    %mul3A_296 = arith.constant 625 : i32
    %mul3A_297 = arith.muli %arg1, %mul3A_296 : i32
    %add3A_298 = arith.constant 384 : i32
    %add3A_299 = arith.addi %mul3A_297, %add3A_298 : i32
    %run_scoped3A_300 = arith.constant 0 : i32
    "tpu.region"() ({
      %run_scoped3A_427 = tpu.sem_alloc : memref<!tpu.dma_semaphore, #tpu.memory_space<semaphore_mem>>
      %dma_start3A = arith.constant 0 : i32
      %dma_start3A_428 = arith.constant 0 : i32
      %dma_start3A_429 = tpu.memref_slice %arg9[%run_scoped3A_300, %dma_start3A, %dma_start3A_428] : memref<5x128x64xf32, #tpu.memory_space<vmem>> -> memref<1x128x64xf32, #tpu.memory_space<vmem>>
      %dma_start3A_430 = tpu.memref_squeeze %dma_start3A_429 : memref<1x128x64xf32, #tpu.memory_space<vmem>> -> memref<128x64xf32, #tpu.memory_space<vmem>>
      %dma_start3A_431 = arith.constant 0 : i32
      %dma_start3A_432 = tpu.memref_slice %arg10[%add3A_299, %dma_start3A_431] : memref<10112x64xf32, #tpu.memory_space<vmem_shared>> -> memref<128x64xf32, #tpu.memory_space<vmem_shared>>
      %dma_start3A_433 = arith.constant 0 : i32
      %dma_start3A_434 = arith.constant 0 : i32
      %dma_start3A_435 = tpu.memref_slice %arg9[%run_scoped3A_300, %dma_start3A_433, %dma_start3A_434] : memref<5x128x64xf32, #tpu.memory_space<vmem>> -> memref<1x128x64xf32, #tpu.memory_space<vmem>>
      %dma_start3A_436 = tpu.memref_squeeze %dma_start3A_435 : memref<1x128x64xf32, #tpu.memory_space<vmem>> -> memref<128x64xf32, #tpu.memory_space<vmem>>
      %dma_start3A_437 = arith.constant 0 : i32
      %dma_start3A_438 = tpu.memref_slice %arg10[%add3A_299, %dma_start3A_437] : memref<10112x64xf32, #tpu.memory_space<vmem_shared>> -> memref<128x64xf32, #tpu.memory_space<vmem_shared>>
      tpu.enqueue_dma source(%dma_start3A_438 : memref<128x64xf32, #tpu.memory_space<vmem_shared>>) target(%dma_start3A_436 : memref<128x64xf32, #tpu.memory_space<vmem>>) target_semaphore(%run_scoped3A_427 : memref<!tpu.dma_semaphore, #tpu.memory_space<semaphore_mem>>)
      %dma_wait3A = arith.constant 0 : i32
      %dma_wait3A_439 = arith.constant 0 : i32
      %dma_wait3A_440 = tpu.memref_slice %arg9[%run_scoped3A_300, %dma_wait3A, %dma_wait3A_439] : memref<5x128x64xf32, #tpu.memory_space<vmem>> -> memref<1x128x64xf32, #tpu.memory_space<vmem>>
      %dma_wait3A_441 = tpu.memref_squeeze %dma_wait3A_440 : memref<1x128x64xf32, #tpu.memory_space<vmem>> -> memref<128x64xf32, #tpu.memory_space<vmem>>
      %dma_wait3A_442 = arith.constant 0 : i32
      %dma_wait3A_443 = tpu.memref_slice %arg10[%add3A_299, %dma_wait3A_442] : memref<10112x64xf32, #tpu.memory_space<vmem_shared>> -> memref<128x64xf32, #tpu.memory_space<vmem_shared>>
      %dma_wait3A_444 = arith.constant 0 : i32
      %dma_wait3A_445 = arith.constant 0 : i32
      %dma_wait3A_446 = tpu.memref_slice %arg9[%run_scoped3A_300, %dma_wait3A_444, %dma_wait3A_445] : memref<5x128x64xf32, #tpu.memory_space<vmem>> -> memref<1x128x64xf32, #tpu.memory_space<vmem>>
      %dma_wait3A_447 = tpu.memref_squeeze %dma_wait3A_446 : memref<1x128x64xf32, #tpu.memory_space<vmem>> -> memref<128x64xf32, #tpu.memory_space<vmem>>
      %dma_wait3A_448 = arith.constant 0 : i32
      %dma_wait3A_449 = tpu.memref_slice %arg10[%add3A_299, %dma_wait3A_448] : memref<10112x64xf32, #tpu.memory_space<vmem_shared>> -> memref<128x64xf32, #tpu.memory_space<vmem_shared>>
      tpu.wait_dma2 semaphore(%run_scoped3A_427 : memref<!tpu.dma_semaphore, #tpu.memory_space<semaphore_mem>>) src(%dma_wait3A_449 : memref<128x64xf32, #tpu.memory_space<vmem_shared>>) dst(%dma_wait3A_447 : memref<128x64xf32, #tpu.memory_space<vmem>>)
      tpu.yield
    }) : () -> ()
    %mul3A_301 = arith.constant 625 : i32
    %mul3A_302 = arith.muli %arg1, %mul3A_301 : i32
    %add3A_303 = arith.addi %mul3A_1, %mul3A_302 : i32
    %add3A_304 = arith.constant 384 : i32
    %add3A_305 = arith.addi %add3A_303, %add3A_304 : i32
    %run_scoped3A_306 = arith.constant 0 : i32
    %run_scoped3A_307 = arith.constant 2 : i32
    "tpu.region"() ({
      %run_scoped3A_427 = tpu.sem_alloc : memref<!tpu.dma_semaphore, #tpu.memory_space<semaphore_mem>>
      %dma_start3A = arith.constant 0 : i32
      %dma_start3A_428 = arith.constant 0 : i32
      %dma_start3A_429 = tpu.memref_slice %arg9[%run_scoped3A_306, %dma_start3A, %dma_start3A_428] : memref<5x128x64xf32, #tpu.memory_space<vmem>> -> memref<1x128x64xf32, #tpu.memory_space<vmem>>
      %dma_start3A_430 = tpu.memref_squeeze %dma_start3A_429 : memref<1x128x64xf32, #tpu.memory_space<vmem>> -> memref<128x64xf32, #tpu.memory_space<vmem>>
      %dma_start3A_431 = arith.constant 0 : i32
      %dma_start3A_432 = tpu.memref_slice %arg5[%run_scoped3A_307, %add3A_305, %dma_start3A_431] : memref<4x20000x64xf32, #tpu.memory_space<hbm>> -> memref<1x128x64xf32, #tpu.memory_space<hbm>>
      %dma_start3A_433 = tpu.memref_squeeze %dma_start3A_432 : memref<1x128x64xf32, #tpu.memory_space<hbm>> -> memref<128x64xf32, #tpu.memory_space<hbm>>
      %dma_start3A_434 = arith.constant 0 : i32
      %dma_start3A_435 = tpu.memref_slice %arg5[%run_scoped3A_307, %add3A_305, %dma_start3A_434] : memref<4x20000x64xf32, #tpu.memory_space<hbm>> -> memref<1x128x64xf32, #tpu.memory_space<hbm>>
      %dma_start3A_436 = tpu.memref_squeeze %dma_start3A_435 : memref<1x128x64xf32, #tpu.memory_space<hbm>> -> memref<128x64xf32, #tpu.memory_space<hbm>>
      %dma_start3A_437 = arith.constant 0 : i32
      %dma_start3A_438 = arith.constant 0 : i32
      %dma_start3A_439 = tpu.memref_slice %arg9[%run_scoped3A_306, %dma_start3A_437, %dma_start3A_438] : memref<5x128x64xf32, #tpu.memory_space<vmem>> -> memref<1x128x64xf32, #tpu.memory_space<vmem>>
      %dma_start3A_440 = tpu.memref_squeeze %dma_start3A_439 : memref<1x128x64xf32, #tpu.memory_space<vmem>> -> memref<128x64xf32, #tpu.memory_space<vmem>>
      tpu.enqueue_dma source(%dma_start3A_440 : memref<128x64xf32, #tpu.memory_space<vmem>>) target(%dma_start3A_436 : memref<128x64xf32, #tpu.memory_space<hbm>>) target_semaphore(%run_scoped3A_427 : memref<!tpu.dma_semaphore, #tpu.memory_space<semaphore_mem>>)
      %dma_wait3A = arith.constant 0 : i32
      %dma_wait3A_441 = arith.constant 0 : i32
      %dma_wait3A_442 = tpu.memref_slice %arg9[%run_scoped3A_306, %dma_wait3A, %dma_wait3A_441] : memref<5x128x64xf32, #tpu.memory_space<vmem>> -> memref<1x128x64xf32, #tpu.memory_space<vmem>>
      %dma_wait3A_443 = tpu.memref_squeeze %dma_wait3A_442 : memref<1x128x64xf32, #tpu.memory_space<vmem>> -> memref<128x64xf32, #tpu.memory_space<vmem>>
      %dma_wait3A_444 = arith.constant 0 : i32
      %dma_wait3A_445 = tpu.memref_slice %arg5[%run_scoped3A_307, %add3A_305, %dma_wait3A_444] : memref<4x20000x64xf32, #tpu.memory_space<hbm>> -> memref<1x128x64xf32, #tpu.memory_space<hbm>>
      %dma_wait3A_446 = tpu.memref_squeeze %dma_wait3A_445 : memref<1x128x64xf32, #tpu.memory_space<hbm>> -> memref<128x64xf32, #tpu.memory_space<hbm>>
      %dma_wait3A_447 = arith.constant 0 : i32
      %dma_wait3A_448 = tpu.memref_slice %arg5[%run_scoped3A_307, %add3A_305, %dma_wait3A_447] : memref<4x20000x64xf32, #tpu.memory_space<hbm>> -> memref<1x128x64xf32, #tpu.memory_space<hbm>>
      %dma_wait3A_449 = tpu.memref_squeeze %dma_wait3A_448 : memref<1x128x64xf32, #tpu.memory_space<hbm>> -> memref<128x64xf32, #tpu.memory_space<hbm>>
      %dma_wait3A_450 = arith.constant 0 : i32
      %dma_wait3A_451 = arith.constant 0 : i32
      %dma_wait3A_452 = tpu.memref_slice %arg9[%run_scoped3A_306, %dma_wait3A_450, %dma_wait3A_451] : memref<5x128x64xf32, #tpu.memory_space<vmem>> -> memref<1x128x64xf32, #tpu.memory_space<vmem>>
      %dma_wait3A_453 = tpu.memref_squeeze %dma_wait3A_452 : memref<1x128x64xf32, #tpu.memory_space<vmem>> -> memref<128x64xf32, #tpu.memory_space<vmem>>
      tpu.wait_dma2 semaphore(%run_scoped3A_427 : memref<!tpu.dma_semaphore, #tpu.memory_space<semaphore_mem>>) src(%dma_wait3A_453 : memref<128x64xf32, #tpu.memory_space<vmem>>) dst(%dma_wait3A_449 : memref<128x64xf32, #tpu.memory_space<hbm>>)
      tpu.yield
    }) : () -> ()
    %mul3A_308 = arith.constant 625 : i32
    %mul3A_309 = arith.muli %arg1, %mul3A_308 : i32
    %add3A_310 = arith.constant 512 : i32
    %add3A_311 = arith.addi %mul3A_309, %add3A_310 : i32
    %run_scoped3A_312 = arith.constant 0 : i32
    "tpu.region"() ({
      %run_scoped3A_427 = tpu.sem_alloc : memref<!tpu.dma_semaphore, #tpu.memory_space<semaphore_mem>>
      %dma_start3A = arith.constant 0 : i32
      %dma_start3A_428 = arith.constant 0 : i32
      %dma_start3A_429 = tpu.memref_slice %arg9[%run_scoped3A_312, %dma_start3A, %dma_start3A_428] : memref<5x128x64xf32, #tpu.memory_space<vmem>> -> memref<1x113x64xf32, #tpu.memory_space<vmem>>
      %dma_start3A_430 = tpu.memref_squeeze %dma_start3A_429 : memref<1x113x64xf32, #tpu.memory_space<vmem>> -> memref<113x64xf32, #tpu.memory_space<vmem>>
      %dma_start3A_431 = arith.constant 0 : i32
      %dma_start3A_432 = tpu.memref_slice %arg10[%add3A_311, %dma_start3A_431] : memref<10112x64xf32, #tpu.memory_space<vmem_shared>> -> memref<113x64xf32, #tpu.memory_space<vmem_shared>>
      %dma_start3A_433 = arith.constant 0 : i32
      %dma_start3A_434 = arith.constant 0 : i32
      %dma_start3A_435 = tpu.memref_slice %arg9[%run_scoped3A_312, %dma_start3A_433, %dma_start3A_434] : memref<5x128x64xf32, #tpu.memory_space<vmem>> -> memref<1x113x64xf32, #tpu.memory_space<vmem>>
      %dma_start3A_436 = tpu.memref_squeeze %dma_start3A_435 : memref<1x113x64xf32, #tpu.memory_space<vmem>> -> memref<113x64xf32, #tpu.memory_space<vmem>>
      %dma_start3A_437 = arith.constant 0 : i32
      %dma_start3A_438 = tpu.memref_slice %arg10[%add3A_311, %dma_start3A_437] : memref<10112x64xf32, #tpu.memory_space<vmem_shared>> -> memref<113x64xf32, #tpu.memory_space<vmem_shared>>
      tpu.enqueue_dma source(%dma_start3A_438 : memref<113x64xf32, #tpu.memory_space<vmem_shared>>) target(%dma_start3A_436 : memref<113x64xf32, #tpu.memory_space<vmem>>) target_semaphore(%run_scoped3A_427 : memref<!tpu.dma_semaphore, #tpu.memory_space<semaphore_mem>>)
      %dma_wait3A = arith.constant 0 : i32
      %dma_wait3A_439 = arith.constant 0 : i32
      %dma_wait3A_440 = tpu.memref_slice %arg9[%run_scoped3A_312, %dma_wait3A, %dma_wait3A_439] : memref<5x128x64xf32, #tpu.memory_space<vmem>> -> memref<1x113x64xf32, #tpu.memory_space<vmem>>
      %dma_wait3A_441 = tpu.memref_squeeze %dma_wait3A_440 : memref<1x113x64xf32, #tpu.memory_space<vmem>> -> memref<113x64xf32, #tpu.memory_space<vmem>>
      %dma_wait3A_442 = arith.constant 0 : i32
      %dma_wait3A_443 = tpu.memref_slice %arg10[%add3A_311, %dma_wait3A_442] : memref<10112x64xf32, #tpu.memory_space<vmem_shared>> -> memref<113x64xf32, #tpu.memory_space<vmem_shared>>
      %dma_wait3A_444 = arith.constant 0 : i32
      %dma_wait3A_445 = arith.constant 0 : i32
      %dma_wait3A_446 = tpu.memref_slice %arg9[%run_scoped3A_312, %dma_wait3A_444, %dma_wait3A_445] : memref<5x128x64xf32, #tpu.memory_space<vmem>> -> memref<1x113x64xf32, #tpu.memory_space<vmem>>
      %dma_wait3A_447 = tpu.memref_squeeze %dma_wait3A_446 : memref<1x113x64xf32, #tpu.memory_space<vmem>> -> memref<113x64xf32, #tpu.memory_space<vmem>>
      %dma_wait3A_448 = arith.constant 0 : i32
      %dma_wait3A_449 = tpu.memref_slice %arg10[%add3A_311, %dma_wait3A_448] : memref<10112x64xf32, #tpu.memory_space<vmem_shared>> -> memref<113x64xf32, #tpu.memory_space<vmem_shared>>
      tpu.wait_dma2 semaphore(%run_scoped3A_427 : memref<!tpu.dma_semaphore, #tpu.memory_space<semaphore_mem>>) src(%dma_wait3A_449 : memref<113x64xf32, #tpu.memory_space<vmem_shared>>) dst(%dma_wait3A_447 : memref<113x64xf32, #tpu.memory_space<vmem>>)
      tpu.yield
    }) : () -> ()
    %mul3A_313 = arith.constant 625 : i32
    %mul3A_314 = arith.muli %arg1, %mul3A_313 : i32
    %add3A_315 = arith.addi %mul3A_1, %mul3A_314 : i32
    %add3A_316 = arith.constant 512 : i32
    %add3A_317 = arith.addi %add3A_315, %add3A_316 : i32
    %run_scoped3A_318 = arith.constant 0 : i32
    %run_scoped3A_319 = arith.constant 2 : i32
    "tpu.region"() ({
      %run_scoped3A_427 = tpu.sem_alloc : memref<!tpu.dma_semaphore, #tpu.memory_space<semaphore_mem>>
      %dma_start3A = arith.constant 0 : i32
      %dma_start3A_428 = arith.constant 0 : i32
      %dma_start3A_429 = tpu.memref_slice %arg9[%run_scoped3A_318, %dma_start3A, %dma_start3A_428] : memref<5x128x64xf32, #tpu.memory_space<vmem>> -> memref<1x113x64xf32, #tpu.memory_space<vmem>>
      %dma_start3A_430 = tpu.memref_squeeze %dma_start3A_429 : memref<1x113x64xf32, #tpu.memory_space<vmem>> -> memref<113x64xf32, #tpu.memory_space<vmem>>
      %dma_start3A_431 = arith.constant 0 : i32
      %dma_start3A_432 = tpu.memref_slice %arg5[%run_scoped3A_319, %add3A_317, %dma_start3A_431] : memref<4x20000x64xf32, #tpu.memory_space<hbm>> -> memref<1x113x64xf32, #tpu.memory_space<hbm>>
      %dma_start3A_433 = tpu.memref_squeeze %dma_start3A_432 : memref<1x113x64xf32, #tpu.memory_space<hbm>> -> memref<113x64xf32, #tpu.memory_space<hbm>>
      %dma_start3A_434 = arith.constant 0 : i32
      %dma_start3A_435 = tpu.memref_slice %arg5[%run_scoped3A_319, %add3A_317, %dma_start3A_434] : memref<4x20000x64xf32, #tpu.memory_space<hbm>> -> memref<1x113x64xf32, #tpu.memory_space<hbm>>
      %dma_start3A_436 = tpu.memref_squeeze %dma_start3A_435 : memref<1x113x64xf32, #tpu.memory_space<hbm>> -> memref<113x64xf32, #tpu.memory_space<hbm>>
      %dma_start3A_437 = arith.constant 0 : i32
      %dma_start3A_438 = arith.constant 0 : i32
      %dma_start3A_439 = tpu.memref_slice %arg9[%run_scoped3A_318, %dma_start3A_437, %dma_start3A_438] : memref<5x128x64xf32, #tpu.memory_space<vmem>> -> memref<1x113x64xf32, #tpu.memory_space<vmem>>
      %dma_start3A_440 = tpu.memref_squeeze %dma_start3A_439 : memref<1x113x64xf32, #tpu.memory_space<vmem>> -> memref<113x64xf32, #tpu.memory_space<vmem>>
      tpu.enqueue_dma source(%dma_start3A_440 : memref<113x64xf32, #tpu.memory_space<vmem>>) target(%dma_start3A_436 : memref<113x64xf32, #tpu.memory_space<hbm>>) target_semaphore(%run_scoped3A_427 : memref<!tpu.dma_semaphore, #tpu.memory_space<semaphore_mem>>)
      %dma_wait3A = arith.constant 0 : i32
      %dma_wait3A_441 = arith.constant 0 : i32
      %dma_wait3A_442 = tpu.memref_slice %arg9[%run_scoped3A_318, %dma_wait3A, %dma_wait3A_441] : memref<5x128x64xf32, #tpu.memory_space<vmem>> -> memref<1x113x64xf32, #tpu.memory_space<vmem>>
      %dma_wait3A_443 = tpu.memref_squeeze %dma_wait3A_442 : memref<1x113x64xf32, #tpu.memory_space<vmem>> -> memref<113x64xf32, #tpu.memory_space<vmem>>
      %dma_wait3A_444 = arith.constant 0 : i32
      %dma_wait3A_445 = tpu.memref_slice %arg5[%run_scoped3A_319, %add3A_317, %dma_wait3A_444] : memref<4x20000x64xf32, #tpu.memory_space<hbm>> -> memref<1x113x64xf32, #tpu.memory_space<hbm>>
      %dma_wait3A_446 = tpu.memref_squeeze %dma_wait3A_445 : memref<1x113x64xf32, #tpu.memory_space<hbm>> -> memref<113x64xf32, #tpu.memory_space<hbm>>
      %dma_wait3A_447 = arith.constant 0 : i32
      %dma_wait3A_448 = tpu.memref_slice %arg5[%run_scoped3A_319, %add3A_317, %dma_wait3A_447] : memref<4x20000x64xf32, #tpu.memory_space<hbm>> -> memref<1x113x64xf32, #tpu.memory_space<hbm>>
      %dma_wait3A_449 = tpu.memref_squeeze %dma_wait3A_448 : memref<1x113x64xf32, #tpu.memory_space<hbm>> -> memref<113x64xf32, #tpu.memory_space<hbm>>
      %dma_wait3A_450 = arith.constant 0 : i32
      %dma_wait3A_451 = arith.constant 0 : i32
      %dma_wait3A_452 = tpu.memref_slice %arg9[%run_scoped3A_318, %dma_wait3A_450, %dma_wait3A_451] : memref<5x128x64xf32, #tpu.memory_space<vmem>> -> memref<1x113x64xf32, #tpu.memory_space<vmem>>
      %dma_wait3A_453 = tpu.memref_squeeze %dma_wait3A_452 : memref<1x113x64xf32, #tpu.memory_space<vmem>> -> memref<113x64xf32, #tpu.memory_space<vmem>>
      tpu.wait_dma2 semaphore(%run_scoped3A_427 : memref<!tpu.dma_semaphore, #tpu.memory_space<semaphore_mem>>) src(%dma_wait3A_453 : memref<113x64xf32, #tpu.memory_space<vmem>>) dst(%dma_wait3A_449 : memref<113x64xf32, #tpu.memory_space<hbm>>)
      tpu.yield
    }) : () -> ()
    %barrier3A_320 = arith.constant 0 : index
    tpu.barrier barrier_id(%barrier3A_320)
    %mul3A_321 = arith.constant 80 : i32
    %mul3A_322 = arith.muli %arg1, %mul3A_321 : i32
    %run_scoped3A_323 = arith.constant 3 : i32
    "tpu.region"() ({
      %run_scoped3A_427 = tpu.sem_alloc : memref<!tpu.dma_semaphore, #tpu.memory_space<semaphore_mem>>
      %dma_start3A = arith.constant 0 : i32
      %dma_start3A_428 = tpu.memref_slice %arg3[%run_scoped3A_323, %arg0, %mul3A_322, %dma_start3A] : memref<4x2x1280x128xi32, #tpu.memory_space<hbm>> -> memref<1x1x80x128xi32, #tpu.memory_space<hbm>>
      %dma_start3A_429 = tpu.memref_squeeze %dma_start3A_428 : memref<1x1x80x128xi32, #tpu.memory_space<hbm>> -> memref<80x128xi32, #tpu.memory_space<hbm>>
      %dma_start3A_430 = arith.constant 0 : i32
      %dma_start3A_431 = tpu.memref_slice %arg3[%run_scoped3A_323, %arg0, %mul3A_322, %dma_start3A_430] : memref<4x2x1280x128xi32, #tpu.memory_space<hbm>> -> memref<1x1x80x128xi32, #tpu.memory_space<hbm>>
      %dma_start3A_432 = tpu.memref_squeeze %dma_start3A_431 : memref<1x1x80x128xi32, #tpu.memory_space<hbm>> -> memref<80x128xi32, #tpu.memory_space<hbm>>
      tpu.enqueue_dma source(%dma_start3A_432 : memref<80x128xi32, #tpu.memory_space<hbm>>) target(%arg7 : memref<80x128xi32, #tpu.memory_space<vmem>>) target_semaphore(%run_scoped3A_427 : memref<!tpu.dma_semaphore, #tpu.memory_space<semaphore_mem>>)
      %dma_wait3A = arith.constant 0 : i32
      %dma_wait3A_433 = tpu.memref_slice %arg3[%run_scoped3A_323, %arg0, %mul3A_322, %dma_wait3A] : memref<4x2x1280x128xi32, #tpu.memory_space<hbm>> -> memref<1x1x80x128xi32, #tpu.memory_space<hbm>>
      %dma_wait3A_434 = tpu.memref_squeeze %dma_wait3A_433 : memref<1x1x80x128xi32, #tpu.memory_space<hbm>> -> memref<80x128xi32, #tpu.memory_space<hbm>>
      %dma_wait3A_435 = arith.constant 0 : i32
      %dma_wait3A_436 = tpu.memref_slice %arg3[%run_scoped3A_323, %arg0, %mul3A_322, %dma_wait3A_435] : memref<4x2x1280x128xi32, #tpu.memory_space<hbm>> -> memref<1x1x80x128xi32, #tpu.memory_space<hbm>>
      %dma_wait3A_437 = tpu.memref_squeeze %dma_wait3A_436 : memref<1x1x80x128xi32, #tpu.memory_space<hbm>> -> memref<80x128xi32, #tpu.memory_space<hbm>>
      tpu.wait_dma2 semaphore(%run_scoped3A_427 : memref<!tpu.dma_semaphore, #tpu.memory_space<semaphore_mem>>) src(%dma_wait3A_437 : memref<80x128xi32, #tpu.memory_space<hbm>>) dst(%arg7 : memref<80x128xi32, #tpu.memory_space<vmem>>)
      tpu.yield
    }) : () -> ()
    %mul3A_324 = arith.constant 80 : i32
    %mul3A_325 = arith.muli %arg1, %mul3A_324 : i32
    %run_scoped3A_326 = arith.constant 3 : i32
    "tpu.region"() ({
      %run_scoped3A_427 = tpu.sem_alloc : memref<!tpu.dma_semaphore, #tpu.memory_space<semaphore_mem>>
      %dma_start3A = arith.constant 0 : i32
      %dma_start3A_428 = tpu.memref_slice %arg4[%run_scoped3A_326, %arg0, %mul3A_325, %dma_start3A] : memref<4x2x1280x128xi32, #tpu.memory_space<hbm>> -> memref<1x1x80x128xi32, #tpu.memory_space<hbm>>
      %dma_start3A_429 = tpu.memref_squeeze %dma_start3A_428 : memref<1x1x80x128xi32, #tpu.memory_space<hbm>> -> memref<80x128xi32, #tpu.memory_space<hbm>>
      %dma_start3A_430 = arith.constant 0 : i32
      %dma_start3A_431 = tpu.memref_slice %arg4[%run_scoped3A_326, %arg0, %mul3A_325, %dma_start3A_430] : memref<4x2x1280x128xi32, #tpu.memory_space<hbm>> -> memref<1x1x80x128xi32, #tpu.memory_space<hbm>>
      %dma_start3A_432 = tpu.memref_squeeze %dma_start3A_431 : memref<1x1x80x128xi32, #tpu.memory_space<hbm>> -> memref<80x128xi32, #tpu.memory_space<hbm>>
      tpu.enqueue_dma source(%dma_start3A_432 : memref<80x128xi32, #tpu.memory_space<hbm>>) target(%arg8 : memref<80x128xi32, #tpu.memory_space<vmem>>) target_semaphore(%run_scoped3A_427 : memref<!tpu.dma_semaphore, #tpu.memory_space<semaphore_mem>>)
      %dma_wait3A = arith.constant 0 : i32
      %dma_wait3A_433 = tpu.memref_slice %arg4[%run_scoped3A_326, %arg0, %mul3A_325, %dma_wait3A] : memref<4x2x1280x128xi32, #tpu.memory_space<hbm>> -> memref<1x1x80x128xi32, #tpu.memory_space<hbm>>
      %dma_wait3A_434 = tpu.memref_squeeze %dma_wait3A_433 : memref<1x1x80x128xi32, #tpu.memory_space<hbm>> -> memref<80x128xi32, #tpu.memory_space<hbm>>
      %dma_wait3A_435 = arith.constant 0 : i32
      %dma_wait3A_436 = tpu.memref_slice %arg4[%run_scoped3A_326, %arg0, %mul3A_325, %dma_wait3A_435] : memref<4x2x1280x128xi32, #tpu.memory_space<hbm>> -> memref<1x1x80x128xi32, #tpu.memory_space<hbm>>
      %dma_wait3A_437 = tpu.memref_squeeze %dma_wait3A_436 : memref<1x1x80x128xi32, #tpu.memory_space<hbm>> -> memref<80x128xi32, #tpu.memory_space<hbm>>
      tpu.wait_dma2 semaphore(%run_scoped3A_427 : memref<!tpu.dma_semaphore, #tpu.memory_space<semaphore_mem>>) src(%dma_wait3A_437 : memref<80x128xi32, #tpu.memory_space<hbm>>) dst(%arg8 : memref<80x128xi32, #tpu.memory_space<vmem>>)
      tpu.yield
    }) : () -> ()
    %mul3A_327 = arith.constant 632 : i32
    %mul3A_328 = arith.muli %arg1, %mul3A_327 : i32
    %add3A_329 = arith.constant 0 : i32
    %add3A_330 = arith.addi %mul3A_328, %add3A_329 : i32
    "tpu.region"() ({
      %run_scoped3A_427 = tpu.sem_alloc : memref<!tpu.dma_semaphore, #tpu.memory_space<semaphore_mem>>
      %dma_start3A = arith.constant 0 : i32
      %dma_start3A_428 = tpu.memref_slice %arg10[%add3A_330, %dma_start3A] : memref<10112x64xf32, #tpu.memory_space<vmem_shared>> -> memref<79x64xf32, #tpu.memory_space<vmem_shared>>
      %dma_start3A_429 = arith.constant 0 : i32
      %dma_start3A_430 = tpu.memref_slice %arg10[%add3A_330, %dma_start3A_429] : memref<10112x64xf32, #tpu.memory_space<vmem_shared>> -> memref<79x64xf32, #tpu.memory_space<vmem_shared>>
      tpu.enqueue_dma source(%arg6 : memref<79x64xf32, #tpu.memory_space<vmem>>) target(%dma_start3A_430 : memref<79x64xf32, #tpu.memory_space<vmem_shared>>) target_semaphore(%run_scoped3A_427 : memref<!tpu.dma_semaphore, #tpu.memory_space<semaphore_mem>>)
      %dma_wait3A = arith.constant 0 : i32
      %dma_wait3A_431 = tpu.memref_slice %arg10[%add3A_330, %dma_wait3A] : memref<10112x64xf32, #tpu.memory_space<vmem_shared>> -> memref<79x64xf32, #tpu.memory_space<vmem_shared>>
      %dma_wait3A_432 = arith.constant 0 : i32
      %dma_wait3A_433 = tpu.memref_slice %arg10[%add3A_330, %dma_wait3A_432] : memref<10112x64xf32, #tpu.memory_space<vmem_shared>> -> memref<79x64xf32, #tpu.memory_space<vmem_shared>>
      tpu.wait_dma2 semaphore(%run_scoped3A_427 : memref<!tpu.dma_semaphore, #tpu.memory_space<semaphore_mem>>) src(%arg6 : memref<79x64xf32, #tpu.memory_space<vmem>>) dst(%dma_wait3A_433 : memref<79x64xf32, #tpu.memory_space<vmem_shared>>)
      tpu.yield
    }) : () -> ()
    %mul3A_331 = arith.constant 632 : i32
    %mul3A_332 = arith.muli %arg1, %mul3A_331 : i32
    %add3A_333 = arith.constant 79 : i32
    %add3A_334 = arith.addi %mul3A_332, %add3A_333 : i32
    "tpu.region"() ({
      %run_scoped3A_427 = tpu.sem_alloc : memref<!tpu.dma_semaphore, #tpu.memory_space<semaphore_mem>>
      %dma_start3A = arith.constant 0 : i32
      %dma_start3A_428 = tpu.memref_slice %arg10[%add3A_334, %dma_start3A] : memref<10112x64xf32, #tpu.memory_space<vmem_shared>> -> memref<79x64xf32, #tpu.memory_space<vmem_shared>>
      %dma_start3A_429 = arith.constant 0 : i32
      %dma_start3A_430 = tpu.memref_slice %arg10[%add3A_334, %dma_start3A_429] : memref<10112x64xf32, #tpu.memory_space<vmem_shared>> -> memref<79x64xf32, #tpu.memory_space<vmem_shared>>
      tpu.enqueue_dma source(%arg6 : memref<79x64xf32, #tpu.memory_space<vmem>>) target(%dma_start3A_430 : memref<79x64xf32, #tpu.memory_space<vmem_shared>>) target_semaphore(%run_scoped3A_427 : memref<!tpu.dma_semaphore, #tpu.memory_space<semaphore_mem>>)
      %dma_wait3A = arith.constant 0 : i32
      %dma_wait3A_431 = tpu.memref_slice %arg10[%add3A_334, %dma_wait3A] : memref<10112x64xf32, #tpu.memory_space<vmem_shared>> -> memref<79x64xf32, #tpu.memory_space<vmem_shared>>
      %dma_wait3A_432 = arith.constant 0 : i32
      %dma_wait3A_433 = tpu.memref_slice %arg10[%add3A_334, %dma_wait3A_432] : memref<10112x64xf32, #tpu.memory_space<vmem_shared>> -> memref<79x64xf32, #tpu.memory_space<vmem_shared>>
      tpu.wait_dma2 semaphore(%run_scoped3A_427 : memref<!tpu.dma_semaphore, #tpu.memory_space<semaphore_mem>>) src(%arg6 : memref<79x64xf32, #tpu.memory_space<vmem>>) dst(%dma_wait3A_433 : memref<79x64xf32, #tpu.memory_space<vmem_shared>>)
      tpu.yield
    }) : () -> ()
    %mul3A_335 = arith.constant 632 : i32
    %mul3A_336 = arith.muli %arg1, %mul3A_335 : i32
    %add3A_337 = arith.constant 158 : i32
    %add3A_338 = arith.addi %mul3A_336, %add3A_337 : i32
    "tpu.region"() ({
      %run_scoped3A_427 = tpu.sem_alloc : memref<!tpu.dma_semaphore, #tpu.memory_space<semaphore_mem>>
      %dma_start3A = arith.constant 0 : i32
      %dma_start3A_428 = tpu.memref_slice %arg10[%add3A_338, %dma_start3A] : memref<10112x64xf32, #tpu.memory_space<vmem_shared>> -> memref<79x64xf32, #tpu.memory_space<vmem_shared>>
      %dma_start3A_429 = arith.constant 0 : i32
      %dma_start3A_430 = tpu.memref_slice %arg10[%add3A_338, %dma_start3A_429] : memref<10112x64xf32, #tpu.memory_space<vmem_shared>> -> memref<79x64xf32, #tpu.memory_space<vmem_shared>>
      tpu.enqueue_dma source(%arg6 : memref<79x64xf32, #tpu.memory_space<vmem>>) target(%dma_start3A_430 : memref<79x64xf32, #tpu.memory_space<vmem_shared>>) target_semaphore(%run_scoped3A_427 : memref<!tpu.dma_semaphore, #tpu.memory_space<semaphore_mem>>)
      %dma_wait3A = arith.constant 0 : i32
      %dma_wait3A_431 = tpu.memref_slice %arg10[%add3A_338, %dma_wait3A] : memref<10112x64xf32, #tpu.memory_space<vmem_shared>> -> memref<79x64xf32, #tpu.memory_space<vmem_shared>>
      %dma_wait3A_432 = arith.constant 0 : i32
      %dma_wait3A_433 = tpu.memref_slice %arg10[%add3A_338, %dma_wait3A_432] : memref<10112x64xf32, #tpu.memory_space<vmem_shared>> -> memref<79x64xf32, #tpu.memory_space<vmem_shared>>
      tpu.wait_dma2 semaphore(%run_scoped3A_427 : memref<!tpu.dma_semaphore, #tpu.memory_space<semaphore_mem>>) src(%arg6 : memref<79x64xf32, #tpu.memory_space<vmem>>) dst(%dma_wait3A_433 : memref<79x64xf32, #tpu.memory_space<vmem_shared>>)
      tpu.yield
    }) : () -> ()
    %mul3A_339 = arith.constant 632 : i32
    %mul3A_340 = arith.muli %arg1, %mul3A_339 : i32
    %add3A_341 = arith.constant 237 : i32
    %add3A_342 = arith.addi %mul3A_340, %add3A_341 : i32
    "tpu.region"() ({
      %run_scoped3A_427 = tpu.sem_alloc : memref<!tpu.dma_semaphore, #tpu.memory_space<semaphore_mem>>
      %dma_start3A = arith.constant 0 : i32
      %dma_start3A_428 = tpu.memref_slice %arg10[%add3A_342, %dma_start3A] : memref<10112x64xf32, #tpu.memory_space<vmem_shared>> -> memref<79x64xf32, #tpu.memory_space<vmem_shared>>
      %dma_start3A_429 = arith.constant 0 : i32
      %dma_start3A_430 = tpu.memref_slice %arg10[%add3A_342, %dma_start3A_429] : memref<10112x64xf32, #tpu.memory_space<vmem_shared>> -> memref<79x64xf32, #tpu.memory_space<vmem_shared>>
      tpu.enqueue_dma source(%arg6 : memref<79x64xf32, #tpu.memory_space<vmem>>) target(%dma_start3A_430 : memref<79x64xf32, #tpu.memory_space<vmem_shared>>) target_semaphore(%run_scoped3A_427 : memref<!tpu.dma_semaphore, #tpu.memory_space<semaphore_mem>>)
      %dma_wait3A = arith.constant 0 : i32
      %dma_wait3A_431 = tpu.memref_slice %arg10[%add3A_342, %dma_wait3A] : memref<10112x64xf32, #tpu.memory_space<vmem_shared>> -> memref<79x64xf32, #tpu.memory_space<vmem_shared>>
      %dma_wait3A_432 = arith.constant 0 : i32
      %dma_wait3A_433 = tpu.memref_slice %arg10[%add3A_342, %dma_wait3A_432] : memref<10112x64xf32, #tpu.memory_space<vmem_shared>> -> memref<79x64xf32, #tpu.memory_space<vmem_shared>>
      tpu.wait_dma2 semaphore(%run_scoped3A_427 : memref<!tpu.dma_semaphore, #tpu.memory_space<semaphore_mem>>) src(%arg6 : memref<79x64xf32, #tpu.memory_space<vmem>>) dst(%dma_wait3A_433 : memref<79x64xf32, #tpu.memory_space<vmem_shared>>)
      tpu.yield
    }) : () -> ()
    %mul3A_343 = arith.constant 632 : i32
    %mul3A_344 = arith.muli %arg1, %mul3A_343 : i32
    %add3A_345 = arith.constant 316 : i32
    %add3A_346 = arith.addi %mul3A_344, %add3A_345 : i32
    "tpu.region"() ({
      %run_scoped3A_427 = tpu.sem_alloc : memref<!tpu.dma_semaphore, #tpu.memory_space<semaphore_mem>>
      %dma_start3A = arith.constant 0 : i32
      %dma_start3A_428 = tpu.memref_slice %arg10[%add3A_346, %dma_start3A] : memref<10112x64xf32, #tpu.memory_space<vmem_shared>> -> memref<79x64xf32, #tpu.memory_space<vmem_shared>>
      %dma_start3A_429 = arith.constant 0 : i32
      %dma_start3A_430 = tpu.memref_slice %arg10[%add3A_346, %dma_start3A_429] : memref<10112x64xf32, #tpu.memory_space<vmem_shared>> -> memref<79x64xf32, #tpu.memory_space<vmem_shared>>
      tpu.enqueue_dma source(%arg6 : memref<79x64xf32, #tpu.memory_space<vmem>>) target(%dma_start3A_430 : memref<79x64xf32, #tpu.memory_space<vmem_shared>>) target_semaphore(%run_scoped3A_427 : memref<!tpu.dma_semaphore, #tpu.memory_space<semaphore_mem>>)
      %dma_wait3A = arith.constant 0 : i32
      %dma_wait3A_431 = tpu.memref_slice %arg10[%add3A_346, %dma_wait3A] : memref<10112x64xf32, #tpu.memory_space<vmem_shared>> -> memref<79x64xf32, #tpu.memory_space<vmem_shared>>
      %dma_wait3A_432 = arith.constant 0 : i32
      %dma_wait3A_433 = tpu.memref_slice %arg10[%add3A_346, %dma_wait3A_432] : memref<10112x64xf32, #tpu.memory_space<vmem_shared>> -> memref<79x64xf32, #tpu.memory_space<vmem_shared>>
      tpu.wait_dma2 semaphore(%run_scoped3A_427 : memref<!tpu.dma_semaphore, #tpu.memory_space<semaphore_mem>>) src(%arg6 : memref<79x64xf32, #tpu.memory_space<vmem>>) dst(%dma_wait3A_433 : memref<79x64xf32, #tpu.memory_space<vmem_shared>>)
      tpu.yield
    }) : () -> ()
    %mul3A_347 = arith.constant 632 : i32
    %mul3A_348 = arith.muli %arg1, %mul3A_347 : i32
    %add3A_349 = arith.constant 395 : i32
    %add3A_350 = arith.addi %mul3A_348, %add3A_349 : i32
    "tpu.region"() ({
      %run_scoped3A_427 = tpu.sem_alloc : memref<!tpu.dma_semaphore, #tpu.memory_space<semaphore_mem>>
      %dma_start3A = arith.constant 0 : i32
      %dma_start3A_428 = tpu.memref_slice %arg10[%add3A_350, %dma_start3A] : memref<10112x64xf32, #tpu.memory_space<vmem_shared>> -> memref<79x64xf32, #tpu.memory_space<vmem_shared>>
      %dma_start3A_429 = arith.constant 0 : i32
      %dma_start3A_430 = tpu.memref_slice %arg10[%add3A_350, %dma_start3A_429] : memref<10112x64xf32, #tpu.memory_space<vmem_shared>> -> memref<79x64xf32, #tpu.memory_space<vmem_shared>>
      tpu.enqueue_dma source(%arg6 : memref<79x64xf32, #tpu.memory_space<vmem>>) target(%dma_start3A_430 : memref<79x64xf32, #tpu.memory_space<vmem_shared>>) target_semaphore(%run_scoped3A_427 : memref<!tpu.dma_semaphore, #tpu.memory_space<semaphore_mem>>)
      %dma_wait3A = arith.constant 0 : i32
      %dma_wait3A_431 = tpu.memref_slice %arg10[%add3A_350, %dma_wait3A] : memref<10112x64xf32, #tpu.memory_space<vmem_shared>> -> memref<79x64xf32, #tpu.memory_space<vmem_shared>>
      %dma_wait3A_432 = arith.constant 0 : i32
      %dma_wait3A_433 = tpu.memref_slice %arg10[%add3A_350, %dma_wait3A_432] : memref<10112x64xf32, #tpu.memory_space<vmem_shared>> -> memref<79x64xf32, #tpu.memory_space<vmem_shared>>
      tpu.wait_dma2 semaphore(%run_scoped3A_427 : memref<!tpu.dma_semaphore, #tpu.memory_space<semaphore_mem>>) src(%arg6 : memref<79x64xf32, #tpu.memory_space<vmem>>) dst(%dma_wait3A_433 : memref<79x64xf32, #tpu.memory_space<vmem_shared>>)
      tpu.yield
    }) : () -> ()
    %mul3A_351 = arith.constant 632 : i32
    %mul3A_352 = arith.muli %arg1, %mul3A_351 : i32
    %add3A_353 = arith.constant 474 : i32
    %add3A_354 = arith.addi %mul3A_352, %add3A_353 : i32
    "tpu.region"() ({
      %run_scoped3A_427 = tpu.sem_alloc : memref<!tpu.dma_semaphore, #tpu.memory_space<semaphore_mem>>
      %dma_start3A = arith.constant 0 : i32
      %dma_start3A_428 = tpu.memref_slice %arg10[%add3A_354, %dma_start3A] : memref<10112x64xf32, #tpu.memory_space<vmem_shared>> -> memref<79x64xf32, #tpu.memory_space<vmem_shared>>
      %dma_start3A_429 = arith.constant 0 : i32
      %dma_start3A_430 = tpu.memref_slice %arg10[%add3A_354, %dma_start3A_429] : memref<10112x64xf32, #tpu.memory_space<vmem_shared>> -> memref<79x64xf32, #tpu.memory_space<vmem_shared>>
      tpu.enqueue_dma source(%arg6 : memref<79x64xf32, #tpu.memory_space<vmem>>) target(%dma_start3A_430 : memref<79x64xf32, #tpu.memory_space<vmem_shared>>) target_semaphore(%run_scoped3A_427 : memref<!tpu.dma_semaphore, #tpu.memory_space<semaphore_mem>>)
      %dma_wait3A = arith.constant 0 : i32
      %dma_wait3A_431 = tpu.memref_slice %arg10[%add3A_354, %dma_wait3A] : memref<10112x64xf32, #tpu.memory_space<vmem_shared>> -> memref<79x64xf32, #tpu.memory_space<vmem_shared>>
      %dma_wait3A_432 = arith.constant 0 : i32
      %dma_wait3A_433 = tpu.memref_slice %arg10[%add3A_354, %dma_wait3A_432] : memref<10112x64xf32, #tpu.memory_space<vmem_shared>> -> memref<79x64xf32, #tpu.memory_space<vmem_shared>>
      tpu.wait_dma2 semaphore(%run_scoped3A_427 : memref<!tpu.dma_semaphore, #tpu.memory_space<semaphore_mem>>) src(%arg6 : memref<79x64xf32, #tpu.memory_space<vmem>>) dst(%dma_wait3A_433 : memref<79x64xf32, #tpu.memory_space<vmem_shared>>)
      tpu.yield
    }) : () -> ()
    %mul3A_355 = arith.constant 632 : i32
    %mul3A_356 = arith.muli %arg1, %mul3A_355 : i32
    %add3A_357 = arith.constant 553 : i32
    %add3A_358 = arith.addi %mul3A_356, %add3A_357 : i32
    "tpu.region"() ({
      %run_scoped3A_427 = tpu.sem_alloc : memref<!tpu.dma_semaphore, #tpu.memory_space<semaphore_mem>>
      %dma_start3A = arith.constant 0 : i32
      %dma_start3A_428 = tpu.memref_slice %arg10[%add3A_358, %dma_start3A] : memref<10112x64xf32, #tpu.memory_space<vmem_shared>> -> memref<79x64xf32, #tpu.memory_space<vmem_shared>>
      %dma_start3A_429 = arith.constant 0 : i32
      %dma_start3A_430 = tpu.memref_slice %arg10[%add3A_358, %dma_start3A_429] : memref<10112x64xf32, #tpu.memory_space<vmem_shared>> -> memref<79x64xf32, #tpu.memory_space<vmem_shared>>
      tpu.enqueue_dma source(%arg6 : memref<79x64xf32, #tpu.memory_space<vmem>>) target(%dma_start3A_430 : memref<79x64xf32, #tpu.memory_space<vmem_shared>>) target_semaphore(%run_scoped3A_427 : memref<!tpu.dma_semaphore, #tpu.memory_space<semaphore_mem>>)
      %dma_wait3A = arith.constant 0 : i32
      %dma_wait3A_431 = tpu.memref_slice %arg10[%add3A_358, %dma_wait3A] : memref<10112x64xf32, #tpu.memory_space<vmem_shared>> -> memref<79x64xf32, #tpu.memory_space<vmem_shared>>
      %dma_wait3A_432 = arith.constant 0 : i32
      %dma_wait3A_433 = tpu.memref_slice %arg10[%add3A_358, %dma_wait3A_432] : memref<10112x64xf32, #tpu.memory_space<vmem_shared>> -> memref<79x64xf32, #tpu.memory_space<vmem_shared>>
      tpu.wait_dma2 semaphore(%run_scoped3A_427 : memref<!tpu.dma_semaphore, #tpu.memory_space<semaphore_mem>>) src(%arg6 : memref<79x64xf32, #tpu.memory_space<vmem>>) dst(%dma_wait3A_433 : memref<79x64xf32, #tpu.memory_space<vmem_shared>>)
      tpu.yield
    }) : () -> ()
    %barrier3A_359 = arith.constant 0 : index
    tpu.barrier barrier_id(%barrier3A_359)
    %scan3A_360 = arith.constant 0 : i32
    %scan3A_361 = arith.constant 16 : i32
    %scan3A_362 = arith.addi %scan3A_360, %scan3A_361 : i32
    %scan3A_363 = arith.constant 1 : i32
    scf.for %scan3A_427 = %scan3A_360 to %scan3A_362 step %scan3A_363  : i32 {
      %mul3A_428 = arith.constant 1 : i32
      %mul3A_429 = arith.muli %scan3A_427, %mul3A_428 : i32
      %add3A_430 = arith.constant 0 : i32
      %add3A_431 = arith.addi %add3A_430, %mul3A_429 : i32
      %mul3A_432 = arith.constant 5 : i32
      %mul3A_433 = arith.muli %add3A_431, %mul3A_432 : i32
      %add3A_434 = arith.constant 0 : i32
      %add3A_435 = arith.addi %mul3A_433, %add3A_434 : i32
      %dma_start3A = arith.constant 0 : i32
      %dma_start3A_436 = arith.constant 0 : i32
      %dma_start3A_437 = arith.constant 0 : i32
      %dma_start3A_438 = tpu.memref_slice %arg9[%dma_start3A, %dma_start3A_436, %dma_start3A_437] : memref<5x128x64xf32, #tpu.memory_space<vmem>> -> memref<1x128x64xf32, #tpu.memory_space<vmem>>
      %dma_start3A_439 = tpu.memref_squeeze %dma_start3A_438 : memref<1x128x64xf32, #tpu.memory_space<vmem>> -> memref<128x64xf32, #tpu.memory_space<vmem>>
      %dma_start3A_440 = arith.constant 0 : i32
      %dma_start3A_441 = tpu.memref_slice %arg7[%add3A_435, %dma_start3A_440] : memref<80x128xi32, #tpu.memory_space<vmem>> -> memref<1x128xi32, #tpu.memory_space<vmem>>
      %dma_start3A_442 = tpu.memref_squeeze %dma_start3A_441 : memref<1x128xi32, #tpu.memory_space<vmem>> -> memref<128xi32, #tpu.memory_space<vmem>>
      %dma_start3A_443 = arith.constant 0 : i32
      %dma_start3A_444 = arith.constant 0 : i32
      %dma_start3A_445 = tpu.memref_slice %arg2[%dma_start3A_443, %dma_start3A_444] : memref<80000x64xf32, #tpu.memory_space<hbm>> -> memref<80000x64xf32, #tpu.memory_space<hbm>>
      tpu.enqueue_indirect_dma source(%dma_start3A_445 : memref<80000x64xf32, #tpu.memory_space<hbm>>) target(%dma_start3A_439 : memref<128x64xf32, #tpu.memory_space<vmem>>) offsets(%dma_start3A_442 : memref<128xi32, #tpu.memory_space<vmem>>) semaphore(%arg11 : memref<!tpu.dma_semaphore, #tpu.memory_space<semaphore_mem>>)
      %mul3A_446 = arith.constant 5 : i32
      %mul3A_447 = arith.muli %add3A_431, %mul3A_446 : i32
      %add3A_448 = arith.constant 1 : i32
      %add3A_449 = arith.addi %mul3A_447, %add3A_448 : i32
      %dma_start3A_450 = arith.constant 1 : i32
      %dma_start3A_451 = arith.constant 0 : i32
      %dma_start3A_452 = arith.constant 0 : i32
      %dma_start3A_453 = tpu.memref_slice %arg9[%dma_start3A_450, %dma_start3A_451, %dma_start3A_452] : memref<5x128x64xf32, #tpu.memory_space<vmem>> -> memref<1x128x64xf32, #tpu.memory_space<vmem>>
      %dma_start3A_454 = tpu.memref_squeeze %dma_start3A_453 : memref<1x128x64xf32, #tpu.memory_space<vmem>> -> memref<128x64xf32, #tpu.memory_space<vmem>>
      %dma_start3A_455 = arith.constant 0 : i32
      %dma_start3A_456 = tpu.memref_slice %arg7[%add3A_449, %dma_start3A_455] : memref<80x128xi32, #tpu.memory_space<vmem>> -> memref<1x128xi32, #tpu.memory_space<vmem>>
      %dma_start3A_457 = tpu.memref_squeeze %dma_start3A_456 : memref<1x128xi32, #tpu.memory_space<vmem>> -> memref<128xi32, #tpu.memory_space<vmem>>
      %dma_start3A_458 = arith.constant 0 : i32
      %dma_start3A_459 = arith.constant 0 : i32
      %dma_start3A_460 = tpu.memref_slice %arg2[%dma_start3A_458, %dma_start3A_459] : memref<80000x64xf32, #tpu.memory_space<hbm>> -> memref<80000x64xf32, #tpu.memory_space<hbm>>
      tpu.enqueue_indirect_dma source(%dma_start3A_460 : memref<80000x64xf32, #tpu.memory_space<hbm>>) target(%dma_start3A_454 : memref<128x64xf32, #tpu.memory_space<vmem>>) offsets(%dma_start3A_457 : memref<128xi32, #tpu.memory_space<vmem>>) semaphore(%arg11 : memref<!tpu.dma_semaphore, #tpu.memory_space<semaphore_mem>>)
      %mul3A_461 = arith.constant 5 : i32
      %mul3A_462 = arith.muli %add3A_431, %mul3A_461 : i32
      %add3A_463 = arith.constant 2 : i32
      %add3A_464 = arith.addi %mul3A_462, %add3A_463 : i32
      %dma_start3A_465 = arith.constant 2 : i32
      %dma_start3A_466 = arith.constant 0 : i32
      %dma_start3A_467 = arith.constant 0 : i32
      %dma_start3A_468 = tpu.memref_slice %arg9[%dma_start3A_465, %dma_start3A_466, %dma_start3A_467] : memref<5x128x64xf32, #tpu.memory_space<vmem>> -> memref<1x128x64xf32, #tpu.memory_space<vmem>>
      %dma_start3A_469 = tpu.memref_squeeze %dma_start3A_468 : memref<1x128x64xf32, #tpu.memory_space<vmem>> -> memref<128x64xf32, #tpu.memory_space<vmem>>
      %dma_start3A_470 = arith.constant 0 : i32
      %dma_start3A_471 = tpu.memref_slice %arg7[%add3A_464, %dma_start3A_470] : memref<80x128xi32, #tpu.memory_space<vmem>> -> memref<1x128xi32, #tpu.memory_space<vmem>>
      %dma_start3A_472 = tpu.memref_squeeze %dma_start3A_471 : memref<1x128xi32, #tpu.memory_space<vmem>> -> memref<128xi32, #tpu.memory_space<vmem>>
      %dma_start3A_473 = arith.constant 0 : i32
      %dma_start3A_474 = arith.constant 0 : i32
      %dma_start3A_475 = tpu.memref_slice %arg2[%dma_start3A_473, %dma_start3A_474] : memref<80000x64xf32, #tpu.memory_space<hbm>> -> memref<80000x64xf32, #tpu.memory_space<hbm>>
      tpu.enqueue_indirect_dma source(%dma_start3A_475 : memref<80000x64xf32, #tpu.memory_space<hbm>>) target(%dma_start3A_469 : memref<128x64xf32, #tpu.memory_space<vmem>>) offsets(%dma_start3A_472 : memref<128xi32, #tpu.memory_space<vmem>>) semaphore(%arg11 : memref<!tpu.dma_semaphore, #tpu.memory_space<semaphore_mem>>)
      %mul3A_476 = arith.constant 5 : i32
      %mul3A_477 = arith.muli %add3A_431, %mul3A_476 : i32
      %add3A_478 = arith.constant 3 : i32
      %add3A_479 = arith.addi %mul3A_477, %add3A_478 : i32
      %dma_start3A_480 = arith.constant 3 : i32
      %dma_start3A_481 = arith.constant 0 : i32
      %dma_start3A_482 = arith.constant 0 : i32
      %dma_start3A_483 = tpu.memref_slice %arg9[%dma_start3A_480, %dma_start3A_481, %dma_start3A_482] : memref<5x128x64xf32, #tpu.memory_space<vmem>> -> memref<1x128x64xf32, #tpu.memory_space<vmem>>
      %dma_start3A_484 = tpu.memref_squeeze %dma_start3A_483 : memref<1x128x64xf32, #tpu.memory_space<vmem>> -> memref<128x64xf32, #tpu.memory_space<vmem>>
      %dma_start3A_485 = arith.constant 0 : i32
      %dma_start3A_486 = tpu.memref_slice %arg7[%add3A_479, %dma_start3A_485] : memref<80x128xi32, #tpu.memory_space<vmem>> -> memref<1x128xi32, #tpu.memory_space<vmem>>
      %dma_start3A_487 = tpu.memref_squeeze %dma_start3A_486 : memref<1x128xi32, #tpu.memory_space<vmem>> -> memref<128xi32, #tpu.memory_space<vmem>>
      %dma_start3A_488 = arith.constant 0 : i32
      %dma_start3A_489 = arith.constant 0 : i32
      %dma_start3A_490 = tpu.memref_slice %arg2[%dma_start3A_488, %dma_start3A_489] : memref<80000x64xf32, #tpu.memory_space<hbm>> -> memref<80000x64xf32, #tpu.memory_space<hbm>>
      tpu.enqueue_indirect_dma source(%dma_start3A_490 : memref<80000x64xf32, #tpu.memory_space<hbm>>) target(%dma_start3A_484 : memref<128x64xf32, #tpu.memory_space<vmem>>) offsets(%dma_start3A_487 : memref<128xi32, #tpu.memory_space<vmem>>) semaphore(%arg11 : memref<!tpu.dma_semaphore, #tpu.memory_space<semaphore_mem>>)
      %mul3A_491 = arith.constant 5 : i32
      %mul3A_492 = arith.muli %add3A_431, %mul3A_491 : i32
      %add3A_493 = arith.constant 4 : i32
      %add3A_494 = arith.addi %mul3A_492, %add3A_493 : i32
      %dma_start3A_495 = arith.constant 4 : i32
      %dma_start3A_496 = arith.constant 0 : i32
      %dma_start3A_497 = arith.constant 0 : i32
      %dma_start3A_498 = tpu.memref_slice %arg9[%dma_start3A_495, %dma_start3A_496, %dma_start3A_497] : memref<5x128x64xf32, #tpu.memory_space<vmem>> -> memref<1x128x64xf32, #tpu.memory_space<vmem>>
      %dma_start3A_499 = tpu.memref_squeeze %dma_start3A_498 : memref<1x128x64xf32, #tpu.memory_space<vmem>> -> memref<128x64xf32, #tpu.memory_space<vmem>>
      %dma_start3A_500 = arith.constant 0 : i32
      %dma_start3A_501 = tpu.memref_slice %arg7[%add3A_494, %dma_start3A_500] : memref<80x128xi32, #tpu.memory_space<vmem>> -> memref<1x128xi32, #tpu.memory_space<vmem>>
      %dma_start3A_502 = tpu.memref_squeeze %dma_start3A_501 : memref<1x128xi32, #tpu.memory_space<vmem>> -> memref<128xi32, #tpu.memory_space<vmem>>
      %dma_start3A_503 = arith.constant 0 : i32
      %dma_start3A_504 = arith.constant 0 : i32
      %dma_start3A_505 = tpu.memref_slice %arg2[%dma_start3A_503, %dma_start3A_504] : memref<80000x64xf32, #tpu.memory_space<hbm>> -> memref<80000x64xf32, #tpu.memory_space<hbm>>
      tpu.enqueue_indirect_dma source(%dma_start3A_505 : memref<80000x64xf32, #tpu.memory_space<hbm>>) target(%dma_start3A_499 : memref<128x64xf32, #tpu.memory_space<vmem>>) offsets(%dma_start3A_502 : memref<128xi32, #tpu.memory_space<vmem>>) semaphore(%arg11 : memref<!tpu.dma_semaphore, #tpu.memory_space<semaphore_mem>>)
      %dma_wait3A = arith.constant 0 : i32
      %dma_wait3A_506 = arith.constant 0 : i32
      %dma_wait3A_507 = arith.constant 0 : i32
      %dma_wait3A_508 = tpu.memref_slice %arg9[%dma_wait3A, %dma_wait3A_506, %dma_wait3A_507] : memref<5x128x64xf32, #tpu.memory_space<vmem>> -> memref<1x128x64xf32, #tpu.memory_space<vmem>>
      %dma_wait3A_509 = tpu.memref_squeeze %dma_wait3A_508 : memref<1x128x64xf32, #tpu.memory_space<vmem>> -> memref<128x64xf32, #tpu.memory_space<vmem>>
      %dma_wait3A_510 = arith.constant 0 : i32
      %dma_wait3A_511 = tpu.memref_slice %arg7[%add3A_435, %dma_wait3A_510] : memref<80x128xi32, #tpu.memory_space<vmem>> -> memref<1x128xi32, #tpu.memory_space<vmem>>
      %dma_wait3A_512 = tpu.memref_squeeze %dma_wait3A_511 : memref<1x128xi32, #tpu.memory_space<vmem>> -> memref<128xi32, #tpu.memory_space<vmem>>
      %dma_wait3A_513 = arith.constant 0 : i32
      %dma_wait3A_514 = arith.constant 0 : i32
      %dma_wait3A_515 = tpu.memref_slice %arg2[%dma_wait3A_513, %dma_wait3A_514] : memref<80000x64xf32, #tpu.memory_space<hbm>> -> memref<80000x64xf32, #tpu.memory_space<hbm>>
      tpu.wait_indirect_dma semaphore(%arg11 : memref<!tpu.dma_semaphore, #tpu.memory_space<semaphore_mem>>) src(%dma_wait3A_515 : memref<80000x64xf32, #tpu.memory_space<hbm>>) dst(%dma_wait3A_509 : memref<128x64xf32, #tpu.memory_space<vmem>>)
      %dma_wait3A_516 = arith.constant 1 : i32
      %dma_wait3A_517 = arith.constant 0 : i32
      %dma_wait3A_518 = arith.constant 0 : i32
      %dma_wait3A_519 = tpu.memref_slice %arg9[%dma_wait3A_516, %dma_wait3A_517, %dma_wait3A_518] : memref<5x128x64xf32, #tpu.memory_space<vmem>> -> memref<1x128x64xf32, #tpu.memory_space<vmem>>
      %dma_wait3A_520 = tpu.memref_squeeze %dma_wait3A_519 : memref<1x128x64xf32, #tpu.memory_space<vmem>> -> memref<128x64xf32, #tpu.memory_space<vmem>>
      %dma_wait3A_521 = arith.constant 0 : i32
      %dma_wait3A_522 = tpu.memref_slice %arg7[%add3A_449, %dma_wait3A_521] : memref<80x128xi32, #tpu.memory_space<vmem>> -> memref<1x128xi32, #tpu.memory_space<vmem>>
      %dma_wait3A_523 = tpu.memref_squeeze %dma_wait3A_522 : memref<1x128xi32, #tpu.memory_space<vmem>> -> memref<128xi32, #tpu.memory_space<vmem>>
      %dma_wait3A_524 = arith.constant 0 : i32
      %dma_wait3A_525 = arith.constant 0 : i32
      %dma_wait3A_526 = tpu.memref_slice %arg2[%dma_wait3A_524, %dma_wait3A_525] : memref<80000x64xf32, #tpu.memory_space<hbm>> -> memref<80000x64xf32, #tpu.memory_space<hbm>>
      tpu.wait_indirect_dma semaphore(%arg11 : memref<!tpu.dma_semaphore, #tpu.memory_space<semaphore_mem>>) src(%dma_wait3A_526 : memref<80000x64xf32, #tpu.memory_space<hbm>>) dst(%dma_wait3A_520 : memref<128x64xf32, #tpu.memory_space<vmem>>)
      %dma_wait3A_527 = arith.constant 2 : i32
      %dma_wait3A_528 = arith.constant 0 : i32
      %dma_wait3A_529 = arith.constant 0 : i32
      %dma_wait3A_530 = tpu.memref_slice %arg9[%dma_wait3A_527, %dma_wait3A_528, %dma_wait3A_529] : memref<5x128x64xf32, #tpu.memory_space<vmem>> -> memref<1x128x64xf32, #tpu.memory_space<vmem>>
      %dma_wait3A_531 = tpu.memref_squeeze %dma_wait3A_530 : memref<1x128x64xf32, #tpu.memory_space<vmem>> -> memref<128x64xf32, #tpu.memory_space<vmem>>
      %dma_wait3A_532 = arith.constant 0 : i32
      %dma_wait3A_533 = tpu.memref_slice %arg7[%add3A_464, %dma_wait3A_532] : memref<80x128xi32, #tpu.memory_space<vmem>> -> memref<1x128xi32, #tpu.memory_space<vmem>>
      %dma_wait3A_534 = tpu.memref_squeeze %dma_wait3A_533 : memref<1x128xi32, #tpu.memory_space<vmem>> -> memref<128xi32, #tpu.memory_space<vmem>>
      %dma_wait3A_535 = arith.constant 0 : i32
      %dma_wait3A_536 = arith.constant 0 : i32
      %dma_wait3A_537 = tpu.memref_slice %arg2[%dma_wait3A_535, %dma_wait3A_536] : memref<80000x64xf32, #tpu.memory_space<hbm>> -> memref<80000x64xf32, #tpu.memory_space<hbm>>
      tpu.wait_indirect_dma semaphore(%arg11 : memref<!tpu.dma_semaphore, #tpu.memory_space<semaphore_mem>>) src(%dma_wait3A_537 : memref<80000x64xf32, #tpu.memory_space<hbm>>) dst(%dma_wait3A_531 : memref<128x64xf32, #tpu.memory_space<vmem>>)
      %dma_wait3A_538 = arith.constant 3 : i32
      %dma_wait3A_539 = arith.constant 0 : i32
      %dma_wait3A_540 = arith.constant 0 : i32
      %dma_wait3A_541 = tpu.memref_slice %arg9[%dma_wait3A_538, %dma_wait3A_539, %dma_wait3A_540] : memref<5x128x64xf32, #tpu.memory_space<vmem>> -> memref<1x128x64xf32, #tpu.memory_space<vmem>>
      %dma_wait3A_542 = tpu.memref_squeeze %dma_wait3A_541 : memref<1x128x64xf32, #tpu.memory_space<vmem>> -> memref<128x64xf32, #tpu.memory_space<vmem>>
      %dma_wait3A_543 = arith.constant 0 : i32
      %dma_wait3A_544 = tpu.memref_slice %arg7[%add3A_479, %dma_wait3A_543] : memref<80x128xi32, #tpu.memory_space<vmem>> -> memref<1x128xi32, #tpu.memory_space<vmem>>
      %dma_wait3A_545 = tpu.memref_squeeze %dma_wait3A_544 : memref<1x128xi32, #tpu.memory_space<vmem>> -> memref<128xi32, #tpu.memory_space<vmem>>
      %dma_wait3A_546 = arith.constant 0 : i32
      %dma_wait3A_547 = arith.constant 0 : i32
      %dma_wait3A_548 = tpu.memref_slice %arg2[%dma_wait3A_546, %dma_wait3A_547] : memref<80000x64xf32, #tpu.memory_space<hbm>> -> memref<80000x64xf32, #tpu.memory_space<hbm>>
      tpu.wait_indirect_dma semaphore(%arg11 : memref<!tpu.dma_semaphore, #tpu.memory_space<semaphore_mem>>) src(%dma_wait3A_548 : memref<80000x64xf32, #tpu.memory_space<hbm>>) dst(%dma_wait3A_542 : memref<128x64xf32, #tpu.memory_space<vmem>>)
      %dma_wait3A_549 = arith.constant 4 : i32
      %dma_wait3A_550 = arith.constant 0 : i32
      %dma_wait3A_551 = arith.constant 0 : i32
      %dma_wait3A_552 = tpu.memref_slice %arg9[%dma_wait3A_549, %dma_wait3A_550, %dma_wait3A_551] : memref<5x128x64xf32, #tpu.memory_space<vmem>> -> memref<1x128x64xf32, #tpu.memory_space<vmem>>
      %dma_wait3A_553 = tpu.memref_squeeze %dma_wait3A_552 : memref<1x128x64xf32, #tpu.memory_space<vmem>> -> memref<128x64xf32, #tpu.memory_space<vmem>>
      %dma_wait3A_554 = arith.constant 0 : i32
      %dma_wait3A_555 = tpu.memref_slice %arg7[%add3A_494, %dma_wait3A_554] : memref<80x128xi32, #tpu.memory_space<vmem>> -> memref<1x128xi32, #tpu.memory_space<vmem>>
      %dma_wait3A_556 = tpu.memref_squeeze %dma_wait3A_555 : memref<1x128xi32, #tpu.memory_space<vmem>> -> memref<128xi32, #tpu.memory_space<vmem>>
      %dma_wait3A_557 = arith.constant 0 : i32
      %dma_wait3A_558 = arith.constant 0 : i32
      %dma_wait3A_559 = tpu.memref_slice %arg2[%dma_wait3A_557, %dma_wait3A_558] : memref<80000x64xf32, #tpu.memory_space<hbm>> -> memref<80000x64xf32, #tpu.memory_space<hbm>>
      tpu.wait_indirect_dma semaphore(%arg11 : memref<!tpu.dma_semaphore, #tpu.memory_space<semaphore_mem>>) src(%dma_wait3A_559 : memref<80000x64xf32, #tpu.memory_space<hbm>>) dst(%dma_wait3A_553 : memref<128x64xf32, #tpu.memory_space<vmem>>)
      %mul3A_560 = arith.constant 5 : i32
      %mul3A_561 = arith.muli %add3A_431, %mul3A_560 : i32
      %add3A_562 = arith.constant 0 : i32
      %add3A_563 = arith.addi %mul3A_561, %add3A_562 : i32
      %dma_start3A_564 = arith.constant 0 : i32
      %dma_start3A_565 = arith.constant 0 : i32
      %dma_start3A_566 = arith.constant 0 : i32
      %dma_start3A_567 = tpu.memref_slice %arg9[%dma_start3A_564, %dma_start3A_565, %dma_start3A_566] : memref<5x128x64xf32, #tpu.memory_space<vmem>> -> memref<1x128x64xf32, #tpu.memory_space<vmem>>
      %dma_start3A_568 = tpu.memref_squeeze %dma_start3A_567 : memref<1x128x64xf32, #tpu.memory_space<vmem>> -> memref<128x64xf32, #tpu.memory_space<vmem>>
      %dma_start3A_569 = arith.constant 0 : i32
      %dma_start3A_570 = tpu.memref_slice %arg8[%add3A_563, %dma_start3A_569] : memref<80x128xi32, #tpu.memory_space<vmem>> -> memref<1x128xi32, #tpu.memory_space<vmem>>
      %dma_start3A_571 = tpu.memref_squeeze %dma_start3A_570 : memref<1x128xi32, #tpu.memory_space<vmem>> -> memref<128xi32, #tpu.memory_space<vmem>>
      %dma_start3A_572 = arith.constant 0 : i32
      %dma_start3A_573 = arith.constant 0 : i32
      %dma_start3A_574 = tpu.memref_slice %arg10[%dma_start3A_572, %dma_start3A_573] : memref<10112x64xf32, #tpu.memory_space<vmem_shared>> -> memref<10112x64xf32, #tpu.memory_space<vmem_shared>>
      tpu.enqueue_indirect_dma source(%dma_start3A_568 : memref<128x64xf32, #tpu.memory_space<vmem>>) target(%dma_start3A_574 : memref<10112x64xf32, #tpu.memory_space<vmem_shared>>) offsets(%dma_start3A_571 : memref<128xi32, #tpu.memory_space<vmem>>) semaphore(%arg12 : memref<!tpu.dma_semaphore, #tpu.memory_space<semaphore_mem>>) {add = true}
      %mul3A_575 = arith.constant 5 : i32
      %mul3A_576 = arith.muli %add3A_431, %mul3A_575 : i32
      %add3A_577 = arith.constant 1 : i32
      %add3A_578 = arith.addi %mul3A_576, %add3A_577 : i32
      %dma_start3A_579 = arith.constant 1 : i32
      %dma_start3A_580 = arith.constant 0 : i32
      %dma_start3A_581 = arith.constant 0 : i32
      %dma_start3A_582 = tpu.memref_slice %arg9[%dma_start3A_579, %dma_start3A_580, %dma_start3A_581] : memref<5x128x64xf32, #tpu.memory_space<vmem>> -> memref<1x128x64xf32, #tpu.memory_space<vmem>>
      %dma_start3A_583 = tpu.memref_squeeze %dma_start3A_582 : memref<1x128x64xf32, #tpu.memory_space<vmem>> -> memref<128x64xf32, #tpu.memory_space<vmem>>
      %dma_start3A_584 = arith.constant 0 : i32
      %dma_start3A_585 = tpu.memref_slice %arg8[%add3A_578, %dma_start3A_584] : memref<80x128xi32, #tpu.memory_space<vmem>> -> memref<1x128xi32, #tpu.memory_space<vmem>>
      %dma_start3A_586 = tpu.memref_squeeze %dma_start3A_585 : memref<1x128xi32, #tpu.memory_space<vmem>> -> memref<128xi32, #tpu.memory_space<vmem>>
      %dma_start3A_587 = arith.constant 0 : i32
      %dma_start3A_588 = arith.constant 0 : i32
      %dma_start3A_589 = tpu.memref_slice %arg10[%dma_start3A_587, %dma_start3A_588] : memref<10112x64xf32, #tpu.memory_space<vmem_shared>> -> memref<10112x64xf32, #tpu.memory_space<vmem_shared>>
      tpu.enqueue_indirect_dma source(%dma_start3A_583 : memref<128x64xf32, #tpu.memory_space<vmem>>) target(%dma_start3A_589 : memref<10112x64xf32, #tpu.memory_space<vmem_shared>>) offsets(%dma_start3A_586 : memref<128xi32, #tpu.memory_space<vmem>>) semaphore(%arg12 : memref<!tpu.dma_semaphore, #tpu.memory_space<semaphore_mem>>) {add = true}
      %mul3A_590 = arith.constant 5 : i32
      %mul3A_591 = arith.muli %add3A_431, %mul3A_590 : i32
      %add3A_592 = arith.constant 2 : i32
      %add3A_593 = arith.addi %mul3A_591, %add3A_592 : i32
      %dma_start3A_594 = arith.constant 2 : i32
      %dma_start3A_595 = arith.constant 0 : i32
      %dma_start3A_596 = arith.constant 0 : i32
      %dma_start3A_597 = tpu.memref_slice %arg9[%dma_start3A_594, %dma_start3A_595, %dma_start3A_596] : memref<5x128x64xf32, #tpu.memory_space<vmem>> -> memref<1x128x64xf32, #tpu.memory_space<vmem>>
      %dma_start3A_598 = tpu.memref_squeeze %dma_start3A_597 : memref<1x128x64xf32, #tpu.memory_space<vmem>> -> memref<128x64xf32, #tpu.memory_space<vmem>>
      %dma_start3A_599 = arith.constant 0 : i32
      %dma_start3A_600 = tpu.memref_slice %arg8[%add3A_593, %dma_start3A_599] : memref<80x128xi32, #tpu.memory_space<vmem>> -> memref<1x128xi32, #tpu.memory_space<vmem>>
      %dma_start3A_601 = tpu.memref_squeeze %dma_start3A_600 : memref<1x128xi32, #tpu.memory_space<vmem>> -> memref<128xi32, #tpu.memory_space<vmem>>
      %dma_start3A_602 = arith.constant 0 : i32
      %dma_start3A_603 = arith.constant 0 : i32
      %dma_start3A_604 = tpu.memref_slice %arg10[%dma_start3A_602, %dma_start3A_603] : memref<10112x64xf32, #tpu.memory_space<vmem_shared>> -> memref<10112x64xf32, #tpu.memory_space<vmem_shared>>
      tpu.enqueue_indirect_dma source(%dma_start3A_598 : memref<128x64xf32, #tpu.memory_space<vmem>>) target(%dma_start3A_604 : memref<10112x64xf32, #tpu.memory_space<vmem_shared>>) offsets(%dma_start3A_601 : memref<128xi32, #tpu.memory_space<vmem>>) semaphore(%arg12 : memref<!tpu.dma_semaphore, #tpu.memory_space<semaphore_mem>>) {add = true}
      %mul3A_605 = arith.constant 5 : i32
      %mul3A_606 = arith.muli %add3A_431, %mul3A_605 : i32
      %add3A_607 = arith.constant 3 : i32
      %add3A_608 = arith.addi %mul3A_606, %add3A_607 : i32
      %dma_start3A_609 = arith.constant 3 : i32
      %dma_start3A_610 = arith.constant 0 : i32
      %dma_start3A_611 = arith.constant 0 : i32
      %dma_start3A_612 = tpu.memref_slice %arg9[%dma_start3A_609, %dma_start3A_610, %dma_start3A_611] : memref<5x128x64xf32, #tpu.memory_space<vmem>> -> memref<1x128x64xf32, #tpu.memory_space<vmem>>
      %dma_start3A_613 = tpu.memref_squeeze %dma_start3A_612 : memref<1x128x64xf32, #tpu.memory_space<vmem>> -> memref<128x64xf32, #tpu.memory_space<vmem>>
      %dma_start3A_614 = arith.constant 0 : i32
      %dma_start3A_615 = tpu.memref_slice %arg8[%add3A_608, %dma_start3A_614] : memref<80x128xi32, #tpu.memory_space<vmem>> -> memref<1x128xi32, #tpu.memory_space<vmem>>
      %dma_start3A_616 = tpu.memref_squeeze %dma_start3A_615 : memref<1x128xi32, #tpu.memory_space<vmem>> -> memref<128xi32, #tpu.memory_space<vmem>>
      %dma_start3A_617 = arith.constant 0 : i32
      %dma_start3A_618 = arith.constant 0 : i32
      %dma_start3A_619 = tpu.memref_slice %arg10[%dma_start3A_617, %dma_start3A_618] : memref<10112x64xf32, #tpu.memory_space<vmem_shared>> -> memref<10112x64xf32, #tpu.memory_space<vmem_shared>>
      tpu.enqueue_indirect_dma source(%dma_start3A_613 : memref<128x64xf32, #tpu.memory_space<vmem>>) target(%dma_start3A_619 : memref<10112x64xf32, #tpu.memory_space<vmem_shared>>) offsets(%dma_start3A_616 : memref<128xi32, #tpu.memory_space<vmem>>) semaphore(%arg12 : memref<!tpu.dma_semaphore, #tpu.memory_space<semaphore_mem>>) {add = true}
      %mul3A_620 = arith.constant 5 : i32
      %mul3A_621 = arith.muli %add3A_431, %mul3A_620 : i32
      %add3A_622 = arith.constant 4 : i32
      %add3A_623 = arith.addi %mul3A_621, %add3A_622 : i32
      %dma_start3A_624 = arith.constant 4 : i32
      %dma_start3A_625 = arith.constant 0 : i32
      %dma_start3A_626 = arith.constant 0 : i32
      %dma_start3A_627 = tpu.memref_slice %arg9[%dma_start3A_624, %dma_start3A_625, %dma_start3A_626] : memref<5x128x64xf32, #tpu.memory_space<vmem>> -> memref<1x128x64xf32, #tpu.memory_space<vmem>>
      %dma_start3A_628 = tpu.memref_squeeze %dma_start3A_627 : memref<1x128x64xf32, #tpu.memory_space<vmem>> -> memref<128x64xf32, #tpu.memory_space<vmem>>
      %dma_start3A_629 = arith.constant 0 : i32
      %dma_start3A_630 = tpu.memref_slice %arg8[%add3A_623, %dma_start3A_629] : memref<80x128xi32, #tpu.memory_space<vmem>> -> memref<1x128xi32, #tpu.memory_space<vmem>>
      %dma_start3A_631 = tpu.memref_squeeze %dma_start3A_630 : memref<1x128xi32, #tpu.memory_space<vmem>> -> memref<128xi32, #tpu.memory_space<vmem>>
      %dma_start3A_632 = arith.constant 0 : i32
      %dma_start3A_633 = arith.constant 0 : i32
      %dma_start3A_634 = tpu.memref_slice %arg10[%dma_start3A_632, %dma_start3A_633] : memref<10112x64xf32, #tpu.memory_space<vmem_shared>> -> memref<10112x64xf32, #tpu.memory_space<vmem_shared>>
      tpu.enqueue_indirect_dma source(%dma_start3A_628 : memref<128x64xf32, #tpu.memory_space<vmem>>) target(%dma_start3A_634 : memref<10112x64xf32, #tpu.memory_space<vmem_shared>>) offsets(%dma_start3A_631 : memref<128xi32, #tpu.memory_space<vmem>>) semaphore(%arg12 : memref<!tpu.dma_semaphore, #tpu.memory_space<semaphore_mem>>) {add = true}
      %dma_wait3A_635 = arith.constant 0 : i32
      %dma_wait3A_636 = arith.constant 0 : i32
      %dma_wait3A_637 = arith.constant 0 : i32
      %dma_wait3A_638 = tpu.memref_slice %arg9[%dma_wait3A_635, %dma_wait3A_636, %dma_wait3A_637] : memref<5x128x64xf32, #tpu.memory_space<vmem>> -> memref<1x128x64xf32, #tpu.memory_space<vmem>>
      %dma_wait3A_639 = tpu.memref_squeeze %dma_wait3A_638 : memref<1x128x64xf32, #tpu.memory_space<vmem>> -> memref<128x64xf32, #tpu.memory_space<vmem>>
      %dma_wait3A_640 = arith.constant 0 : i32
      %dma_wait3A_641 = tpu.memref_slice %arg8[%add3A_563, %dma_wait3A_640] : memref<80x128xi32, #tpu.memory_space<vmem>> -> memref<1x128xi32, #tpu.memory_space<vmem>>
      %dma_wait3A_642 = tpu.memref_squeeze %dma_wait3A_641 : memref<1x128xi32, #tpu.memory_space<vmem>> -> memref<128xi32, #tpu.memory_space<vmem>>
      %dma_wait3A_643 = arith.constant 0 : i32
      %dma_wait3A_644 = arith.constant 0 : i32
      %dma_wait3A_645 = tpu.memref_slice %arg10[%dma_wait3A_643, %dma_wait3A_644] : memref<10112x64xf32, #tpu.memory_space<vmem_shared>> -> memref<10112x64xf32, #tpu.memory_space<vmem_shared>>
      tpu.wait_indirect_dma semaphore(%arg12 : memref<!tpu.dma_semaphore, #tpu.memory_space<semaphore_mem>>) src(%dma_wait3A_639 : memref<128x64xf32, #tpu.memory_space<vmem>>) dst(%dma_wait3A_645 : memref<10112x64xf32, #tpu.memory_space<vmem_shared>>)
      %dma_wait3A_646 = arith.constant 1 : i32
      %dma_wait3A_647 = arith.constant 0 : i32
      %dma_wait3A_648 = arith.constant 0 : i32
      %dma_wait3A_649 = tpu.memref_slice %arg9[%dma_wait3A_646, %dma_wait3A_647, %dma_wait3A_648] : memref<5x128x64xf32, #tpu.memory_space<vmem>> -> memref<1x128x64xf32, #tpu.memory_space<vmem>>
      %dma_wait3A_650 = tpu.memref_squeeze %dma_wait3A_649 : memref<1x128x64xf32, #tpu.memory_space<vmem>> -> memref<128x64xf32, #tpu.memory_space<vmem>>
      %dma_wait3A_651 = arith.constant 0 : i32
      %dma_wait3A_652 = tpu.memref_slice %arg8[%add3A_578, %dma_wait3A_651] : memref<80x128xi32, #tpu.memory_space<vmem>> -> memref<1x128xi32, #tpu.memory_space<vmem>>
      %dma_wait3A_653 = tpu.memref_squeeze %dma_wait3A_652 : memref<1x128xi32, #tpu.memory_space<vmem>> -> memref<128xi32, #tpu.memory_space<vmem>>
      %dma_wait3A_654 = arith.constant 0 : i32
      %dma_wait3A_655 = arith.constant 0 : i32
      %dma_wait3A_656 = tpu.memref_slice %arg10[%dma_wait3A_654, %dma_wait3A_655] : memref<10112x64xf32, #tpu.memory_space<vmem_shared>> -> memref<10112x64xf32, #tpu.memory_space<vmem_shared>>
      tpu.wait_indirect_dma semaphore(%arg12 : memref<!tpu.dma_semaphore, #tpu.memory_space<semaphore_mem>>) src(%dma_wait3A_650 : memref<128x64xf32, #tpu.memory_space<vmem>>) dst(%dma_wait3A_656 : memref<10112x64xf32, #tpu.memory_space<vmem_shared>>)
      %dma_wait3A_657 = arith.constant 2 : i32
      %dma_wait3A_658 = arith.constant 0 : i32
      %dma_wait3A_659 = arith.constant 0 : i32
      %dma_wait3A_660 = tpu.memref_slice %arg9[%dma_wait3A_657, %dma_wait3A_658, %dma_wait3A_659] : memref<5x128x64xf32, #tpu.memory_space<vmem>> -> memref<1x128x64xf32, #tpu.memory_space<vmem>>
      %dma_wait3A_661 = tpu.memref_squeeze %dma_wait3A_660 : memref<1x128x64xf32, #tpu.memory_space<vmem>> -> memref<128x64xf32, #tpu.memory_space<vmem>>
      %dma_wait3A_662 = arith.constant 0 : i32
      %dma_wait3A_663 = tpu.memref_slice %arg8[%add3A_593, %dma_wait3A_662] : memref<80x128xi32, #tpu.memory_space<vmem>> -> memref<1x128xi32, #tpu.memory_space<vmem>>
      %dma_wait3A_664 = tpu.memref_squeeze %dma_wait3A_663 : memref<1x128xi32, #tpu.memory_space<vmem>> -> memref<128xi32, #tpu.memory_space<vmem>>
      %dma_wait3A_665 = arith.constant 0 : i32
      %dma_wait3A_666 = arith.constant 0 : i32
      %dma_wait3A_667 = tpu.memref_slice %arg10[%dma_wait3A_665, %dma_wait3A_666] : memref<10112x64xf32, #tpu.memory_space<vmem_shared>> -> memref<10112x64xf32, #tpu.memory_space<vmem_shared>>
      tpu.wait_indirect_dma semaphore(%arg12 : memref<!tpu.dma_semaphore, #tpu.memory_space<semaphore_mem>>) src(%dma_wait3A_661 : memref<128x64xf32, #tpu.memory_space<vmem>>) dst(%dma_wait3A_667 : memref<10112x64xf32, #tpu.memory_space<vmem_shared>>)
      %dma_wait3A_668 = arith.constant 3 : i32
      %dma_wait3A_669 = arith.constant 0 : i32
      %dma_wait3A_670 = arith.constant 0 : i32
      %dma_wait3A_671 = tpu.memref_slice %arg9[%dma_wait3A_668, %dma_wait3A_669, %dma_wait3A_670] : memref<5x128x64xf32, #tpu.memory_space<vmem>> -> memref<1x128x64xf32, #tpu.memory_space<vmem>>
      %dma_wait3A_672 = tpu.memref_squeeze %dma_wait3A_671 : memref<1x128x64xf32, #tpu.memory_space<vmem>> -> memref<128x64xf32, #tpu.memory_space<vmem>>
      %dma_wait3A_673 = arith.constant 0 : i32
      %dma_wait3A_674 = tpu.memref_slice %arg8[%add3A_608, %dma_wait3A_673] : memref<80x128xi32, #tpu.memory_space<vmem>> -> memref<1x128xi32, #tpu.memory_space<vmem>>
      %dma_wait3A_675 = tpu.memref_squeeze %dma_wait3A_674 : memref<1x128xi32, #tpu.memory_space<vmem>> -> memref<128xi32, #tpu.memory_space<vmem>>
      %dma_wait3A_676 = arith.constant 0 : i32
      %dma_wait3A_677 = arith.constant 0 : i32
      %dma_wait3A_678 = tpu.memref_slice %arg10[%dma_wait3A_676, %dma_wait3A_677] : memref<10112x64xf32, #tpu.memory_space<vmem_shared>> -> memref<10112x64xf32, #tpu.memory_space<vmem_shared>>
      tpu.wait_indirect_dma semaphore(%arg12 : memref<!tpu.dma_semaphore, #tpu.memory_space<semaphore_mem>>) src(%dma_wait3A_672 : memref<128x64xf32, #tpu.memory_space<vmem>>) dst(%dma_wait3A_678 : memref<10112x64xf32, #tpu.memory_space<vmem_shared>>)
      %dma_wait3A_679 = arith.constant 4 : i32
      %dma_wait3A_680 = arith.constant 0 : i32
      %dma_wait3A_681 = arith.constant 0 : i32
      %dma_wait3A_682 = tpu.memref_slice %arg9[%dma_wait3A_679, %dma_wait3A_680, %dma_wait3A_681] : memref<5x128x64xf32, #tpu.memory_space<vmem>> -> memref<1x128x64xf32, #tpu.memory_space<vmem>>
      %dma_wait3A_683 = tpu.memref_squeeze %dma_wait3A_682 : memref<1x128x64xf32, #tpu.memory_space<vmem>> -> memref<128x64xf32, #tpu.memory_space<vmem>>
      %dma_wait3A_684 = arith.constant 0 : i32
      %dma_wait3A_685 = tpu.memref_slice %arg8[%add3A_623, %dma_wait3A_684] : memref<80x128xi32, #tpu.memory_space<vmem>> -> memref<1x128xi32, #tpu.memory_space<vmem>>
      %dma_wait3A_686 = tpu.memref_squeeze %dma_wait3A_685 : memref<1x128xi32, #tpu.memory_space<vmem>> -> memref<128xi32, #tpu.memory_space<vmem>>
      %dma_wait3A_687 = arith.constant 0 : i32
      %dma_wait3A_688 = arith.constant 0 : i32
      %dma_wait3A_689 = tpu.memref_slice %arg10[%dma_wait3A_687, %dma_wait3A_688] : memref<10112x64xf32, #tpu.memory_space<vmem_shared>> -> memref<10112x64xf32, #tpu.memory_space<vmem_shared>>
      tpu.wait_indirect_dma semaphore(%arg12 : memref<!tpu.dma_semaphore, #tpu.memory_space<semaphore_mem>>) src(%dma_wait3A_683 : memref<128x64xf32, #tpu.memory_space<vmem>>) dst(%dma_wait3A_689 : memref<10112x64xf32, #tpu.memory_space<vmem_shared>>)
    }
    %scan3A_364 = arith.constant 16 : i32
    %barrier3A_365 = arith.constant 0 : index
    tpu.barrier barrier_id(%barrier3A_365)
    %mul3A_366 = arith.constant 625 : i32
    %mul3A_367 = arith.muli %arg1, %mul3A_366 : i32
    %add3A_368 = arith.constant 0 : i32
    %add3A_369 = arith.addi %mul3A_367, %add3A_368 : i32
    %run_scoped3A_370 = arith.constant 0 : i32
    "tpu.region"() ({
      %run_scoped3A_427 = tpu.sem_alloc : memref<!tpu.dma_semaphore, #tpu.memory_space<semaphore_mem>>
      %dma_start3A = arith.constant 0 : i32
      %dma_start3A_428 = arith.constant 0 : i32
      %dma_start3A_429 = tpu.memref_slice %arg9[%run_scoped3A_370, %dma_start3A, %dma_start3A_428] : memref<5x128x64xf32, #tpu.memory_space<vmem>> -> memref<1x128x64xf32, #tpu.memory_space<vmem>>
      %dma_start3A_430 = tpu.memref_squeeze %dma_start3A_429 : memref<1x128x64xf32, #tpu.memory_space<vmem>> -> memref<128x64xf32, #tpu.memory_space<vmem>>
      %dma_start3A_431 = arith.constant 0 : i32
      %dma_start3A_432 = tpu.memref_slice %arg10[%add3A_369, %dma_start3A_431] : memref<10112x64xf32, #tpu.memory_space<vmem_shared>> -> memref<128x64xf32, #tpu.memory_space<vmem_shared>>
      %dma_start3A_433 = arith.constant 0 : i32
      %dma_start3A_434 = arith.constant 0 : i32
      %dma_start3A_435 = tpu.memref_slice %arg9[%run_scoped3A_370, %dma_start3A_433, %dma_start3A_434] : memref<5x128x64xf32, #tpu.memory_space<vmem>> -> memref<1x128x64xf32, #tpu.memory_space<vmem>>
      %dma_start3A_436 = tpu.memref_squeeze %dma_start3A_435 : memref<1x128x64xf32, #tpu.memory_space<vmem>> -> memref<128x64xf32, #tpu.memory_space<vmem>>
      %dma_start3A_437 = arith.constant 0 : i32
      %dma_start3A_438 = tpu.memref_slice %arg10[%add3A_369, %dma_start3A_437] : memref<10112x64xf32, #tpu.memory_space<vmem_shared>> -> memref<128x64xf32, #tpu.memory_space<vmem_shared>>
      tpu.enqueue_dma source(%dma_start3A_438 : memref<128x64xf32, #tpu.memory_space<vmem_shared>>) target(%dma_start3A_436 : memref<128x64xf32, #tpu.memory_space<vmem>>) target_semaphore(%run_scoped3A_427 : memref<!tpu.dma_semaphore, #tpu.memory_space<semaphore_mem>>)
      %dma_wait3A = arith.constant 0 : i32
      %dma_wait3A_439 = arith.constant 0 : i32
      %dma_wait3A_440 = tpu.memref_slice %arg9[%run_scoped3A_370, %dma_wait3A, %dma_wait3A_439] : memref<5x128x64xf32, #tpu.memory_space<vmem>> -> memref<1x128x64xf32, #tpu.memory_space<vmem>>
      %dma_wait3A_441 = tpu.memref_squeeze %dma_wait3A_440 : memref<1x128x64xf32, #tpu.memory_space<vmem>> -> memref<128x64xf32, #tpu.memory_space<vmem>>
      %dma_wait3A_442 = arith.constant 0 : i32
      %dma_wait3A_443 = tpu.memref_slice %arg10[%add3A_369, %dma_wait3A_442] : memref<10112x64xf32, #tpu.memory_space<vmem_shared>> -> memref<128x64xf32, #tpu.memory_space<vmem_shared>>
      %dma_wait3A_444 = arith.constant 0 : i32
      %dma_wait3A_445 = arith.constant 0 : i32
      %dma_wait3A_446 = tpu.memref_slice %arg9[%run_scoped3A_370, %dma_wait3A_444, %dma_wait3A_445] : memref<5x128x64xf32, #tpu.memory_space<vmem>> -> memref<1x128x64xf32, #tpu.memory_space<vmem>>
      %dma_wait3A_447 = tpu.memref_squeeze %dma_wait3A_446 : memref<1x128x64xf32, #tpu.memory_space<vmem>> -> memref<128x64xf32, #tpu.memory_space<vmem>>
      %dma_wait3A_448 = arith.constant 0 : i32
      %dma_wait3A_449 = tpu.memref_slice %arg10[%add3A_369, %dma_wait3A_448] : memref<10112x64xf32, #tpu.memory_space<vmem_shared>> -> memref<128x64xf32, #tpu.memory_space<vmem_shared>>
      tpu.wait_dma2 semaphore(%run_scoped3A_427 : memref<!tpu.dma_semaphore, #tpu.memory_space<semaphore_mem>>) src(%dma_wait3A_449 : memref<128x64xf32, #tpu.memory_space<vmem_shared>>) dst(%dma_wait3A_447 : memref<128x64xf32, #tpu.memory_space<vmem>>)
      tpu.yield
    }) : () -> ()
    %mul3A_371 = arith.constant 625 : i32
    %mul3A_372 = arith.muli %arg1, %mul3A_371 : i32
    %add3A_373 = arith.addi %mul3A_1, %mul3A_372 : i32
    %add3A_374 = arith.constant 0 : i32
    %add3A_375 = arith.addi %add3A_373, %add3A_374 : i32
    %run_scoped3A_376 = arith.constant 0 : i32
    %run_scoped3A_377 = arith.constant 3 : i32
    "tpu.region"() ({
      %run_scoped3A_427 = tpu.sem_alloc : memref<!tpu.dma_semaphore, #tpu.memory_space<semaphore_mem>>
      %dma_start3A = arith.constant 0 : i32
      %dma_start3A_428 = arith.constant 0 : i32
      %dma_start3A_429 = tpu.memref_slice %arg9[%run_scoped3A_376, %dma_start3A, %dma_start3A_428] : memref<5x128x64xf32, #tpu.memory_space<vmem>> -> memref<1x128x64xf32, #tpu.memory_space<vmem>>
      %dma_start3A_430 = tpu.memref_squeeze %dma_start3A_429 : memref<1x128x64xf32, #tpu.memory_space<vmem>> -> memref<128x64xf32, #tpu.memory_space<vmem>>
      %dma_start3A_431 = arith.constant 0 : i32
      %dma_start3A_432 = tpu.memref_slice %arg5[%run_scoped3A_377, %add3A_375, %dma_start3A_431] : memref<4x20000x64xf32, #tpu.memory_space<hbm>> -> memref<1x128x64xf32, #tpu.memory_space<hbm>>
      %dma_start3A_433 = tpu.memref_squeeze %dma_start3A_432 : memref<1x128x64xf32, #tpu.memory_space<hbm>> -> memref<128x64xf32, #tpu.memory_space<hbm>>
      %dma_start3A_434 = arith.constant 0 : i32
      %dma_start3A_435 = tpu.memref_slice %arg5[%run_scoped3A_377, %add3A_375, %dma_start3A_434] : memref<4x20000x64xf32, #tpu.memory_space<hbm>> -> memref<1x128x64xf32, #tpu.memory_space<hbm>>
      %dma_start3A_436 = tpu.memref_squeeze %dma_start3A_435 : memref<1x128x64xf32, #tpu.memory_space<hbm>> -> memref<128x64xf32, #tpu.memory_space<hbm>>
      %dma_start3A_437 = arith.constant 0 : i32
      %dma_start3A_438 = arith.constant 0 : i32
      %dma_start3A_439 = tpu.memref_slice %arg9[%run_scoped3A_376, %dma_start3A_437, %dma_start3A_438] : memref<5x128x64xf32, #tpu.memory_space<vmem>> -> memref<1x128x64xf32, #tpu.memory_space<vmem>>
      %dma_start3A_440 = tpu.memref_squeeze %dma_start3A_439 : memref<1x128x64xf32, #tpu.memory_space<vmem>> -> memref<128x64xf32, #tpu.memory_space<vmem>>
      tpu.enqueue_dma source(%dma_start3A_440 : memref<128x64xf32, #tpu.memory_space<vmem>>) target(%dma_start3A_436 : memref<128x64xf32, #tpu.memory_space<hbm>>) target_semaphore(%run_scoped3A_427 : memref<!tpu.dma_semaphore, #tpu.memory_space<semaphore_mem>>)
      %dma_wait3A = arith.constant 0 : i32
      %dma_wait3A_441 = arith.constant 0 : i32
      %dma_wait3A_442 = tpu.memref_slice %arg9[%run_scoped3A_376, %dma_wait3A, %dma_wait3A_441] : memref<5x128x64xf32, #tpu.memory_space<vmem>> -> memref<1x128x64xf32, #tpu.memory_space<vmem>>
      %dma_wait3A_443 = tpu.memref_squeeze %dma_wait3A_442 : memref<1x128x64xf32, #tpu.memory_space<vmem>> -> memref<128x64xf32, #tpu.memory_space<vmem>>
      %dma_wait3A_444 = arith.constant 0 : i32
      %dma_wait3A_445 = tpu.memref_slice %arg5[%run_scoped3A_377, %add3A_375, %dma_wait3A_444] : memref<4x20000x64xf32, #tpu.memory_space<hbm>> -> memref<1x128x64xf32, #tpu.memory_space<hbm>>
      %dma_wait3A_446 = tpu.memref_squeeze %dma_wait3A_445 : memref<1x128x64xf32, #tpu.memory_space<hbm>> -> memref<128x64xf32, #tpu.memory_space<hbm>>
      %dma_wait3A_447 = arith.constant 0 : i32
      %dma_wait3A_448 = tpu.memref_slice %arg5[%run_scoped3A_377, %add3A_375, %dma_wait3A_447] : memref<4x20000x64xf32, #tpu.memory_space<hbm>> -> memref<1x128x64xf32, #tpu.memory_space<hbm>>
      %dma_wait3A_449 = tpu.memref_squeeze %dma_wait3A_448 : memref<1x128x64xf32, #tpu.memory_space<hbm>> -> memref<128x64xf32, #tpu.memory_space<hbm>>
      %dma_wait3A_450 = arith.constant 0 : i32
      %dma_wait3A_451 = arith.constant 0 : i32
      %dma_wait3A_452 = tpu.memref_slice %arg9[%run_scoped3A_376, %dma_wait3A_450, %dma_wait3A_451] : memref<5x128x64xf32, #tpu.memory_space<vmem>> -> memref<1x128x64xf32, #tpu.memory_space<vmem>>
      %dma_wait3A_453 = tpu.memref_squeeze %dma_wait3A_452 : memref<1x128x64xf32, #tpu.memory_space<vmem>> -> memref<128x64xf32, #tpu.memory_space<vmem>>
      tpu.wait_dma2 semaphore(%run_scoped3A_427 : memref<!tpu.dma_semaphore, #tpu.memory_space<semaphore_mem>>) src(%dma_wait3A_453 : memref<128x64xf32, #tpu.memory_space<vmem>>) dst(%dma_wait3A_449 : memref<128x64xf32, #tpu.memory_space<hbm>>)
      tpu.yield
    }) : () -> ()
    %mul3A_378 = arith.constant 625 : i32
    %mul3A_379 = arith.muli %arg1, %mul3A_378 : i32
    %add3A_380 = arith.constant 128 : i32
    %add3A_381 = arith.addi %mul3A_379, %add3A_380 : i32
    %run_scoped3A_382 = arith.constant 0 : i32
    "tpu.region"() ({
      %run_scoped3A_427 = tpu.sem_alloc : memref<!tpu.dma_semaphore, #tpu.memory_space<semaphore_mem>>
      %dma_start3A = arith.constant 0 : i32
      %dma_start3A_428 = arith.constant 0 : i32
      %dma_start3A_429 = tpu.memref_slice %arg9[%run_scoped3A_382, %dma_start3A, %dma_start3A_428] : memref<5x128x64xf32, #tpu.memory_space<vmem>> -> memref<1x128x64xf32, #tpu.memory_space<vmem>>
      %dma_start3A_430 = tpu.memref_squeeze %dma_start3A_429 : memref<1x128x64xf32, #tpu.memory_space<vmem>> -> memref<128x64xf32, #tpu.memory_space<vmem>>
      %dma_start3A_431 = arith.constant 0 : i32
      %dma_start3A_432 = tpu.memref_slice %arg10[%add3A_381, %dma_start3A_431] : memref<10112x64xf32, #tpu.memory_space<vmem_shared>> -> memref<128x64xf32, #tpu.memory_space<vmem_shared>>
      %dma_start3A_433 = arith.constant 0 : i32
      %dma_start3A_434 = arith.constant 0 : i32
      %dma_start3A_435 = tpu.memref_slice %arg9[%run_scoped3A_382, %dma_start3A_433, %dma_start3A_434] : memref<5x128x64xf32, #tpu.memory_space<vmem>> -> memref<1x128x64xf32, #tpu.memory_space<vmem>>
      %dma_start3A_436 = tpu.memref_squeeze %dma_start3A_435 : memref<1x128x64xf32, #tpu.memory_space<vmem>> -> memref<128x64xf32, #tpu.memory_space<vmem>>
      %dma_start3A_437 = arith.constant 0 : i32
      %dma_start3A_438 = tpu.memref_slice %arg10[%add3A_381, %dma_start3A_437] : memref<10112x64xf32, #tpu.memory_space<vmem_shared>> -> memref<128x64xf32, #tpu.memory_space<vmem_shared>>
      tpu.enqueue_dma source(%dma_start3A_438 : memref<128x64xf32, #tpu.memory_space<vmem_shared>>) target(%dma_start3A_436 : memref<128x64xf32, #tpu.memory_space<vmem>>) target_semaphore(%run_scoped3A_427 : memref<!tpu.dma_semaphore, #tpu.memory_space<semaphore_mem>>)
      %dma_wait3A = arith.constant 0 : i32
      %dma_wait3A_439 = arith.constant 0 : i32
      %dma_wait3A_440 = tpu.memref_slice %arg9[%run_scoped3A_382, %dma_wait3A, %dma_wait3A_439] : memref<5x128x64xf32, #tpu.memory_space<vmem>> -> memref<1x128x64xf32, #tpu.memory_space<vmem>>
      %dma_wait3A_441 = tpu.memref_squeeze %dma_wait3A_440 : memref<1x128x64xf32, #tpu.memory_space<vmem>> -> memref<128x64xf32, #tpu.memory_space<vmem>>
      %dma_wait3A_442 = arith.constant 0 : i32
      %dma_wait3A_443 = tpu.memref_slice %arg10[%add3A_381, %dma_wait3A_442] : memref<10112x64xf32, #tpu.memory_space<vmem_shared>> -> memref<128x64xf32, #tpu.memory_space<vmem_shared>>
      %dma_wait3A_444 = arith.constant 0 : i32
      %dma_wait3A_445 = arith.constant 0 : i32
      %dma_wait3A_446 = tpu.memref_slice %arg9[%run_scoped3A_382, %dma_wait3A_444, %dma_wait3A_445] : memref<5x128x64xf32, #tpu.memory_space<vmem>> -> memref<1x128x64xf32, #tpu.memory_space<vmem>>
      %dma_wait3A_447 = tpu.memref_squeeze %dma_wait3A_446 : memref<1x128x64xf32, #tpu.memory_space<vmem>> -> memref<128x64xf32, #tpu.memory_space<vmem>>
      %dma_wait3A_448 = arith.constant 0 : i32
      %dma_wait3A_449 = tpu.memref_slice %arg10[%add3A_381, %dma_wait3A_448] : memref<10112x64xf32, #tpu.memory_space<vmem_shared>> -> memref<128x64xf32, #tpu.memory_space<vmem_shared>>
      tpu.wait_dma2 semaphore(%run_scoped3A_427 : memref<!tpu.dma_semaphore, #tpu.memory_space<semaphore_mem>>) src(%dma_wait3A_449 : memref<128x64xf32, #tpu.memory_space<vmem_shared>>) dst(%dma_wait3A_447 : memref<128x64xf32, #tpu.memory_space<vmem>>)
      tpu.yield
    }) : () -> ()
    %mul3A_383 = arith.constant 625 : i32
    %mul3A_384 = arith.muli %arg1, %mul3A_383 : i32
    %add3A_385 = arith.addi %mul3A_1, %mul3A_384 : i32
    %add3A_386 = arith.constant 128 : i32
    %add3A_387 = arith.addi %add3A_385, %add3A_386 : i32
    %run_scoped3A_388 = arith.constant 0 : i32
    %run_scoped3A_389 = arith.constant 3 : i32
    "tpu.region"() ({
      %run_scoped3A_427 = tpu.sem_alloc : memref<!tpu.dma_semaphore, #tpu.memory_space<semaphore_mem>>
      %dma_start3A = arith.constant 0 : i32
      %dma_start3A_428 = arith.constant 0 : i32
      %dma_start3A_429 = tpu.memref_slice %arg9[%run_scoped3A_388, %dma_start3A, %dma_start3A_428] : memref<5x128x64xf32, #tpu.memory_space<vmem>> -> memref<1x128x64xf32, #tpu.memory_space<vmem>>
      %dma_start3A_430 = tpu.memref_squeeze %dma_start3A_429 : memref<1x128x64xf32, #tpu.memory_space<vmem>> -> memref<128x64xf32, #tpu.memory_space<vmem>>
      %dma_start3A_431 = arith.constant 0 : i32
      %dma_start3A_432 = tpu.memref_slice %arg5[%run_scoped3A_389, %add3A_387, %dma_start3A_431] : memref<4x20000x64xf32, #tpu.memory_space<hbm>> -> memref<1x128x64xf32, #tpu.memory_space<hbm>>
      %dma_start3A_433 = tpu.memref_squeeze %dma_start3A_432 : memref<1x128x64xf32, #tpu.memory_space<hbm>> -> memref<128x64xf32, #tpu.memory_space<hbm>>
      %dma_start3A_434 = arith.constant 0 : i32
      %dma_start3A_435 = tpu.memref_slice %arg5[%run_scoped3A_389, %add3A_387, %dma_start3A_434] : memref<4x20000x64xf32, #tpu.memory_space<hbm>> -> memref<1x128x64xf32, #tpu.memory_space<hbm>>
      %dma_start3A_436 = tpu.memref_squeeze %dma_start3A_435 : memref<1x128x64xf32, #tpu.memory_space<hbm>> -> memref<128x64xf32, #tpu.memory_space<hbm>>
      %dma_start3A_437 = arith.constant 0 : i32
      %dma_start3A_438 = arith.constant 0 : i32
      %dma_start3A_439 = tpu.memref_slice %arg9[%run_scoped3A_388, %dma_start3A_437, %dma_start3A_438] : memref<5x128x64xf32, #tpu.memory_space<vmem>> -> memref<1x128x64xf32, #tpu.memory_space<vmem>>
      %dma_start3A_440 = tpu.memref_squeeze %dma_start3A_439 : memref<1x128x64xf32, #tpu.memory_space<vmem>> -> memref<128x64xf32, #tpu.memory_space<vmem>>
      tpu.enqueue_dma source(%dma_start3A_440 : memref<128x64xf32, #tpu.memory_space<vmem>>) target(%dma_start3A_436 : memref<128x64xf32, #tpu.memory_space<hbm>>) target_semaphore(%run_scoped3A_427 : memref<!tpu.dma_semaphore, #tpu.memory_space<semaphore_mem>>)
      %dma_wait3A = arith.constant 0 : i32
      %dma_wait3A_441 = arith.constant 0 : i32
      %dma_wait3A_442 = tpu.memref_slice %arg9[%run_scoped3A_388, %dma_wait3A, %dma_wait3A_441] : memref<5x128x64xf32, #tpu.memory_space<vmem>> -> memref<1x128x64xf32, #tpu.memory_space<vmem>>
      %dma_wait3A_443 = tpu.memref_squeeze %dma_wait3A_442 : memref<1x128x64xf32, #tpu.memory_space<vmem>> -> memref<128x64xf32, #tpu.memory_space<vmem>>
      %dma_wait3A_444 = arith.constant 0 : i32
      %dma_wait3A_445 = tpu.memref_slice %arg5[%run_scoped3A_389, %add3A_387, %dma_wait3A_444] : memref<4x20000x64xf32, #tpu.memory_space<hbm>> -> memref<1x128x64xf32, #tpu.memory_space<hbm>>
      %dma_wait3A_446 = tpu.memref_squeeze %dma_wait3A_445 : memref<1x128x64xf32, #tpu.memory_space<hbm>> -> memref<128x64xf32, #tpu.memory_space<hbm>>
      %dma_wait3A_447 = arith.constant 0 : i32
      %dma_wait3A_448 = tpu.memref_slice %arg5[%run_scoped3A_389, %add3A_387, %dma_wait3A_447] : memref<4x20000x64xf32, #tpu.memory_space<hbm>> -> memref<1x128x64xf32, #tpu.memory_space<hbm>>
      %dma_wait3A_449 = tpu.memref_squeeze %dma_wait3A_448 : memref<1x128x64xf32, #tpu.memory_space<hbm>> -> memref<128x64xf32, #tpu.memory_space<hbm>>
      %dma_wait3A_450 = arith.constant 0 : i32
      %dma_wait3A_451 = arith.constant 0 : i32
      %dma_wait3A_452 = tpu.memref_slice %arg9[%run_scoped3A_388, %dma_wait3A_450, %dma_wait3A_451] : memref<5x128x64xf32, #tpu.memory_space<vmem>> -> memref<1x128x64xf32, #tpu.memory_space<vmem>>
      %dma_wait3A_453 = tpu.memref_squeeze %dma_wait3A_452 : memref<1x128x64xf32, #tpu.memory_space<vmem>> -> memref<128x64xf32, #tpu.memory_space<vmem>>
      tpu.wait_dma2 semaphore(%run_scoped3A_427 : memref<!tpu.dma_semaphore, #tpu.memory_space<semaphore_mem>>) src(%dma_wait3A_453 : memref<128x64xf32, #tpu.memory_space<vmem>>) dst(%dma_wait3A_449 : memref<128x64xf32, #tpu.memory_space<hbm>>)
      tpu.yield
    }) : () -> ()
    %mul3A_390 = arith.constant 625 : i32
    %mul3A_391 = arith.muli %arg1, %mul3A_390 : i32
    %add3A_392 = arith.constant 256 : i32
    %add3A_393 = arith.addi %mul3A_391, %add3A_392 : i32
    %run_scoped3A_394 = arith.constant 0 : i32
    "tpu.region"() ({
      %run_scoped3A_427 = tpu.sem_alloc : memref<!tpu.dma_semaphore, #tpu.memory_space<semaphore_mem>>
      %dma_start3A = arith.constant 0 : i32
      %dma_start3A_428 = arith.constant 0 : i32
      %dma_start3A_429 = tpu.memref_slice %arg9[%run_scoped3A_394, %dma_start3A, %dma_start3A_428] : memref<5x128x64xf32, #tpu.memory_space<vmem>> -> memref<1x128x64xf32, #tpu.memory_space<vmem>>
      %dma_start3A_430 = tpu.memref_squeeze %dma_start3A_429 : memref<1x128x64xf32, #tpu.memory_space<vmem>> -> memref<128x64xf32, #tpu.memory_space<vmem>>
      %dma_start3A_431 = arith.constant 0 : i32
      %dma_start3A_432 = tpu.memref_slice %arg10[%add3A_393, %dma_start3A_431] : memref<10112x64xf32, #tpu.memory_space<vmem_shared>> -> memref<128x64xf32, #tpu.memory_space<vmem_shared>>
      %dma_start3A_433 = arith.constant 0 : i32
      %dma_start3A_434 = arith.constant 0 : i32
      %dma_start3A_435 = tpu.memref_slice %arg9[%run_scoped3A_394, %dma_start3A_433, %dma_start3A_434] : memref<5x128x64xf32, #tpu.memory_space<vmem>> -> memref<1x128x64xf32, #tpu.memory_space<vmem>>
      %dma_start3A_436 = tpu.memref_squeeze %dma_start3A_435 : memref<1x128x64xf32, #tpu.memory_space<vmem>> -> memref<128x64xf32, #tpu.memory_space<vmem>>
      %dma_start3A_437 = arith.constant 0 : i32
      %dma_start3A_438 = tpu.memref_slice %arg10[%add3A_393, %dma_start3A_437] : memref<10112x64xf32, #tpu.memory_space<vmem_shared>> -> memref<128x64xf32, #tpu.memory_space<vmem_shared>>
      tpu.enqueue_dma source(%dma_start3A_438 : memref<128x64xf32, #tpu.memory_space<vmem_shared>>) target(%dma_start3A_436 : memref<128x64xf32, #tpu.memory_space<vmem>>) target_semaphore(%run_scoped3A_427 : memref<!tpu.dma_semaphore, #tpu.memory_space<semaphore_mem>>)
      %dma_wait3A = arith.constant 0 : i32
      %dma_wait3A_439 = arith.constant 0 : i32
      %dma_wait3A_440 = tpu.memref_slice %arg9[%run_scoped3A_394, %dma_wait3A, %dma_wait3A_439] : memref<5x128x64xf32, #tpu.memory_space<vmem>> -> memref<1x128x64xf32, #tpu.memory_space<vmem>>
      %dma_wait3A_441 = tpu.memref_squeeze %dma_wait3A_440 : memref<1x128x64xf32, #tpu.memory_space<vmem>> -> memref<128x64xf32, #tpu.memory_space<vmem>>
      %dma_wait3A_442 = arith.constant 0 : i32
      %dma_wait3A_443 = tpu.memref_slice %arg10[%add3A_393, %dma_wait3A_442] : memref<10112x64xf32, #tpu.memory_space<vmem_shared>> -> memref<128x64xf32, #tpu.memory_space<vmem_shared>>
      %dma_wait3A_444 = arith.constant 0 : i32
      %dma_wait3A_445 = arith.constant 0 : i32
      %dma_wait3A_446 = tpu.memref_slice %arg9[%run_scoped3A_394, %dma_wait3A_444, %dma_wait3A_445] : memref<5x128x64xf32, #tpu.memory_space<vmem>> -> memref<1x128x64xf32, #tpu.memory_space<vmem>>
      %dma_wait3A_447 = tpu.memref_squeeze %dma_wait3A_446 : memref<1x128x64xf32, #tpu.memory_space<vmem>> -> memref<128x64xf32, #tpu.memory_space<vmem>>
      %dma_wait3A_448 = arith.constant 0 : i32
      %dma_wait3A_449 = tpu.memref_slice %arg10[%add3A_393, %dma_wait3A_448] : memref<10112x64xf32, #tpu.memory_space<vmem_shared>> -> memref<128x64xf32, #tpu.memory_space<vmem_shared>>
      tpu.wait_dma2 semaphore(%run_scoped3A_427 : memref<!tpu.dma_semaphore, #tpu.memory_space<semaphore_mem>>) src(%dma_wait3A_449 : memref<128x64xf32, #tpu.memory_space<vmem_shared>>) dst(%dma_wait3A_447 : memref<128x64xf32, #tpu.memory_space<vmem>>)
      tpu.yield
    }) : () -> ()
    %mul3A_395 = arith.constant 625 : i32
    %mul3A_396 = arith.muli %arg1, %mul3A_395 : i32
    %add3A_397 = arith.addi %mul3A_1, %mul3A_396 : i32
    %add3A_398 = arith.constant 256 : i32
    %add3A_399 = arith.addi %add3A_397, %add3A_398 : i32
    %run_scoped3A_400 = arith.constant 0 : i32
    %run_scoped3A_401 = arith.constant 3 : i32
    "tpu.region"() ({
      %run_scoped3A_427 = tpu.sem_alloc : memref<!tpu.dma_semaphore, #tpu.memory_space<semaphore_mem>>
      %dma_start3A = arith.constant 0 : i32
      %dma_start3A_428 = arith.constant 0 : i32
      %dma_start3A_429 = tpu.memref_slice %arg9[%run_scoped3A_400, %dma_start3A, %dma_start3A_428] : memref<5x128x64xf32, #tpu.memory_space<vmem>> -> memref<1x128x64xf32, #tpu.memory_space<vmem>>
      %dma_start3A_430 = tpu.memref_squeeze %dma_start3A_429 : memref<1x128x64xf32, #tpu.memory_space<vmem>> -> memref<128x64xf32, #tpu.memory_space<vmem>>
      %dma_start3A_431 = arith.constant 0 : i32
      %dma_start3A_432 = tpu.memref_slice %arg5[%run_scoped3A_401, %add3A_399, %dma_start3A_431] : memref<4x20000x64xf32, #tpu.memory_space<hbm>> -> memref<1x128x64xf32, #tpu.memory_space<hbm>>
      %dma_start3A_433 = tpu.memref_squeeze %dma_start3A_432 : memref<1x128x64xf32, #tpu.memory_space<hbm>> -> memref<128x64xf32, #tpu.memory_space<hbm>>
      %dma_start3A_434 = arith.constant 0 : i32
      %dma_start3A_435 = tpu.memref_slice %arg5[%run_scoped3A_401, %add3A_399, %dma_start3A_434] : memref<4x20000x64xf32, #tpu.memory_space<hbm>> -> memref<1x128x64xf32, #tpu.memory_space<hbm>>
      %dma_start3A_436 = tpu.memref_squeeze %dma_start3A_435 : memref<1x128x64xf32, #tpu.memory_space<hbm>> -> memref<128x64xf32, #tpu.memory_space<hbm>>
      %dma_start3A_437 = arith.constant 0 : i32
      %dma_start3A_438 = arith.constant 0 : i32
      %dma_start3A_439 = tpu.memref_slice %arg9[%run_scoped3A_400, %dma_start3A_437, %dma_start3A_438] : memref<5x128x64xf32, #tpu.memory_space<vmem>> -> memref<1x128x64xf32, #tpu.memory_space<vmem>>
      %dma_start3A_440 = tpu.memref_squeeze %dma_start3A_439 : memref<1x128x64xf32, #tpu.memory_space<vmem>> -> memref<128x64xf32, #tpu.memory_space<vmem>>
      tpu.enqueue_dma source(%dma_start3A_440 : memref<128x64xf32, #tpu.memory_space<vmem>>) target(%dma_start3A_436 : memref<128x64xf32, #tpu.memory_space<hbm>>) target_semaphore(%run_scoped3A_427 : memref<!tpu.dma_semaphore, #tpu.memory_space<semaphore_mem>>)
      %dma_wait3A = arith.constant 0 : i32
      %dma_wait3A_441 = arith.constant 0 : i32
      %dma_wait3A_442 = tpu.memref_slice %arg9[%run_scoped3A_400, %dma_wait3A, %dma_wait3A_441] : memref<5x128x64xf32, #tpu.memory_space<vmem>> -> memref<1x128x64xf32, #tpu.memory_space<vmem>>
      %dma_wait3A_443 = tpu.memref_squeeze %dma_wait3A_442 : memref<1x128x64xf32, #tpu.memory_space<vmem>> -> memref<128x64xf32, #tpu.memory_space<vmem>>
      %dma_wait3A_444 = arith.constant 0 : i32
      %dma_wait3A_445 = tpu.memref_slice %arg5[%run_scoped3A_401, %add3A_399, %dma_wait3A_444] : memref<4x20000x64xf32, #tpu.memory_space<hbm>> -> memref<1x128x64xf32, #tpu.memory_space<hbm>>
      %dma_wait3A_446 = tpu.memref_squeeze %dma_wait3A_445 : memref<1x128x64xf32, #tpu.memory_space<hbm>> -> memref<128x64xf32, #tpu.memory_space<hbm>>
      %dma_wait3A_447 = arith.constant 0 : i32
      %dma_wait3A_448 = tpu.memref_slice %arg5[%run_scoped3A_401, %add3A_399, %dma_wait3A_447] : memref<4x20000x64xf32, #tpu.memory_space<hbm>> -> memref<1x128x64xf32, #tpu.memory_space<hbm>>
      %dma_wait3A_449 = tpu.memref_squeeze %dma_wait3A_448 : memref<1x128x64xf32, #tpu.memory_space<hbm>> -> memref<128x64xf32, #tpu.memory_space<hbm>>
      %dma_wait3A_450 = arith.constant 0 : i32
      %dma_wait3A_451 = arith.constant 0 : i32
      %dma_wait3A_452 = tpu.memref_slice %arg9[%run_scoped3A_400, %dma_wait3A_450, %dma_wait3A_451] : memref<5x128x64xf32, #tpu.memory_space<vmem>> -> memref<1x128x64xf32, #tpu.memory_space<vmem>>
      %dma_wait3A_453 = tpu.memref_squeeze %dma_wait3A_452 : memref<1x128x64xf32, #tpu.memory_space<vmem>> -> memref<128x64xf32, #tpu.memory_space<vmem>>
      tpu.wait_dma2 semaphore(%run_scoped3A_427 : memref<!tpu.dma_semaphore, #tpu.memory_space<semaphore_mem>>) src(%dma_wait3A_453 : memref<128x64xf32, #tpu.memory_space<vmem>>) dst(%dma_wait3A_449 : memref<128x64xf32, #tpu.memory_space<hbm>>)
      tpu.yield
    }) : () -> ()
    %mul3A_402 = arith.constant 625 : i32
    %mul3A_403 = arith.muli %arg1, %mul3A_402 : i32
    %add3A_404 = arith.constant 384 : i32
    %add3A_405 = arith.addi %mul3A_403, %add3A_404 : i32
    %run_scoped3A_406 = arith.constant 0 : i32
    "tpu.region"() ({
      %run_scoped3A_427 = tpu.sem_alloc : memref<!tpu.dma_semaphore, #tpu.memory_space<semaphore_mem>>
      %dma_start3A = arith.constant 0 : i32
      %dma_start3A_428 = arith.constant 0 : i32
      %dma_start3A_429 = tpu.memref_slice %arg9[%run_scoped3A_406, %dma_start3A, %dma_start3A_428] : memref<5x128x64xf32, #tpu.memory_space<vmem>> -> memref<1x128x64xf32, #tpu.memory_space<vmem>>
      %dma_start3A_430 = tpu.memref_squeeze %dma_start3A_429 : memref<1x128x64xf32, #tpu.memory_space<vmem>> -> memref<128x64xf32, #tpu.memory_space<vmem>>
      %dma_start3A_431 = arith.constant 0 : i32
      %dma_start3A_432 = tpu.memref_slice %arg10[%add3A_405, %dma_start3A_431] : memref<10112x64xf32, #tpu.memory_space<vmem_shared>> -> memref<128x64xf32, #tpu.memory_space<vmem_shared>>
      %dma_start3A_433 = arith.constant 0 : i32
      %dma_start3A_434 = arith.constant 0 : i32
      %dma_start3A_435 = tpu.memref_slice %arg9[%run_scoped3A_406, %dma_start3A_433, %dma_start3A_434] : memref<5x128x64xf32, #tpu.memory_space<vmem>> -> memref<1x128x64xf32, #tpu.memory_space<vmem>>
      %dma_start3A_436 = tpu.memref_squeeze %dma_start3A_435 : memref<1x128x64xf32, #tpu.memory_space<vmem>> -> memref<128x64xf32, #tpu.memory_space<vmem>>
      %dma_start3A_437 = arith.constant 0 : i32
      %dma_start3A_438 = tpu.memref_slice %arg10[%add3A_405, %dma_start3A_437] : memref<10112x64xf32, #tpu.memory_space<vmem_shared>> -> memref<128x64xf32, #tpu.memory_space<vmem_shared>>
      tpu.enqueue_dma source(%dma_start3A_438 : memref<128x64xf32, #tpu.memory_space<vmem_shared>>) target(%dma_start3A_436 : memref<128x64xf32, #tpu.memory_space<vmem>>) target_semaphore(%run_scoped3A_427 : memref<!tpu.dma_semaphore, #tpu.memory_space<semaphore_mem>>)
      %dma_wait3A = arith.constant 0 : i32
      %dma_wait3A_439 = arith.constant 0 : i32
      %dma_wait3A_440 = tpu.memref_slice %arg9[%run_scoped3A_406, %dma_wait3A, %dma_wait3A_439] : memref<5x128x64xf32, #tpu.memory_space<vmem>> -> memref<1x128x64xf32, #tpu.memory_space<vmem>>
      %dma_wait3A_441 = tpu.memref_squeeze %dma_wait3A_440 : memref<1x128x64xf32, #tpu.memory_space<vmem>> -> memref<128x64xf32, #tpu.memory_space<vmem>>
      %dma_wait3A_442 = arith.constant 0 : i32
      %dma_wait3A_443 = tpu.memref_slice %arg10[%add3A_405, %dma_wait3A_442] : memref<10112x64xf32, #tpu.memory_space<vmem_shared>> -> memref<128x64xf32, #tpu.memory_space<vmem_shared>>
      %dma_wait3A_444 = arith.constant 0 : i32
      %dma_wait3A_445 = arith.constant 0 : i32
      %dma_wait3A_446 = tpu.memref_slice %arg9[%run_scoped3A_406, %dma_wait3A_444, %dma_wait3A_445] : memref<5x128x64xf32, #tpu.memory_space<vmem>> -> memref<1x128x64xf32, #tpu.memory_space<vmem>>
      %dma_wait3A_447 = tpu.memref_squeeze %dma_wait3A_446 : memref<1x128x64xf32, #tpu.memory_space<vmem>> -> memref<128x64xf32, #tpu.memory_space<vmem>>
      %dma_wait3A_448 = arith.constant 0 : i32
      %dma_wait3A_449 = tpu.memref_slice %arg10[%add3A_405, %dma_wait3A_448] : memref<10112x64xf32, #tpu.memory_space<vmem_shared>> -> memref<128x64xf32, #tpu.memory_space<vmem_shared>>
      tpu.wait_dma2 semaphore(%run_scoped3A_427 : memref<!tpu.dma_semaphore, #tpu.memory_space<semaphore_mem>>) src(%dma_wait3A_449 : memref<128x64xf32, #tpu.memory_space<vmem_shared>>) dst(%dma_wait3A_447 : memref<128x64xf32, #tpu.memory_space<vmem>>)
      tpu.yield
    }) : () -> ()
    %mul3A_407 = arith.constant 625 : i32
    %mul3A_408 = arith.muli %arg1, %mul3A_407 : i32
    %add3A_409 = arith.addi %mul3A_1, %mul3A_408 : i32
    %add3A_410 = arith.constant 384 : i32
    %add3A_411 = arith.addi %add3A_409, %add3A_410 : i32
    %run_scoped3A_412 = arith.constant 0 : i32
    %run_scoped3A_413 = arith.constant 3 : i32
    "tpu.region"() ({
      %run_scoped3A_427 = tpu.sem_alloc : memref<!tpu.dma_semaphore, #tpu.memory_space<semaphore_mem>>
      %dma_start3A = arith.constant 0 : i32
      %dma_start3A_428 = arith.constant 0 : i32
      %dma_start3A_429 = tpu.memref_slice %arg9[%run_scoped3A_412, %dma_start3A, %dma_start3A_428] : memref<5x128x64xf32, #tpu.memory_space<vmem>> -> memref<1x128x64xf32, #tpu.memory_space<vmem>>
      %dma_start3A_430 = tpu.memref_squeeze %dma_start3A_429 : memref<1x128x64xf32, #tpu.memory_space<vmem>> -> memref<128x64xf32, #tpu.memory_space<vmem>>
      %dma_start3A_431 = arith.constant 0 : i32
      %dma_start3A_432 = tpu.memref_slice %arg5[%run_scoped3A_413, %add3A_411, %dma_start3A_431] : memref<4x20000x64xf32, #tpu.memory_space<hbm>> -> memref<1x128x64xf32, #tpu.memory_space<hbm>>
      %dma_start3A_433 = tpu.memref_squeeze %dma_start3A_432 : memref<1x128x64xf32, #tpu.memory_space<hbm>> -> memref<128x64xf32, #tpu.memory_space<hbm>>
      %dma_start3A_434 = arith.constant 0 : i32
      %dma_start3A_435 = tpu.memref_slice %arg5[%run_scoped3A_413, %add3A_411, %dma_start3A_434] : memref<4x20000x64xf32, #tpu.memory_space<hbm>> -> memref<1x128x64xf32, #tpu.memory_space<hbm>>
      %dma_start3A_436 = tpu.memref_squeeze %dma_start3A_435 : memref<1x128x64xf32, #tpu.memory_space<hbm>> -> memref<128x64xf32, #tpu.memory_space<hbm>>
      %dma_start3A_437 = arith.constant 0 : i32
      %dma_start3A_438 = arith.constant 0 : i32
      %dma_start3A_439 = tpu.memref_slice %arg9[%run_scoped3A_412, %dma_start3A_437, %dma_start3A_438] : memref<5x128x64xf32, #tpu.memory_space<vmem>> -> memref<1x128x64xf32, #tpu.memory_space<vmem>>
      %dma_start3A_440 = tpu.memref_squeeze %dma_start3A_439 : memref<1x128x64xf32, #tpu.memory_space<vmem>> -> memref<128x64xf32, #tpu.memory_space<vmem>>
      tpu.enqueue_dma source(%dma_start3A_440 : memref<128x64xf32, #tpu.memory_space<vmem>>) target(%dma_start3A_436 : memref<128x64xf32, #tpu.memory_space<hbm>>) target_semaphore(%run_scoped3A_427 : memref<!tpu.dma_semaphore, #tpu.memory_space<semaphore_mem>>)
      %dma_wait3A = arith.constant 0 : i32
      %dma_wait3A_441 = arith.constant 0 : i32
      %dma_wait3A_442 = tpu.memref_slice %arg9[%run_scoped3A_412, %dma_wait3A, %dma_wait3A_441] : memref<5x128x64xf32, #tpu.memory_space<vmem>> -> memref<1x128x64xf32, #tpu.memory_space<vmem>>
      %dma_wait3A_443 = tpu.memref_squeeze %dma_wait3A_442 : memref<1x128x64xf32, #tpu.memory_space<vmem>> -> memref<128x64xf32, #tpu.memory_space<vmem>>
      %dma_wait3A_444 = arith.constant 0 : i32
      %dma_wait3A_445 = tpu.memref_slice %arg5[%run_scoped3A_413, %add3A_411, %dma_wait3A_444] : memref<4x20000x64xf32, #tpu.memory_space<hbm>> -> memref<1x128x64xf32, #tpu.memory_space<hbm>>
      %dma_wait3A_446 = tpu.memref_squeeze %dma_wait3A_445 : memref<1x128x64xf32, #tpu.memory_space<hbm>> -> memref<128x64xf32, #tpu.memory_space<hbm>>
      %dma_wait3A_447 = arith.constant 0 : i32
      %dma_wait3A_448 = tpu.memref_slice %arg5[%run_scoped3A_413, %add3A_411, %dma_wait3A_447] : memref<4x20000x64xf32, #tpu.memory_space<hbm>> -> memref<1x128x64xf32, #tpu.memory_space<hbm>>
      %dma_wait3A_449 = tpu.memref_squeeze %dma_wait3A_448 : memref<1x128x64xf32, #tpu.memory_space<hbm>> -> memref<128x64xf32, #tpu.memory_space<hbm>>
      %dma_wait3A_450 = arith.constant 0 : i32
      %dma_wait3A_451 = arith.constant 0 : i32
      %dma_wait3A_452 = tpu.memref_slice %arg9[%run_scoped3A_412, %dma_wait3A_450, %dma_wait3A_451] : memref<5x128x64xf32, #tpu.memory_space<vmem>> -> memref<1x128x64xf32, #tpu.memory_space<vmem>>
      %dma_wait3A_453 = tpu.memref_squeeze %dma_wait3A_452 : memref<1x128x64xf32, #tpu.memory_space<vmem>> -> memref<128x64xf32, #tpu.memory_space<vmem>>
      tpu.wait_dma2 semaphore(%run_scoped3A_427 : memref<!tpu.dma_semaphore, #tpu.memory_space<semaphore_mem>>) src(%dma_wait3A_453 : memref<128x64xf32, #tpu.memory_space<vmem>>) dst(%dma_wait3A_449 : memref<128x64xf32, #tpu.memory_space<hbm>>)
      tpu.yield
    }) : () -> ()
    %mul3A_414 = arith.constant 625 : i32
    %mul3A_415 = arith.muli %arg1, %mul3A_414 : i32
    %add3A_416 = arith.constant 512 : i32
    %add3A_417 = arith.addi %mul3A_415, %add3A_416 : i32
    %run_scoped3A_418 = arith.constant 0 : i32
    "tpu.region"() ({
      %run_scoped3A_427 = tpu.sem_alloc : memref<!tpu.dma_semaphore, #tpu.memory_space<semaphore_mem>>
      %dma_start3A = arith.constant 0 : i32
      %dma_start3A_428 = arith.constant 0 : i32
      %dma_start3A_429 = tpu.memref_slice %arg9[%run_scoped3A_418, %dma_start3A, %dma_start3A_428] : memref<5x128x64xf32, #tpu.memory_space<vmem>> -> memref<1x113x64xf32, #tpu.memory_space<vmem>>
      %dma_start3A_430 = tpu.memref_squeeze %dma_start3A_429 : memref<1x113x64xf32, #tpu.memory_space<vmem>> -> memref<113x64xf32, #tpu.memory_space<vmem>>
      %dma_start3A_431 = arith.constant 0 : i32
      %dma_start3A_432 = tpu.memref_slice %arg10[%add3A_417, %dma_start3A_431] : memref<10112x64xf32, #tpu.memory_space<vmem_shared>> -> memref<113x64xf32, #tpu.memory_space<vmem_shared>>
      %dma_start3A_433 = arith.constant 0 : i32
      %dma_start3A_434 = arith.constant 0 : i32
      %dma_start3A_435 = tpu.memref_slice %arg9[%run_scoped3A_418, %dma_start3A_433, %dma_start3A_434] : memref<5x128x64xf32, #tpu.memory_space<vmem>> -> memref<1x113x64xf32, #tpu.memory_space<vmem>>
      %dma_start3A_436 = tpu.memref_squeeze %dma_start3A_435 : memref<1x113x64xf32, #tpu.memory_space<vmem>> -> memref<113x64xf32, #tpu.memory_space<vmem>>
      %dma_start3A_437 = arith.constant 0 : i32
      %dma_start3A_438 = tpu.memref_slice %arg10[%add3A_417, %dma_start3A_437] : memref<10112x64xf32, #tpu.memory_space<vmem_shared>> -> memref<113x64xf32, #tpu.memory_space<vmem_shared>>
      tpu.enqueue_dma source(%dma_start3A_438 : memref<113x64xf32, #tpu.memory_space<vmem_shared>>) target(%dma_start3A_436 : memref<113x64xf32, #tpu.memory_space<vmem>>) target_semaphore(%run_scoped3A_427 : memref<!tpu.dma_semaphore, #tpu.memory_space<semaphore_mem>>)
      %dma_wait3A = arith.constant 0 : i32
      %dma_wait3A_439 = arith.constant 0 : i32
      %dma_wait3A_440 = tpu.memref_slice %arg9[%run_scoped3A_418, %dma_wait3A, %dma_wait3A_439] : memref<5x128x64xf32, #tpu.memory_space<vmem>> -> memref<1x113x64xf32, #tpu.memory_space<vmem>>
      %dma_wait3A_441 = tpu.memref_squeeze %dma_wait3A_440 : memref<1x113x64xf32, #tpu.memory_space<vmem>> -> memref<113x64xf32, #tpu.memory_space<vmem>>
      %dma_wait3A_442 = arith.constant 0 : i32
      %dma_wait3A_443 = tpu.memref_slice %arg10[%add3A_417, %dma_wait3A_442] : memref<10112x64xf32, #tpu.memory_space<vmem_shared>> -> memref<113x64xf32, #tpu.memory_space<vmem_shared>>
      %dma_wait3A_444 = arith.constant 0 : i32
      %dma_wait3A_445 = arith.constant 0 : i32
      %dma_wait3A_446 = tpu.memref_slice %arg9[%run_scoped3A_418, %dma_wait3A_444, %dma_wait3A_445] : memref<5x128x64xf32, #tpu.memory_space<vmem>> -> memref<1x113x64xf32, #tpu.memory_space<vmem>>
      %dma_wait3A_447 = tpu.memref_squeeze %dma_wait3A_446 : memref<1x113x64xf32, #tpu.memory_space<vmem>> -> memref<113x64xf32, #tpu.memory_space<vmem>>
      %dma_wait3A_448 = arith.constant 0 : i32
      %dma_wait3A_449 = tpu.memref_slice %arg10[%add3A_417, %dma_wait3A_448] : memref<10112x64xf32, #tpu.memory_space<vmem_shared>> -> memref<113x64xf32, #tpu.memory_space<vmem_shared>>
      tpu.wait_dma2 semaphore(%run_scoped3A_427 : memref<!tpu.dma_semaphore, #tpu.memory_space<semaphore_mem>>) src(%dma_wait3A_449 : memref<113x64xf32, #tpu.memory_space<vmem_shared>>) dst(%dma_wait3A_447 : memref<113x64xf32, #tpu.memory_space<vmem>>)
      tpu.yield
    }) : () -> ()
    %mul3A_419 = arith.constant 625 : i32
    %mul3A_420 = arith.muli %arg1, %mul3A_419 : i32
    %add3A_421 = arith.addi %mul3A_1, %mul3A_420 : i32
    %add3A_422 = arith.constant 512 : i32
    %add3A_423 = arith.addi %add3A_421, %add3A_422 : i32
    %run_scoped3A_424 = arith.constant 0 : i32
    %run_scoped3A_425 = arith.constant 3 : i32
    "tpu.region"() ({
      %run_scoped3A_427 = tpu.sem_alloc : memref<!tpu.dma_semaphore, #tpu.memory_space<semaphore_mem>>
      %dma_start3A = arith.constant 0 : i32
      %dma_start3A_428 = arith.constant 0 : i32
      %dma_start3A_429 = tpu.memref_slice %arg9[%run_scoped3A_424, %dma_start3A, %dma_start3A_428] : memref<5x128x64xf32, #tpu.memory_space<vmem>> -> memref<1x113x64xf32, #tpu.memory_space<vmem>>
      %dma_start3A_430 = tpu.memref_squeeze %dma_start3A_429 : memref<1x113x64xf32, #tpu.memory_space<vmem>> -> memref<113x64xf32, #tpu.memory_space<vmem>>
      %dma_start3A_431 = arith.constant 0 : i32
      %dma_start3A_432 = tpu.memref_slice %arg5[%run_scoped3A_425, %add3A_423, %dma_start3A_431] : memref<4x20000x64xf32, #tpu.memory_space<hbm>> -> memref<1x113x64xf32, #tpu.memory_space<hbm>>
      %dma_start3A_433 = tpu.memref_squeeze %dma_start3A_432 : memref<1x113x64xf32, #tpu.memory_space<hbm>> -> memref<113x64xf32, #tpu.memory_space<hbm>>
      %dma_start3A_434 = arith.constant 0 : i32
      %dma_start3A_435 = tpu.memref_slice %arg5[%run_scoped3A_425, %add3A_423, %dma_start3A_434] : memref<4x20000x64xf32, #tpu.memory_space<hbm>> -> memref<1x113x64xf32, #tpu.memory_space<hbm>>
      %dma_start3A_436 = tpu.memref_squeeze %dma_start3A_435 : memref<1x113x64xf32, #tpu.memory_space<hbm>> -> memref<113x64xf32, #tpu.memory_space<hbm>>
      %dma_start3A_437 = arith.constant 0 : i32
      %dma_start3A_438 = arith.constant 0 : i32
      %dma_start3A_439 = tpu.memref_slice %arg9[%run_scoped3A_424, %dma_start3A_437, %dma_start3A_438] : memref<5x128x64xf32, #tpu.memory_space<vmem>> -> memref<1x113x64xf32, #tpu.memory_space<vmem>>
      %dma_start3A_440 = tpu.memref_squeeze %dma_start3A_439 : memref<1x113x64xf32, #tpu.memory_space<vmem>> -> memref<113x64xf32, #tpu.memory_space<vmem>>
      tpu.enqueue_dma source(%dma_start3A_440 : memref<113x64xf32, #tpu.memory_space<vmem>>) target(%dma_start3A_436 : memref<113x64xf32, #tpu.memory_space<hbm>>) target_semaphore(%run_scoped3A_427 : memref<!tpu.dma_semaphore, #tpu.memory_space<semaphore_mem>>)
      %dma_wait3A = arith.constant 0 : i32
      %dma_wait3A_441 = arith.constant 0 : i32
      %dma_wait3A_442 = tpu.memref_slice %arg9[%run_scoped3A_424, %dma_wait3A, %dma_wait3A_441] : memref<5x128x64xf32, #tpu.memory_space<vmem>> -> memref<1x113x64xf32, #tpu.memory_space<vmem>>
      %dma_wait3A_443 = tpu.memref_squeeze %dma_wait3A_442 : memref<1x113x64xf32, #tpu.memory_space<vmem>> -> memref<113x64xf32, #tpu.memory_space<vmem>>
      %dma_wait3A_444 = arith.constant 0 : i32
      %dma_wait3A_445 = tpu.memref_slice %arg5[%run_scoped3A_425, %add3A_423, %dma_wait3A_444] : memref<4x20000x64xf32, #tpu.memory_space<hbm>> -> memref<1x113x64xf32, #tpu.memory_space<hbm>>
      %dma_wait3A_446 = tpu.memref_squeeze %dma_wait3A_445 : memref<1x113x64xf32, #tpu.memory_space<hbm>> -> memref<113x64xf32, #tpu.memory_space<hbm>>
      %dma_wait3A_447 = arith.constant 0 : i32
      %dma_wait3A_448 = tpu.memref_slice %arg5[%run_scoped3A_425, %add3A_423, %dma_wait3A_447] : memref<4x20000x64xf32, #tpu.memory_space<hbm>> -> memref<1x113x64xf32, #tpu.memory_space<hbm>>
      %dma_wait3A_449 = tpu.memref_squeeze %dma_wait3A_448 : memref<1x113x64xf32, #tpu.memory_space<hbm>> -> memref<113x64xf32, #tpu.memory_space<hbm>>
      %dma_wait3A_450 = arith.constant 0 : i32
      %dma_wait3A_451 = arith.constant 0 : i32
      %dma_wait3A_452 = tpu.memref_slice %arg9[%run_scoped3A_424, %dma_wait3A_450, %dma_wait3A_451] : memref<5x128x64xf32, #tpu.memory_space<vmem>> -> memref<1x113x64xf32, #tpu.memory_space<vmem>>
      %dma_wait3A_453 = tpu.memref_squeeze %dma_wait3A_452 : memref<1x113x64xf32, #tpu.memory_space<vmem>> -> memref<113x64xf32, #tpu.memory_space<vmem>>
      tpu.wait_dma2 semaphore(%run_scoped3A_427 : memref<!tpu.dma_semaphore, #tpu.memory_space<semaphore_mem>>) src(%dma_wait3A_453 : memref<113x64xf32, #tpu.memory_space<vmem>>) dst(%dma_wait3A_449 : memref<113x64xf32, #tpu.memory_space<hbm>>)
      tpu.yield
    }) : () -> ()
    %barrier3A_426 = arith.constant 0 : index
    tpu.barrier barrier_id(%barrier3A_426)
    return
  }
}

module attributes {stable_mosaic.version = 14 : i64} {
  func.func @body(%arg0: i32, %arg1: memref<1000x256xf32, #tpu.memory_space<vmem>>, %arg2: memref<1000x1xf32, #tpu.memory_space<vmem>>, %arg3: memref<1000x1xf32, #tpu.memory_space<vmem>>, %arg4: memref<4x1000x64xf32, #tpu.memory_space<vmem>>) attributes {dimension_semantics = [#tpu.dimension_semantics<arbitrary>], iteration_bounds = array<i64: 20>, scalar_prefetch = 0 : i64, scratch_operands = 0 : i64, tpu.core_type = #tpu.core_type<tc>, window_params = [{transform_indices = @transform_0, window_bounds = array<i64: 1000, 256>}, {transform_indices = @transform_1, window_bounds = array<i64: 1000, 1>}, {transform_indices = @transform_2, window_bounds = array<i64: 1000, 1>}, {transform_indices = @transform_3, window_bounds = array<i64: 4, 1000, 64>}]} {
    %get3A = arith.constant 0 : index
    %get3A_0 = arith.constant 0 : index
    %get3A_1 = vector.load %arg2[%get3A, %get3A_0] : memref<1000x1xf32, #tpu.memory_space<vmem>>, vector<1000x1xf32>
    %add3A = arith.constant 1.000000e+00 : f32
    %add3A_2 = vector.broadcast %add3A : f32 to vector<1000x1xf32>
    %add3A_3 = arith.addf %get3A_1, %add3A_2 : vector<1000x1xf32>
    %sqrt3A = math.sqrt %add3A_3 : vector<1000x1xf32>
    %add3A_4 = arith.constant 9.99999993E-9 : f32
    %add3A_5 = vector.broadcast %add3A_4 : f32 to vector<1000x1xf32>
    %add3A_6 = arith.addf %sqrt3A, %add3A_5 : vector<1000x1xf32>
    %div3A = arith.constant 1.000000e+00 : f32
    %div3A_7 = vector.broadcast %div3A : f32 to vector<1000x1xf32>
    %div3A_8 = arith.divf %div3A_7, %add3A_6 : vector<1000x1xf32>
    %swap3A = arith.constant 0 : index
    %swap3A_9 = arith.constant 0 : index
    %swap3A_10 = vector.load %arg3[%swap3A, %swap3A_9] : memref<1000x1xf32, #tpu.memory_space<vmem>>, vector<1000x1xf32>
    tpu.vector_store %arg3[%swap3A, %swap3A_9], %div3A_8 {strides = array<i32>} : memref<1000x1xf32, #tpu.memory_space<vmem>>, vector<1000x1xf32>,
    %get3A_11 = arith.constant 0 : index
    %get3A_12 = arith.constant 0 : index
    %get3A_13 = vector.load %arg1[%get3A_11, %get3A_12] : memref<1000x256xf32, #tpu.memory_space<vmem>>, vector<1000x256xf32>
    %mul3A = vector.broadcast %div3A_8 : vector<1000x1xf32> to vector<1000x256xf32>
    %mul3A_14 = arith.mulf %get3A_13, %mul3A : vector<1000x256xf32>
    %slice3A = vector.extract_strided_slice %mul3A_14 {offsets = [0, 0], sizes = [1000, 64], strides = [1, 1]} : vector<1000x256xf32> to vector<1000x64xf32>
    %swap3A_15 = arith.constant 0 : index
    %swap3A_16 = arith.constant 0 : index
    %swap3A_17 = arith.constant 0 : index
    %swap3A_18 = vector.load %arg4[%swap3A_15, %swap3A_16, %swap3A_17] : memref<4x1000x64xf32, #tpu.memory_space<vmem>>, vector<1x1000x64xf32>
    %swap3A_19 = vector.shape_cast %swap3A_18 : vector<1x1000x64xf32> to vector<1000x64xf32>
    %swap3A_20 = vector.shape_cast %slice3A : vector<1000x64xf32> to vector<1x1000x64xf32>
    tpu.vector_store %arg4[%swap3A_15, %swap3A_16, %swap3A_17], %swap3A_20 {strides = array<i32>} : memref<4x1000x64xf32, #tpu.memory_space<vmem>>, vector<1x1000x64xf32>,
    %slice3A_21 = vector.extract_strided_slice %mul3A_14 {offsets = [0, 64], sizes = [1000, 64], strides = [1, 1]} : vector<1000x256xf32> to vector<1000x64xf32>
    %swap3A_22 = arith.constant 1 : index
    %swap3A_23 = arith.constant 0 : index
    %swap3A_24 = arith.constant 0 : index
    %swap3A_25 = vector.load %arg4[%swap3A_22, %swap3A_23, %swap3A_24] : memref<4x1000x64xf32, #tpu.memory_space<vmem>>, vector<1x1000x64xf32>
    %swap3A_26 = vector.shape_cast %swap3A_25 : vector<1x1000x64xf32> to vector<1000x64xf32>
    %swap3A_27 = vector.shape_cast %slice3A_21 : vector<1000x64xf32> to vector<1x1000x64xf32>
    tpu.vector_store %arg4[%swap3A_22, %swap3A_23, %swap3A_24], %swap3A_27 {strides = array<i32>} : memref<4x1000x64xf32, #tpu.memory_space<vmem>>, vector<1x1000x64xf32>,
    %slice3A_28 = vector.extract_strided_slice %mul3A_14 {offsets = [0, 128], sizes = [1000, 64], strides = [1, 1]} : vector<1000x256xf32> to vector<1000x64xf32>
    %swap3A_29 = arith.constant 2 : index
    %swap3A_30 = arith.constant 0 : index
    %swap3A_31 = arith.constant 0 : index
    %swap3A_32 = vector.load %arg4[%swap3A_29, %swap3A_30, %swap3A_31] : memref<4x1000x64xf32, #tpu.memory_space<vmem>>, vector<1x1000x64xf32>
    %swap3A_33 = vector.shape_cast %swap3A_32 : vector<1x1000x64xf32> to vector<1000x64xf32>
    %swap3A_34 = vector.shape_cast %slice3A_28 : vector<1000x64xf32> to vector<1x1000x64xf32>
    tpu.vector_store %arg4[%swap3A_29, %swap3A_30, %swap3A_31], %swap3A_34 {strides = array<i32>} : memref<4x1000x64xf32, #tpu.memory_space<vmem>>, vector<1x1000x64xf32>,
    %slice3A_35 = vector.extract_strided_slice %mul3A_14 {offsets = [0, 192], sizes = [1000, 64], strides = [1, 1]} : vector<1000x256xf32> to vector<1000x64xf32>
    %swap3A_36 = arith.constant 3 : index
    %swap3A_37 = arith.constant 0 : index
    %swap3A_38 = arith.constant 0 : index
    %swap3A_39 = vector.load %arg4[%swap3A_36, %swap3A_37, %swap3A_38] : memref<4x1000x64xf32, #tpu.memory_space<vmem>>, vector<1x1000x64xf32>
    %swap3A_40 = vector.shape_cast %swap3A_39 : vector<1x1000x64xf32> to vector<1000x64xf32>
    %swap3A_41 = vector.shape_cast %slice3A_35 : vector<1000x64xf32> to vector<1x1000x64xf32>
    tpu.vector_store %arg4[%swap3A_36, %swap3A_37, %swap3A_38], %swap3A_41 {strides = array<i32>} : memref<4x1000x64xf32, #tpu.memory_space<vmem>>, vector<1x1000x64xf32>,
    return
  }
  func.func @transform_0(%arg0: i32) -> (i32, i32) {
    %c0_i32 = arith.constant 0 : i32
    %c0_i32_0 = arith.constant 0 : i32
    return %arg0, %c0_i32 : i32, i32
  }
  func.func @transform_1(%arg0: i32) -> (i32, i32) {
    %c0_i32 = arith.constant 0 : i32
    %c0_i32_0 = arith.constant 0 : i32
    return %arg0, %c0_i32 : i32, i32
  }
  func.func @transform_2(%arg0: i32) -> (i32, i32) {
    %c0_i32 = arith.constant 0 : i32
    %c0_i32_0 = arith.constant 0 : i32
    return %arg0, %c0_i32 : i32, i32
  }
  func.func @transform_3(%arg0: i32) -> (i32, i32, i32) {
    %c0_i32 = arith.constant 0 : i32
    %c0_i32_0 = arith.constant 0 : i32
    %c0_i32_1 = arith.constant 0 : i32
    return %c0_i32, %arg0, %c0_i32_0 : i32, i32, i32
  }
}

module attributes {stable_mosaic.version = 14 : i64} {
  func.func @body(%arg0: i32, %arg1: memref<4x1000x64xf32, #tpu.memory_space<vmem>>, %arg2: memref<4x1000x64xf32, #tpu.memory_space<vmem>>, %arg3: memref<1000x1xf32, #tpu.memory_space<vmem>>, %arg4: memref<256x256xf32, #tpu.memory_space<vmem>>, %arg5: memref<1000x256xf32, #tpu.memory_space<vmem>>, %arg6: memref<4x1000x64xf32, #tpu.memory_space<vmem>>) attributes {dimension_semantics = [#tpu.dimension_semantics<arbitrary>], iteration_bounds = array<i64: 20>, scalar_prefetch = 0 : i64, scratch_operands = 0 : i64, tpu.core_type = #tpu.core_type<tc>, window_params = [{transform_indices = @transform_0, window_bounds = array<i64: 4, 1000, 64>}, {transform_indices = @transform_1, window_bounds = array<i64: 4, 1000, 64>}, {transform_indices = @transform_2, window_bounds = array<i64: 1000, 1>}, {pipeline_mode = #tpu.pipeline_mode<synchronous>, transform_indices = @transform_3, window_bounds = array<i64: 256, 256>}, {transform_indices = @transform_4, window_bounds = array<i64: 1000, 256>}, {transform_indices = @transform_5, window_bounds = array<i64: 4, 1000, 64>}]} {
    %get3A = arith.constant 0 : index
    %get3A_0 = arith.constant 0 : index
    %get3A_1 = vector.load %arg3[%get3A, %get3A_0] : memref<1000x1xf32, #tpu.memory_space<vmem>>, vector<1000x1xf32>
    %broadcast_in_dim3A = arith.constant 0.000000e+00 : f32
    %broadcast_in_dim3A_2 = vector.broadcast %broadcast_in_dim3A : f32 to vector<1000x256xf32>
    %get3A_3 = arith.constant 0 : index
    %get3A_4 = arith.constant 0 : index
    %get3A_5 = arith.constant 0 : index
    %get3A_6 = vector.load %arg1[%get3A_3, %get3A_4, %get3A_5] : memref<4x1000x64xf32, #tpu.memory_space<vmem>>, vector<1x1000x64xf32>
    %get3A_7 = vector.shape_cast %get3A_6 : vector<1x1000x64xf32> to vector<1000x64xf32>
    %get3A_8 = arith.constant 0 : index
    %get3A_9 = arith.constant 0 : index
    %get3A_10 = arith.constant 0 : index
    %get3A_11 = vector.load %arg2[%get3A_8, %get3A_9, %get3A_10] : memref<4x1000x64xf32, #tpu.memory_space<vmem>>, vector<1x1000x64xf32>
    %get3A_12 = vector.shape_cast %get3A_11 : vector<1x1000x64xf32> to vector<1000x64xf32>
    %add3A = arith.addf %get3A_7, %get3A_12 : vector<1000x64xf32>
    %mul3A = vector.broadcast %get3A_1 : vector<1000x1xf32> to vector<1000x64xf32>
    %mul3A_13 = arith.mulf %mul3A, %add3A : vector<1000x64xf32>
    %get3A_14 = arith.constant 0 : index
    %get3A_15 = arith.constant 0 : index
    %get3A_16 = vector.load %arg4[%get3A_14, %get3A_15] : memref<256x256xf32, #tpu.memory_space<vmem>>, vector<256x256xf32>
    %slice3A = vector.extract_strided_slice %get3A_16 {offsets = [0, 0], sizes = [64, 256], strides = [1, 1]} : vector<256x256xf32> to vector<64x256xf32>
    %dot_general3A = arith.constant dense<0.000000e+00> : vector<1000x256xf32>
    %dot_general3A_17 = tpu.matmul %mul3A_13, %slice3A, %dot_general3A {dimension_numbers = #tpu.dot_dimension_numbers<[1], [0], [0], [1], [0, 0, 1, 1], [], []>, transpose_lhs_hint = false} : vector<1000x64xf32>, vector<64x256xf32>, vector<1000x256xf32> -> vector<1000x256xf32>
    %add3A_18 = arith.addf %broadcast_in_dim3A_2, %dot_general3A_17 : vector<1000x256xf32>
    %get3A_19 = arith.constant 1 : index
    %get3A_20 = arith.constant 0 : index
    %get3A_21 = arith.constant 0 : index
    %get3A_22 = vector.load %arg1[%get3A_19, %get3A_20, %get3A_21] : memref<4x1000x64xf32, #tpu.memory_space<vmem>>, vector<1x1000x64xf32>
    %get3A_23 = vector.shape_cast %get3A_22 : vector<1x1000x64xf32> to vector<1000x64xf32>
    %get3A_24 = arith.constant 1 : index
    %get3A_25 = arith.constant 0 : index
    %get3A_26 = arith.constant 0 : index
    %get3A_27 = vector.load %arg2[%get3A_24, %get3A_25, %get3A_26] : memref<4x1000x64xf32, #tpu.memory_space<vmem>>, vector<1x1000x64xf32>
    %get3A_28 = vector.shape_cast %get3A_27 : vector<1x1000x64xf32> to vector<1000x64xf32>
    %add3A_29 = arith.addf %get3A_23, %get3A_28 : vector<1000x64xf32>
    %mul3A_30 = vector.broadcast %get3A_1 : vector<1000x1xf32> to vector<1000x64xf32>
    %mul3A_31 = arith.mulf %mul3A_30, %add3A_29 : vector<1000x64xf32>
    %get3A_32 = arith.constant 0 : index
    %get3A_33 = arith.constant 0 : index
    %get3A_34 = vector.load %arg4[%get3A_32, %get3A_33] : memref<256x256xf32, #tpu.memory_space<vmem>>, vector<256x256xf32>
    %slice3A_35 = vector.extract_strided_slice %get3A_34 {offsets = [64, 0], sizes = [64, 256], strides = [1, 1]} : vector<256x256xf32> to vector<64x256xf32>
    %dot_general3A_36 = arith.constant dense<0.000000e+00> : vector<1000x256xf32>
    %dot_general3A_37 = tpu.matmul %mul3A_31, %slice3A_35, %dot_general3A_36 {dimension_numbers = #tpu.dot_dimension_numbers<[1], [0], [0], [1], [0, 0, 1, 1], [], []>, transpose_lhs_hint = false} : vector<1000x64xf32>, vector<64x256xf32>, vector<1000x256xf32> -> vector<1000x256xf32>
    %add3A_38 = arith.addf %add3A_18, %dot_general3A_37 : vector<1000x256xf32>
    %get3A_39 = arith.constant 2 : index
    %get3A_40 = arith.constant 0 : index
    %get3A_41 = arith.constant 0 : index
    %get3A_42 = vector.load %arg1[%get3A_39, %get3A_40, %get3A_41] : memref<4x1000x64xf32, #tpu.memory_space<vmem>>, vector<1x1000x64xf32>
    %get3A_43 = vector.shape_cast %get3A_42 : vector<1x1000x64xf32> to vector<1000x64xf32>
    %get3A_44 = arith.constant 2 : index
    %get3A_45 = arith.constant 0 : index
    %get3A_46 = arith.constant 0 : index
    %get3A_47 = vector.load %arg2[%get3A_44, %get3A_45, %get3A_46] : memref<4x1000x64xf32, #tpu.memory_space<vmem>>, vector<1x1000x64xf32>
    %get3A_48 = vector.shape_cast %get3A_47 : vector<1x1000x64xf32> to vector<1000x64xf32>
    %add3A_49 = arith.addf %get3A_43, %get3A_48 : vector<1000x64xf32>
    %mul3A_50 = vector.broadcast %get3A_1 : vector<1000x1xf32> to vector<1000x64xf32>
    %mul3A_51 = arith.mulf %mul3A_50, %add3A_49 : vector<1000x64xf32>
    %get3A_52 = arith.constant 0 : index
    %get3A_53 = arith.constant 0 : index
    %get3A_54 = vector.load %arg4[%get3A_52, %get3A_53] : memref<256x256xf32, #tpu.memory_space<vmem>>, vector<256x256xf32>
    %slice3A_55 = vector.extract_strided_slice %get3A_54 {offsets = [128, 0], sizes = [64, 256], strides = [1, 1]} : vector<256x256xf32> to vector<64x256xf32>
    %dot_general3A_56 = arith.constant dense<0.000000e+00> : vector<1000x256xf32>
    %dot_general3A_57 = tpu.matmul %mul3A_51, %slice3A_55, %dot_general3A_56 {dimension_numbers = #tpu.dot_dimension_numbers<[1], [0], [0], [1], [0, 0, 1, 1], [], []>, transpose_lhs_hint = false} : vector<1000x64xf32>, vector<64x256xf32>, vector<1000x256xf32> -> vector<1000x256xf32>
    %add3A_58 = arith.addf %add3A_38, %dot_general3A_57 : vector<1000x256xf32>
    %get3A_59 = arith.constant 3 : index
    %get3A_60 = arith.constant 0 : index
    %get3A_61 = arith.constant 0 : index
    %get3A_62 = vector.load %arg1[%get3A_59, %get3A_60, %get3A_61] : memref<4x1000x64xf32, #tpu.memory_space<vmem>>, vector<1x1000x64xf32>
    %get3A_63 = vector.shape_cast %get3A_62 : vector<1x1000x64xf32> to vector<1000x64xf32>
    %get3A_64 = arith.constant 3 : index
    %get3A_65 = arith.constant 0 : index
    %get3A_66 = arith.constant 0 : index
    %get3A_67 = vector.load %arg2[%get3A_64, %get3A_65, %get3A_66] : memref<4x1000x64xf32, #tpu.memory_space<vmem>>, vector<1x1000x64xf32>
    %get3A_68 = vector.shape_cast %get3A_67 : vector<1x1000x64xf32> to vector<1000x64xf32>
    %add3A_69 = arith.addf %get3A_63, %get3A_68 : vector<1000x64xf32>
    %mul3A_70 = vector.broadcast %get3A_1 : vector<1000x1xf32> to vector<1000x64xf32>
    %mul3A_71 = arith.mulf %mul3A_70, %add3A_69 : vector<1000x64xf32>
    %get3A_72 = arith.constant 0 : index
    %get3A_73 = arith.constant 0 : index
    %get3A_74 = vector.load %arg4[%get3A_72, %get3A_73] : memref<256x256xf32, #tpu.memory_space<vmem>>, vector<256x256xf32>
    %slice3A_75 = vector.extract_strided_slice %get3A_74 {offsets = [192, 0], sizes = [64, 256], strides = [1, 1]} : vector<256x256xf32> to vector<64x256xf32>
    %dot_general3A_76 = arith.constant dense<0.000000e+00> : vector<1000x256xf32>
    %dot_general3A_77 = tpu.matmul %mul3A_71, %slice3A_75, %dot_general3A_76 {dimension_numbers = #tpu.dot_dimension_numbers<[1], [0], [0], [1], [0, 0, 1, 1], [], []>, transpose_lhs_hint = false} : vector<1000x64xf32>, vector<64x256xf32>, vector<1000x256xf32> -> vector<1000x256xf32>
    %add3A_78 = arith.addf %add3A_58, %dot_general3A_77 : vector<1000x256xf32>
    %tanh3A = math.tanh %add3A_78 : vector<1000x256xf32>
    %swap3A = arith.constant 0 : index
    %swap3A_79 = arith.constant 0 : index
    %swap3A_80 = vector.load %arg5[%swap3A, %swap3A_79] : memref<1000x256xf32, #tpu.memory_space<vmem>>, vector<1000x256xf32>
    tpu.vector_store %arg5[%swap3A, %swap3A_79], %tanh3A {strides = array<i32>} : memref<1000x256xf32, #tpu.memory_space<vmem>>, vector<1000x256xf32>,
    %mul3A_81 = vector.broadcast %get3A_1 : vector<1000x1xf32> to vector<1000x256xf32>
    %mul3A_82 = arith.mulf %mul3A_81, %tanh3A : vector<1000x256xf32>
    %slice3A_83 = vector.extract_strided_slice %mul3A_82 {offsets = [0, 0], sizes = [1000, 64], strides = [1, 1]} : vector<1000x256xf32> to vector<1000x64xf32>
    %swap3A_84 = arith.constant 0 : index
    %swap3A_85 = arith.constant 0 : index
    %swap3A_86 = arith.constant 0 : index
    %swap3A_87 = vector.load %arg6[%swap3A_84, %swap3A_85, %swap3A_86] : memref<4x1000x64xf32, #tpu.memory_space<vmem>>, vector<1x1000x64xf32>
    %swap3A_88 = vector.shape_cast %swap3A_87 : vector<1x1000x64xf32> to vector<1000x64xf32>
    %swap3A_89 = vector.shape_cast %slice3A_83 : vector<1000x64xf32> to vector<1x1000x64xf32>
    tpu.vector_store %arg6[%swap3A_84, %swap3A_85, %swap3A_86], %swap3A_89 {strides = array<i32>} : memref<4x1000x64xf32, #tpu.memory_space<vmem>>, vector<1x1000x64xf32>,
    %slice3A_90 = vector.extract_strided_slice %mul3A_82 {offsets = [0, 64], sizes = [1000, 64], strides = [1, 1]} : vector<1000x256xf32> to vector<1000x64xf32>
    %swap3A_91 = arith.constant 1 : index
    %swap3A_92 = arith.constant 0 : index
    %swap3A_93 = arith.constant 0 : index
    %swap3A_94 = vector.load %arg6[%swap3A_91, %swap3A_92, %swap3A_93] : memref<4x1000x64xf32, #tpu.memory_space<vmem>>, vector<1x1000x64xf32>
    %swap3A_95 = vector.shape_cast %swap3A_94 : vector<1x1000x64xf32> to vector<1000x64xf32>
    %swap3A_96 = vector.shape_cast %slice3A_90 : vector<1000x64xf32> to vector<1x1000x64xf32>
    tpu.vector_store %arg6[%swap3A_91, %swap3A_92, %swap3A_93], %swap3A_96 {strides = array<i32>} : memref<4x1000x64xf32, #tpu.memory_space<vmem>>, vector<1x1000x64xf32>,
    %slice3A_97 = vector.extract_strided_slice %mul3A_82 {offsets = [0, 128], sizes = [1000, 64], strides = [1, 1]} : vector<1000x256xf32> to vector<1000x64xf32>
    %swap3A_98 = arith.constant 2 : index
    %swap3A_99 = arith.constant 0 : index
    %swap3A_100 = arith.constant 0 : index
    %swap3A_101 = vector.load %arg6[%swap3A_98, %swap3A_99, %swap3A_100] : memref<4x1000x64xf32, #tpu.memory_space<vmem>>, vector<1x1000x64xf32>
    %swap3A_102 = vector.shape_cast %swap3A_101 : vector<1x1000x64xf32> to vector<1000x64xf32>
    %swap3A_103 = vector.shape_cast %slice3A_97 : vector<1000x64xf32> to vector<1x1000x64xf32>
    tpu.vector_store %arg6[%swap3A_98, %swap3A_99, %swap3A_100], %swap3A_103 {strides = array<i32>} : memref<4x1000x64xf32, #tpu.memory_space<vmem>>, vector<1x1000x64xf32>,
    %slice3A_104 = vector.extract_strided_slice %mul3A_82 {offsets = [0, 192], sizes = [1000, 64], strides = [1, 1]} : vector<1000x256xf32> to vector<1000x64xf32>
    %swap3A_105 = arith.constant 3 : index
    %swap3A_106 = arith.constant 0 : index
    %swap3A_107 = arith.constant 0 : index
    %swap3A_108 = vector.load %arg6[%swap3A_105, %swap3A_106, %swap3A_107] : memref<4x1000x64xf32, #tpu.memory_space<vmem>>, vector<1x1000x64xf32>
    %swap3A_109 = vector.shape_cast %swap3A_108 : vector<1x1000x64xf32> to vector<1000x64xf32>
    %swap3A_110 = vector.shape_cast %slice3A_104 : vector<1000x64xf32> to vector<1x1000x64xf32>
    tpu.vector_store %arg6[%swap3A_105, %swap3A_106, %swap3A_107], %swap3A_110 {strides = array<i32>} : memref<4x1000x64xf32, #tpu.memory_space<vmem>>, vector<1x1000x64xf32>,
    return
  }
  func.func @transform_0(%arg0: i32) -> (i32, i32, i32) {
    %c0_i32 = arith.constant 0 : i32
    %c0_i32_0 = arith.constant 0 : i32
    %c0_i32_1 = arith.constant 0 : i32
    return %c0_i32, %arg0, %c0_i32_0 : i32, i32, i32
  }
  func.func @transform_1(%arg0: i32) -> (i32, i32, i32) {
    %c0_i32 = arith.constant 0 : i32
    %c0_i32_0 = arith.constant 0 : i32
    %c0_i32_1 = arith.constant 0 : i32
    return %c0_i32, %arg0, %c0_i32_0 : i32, i32, i32
  }
  func.func @transform_2(%arg0: i32) -> (i32, i32) {
    %c0_i32 = arith.constant 0 : i32
    %c0_i32_0 = arith.constant 0 : i32
    return %arg0, %c0_i32 : i32, i32
  }
  func.func @transform_3(%arg0: i32) -> (i32, i32) {
    %c0_i32 = arith.constant 0 : i32
    %c0_i32_0 = arith.constant 0 : i32
    %c0_i32_1 = arith.constant 0 : i32
    return %c0_i32, %c0_i32_0 : i32, i32
  }
  func.func @transform_4(%arg0: i32) -> (i32, i32) {
    %c0_i32 = arith.constant 0 : i32
    %c0_i32_0 = arith.constant 0 : i32
    return %arg0, %c0_i32 : i32, i32
  }
  func.func @transform_5(%arg0: i32) -> (i32, i32, i32) {
    %c0_i32 = arith.constant 0 : i32
    %c0_i32_0 = arith.constant 0 : i32
    %c0_i32_1 = arith.constant 0 : i32
    return %c0_i32, %arg0, %c0_i32_0 : i32, i32, i32
  }
}

module attributes {stable_mosaic.version = 14 : i64} {
  func.func @body(%arg0: i32, %arg1: memref<4x1000x64xf32, #tpu.memory_space<vmem>>, %arg2: memref<4x1000x64xf32, #tpu.memory_space<vmem>>, %arg3: memref<1000x1xf32, #tpu.memory_space<vmem>>, %arg4: memref<256x256xf32, #tpu.memory_space<vmem>>, %arg5: memref<1000x256xf32, #tpu.memory_space<vmem>>, %arg6: memref<1000x256xf32, #tpu.memory_space<vmem>>, %arg7: memref<1000x256xf32, #tpu.memory_space<vmem>>, %arg8: memref<4x1000x64xf32, #tpu.memory_space<vmem>>) attributes {dimension_semantics = [#tpu.dimension_semantics<arbitrary>], iteration_bounds = array<i64: 20>, scalar_prefetch = 0 : i64, scratch_operands = 0 : i64, tpu.core_type = #tpu.core_type<tc>, window_params = [{transform_indices = @transform_0, window_bounds = array<i64: 4, 1000, 64>}, {transform_indices = @transform_1, window_bounds = array<i64: 4, 1000, 64>}, {transform_indices = @transform_2, window_bounds = array<i64: 1000, 1>}, {pipeline_mode = #tpu.pipeline_mode<synchronous>, transform_indices = @transform_3, window_bounds = array<i64: 256, 256>}, {transform_indices = @transform_4, window_bounds = array<i64: 1000, 256>}, {transform_indices = @transform_5, window_bounds = array<i64: 1000, 256>}, {transform_indices = @transform_6, window_bounds = array<i64: 1000, 256>}, {transform_indices = @transform_7, window_bounds = array<i64: 4, 1000, 64>}]} {
    %get3A = arith.constant 0 : index
    %get3A_0 = arith.constant 0 : index
    %get3A_1 = vector.load %arg3[%get3A, %get3A_0] : memref<1000x1xf32, #tpu.memory_space<vmem>>, vector<1000x1xf32>
    %broadcast_in_dim3A = arith.constant 0.000000e+00 : f32
    %broadcast_in_dim3A_2 = vector.broadcast %broadcast_in_dim3A : f32 to vector<1000x256xf32>
    %get3A_3 = arith.constant 0 : index
    %get3A_4 = arith.constant 0 : index
    %get3A_5 = arith.constant 0 : index
    %get3A_6 = vector.load %arg1[%get3A_3, %get3A_4, %get3A_5] : memref<4x1000x64xf32, #tpu.memory_space<vmem>>, vector<1x1000x64xf32>
    %get3A_7 = vector.shape_cast %get3A_6 : vector<1x1000x64xf32> to vector<1000x64xf32>
    %get3A_8 = arith.constant 0 : index
    %get3A_9 = arith.constant 0 : index
    %get3A_10 = arith.constant 0 : index
    %get3A_11 = vector.load %arg2[%get3A_8, %get3A_9, %get3A_10] : memref<4x1000x64xf32, #tpu.memory_space<vmem>>, vector<1x1000x64xf32>
    %get3A_12 = vector.shape_cast %get3A_11 : vector<1x1000x64xf32> to vector<1000x64xf32>
    %add3A = arith.addf %get3A_7, %get3A_12 : vector<1000x64xf32>
    %mul3A = vector.broadcast %get3A_1 : vector<1000x1xf32> to vector<1000x64xf32>
    %mul3A_13 = arith.mulf %mul3A, %add3A : vector<1000x64xf32>
    %get3A_14 = arith.constant 0 : index
    %get3A_15 = arith.constant 0 : index
    %get3A_16 = vector.load %arg4[%get3A_14, %get3A_15] : memref<256x256xf32, #tpu.memory_space<vmem>>, vector<256x256xf32>
    %slice3A = vector.extract_strided_slice %get3A_16 {offsets = [0, 0], sizes = [64, 256], strides = [1, 1]} : vector<256x256xf32> to vector<64x256xf32>
    %dot_general3A = arith.constant dense<0.000000e+00> : vector<1000x256xf32>
    %dot_general3A_17 = tpu.matmul %mul3A_13, %slice3A, %dot_general3A {dimension_numbers = #tpu.dot_dimension_numbers<[1], [0], [0], [1], [0, 0, 1, 1], [], []>, transpose_lhs_hint = false} : vector<1000x64xf32>, vector<64x256xf32>, vector<1000x256xf32> -> vector<1000x256xf32>
    %add3A_18 = arith.addf %broadcast_in_dim3A_2, %dot_general3A_17 : vector<1000x256xf32>
    %get3A_19 = arith.constant 1 : index
    %get3A_20 = arith.constant 0 : index
    %get3A_21 = arith.constant 0 : index
    %get3A_22 = vector.load %arg1[%get3A_19, %get3A_20, %get3A_21] : memref<4x1000x64xf32, #tpu.memory_space<vmem>>, vector<1x1000x64xf32>
    %get3A_23 = vector.shape_cast %get3A_22 : vector<1x1000x64xf32> to vector<1000x64xf32>
    %get3A_24 = arith.constant 1 : index
    %get3A_25 = arith.constant 0 : index
    %get3A_26 = arith.constant 0 : index
    %get3A_27 = vector.load %arg2[%get3A_24, %get3A_25, %get3A_26] : memref<4x1000x64xf32, #tpu.memory_space<vmem>>, vector<1x1000x64xf32>
    %get3A_28 = vector.shape_cast %get3A_27 : vector<1x1000x64xf32> to vector<1000x64xf32>
    %add3A_29 = arith.addf %get3A_23, %get3A_28 : vector<1000x64xf32>
    %mul3A_30 = vector.broadcast %get3A_1 : vector<1000x1xf32> to vector<1000x64xf32>
    %mul3A_31 = arith.mulf %mul3A_30, %add3A_29 : vector<1000x64xf32>
    %get3A_32 = arith.constant 0 : index
    %get3A_33 = arith.constant 0 : index
    %get3A_34 = vector.load %arg4[%get3A_32, %get3A_33] : memref<256x256xf32, #tpu.memory_space<vmem>>, vector<256x256xf32>
    %slice3A_35 = vector.extract_strided_slice %get3A_34 {offsets = [64, 0], sizes = [64, 256], strides = [1, 1]} : vector<256x256xf32> to vector<64x256xf32>
    %dot_general3A_36 = arith.constant dense<0.000000e+00> : vector<1000x256xf32>
    %dot_general3A_37 = tpu.matmul %mul3A_31, %slice3A_35, %dot_general3A_36 {dimension_numbers = #tpu.dot_dimension_numbers<[1], [0], [0], [1], [0, 0, 1, 1], [], []>, transpose_lhs_hint = false} : vector<1000x64xf32>, vector<64x256xf32>, vector<1000x256xf32> -> vector<1000x256xf32>
    %add3A_38 = arith.addf %add3A_18, %dot_general3A_37 : vector<1000x256xf32>
    %get3A_39 = arith.constant 2 : index
    %get3A_40 = arith.constant 0 : index
    %get3A_41 = arith.constant 0 : index
    %get3A_42 = vector.load %arg1[%get3A_39, %get3A_40, %get3A_41] : memref<4x1000x64xf32, #tpu.memory_space<vmem>>, vector<1x1000x64xf32>
    %get3A_43 = vector.shape_cast %get3A_42 : vector<1x1000x64xf32> to vector<1000x64xf32>
    %get3A_44 = arith.constant 2 : index
    %get3A_45 = arith.constant 0 : index
    %get3A_46 = arith.constant 0 : index
    %get3A_47 = vector.load %arg2[%get3A_44, %get3A_45, %get3A_46] : memref<4x1000x64xf32, #tpu.memory_space<vmem>>, vector<1x1000x64xf32>
    %get3A_48 = vector.shape_cast %get3A_47 : vector<1x1000x64xf32> to vector<1000x64xf32>
    %add3A_49 = arith.addf %get3A_43, %get3A_48 : vector<1000x64xf32>
    %mul3A_50 = vector.broadcast %get3A_1 : vector<1000x1xf32> to vector<1000x64xf32>
    %mul3A_51 = arith.mulf %mul3A_50, %add3A_49 : vector<1000x64xf32>
    %get3A_52 = arith.constant 0 : index
    %get3A_53 = arith.constant 0 : index
    %get3A_54 = vector.load %arg4[%get3A_52, %get3A_53] : memref<256x256xf32, #tpu.memory_space<vmem>>, vector<256x256xf32>
    %slice3A_55 = vector.extract_strided_slice %get3A_54 {offsets = [128, 0], sizes = [64, 256], strides = [1, 1]} : vector<256x256xf32> to vector<64x256xf32>
    %dot_general3A_56 = arith.constant dense<0.000000e+00> : vector<1000x256xf32>
    %dot_general3A_57 = tpu.matmul %mul3A_51, %slice3A_55, %dot_general3A_56 {dimension_numbers = #tpu.dot_dimension_numbers<[1], [0], [0], [1], [0, 0, 1, 1], [], []>, transpose_lhs_hint = false} : vector<1000x64xf32>, vector<64x256xf32>, vector<1000x256xf32> -> vector<1000x256xf32>
    %add3A_58 = arith.addf %add3A_38, %dot_general3A_57 : vector<1000x256xf32>
    %get3A_59 = arith.constant 3 : index
    %get3A_60 = arith.constant 0 : index
    %get3A_61 = arith.constant 0 : index
    %get3A_62 = vector.load %arg1[%get3A_59, %get3A_60, %get3A_61] : memref<4x1000x64xf32, #tpu.memory_space<vmem>>, vector<1x1000x64xf32>
    %get3A_63 = vector.shape_cast %get3A_62 : vector<1x1000x64xf32> to vector<1000x64xf32>
    %get3A_64 = arith.constant 3 : index
    %get3A_65 = arith.constant 0 : index
    %get3A_66 = arith.constant 0 : index
    %get3A_67 = vector.load %arg2[%get3A_64, %get3A_65, %get3A_66] : memref<4x1000x64xf32, #tpu.memory_space<vmem>>, vector<1x1000x64xf32>
    %get3A_68 = vector.shape_cast %get3A_67 : vector<1x1000x64xf32> to vector<1000x64xf32>
    %add3A_69 = arith.addf %get3A_63, %get3A_68 : vector<1000x64xf32>
    %mul3A_70 = vector.broadcast %get3A_1 : vector<1000x1xf32> to vector<1000x64xf32>
    %mul3A_71 = arith.mulf %mul3A_70, %add3A_69 : vector<1000x64xf32>
    %get3A_72 = arith.constant 0 : index
    %get3A_73 = arith.constant 0 : index
    %get3A_74 = vector.load %arg4[%get3A_72, %get3A_73] : memref<256x256xf32, #tpu.memory_space<vmem>>, vector<256x256xf32>
    %slice3A_75 = vector.extract_strided_slice %get3A_74 {offsets = [192, 0], sizes = [64, 256], strides = [1, 1]} : vector<256x256xf32> to vector<64x256xf32>
    %dot_general3A_76 = arith.constant dense<0.000000e+00> : vector<1000x256xf32>
    %dot_general3A_77 = tpu.matmul %mul3A_71, %slice3A_75, %dot_general3A_76 {dimension_numbers = #tpu.dot_dimension_numbers<[1], [0], [0], [1], [0, 0, 1, 1], [], []>, transpose_lhs_hint = false} : vector<1000x64xf32>, vector<64x256xf32>, vector<1000x256xf32> -> vector<1000x256xf32>
    %add3A_78 = arith.addf %add3A_58, %dot_general3A_77 : vector<1000x256xf32>
    %get3A_79 = arith.constant 0 : index
    %get3A_80 = arith.constant 0 : index
    %get3A_81 = vector.load %arg5[%get3A_79, %get3A_80] : memref<1000x256xf32, #tpu.memory_space<vmem>>, vector<1000x256xf32>
    %get3A_82 = arith.constant 0 : index
    %get3A_83 = arith.constant 0 : index
    %get3A_84 = vector.load %arg6[%get3A_82, %get3A_83] : memref<1000x256xf32, #tpu.memory_space<vmem>>, vector<1000x256xf32>
    %add3A_85 = arith.addf %get3A_81, %get3A_84 : vector<1000x256xf32>
    %tanh3A = math.tanh %add3A_78 : vector<1000x256xf32>
    %add3A_86 = arith.addf %add3A_85, %tanh3A : vector<1000x256xf32>
    %mul3A_87 = arith.constant 0.333333343 : f32
    %mul3A_88 = vector.broadcast %mul3A_87 : f32 to vector<1000x256xf32>
    %mul3A_89 = arith.mulf %add3A_86, %mul3A_88 : vector<1000x256xf32>
    %swap3A = arith.constant 0 : index
    %swap3A_90 = arith.constant 0 : index
    %swap3A_91 = vector.load %arg7[%swap3A, %swap3A_90] : memref<1000x256xf32, #tpu.memory_space<vmem>>, vector<1000x256xf32>
    tpu.vector_store %arg7[%swap3A, %swap3A_90], %mul3A_89 {strides = array<i32>} : memref<1000x256xf32, #tpu.memory_space<vmem>>, vector<1000x256xf32>,
    %slice3A_92 = vector.extract_strided_slice %mul3A_89 {offsets = [0, 0], sizes = [1000, 64], strides = [1, 1]} : vector<1000x256xf32> to vector<1000x64xf32>
    %swap3A_93 = arith.constant 0 : index
    %swap3A_94 = arith.constant 0 : index
    %swap3A_95 = arith.constant 0 : index
    %swap3A_96 = vector.load %arg8[%swap3A_93, %swap3A_94, %swap3A_95] : memref<4x1000x64xf32, #tpu.memory_space<vmem>>, vector<1x1000x64xf32>
    %swap3A_97 = vector.shape_cast %swap3A_96 : vector<1x1000x64xf32> to vector<1000x64xf32>
    %swap3A_98 = vector.shape_cast %slice3A_92 : vector<1000x64xf32> to vector<1x1000x64xf32>
    tpu.vector_store %arg8[%swap3A_93, %swap3A_94, %swap3A_95], %swap3A_98 {strides = array<i32>} : memref<4x1000x64xf32, #tpu.memory_space<vmem>>, vector<1x1000x64xf32>,
    %slice3A_99 = vector.extract_strided_slice %mul3A_89 {offsets = [0, 64], sizes = [1000, 64], strides = [1, 1]} : vector<1000x256xf32> to vector<1000x64xf32>
    %swap3A_100 = arith.constant 1 : index
    %swap3A_101 = arith.constant 0 : index
    %swap3A_102 = arith.constant 0 : index
    %swap3A_103 = vector.load %arg8[%swap3A_100, %swap3A_101, %swap3A_102] : memref<4x1000x64xf32, #tpu.memory_space<vmem>>, vector<1x1000x64xf32>
    %swap3A_104 = vector.shape_cast %swap3A_103 : vector<1x1000x64xf32> to vector<1000x64xf32>
    %swap3A_105 = vector.shape_cast %slice3A_99 : vector<1000x64xf32> to vector<1x1000x64xf32>
    tpu.vector_store %arg8[%swap3A_100, %swap3A_101, %swap3A_102], %swap3A_105 {strides = array<i32>} : memref<4x1000x64xf32, #tpu.memory_space<vmem>>, vector<1x1000x64xf32>,
    %slice3A_106 = vector.extract_strided_slice %mul3A_89 {offsets = [0, 128], sizes = [1000, 64], strides = [1, 1]} : vector<1000x256xf32> to vector<1000x64xf32>
    %swap3A_107 = arith.constant 2 : index
    %swap3A_108 = arith.constant 0 : index
    %swap3A_109 = arith.constant 0 : index
    %swap3A_110 = vector.load %arg8[%swap3A_107, %swap3A_108, %swap3A_109] : memref<4x1000x64xf32, #tpu.memory_space<vmem>>, vector<1x1000x64xf32>
    %swap3A_111 = vector.shape_cast %swap3A_110 : vector<1x1000x64xf32> to vector<1000x64xf32>
    %swap3A_112 = vector.shape_cast %slice3A_106 : vector<1000x64xf32> to vector<1x1000x64xf32>
    tpu.vector_store %arg8[%swap3A_107, %swap3A_108, %swap3A_109], %swap3A_112 {strides = array<i32>} : memref<4x1000x64xf32, #tpu.memory_space<vmem>>, vector<1x1000x64xf32>,
    %slice3A_113 = vector.extract_strided_slice %mul3A_89 {offsets = [0, 192], sizes = [1000, 64], strides = [1, 1]} : vector<1000x256xf32> to vector<1000x64xf32>
    %swap3A_114 = arith.constant 3 : index
    %swap3A_115 = arith.constant 0 : index
    %swap3A_116 = arith.constant 0 : index
    %swap3A_117 = vector.load %arg8[%swap3A_114, %swap3A_115, %swap3A_116] : memref<4x1000x64xf32, #tpu.memory_space<vmem>>, vector<1x1000x64xf32>
    %swap3A_118 = vector.shape_cast %swap3A_117 : vector<1x1000x64xf32> to vector<1000x64xf32>
    %swap3A_119 = vector.shape_cast %slice3A_113 : vector<1000x64xf32> to vector<1x1000x64xf32>
    tpu.vector_store %arg8[%swap3A_114, %swap3A_115, %swap3A_116], %swap3A_119 {strides = array<i32>} : memref<4x1000x64xf32, #tpu.memory_space<vmem>>, vector<1x1000x64xf32>,
    return
  }
  func.func @transform_0(%arg0: i32) -> (i32, i32, i32) {
    %c0_i32 = arith.constant 0 : i32
    %c0_i32_0 = arith.constant 0 : i32
    %c0_i32_1 = arith.constant 0 : i32
    return %c0_i32, %arg0, %c0_i32_0 : i32, i32, i32
  }
  func.func @transform_1(%arg0: i32) -> (i32, i32, i32) {
    %c0_i32 = arith.constant 0 : i32
    %c0_i32_0 = arith.constant 0 : i32
    %c0_i32_1 = arith.constant 0 : i32
    return %c0_i32, %arg0, %c0_i32_0 : i32, i32, i32
  }
  func.func @transform_2(%arg0: i32) -> (i32, i32) {
    %c0_i32 = arith.constant 0 : i32
    %c0_i32_0 = arith.constant 0 : i32
    return %arg0, %c0_i32 : i32, i32
  }
  func.func @transform_3(%arg0: i32) -> (i32, i32) {
    %c0_i32 = arith.constant 0 : i32
    %c0_i32_0 = arith.constant 0 : i32
    %c0_i32_1 = arith.constant 0 : i32
    return %c0_i32, %c0_i32_0 : i32, i32
  }
  func.func @transform_4(%arg0: i32) -> (i32, i32) {
    %c0_i32 = arith.constant 0 : i32
    %c0_i32_0 = arith.constant 0 : i32
    return %arg0, %c0_i32 : i32, i32
  }
  func.func @transform_5(%arg0: i32) -> (i32, i32) {
    %c0_i32 = arith.constant 0 : i32
    %c0_i32_0 = arith.constant 0 : i32
    return %arg0, %c0_i32 : i32, i32
  }
  func.func @transform_6(%arg0: i32) -> (i32, i32) {
    %c0_i32 = arith.constant 0 : i32
    %c0_i32_0 = arith.constant 0 : i32
    return %arg0, %c0_i32 : i32, i32
  }
  func.func @transform_7(%arg0: i32) -> (i32, i32, i32) {
    %c0_i32 = arith.constant 0 : i32
    %c0_i32_0 = arith.constant 0 : i32
    %c0_i32_1 = arith.constant 0 : i32
    return %c0_i32, %arg0, %c0_i32_0 : i32, i32, i32
  }
}

module attributes {stable_mosaic.version = 14 : i64} {
  func.func @body(%arg0: i32, %arg1: memref<4x1000x64xf32, #tpu.memory_space<vmem>>, %arg2: memref<4x1000x64xf32, #tpu.memory_space<vmem>>, %arg3: memref<1000x1xf32, #tpu.memory_space<vmem>>, %arg4: memref<256x256xf32, #tpu.memory_space<vmem>>, %arg5: memref<1000x256xf32, #tpu.memory_space<vmem>>, %arg6: memref<1000x256xf32, #tpu.memory_space<vmem>>, %arg7: memref<1000x256xf32, #tpu.memory_space<vmem>>, %arg8: memref<4x1000x64xf32, #tpu.memory_space<vmem>>) attributes {dimension_semantics = [#tpu.dimension_semantics<arbitrary>], iteration_bounds = array<i64: 20>, scalar_prefetch = 0 : i64, scratch_operands = 0 : i64, tpu.core_type = #tpu.core_type<tc>, window_params = [{transform_indices = @transform_0, window_bounds = array<i64: 4, 1000, 64>}, {transform_indices = @transform_1, window_bounds = array<i64: 4, 1000, 64>}, {transform_indices = @transform_2, window_bounds = array<i64: 1000, 1>}, {pipeline_mode = #tpu.pipeline_mode<synchronous>, transform_indices = @transform_3, window_bounds = array<i64: 256, 256>}, {transform_indices = @transform_4, window_bounds = array<i64: 1000, 256>}, {transform_indices = @transform_5, window_bounds = array<i64: 1000, 256>}, {transform_indices = @transform_6, window_bounds = array<i64: 1000, 256>}, {transform_indices = @transform_7, window_bounds = array<i64: 4, 1000, 64>}]} {
    %get3A = arith.constant 0 : index
    %get3A_0 = arith.constant 0 : index
    %get3A_1 = vector.load %arg3[%get3A, %get3A_0] : memref<1000x1xf32, #tpu.memory_space<vmem>>, vector<1000x1xf32>
    %broadcast_in_dim3A = arith.constant 0.000000e+00 : f32
    %broadcast_in_dim3A_2 = vector.broadcast %broadcast_in_dim3A : f32 to vector<1000x256xf32>
    %get3A_3 = arith.constant 0 : index
    %get3A_4 = arith.constant 0 : index
    %get3A_5 = arith.constant 0 : index
    %get3A_6 = vector.load %arg1[%get3A_3, %get3A_4, %get3A_5] : memref<4x1000x64xf32, #tpu.memory_space<vmem>>, vector<1x1000x64xf32>
    %get3A_7 = vector.shape_cast %get3A_6 : vector<1x1000x64xf32> to vector<1000x64xf32>
    %get3A_8 = arith.constant 0 : index
    %get3A_9 = arith.constant 0 : index
    %get3A_10 = arith.constant 0 : index
    %get3A_11 = vector.load %arg2[%get3A_8, %get3A_9, %get3A_10] : memref<4x1000x64xf32, #tpu.memory_space<vmem>>, vector<1x1000x64xf32>
    %get3A_12 = vector.shape_cast %get3A_11 : vector<1x1000x64xf32> to vector<1000x64xf32>
    %add3A = arith.addf %get3A_7, %get3A_12 : vector<1000x64xf32>
    %mul3A = vector.broadcast %get3A_1 : vector<1000x1xf32> to vector<1000x64xf32>
    %mul3A_13 = arith.mulf %mul3A, %add3A : vector<1000x64xf32>
    %get3A_14 = arith.constant 0 : index
    %get3A_15 = arith.constant 0 : index
    %get3A_16 = vector.load %arg4[%get3A_14, %get3A_15] : memref<256x256xf32, #tpu.memory_space<vmem>>, vector<256x256xf32>
    %slice3A = vector.extract_strided_slice %get3A_16 {offsets = [0, 0], sizes = [64, 256], strides = [1, 1]} : vector<256x256xf32> to vector<64x256xf32>
    %dot_general3A = arith.constant dense<0.000000e+00> : vector<1000x256xf32>
    %dot_general3A_17 = tpu.matmul %mul3A_13, %slice3A, %dot_general3A {dimension_numbers = #tpu.dot_dimension_numbers<[1], [0], [0], [1], [0, 0, 1, 1], [], []>, transpose_lhs_hint = false} : vector<1000x64xf32>, vector<64x256xf32>, vector<1000x256xf32> -> vector<1000x256xf32>
    %add3A_18 = arith.addf %broadcast_in_dim3A_2, %dot_general3A_17 : vector<1000x256xf32>
    %get3A_19 = arith.constant 1 : index
    %get3A_20 = arith.constant 0 : index
    %get3A_21 = arith.constant 0 : index
    %get3A_22 = vector.load %arg1[%get3A_19, %get3A_20, %get3A_21] : memref<4x1000x64xf32, #tpu.memory_space<vmem>>, vector<1x1000x64xf32>
    %get3A_23 = vector.shape_cast %get3A_22 : vector<1x1000x64xf32> to vector<1000x64xf32>
    %get3A_24 = arith.constant 1 : index
    %get3A_25 = arith.constant 0 : index
    %get3A_26 = arith.constant 0 : index
    %get3A_27 = vector.load %arg2[%get3A_24, %get3A_25, %get3A_26] : memref<4x1000x64xf32, #tpu.memory_space<vmem>>, vector<1x1000x64xf32>
    %get3A_28 = vector.shape_cast %get3A_27 : vector<1x1000x64xf32> to vector<1000x64xf32>
    %add3A_29 = arith.addf %get3A_23, %get3A_28 : vector<1000x64xf32>
    %mul3A_30 = vector.broadcast %get3A_1 : vector<1000x1xf32> to vector<1000x64xf32>
    %mul3A_31 = arith.mulf %mul3A_30, %add3A_29 : vector<1000x64xf32>
    %get3A_32 = arith.constant 0 : index
    %get3A_33 = arith.constant 0 : index
    %get3A_34 = vector.load %arg4[%get3A_32, %get3A_33] : memref<256x256xf32, #tpu.memory_space<vmem>>, vector<256x256xf32>
    %slice3A_35 = vector.extract_strided_slice %get3A_34 {offsets = [64, 0], sizes = [64, 256], strides = [1, 1]} : vector<256x256xf32> to vector<64x256xf32>
    %dot_general3A_36 = arith.constant dense<0.000000e+00> : vector<1000x256xf32>
    %dot_general3A_37 = tpu.matmul %mul3A_31, %slice3A_35, %dot_general3A_36 {dimension_numbers = #tpu.dot_dimension_numbers<[1], [0], [0], [1], [0, 0, 1, 1], [], []>, transpose_lhs_hint = false} : vector<1000x64xf32>, vector<64x256xf32>, vector<1000x256xf32> -> vector<1000x256xf32>
    %add3A_38 = arith.addf %add3A_18, %dot_general3A_37 : vector<1000x256xf32>
    %get3A_39 = arith.constant 2 : index
    %get3A_40 = arith.constant 0 : index
    %get3A_41 = arith.constant 0 : index
    %get3A_42 = vector.load %arg1[%get3A_39, %get3A_40, %get3A_41] : memref<4x1000x64xf32, #tpu.memory_space<vmem>>, vector<1x1000x64xf32>
    %get3A_43 = vector.shape_cast %get3A_42 : vector<1x1000x64xf32> to vector<1000x64xf32>
    %get3A_44 = arith.constant 2 : index
    %get3A_45 = arith.constant 0 : index
    %get3A_46 = arith.constant 0 : index
    %get3A_47 = vector.load %arg2[%get3A_44, %get3A_45, %get3A_46] : memref<4x1000x64xf32, #tpu.memory_space<vmem>>, vector<1x1000x64xf32>
    %get3A_48 = vector.shape_cast %get3A_47 : vector<1x1000x64xf32> to vector<1000x64xf32>
    %add3A_49 = arith.addf %get3A_43, %get3A_48 : vector<1000x64xf32>
    %mul3A_50 = vector.broadcast %get3A_1 : vector<1000x1xf32> to vector<1000x64xf32>
    %mul3A_51 = arith.mulf %mul3A_50, %add3A_49 : vector<1000x64xf32>
    %get3A_52 = arith.constant 0 : index
    %get3A_53 = arith.constant 0 : index
    %get3A_54 = vector.load %arg4[%get3A_52, %get3A_53] : memref<256x256xf32, #tpu.memory_space<vmem>>, vector<256x256xf32>
    %slice3A_55 = vector.extract_strided_slice %get3A_54 {offsets = [128, 0], sizes = [64, 256], strides = [1, 1]} : vector<256x256xf32> to vector<64x256xf32>
    %dot_general3A_56 = arith.constant dense<0.000000e+00> : vector<1000x256xf32>
    %dot_general3A_57 = tpu.matmul %mul3A_51, %slice3A_55, %dot_general3A_56 {dimension_numbers = #tpu.dot_dimension_numbers<[1], [0], [0], [1], [0, 0, 1, 1], [], []>, transpose_lhs_hint = false} : vector<1000x64xf32>, vector<64x256xf32>, vector<1000x256xf32> -> vector<1000x256xf32>
    %add3A_58 = arith.addf %add3A_38, %dot_general3A_57 : vector<1000x256xf32>
    %get3A_59 = arith.constant 3 : index
    %get3A_60 = arith.constant 0 : index
    %get3A_61 = arith.constant 0 : index
    %get3A_62 = vector.load %arg1[%get3A_59, %get3A_60, %get3A_61] : memref<4x1000x64xf32, #tpu.memory_space<vmem>>, vector<1x1000x64xf32>
    %get3A_63 = vector.shape_cast %get3A_62 : vector<1x1000x64xf32> to vector<1000x64xf32>
    %get3A_64 = arith.constant 3 : index
    %get3A_65 = arith.constant 0 : index
    %get3A_66 = arith.constant 0 : index
    %get3A_67 = vector.load %arg2[%get3A_64, %get3A_65, %get3A_66] : memref<4x1000x64xf32, #tpu.memory_space<vmem>>, vector<1x1000x64xf32>
    %get3A_68 = vector.shape_cast %get3A_67 : vector<1x1000x64xf32> to vector<1000x64xf32>
    %add3A_69 = arith.addf %get3A_63, %get3A_68 : vector<1000x64xf32>
    %mul3A_70 = vector.broadcast %get3A_1 : vector<1000x1xf32> to vector<1000x64xf32>
    %mul3A_71 = arith.mulf %mul3A_70, %add3A_69 : vector<1000x64xf32>
    %get3A_72 = arith.constant 0 : index
    %get3A_73 = arith.constant 0 : index
    %get3A_74 = vector.load %arg4[%get3A_72, %get3A_73] : memref<256x256xf32, #tpu.memory_space<vmem>>, vector<256x256xf32>
    %slice3A_75 = vector.extract_strided_slice %get3A_74 {offsets = [192, 0], sizes = [64, 256], strides = [1, 1]} : vector<256x256xf32> to vector<64x256xf32>
    %dot_general3A_76 = arith.constant dense<0.000000e+00> : vector<1000x256xf32>
    %dot_general3A_77 = tpu.matmul %mul3A_71, %slice3A_75, %dot_general3A_76 {dimension_numbers = #tpu.dot_dimension_numbers<[1], [0], [0], [1], [0, 0, 1, 1], [], []>, transpose_lhs_hint = false} : vector<1000x64xf32>, vector<64x256xf32>, vector<1000x256xf32> -> vector<1000x256xf32>
    %add3A_78 = arith.addf %add3A_58, %dot_general3A_77 : vector<1000x256xf32>
    %get3A_79 = arith.constant 0 : index
    %get3A_80 = arith.constant 0 : index
    %get3A_81 = vector.load %arg5[%get3A_79, %get3A_80] : memref<1000x256xf32, #tpu.memory_space<vmem>>, vector<1000x256xf32>
    %get3A_82 = arith.constant 0 : index
    %get3A_83 = arith.constant 0 : index
    %get3A_84 = vector.load %arg6[%get3A_82, %get3A_83] : memref<1000x256xf32, #tpu.memory_space<vmem>>, vector<1000x256xf32>
    %add3A_85 = arith.addf %get3A_81, %get3A_84 : vector<1000x256xf32>
    %tanh3A = math.tanh %add3A_78 : vector<1000x256xf32>
    %add3A_86 = arith.addf %add3A_85, %tanh3A : vector<1000x256xf32>
    %mul3A_87 = arith.constant 0.333333343 : f32
    %mul3A_88 = vector.broadcast %mul3A_87 : f32 to vector<1000x256xf32>
    %mul3A_89 = arith.mulf %add3A_86, %mul3A_88 : vector<1000x256xf32>
    %swap3A = arith.constant 0 : index
    %swap3A_90 = arith.constant 0 : index
    %swap3A_91 = vector.load %arg7[%swap3A, %swap3A_90] : memref<1000x256xf32, #tpu.memory_space<vmem>>, vector<1000x256xf32>
    tpu.vector_store %arg7[%swap3A, %swap3A_90], %mul3A_89 {strides = array<i32>} : memref<1000x256xf32, #tpu.memory_space<vmem>>, vector<1000x256xf32>,
    %slice3A_92 = vector.extract_strided_slice %mul3A_89 {offsets = [0, 0], sizes = [1000, 64], strides = [1, 1]} : vector<1000x256xf32> to vector<1000x64xf32>
    %swap3A_93 = arith.constant 0 : index
    %swap3A_94 = arith.constant 0 : index
    %swap3A_95 = arith.constant 0 : index
    %swap3A_96 = vector.load %arg8[%swap3A_93, %swap3A_94, %swap3A_95] : memref<4x1000x64xf32, #tpu.memory_space<vmem>>, vector<1x1000x64xf32>
    %swap3A_97 = vector.shape_cast %swap3A_96 : vector<1x1000x64xf32> to vector<1000x64xf32>
    %swap3A_98 = vector.shape_cast %slice3A_92 : vector<1000x64xf32> to vector<1x1000x64xf32>
    tpu.vector_store %arg8[%swap3A_93, %swap3A_94, %swap3A_95], %swap3A_98 {strides = array<i32>} : memref<4x1000x64xf32, #tpu.memory_space<vmem>>, vector<1x1000x64xf32>,
    %slice3A_99 = vector.extract_strided_slice %mul3A_89 {offsets = [0, 64], sizes = [1000, 64], strides = [1, 1]} : vector<1000x256xf32> to vector<1000x64xf32>
    %swap3A_100 = arith.constant 1 : index
    %swap3A_101 = arith.constant 0 : index
    %swap3A_102 = arith.constant 0 : index
    %swap3A_103 = vector.load %arg8[%swap3A_100, %swap3A_101, %swap3A_102] : memref<4x1000x64xf32, #tpu.memory_space<vmem>>, vector<1x1000x64xf32>
    %swap3A_104 = vector.shape_cast %swap3A_103 : vector<1x1000x64xf32> to vector<1000x64xf32>
    %swap3A_105 = vector.shape_cast %slice3A_99 : vector<1000x64xf32> to vector<1x1000x64xf32>
    tpu.vector_store %arg8[%swap3A_100, %swap3A_101, %swap3A_102], %swap3A_105 {strides = array<i32>} : memref<4x1000x64xf32, #tpu.memory_space<vmem>>, vector<1x1000x64xf32>,
    %slice3A_106 = vector.extract_strided_slice %mul3A_89 {offsets = [0, 128], sizes = [1000, 64], strides = [1, 1]} : vector<1000x256xf32> to vector<1000x64xf32>
    %swap3A_107 = arith.constant 2 : index
    %swap3A_108 = arith.constant 0 : index
    %swap3A_109 = arith.constant 0 : index
    %swap3A_110 = vector.load %arg8[%swap3A_107, %swap3A_108, %swap3A_109] : memref<4x1000x64xf32, #tpu.memory_space<vmem>>, vector<1x1000x64xf32>
    %swap3A_111 = vector.shape_cast %swap3A_110 : vector<1x1000x64xf32> to vector<1000x64xf32>
    %swap3A_112 = vector.shape_cast %slice3A_106 : vector<1000x64xf32> to vector<1x1000x64xf32>
    tpu.vector_store %arg8[%swap3A_107, %swap3A_108, %swap3A_109], %swap3A_112 {strides = array<i32>} : memref<4x1000x64xf32, #tpu.memory_space<vmem>>, vector<1x1000x64xf32>,
    %slice3A_113 = vector.extract_strided_slice %mul3A_89 {offsets = [0, 192], sizes = [1000, 64], strides = [1, 1]} : vector<1000x256xf32> to vector<1000x64xf32>
    %swap3A_114 = arith.constant 3 : index
    %swap3A_115 = arith.constant 0 : index
    %swap3A_116 = arith.constant 0 : index
    %swap3A_117 = vector.load %arg8[%swap3A_114, %swap3A_115, %swap3A_116] : memref<4x1000x64xf32, #tpu.memory_space<vmem>>, vector<1x1000x64xf32>
    %swap3A_118 = vector.shape_cast %swap3A_117 : vector<1x1000x64xf32> to vector<1000x64xf32>
    %swap3A_119 = vector.shape_cast %slice3A_113 : vector<1000x64xf32> to vector<1x1000x64xf32>
    tpu.vector_store %arg8[%swap3A_114, %swap3A_115, %swap3A_116], %swap3A_119 {strides = array<i32>} : memref<4x1000x64xf32, #tpu.memory_space<vmem>>, vector<1x1000x64xf32>,
    return
  }
  func.func @transform_0(%arg0: i32) -> (i32, i32, i32) {
    %c0_i32 = arith.constant 0 : i32
    %c0_i32_0 = arith.constant 0 : i32
    %c0_i32_1 = arith.constant 0 : i32
    return %c0_i32, %arg0, %c0_i32_0 : i32, i32, i32
  }
  func.func @transform_1(%arg0: i32) -> (i32, i32, i32) {
    %c0_i32 = arith.constant 0 : i32
    %c0_i32_0 = arith.constant 0 : i32
    %c0_i32_1 = arith.constant 0 : i32
    return %c0_i32, %arg0, %c0_i32_0 : i32, i32, i32
  }
  func.func @transform_2(%arg0: i32) -> (i32, i32) {
    %c0_i32 = arith.constant 0 : i32
    %c0_i32_0 = arith.constant 0 : i32
    return %arg0, %c0_i32 : i32, i32
  }
  func.func @transform_3(%arg0: i32) -> (i32, i32) {
    %c0_i32 = arith.constant 0 : i32
    %c0_i32_0 = arith.constant 0 : i32
    %c0_i32_1 = arith.constant 0 : i32
    return %c0_i32, %c0_i32_0 : i32, i32
  }
  func.func @transform_4(%arg0: i32) -> (i32, i32) {
    %c0_i32 = arith.constant 0 : i32
    %c0_i32_0 = arith.constant 0 : i32
    return %arg0, %c0_i32 : i32, i32
  }
  func.func @transform_5(%arg0: i32) -> (i32, i32) {
    %c0_i32 = arith.constant 0 : i32
    %c0_i32_0 = arith.constant 0 : i32
    return %arg0, %c0_i32 : i32, i32
  }
  func.func @transform_6(%arg0: i32) -> (i32, i32) {
    %c0_i32 = arith.constant 0 : i32
    %c0_i32_0 = arith.constant 0 : i32
    return %arg0, %c0_i32 : i32, i32
  }
  func.func @transform_7(%arg0: i32) -> (i32, i32, i32) {
    %c0_i32 = arith.constant 0 : i32
    %c0_i32_0 = arith.constant 0 : i32
    %c0_i32_1 = arith.constant 0 : i32
    return %c0_i32, %arg0, %c0_i32_0 : i32, i32, i32
  }
}

module attributes {stable_mosaic.version = 14 : i64} {
  func.func @body(%arg0: i32, %arg1: memref<1000x256xf32, #tpu.memory_space<vmem>>, %arg2: memref<1000x256xf32, #tpu.memory_space<vmem>>, %arg3: memref<1000x256xf32, #tpu.memory_space<vmem>>, %arg4: memref<768x2xf32, #tpu.memory_space<vmem>>, %arg5: memref<1x2xf32, #tpu.memory_space<vmem>>, %arg6: memref<1000x256xf32, #tpu.memory_space<vmem>>) attributes {dimension_semantics = [#tpu.dimension_semantics<arbitrary>], iteration_bounds = array<i64: 10>, scalar_prefetch = 0 : i64, scratch_operands = 0 : i64, tpu.core_type = #tpu.core_type<tc>, window_params = [{transform_indices = @transform_0, window_bounds = array<i64: 1000, 256>}, {transform_indices = @transform_1, window_bounds = array<i64: 1000, 256>}, {transform_indices = @transform_2, window_bounds = array<i64: 1000, 256>}, {pipeline_mode = #tpu.pipeline_mode<synchronous>, transform_indices = @transform_3, window_bounds = array<i64: 768, 2>}, {pipeline_mode = #tpu.pipeline_mode<synchronous>, transform_indices = @transform_4, window_bounds = array<i64: 1, 2>}, {transform_indices = @transform_5, window_bounds = array<i64: 1000, 256>}]} {
    %get3A = arith.constant 0 : index
    %get3A_0 = arith.constant 0 : index
    %get3A_1 = vector.load %arg1[%get3A, %get3A_0] : memref<1000x256xf32, #tpu.memory_space<vmem>>, vector<1000x256xf32>
    %get3A_2 = arith.constant 0 : index
    %get3A_3 = arith.constant 0 : index
    %get3A_4 = vector.load %arg2[%get3A_2, %get3A_3] : memref<1000x256xf32, #tpu.memory_space<vmem>>, vector<1000x256xf32>
    %get3A_5 = arith.constant 0 : index
    %get3A_6 = arith.constant 0 : index
    %get3A_7 = vector.load %arg3[%get3A_5, %get3A_6] : memref<1000x256xf32, #tpu.memory_space<vmem>>, vector<1000x256xf32>
    %concatenate3A = tpu.concatenate %get3A_1, %get3A_4, %get3A_7 in 1 : vector<1000x256xf32>, vector<1000x256xf32>, vector<1000x256xf32> -> vector<1000x768xf32>
    %get3A_8 = arith.constant 0 : index
    %get3A_9 = arith.constant 0 : index
    %get3A_10 = vector.load %arg4[%get3A_8, %get3A_9] : memref<768x2xf32, #tpu.memory_space<vmem>>, vector<768x2xf32>
    %dot_general3A = arith.constant dense<0.000000e+00> : vector<1000x2xf32>
    %dot_general3A_11 = tpu.matmul %concatenate3A, %get3A_10, %dot_general3A {dimension_numbers = #tpu.dot_dimension_numbers<[1], [0], [0], [1], [0, 0, 1, 1], [], []>, transpose_lhs_hint = false} : vector<1000x768xf32>, vector<768x2xf32>, vector<1000x2xf32> -> vector<1000x2xf32>
    %get3A_12 = arith.constant 0 : index
    %get3A_13 = arith.constant 0 : index
    %get3A_14 = vector.load %arg5[%get3A_12, %get3A_13] : memref<1x2xf32, #tpu.memory_space<vmem>>, vector<1x2xf32>
    %add3A = vector.broadcast %get3A_14 : vector<1x2xf32> to vector<1000x2xf32>
    %add3A_15 = arith.addf %dot_general3A_11, %add3A : vector<1000x2xf32>
    %slice3A = vector.extract_strided_slice %add3A_15 {offsets = [0, 1], sizes = [1000, 1], strides = [1, 1]} : vector<1000x2xf32> to vector<1000x1xf32>
    %slice3A_16 = vector.extract_strided_slice %add3A_15 {offsets = [0, 0], sizes = [1000, 1], strides = [1, 1]} : vector<1000x2xf32> to vector<1000x1xf32>
    %sub3A = arith.subf %slice3A, %slice3A_16 : vector<1000x1xf32>
    %exp3A = math.exp %sub3A : vector<1000x1xf32>
    %add3A_17 = arith.constant 1.000000e+00 : f32
    %add3A_18 = vector.broadcast %add3A_17 : f32 to vector<1000x1xf32>
    %add3A_19 = arith.addf %add3A_18, %exp3A : vector<1000x1xf32>
    %div3A = arith.constant 1.000000e+00 : f32
    %div3A_20 = vector.broadcast %div3A : f32 to vector<1000x1xf32>
    %div3A_21 = arith.divf %div3A_20, %add3A_19 : vector<1000x1xf32>
    %mul3A = vector.broadcast %div3A_21 : vector<1000x1xf32> to vector<1000x256xf32>
    %mul3A_22 = arith.mulf %mul3A, %get3A_1 : vector<1000x256xf32>
    %sub3A_23 = arith.constant 1.000000e+00 : f32
    %sub3A_24 = vector.broadcast %sub3A_23 : f32 to vector<1000x1xf32>
    %sub3A_25 = arith.subf %sub3A_24, %div3A_21 : vector<1000x1xf32>
    %mul3A_26 = vector.broadcast %sub3A_25 : vector<1000x1xf32> to vector<1000x256xf32>
    %mul3A_27 = arith.mulf %mul3A_26, %get3A_4 : vector<1000x256xf32>
    %add3A_28 = arith.addf %mul3A_22, %mul3A_27 : vector<1000x256xf32>
    %swap3A = arith.constant 0 : index
    %swap3A_29 = arith.constant 0 : index
    %swap3A_30 = vector.load %arg6[%swap3A, %swap3A_29] : memref<1000x256xf32, #tpu.memory_space<vmem>>, vector<1000x256xf32>
    tpu.vector_store %arg6[%swap3A, %swap3A_29], %add3A_28 {strides = array<i32>} : memref<1000x256xf32, #tpu.memory_space<vmem>>, vector<1000x256xf32>,
    return
  }
  func.func @transform_0(%arg0: i32) -> (i32, i32) {
    %c0_i32 = arith.constant 0 : i32
    %c0_i32_0 = arith.constant 0 : i32
    return %arg0, %c0_i32 : i32, i32
  }
  func.func @transform_1(%arg0: i32) -> (i32, i32) {
    %c0_i32 = arith.constant 0 : i32
    %c0_i32_0 = arith.constant 0 : i32
    return %arg0, %c0_i32 : i32, i32
  }
  func.func @transform_2(%arg0: i32) -> (i32, i32) {
    %c0_i32 = arith.constant 0 : i32
    %c0_i32_0 = arith.constant 0 : i32
    return %arg0, %c0_i32 : i32, i32
  }
  func.func @transform_3(%arg0: i32) -> (i32, i32) {
    %c0_i32 = arith.constant 0 : i32
    %c0_i32_0 = arith.constant 0 : i32
    %c0_i32_1 = arith.constant 0 : i32
    return %c0_i32, %c0_i32_0 : i32, i32
  }
  func.func @transform_4(%arg0: i32) -> (i32, i32) {
    %c0_i32 = arith.constant 0 : i32
    %c0_i32_0 = arith.constant 0 : i32
    %c0_i32_1 = arith.constant 0 : i32
    return %c0_i32, %c0_i32_0 : i32, i32
  }
  func.func @transform_5(%arg0: i32) -> (i32, i32) {
    %c0_i32 = arith.constant 0 : i32
    %c0_i32_0 = arith.constant 0 : i32
    return %arg0, %c0_i32 : i32, i32
  }
}

module attributes {stable_mosaic.version = 14 : i64} {
  func.func @body(%arg0: i32, %arg1: memref<4x1000x64xf32, #tpu.memory_space<vmem>>, %arg2: memref<1000x1xf32, #tpu.memory_space<vmem>>, %arg3: memref<1000x256xf32, #tpu.memory_space<vmem>>, %arg4: memref<1000x256xf32, #tpu.memory_space<vmem>>, %arg5: memref<768x2xf32, #tpu.memory_space<vmem>>, %arg6: memref<1x2xf32, #tpu.memory_space<vmem>>, %arg7: memref<1000x256xf32, #tpu.memory_space<vmem>>) attributes {dimension_semantics = [#tpu.dimension_semantics<arbitrary>], iteration_bounds = array<i64: 10>, scalar_prefetch = 0 : i64, scratch_operands = 0 : i64, tpu.core_type = #tpu.core_type<tc>, window_params = [{transform_indices = @transform_0, window_bounds = array<i64: 4, 1000, 64>}, {transform_indices = @transform_1, window_bounds = array<i64: 1000, 1>}, {transform_indices = @transform_2, window_bounds = array<i64: 1000, 256>}, {transform_indices = @transform_3, window_bounds = array<i64: 1000, 256>}, {pipeline_mode = #tpu.pipeline_mode<synchronous>, transform_indices = @transform_4, window_bounds = array<i64: 768, 2>}, {pipeline_mode = #tpu.pipeline_mode<synchronous>, transform_indices = @transform_5, window_bounds = array<i64: 1, 2>}, {transform_indices = @transform_6, window_bounds = array<i64: 1000, 256>}]} {
    %get3A = arith.constant 0 : index
    %get3A_0 = arith.constant 0 : index
    %get3A_1 = vector.load %arg2[%get3A, %get3A_0] : memref<1000x1xf32, #tpu.memory_space<vmem>>, vector<1000x1xf32>
    %add3A = arith.constant 9.99999993E-9 : f32
    %add3A_2 = vector.broadcast %add3A : f32 to vector<1000x1xf32>
    %add3A_3 = arith.addf %get3A_1, %add3A_2 : vector<1000x1xf32>
    %div3A = arith.constant 1.000000e+00 : f32
    %div3A_4 = vector.broadcast %div3A : f32 to vector<1000x1xf32>
    %div3A_5 = arith.divf %div3A_4, %add3A_3 : vector<1000x1xf32>
    %get3A_6 = arith.constant 0 : index
    %get3A_7 = arith.constant 0 : index
    %get3A_8 = arith.constant 0 : index
    %get3A_9 = vector.load %arg1[%get3A_6, %get3A_7, %get3A_8] : memref<4x1000x64xf32, #tpu.memory_space<vmem>>, vector<1x1000x64xf32>
    %get3A_10 = vector.shape_cast %get3A_9 : vector<1x1000x64xf32> to vector<1000x64xf32>
    %get3A_11 = arith.constant 1 : index
    %get3A_12 = arith.constant 0 : index
    %get3A_13 = arith.constant 0 : index
    %get3A_14 = vector.load %arg1[%get3A_11, %get3A_12, %get3A_13] : memref<4x1000x64xf32, #tpu.memory_space<vmem>>, vector<1x1000x64xf32>
    %get3A_15 = vector.shape_cast %get3A_14 : vector<1x1000x64xf32> to vector<1000x64xf32>
    %get3A_16 = arith.constant 2 : index
    %get3A_17 = arith.constant 0 : index
    %get3A_18 = arith.constant 0 : index
    %get3A_19 = vector.load %arg1[%get3A_16, %get3A_17, %get3A_18] : memref<4x1000x64xf32, #tpu.memory_space<vmem>>, vector<1x1000x64xf32>
    %get3A_20 = vector.shape_cast %get3A_19 : vector<1x1000x64xf32> to vector<1000x64xf32>
    %get3A_21 = arith.constant 3 : index
    %get3A_22 = arith.constant 0 : index
    %get3A_23 = arith.constant 0 : index
    %get3A_24 = vector.load %arg1[%get3A_21, %get3A_22, %get3A_23] : memref<4x1000x64xf32, #tpu.memory_space<vmem>>, vector<1x1000x64xf32>
    %get3A_25 = vector.shape_cast %get3A_24 : vector<1x1000x64xf32> to vector<1000x64xf32>
    %concatenate3A = tpu.concatenate %get3A_10, %get3A_15, %get3A_20, %get3A_25 in 1 : vector<1000x64xf32>, vector<1000x64xf32>, vector<1000x64xf32>, vector<1000x64xf32> -> vector<1000x256xf32>
    %mul3A = vector.broadcast %div3A_5 : vector<1000x1xf32> to vector<1000x256xf32>
    %mul3A_26 = arith.mulf %concatenate3A, %mul3A : vector<1000x256xf32>
    %get3A_27 = arith.constant 0 : index
    %get3A_28 = arith.constant 0 : index
    %get3A_29 = vector.load %arg3[%get3A_27, %get3A_28] : memref<1000x256xf32, #tpu.memory_space<vmem>>, vector<1000x256xf32>
    %get3A_30 = arith.constant 0 : index
    %get3A_31 = arith.constant 0 : index
    %get3A_32 = vector.load %arg4[%get3A_30, %get3A_31] : memref<1000x256xf32, #tpu.memory_space<vmem>>, vector<1000x256xf32>
    %concatenate3A_33 = tpu.concatenate %mul3A_26, %get3A_29, %get3A_32 in 1 : vector<1000x256xf32>, vector<1000x256xf32>, vector<1000x256xf32> -> vector<1000x768xf32>
    %get3A_34 = arith.constant 0 : index
    %get3A_35 = arith.constant 0 : index
    %get3A_36 = vector.load %arg5[%get3A_34, %get3A_35] : memref<768x2xf32, #tpu.memory_space<vmem>>, vector<768x2xf32>
    %dot_general3A = arith.constant dense<0.000000e+00> : vector<1000x2xf32>
    %dot_general3A_37 = tpu.matmul %concatenate3A_33, %get3A_36, %dot_general3A {dimension_numbers = #tpu.dot_dimension_numbers<[1], [0], [0], [1], [0, 0, 1, 1], [], []>, transpose_lhs_hint = false} : vector<1000x768xf32>, vector<768x2xf32>, vector<1000x2xf32> -> vector<1000x2xf32>
    %get3A_38 = arith.constant 0 : index
    %get3A_39 = arith.constant 0 : index
    %get3A_40 = vector.load %arg6[%get3A_38, %get3A_39] : memref<1x2xf32, #tpu.memory_space<vmem>>, vector<1x2xf32>
    %add3A_41 = vector.broadcast %get3A_40 : vector<1x2xf32> to vector<1000x2xf32>
    %add3A_42 = arith.addf %dot_general3A_37, %add3A_41 : vector<1000x2xf32>
    %slice3A = vector.extract_strided_slice %add3A_42 {offsets = [0, 1], sizes = [1000, 1], strides = [1, 1]} : vector<1000x2xf32> to vector<1000x1xf32>
    %slice3A_43 = vector.extract_strided_slice %add3A_42 {offsets = [0, 0], sizes = [1000, 1], strides = [1, 1]} : vector<1000x2xf32> to vector<1000x1xf32>
    %sub3A = arith.subf %slice3A, %slice3A_43 : vector<1000x1xf32>
    %exp3A = math.exp %sub3A : vector<1000x1xf32>
    %add3A_44 = arith.constant 1.000000e+00 : f32
    %add3A_45 = vector.broadcast %add3A_44 : f32 to vector<1000x1xf32>
    %add3A_46 = arith.addf %add3A_45, %exp3A : vector<1000x1xf32>
    %div3A_47 = arith.constant 1.000000e+00 : f32
    %div3A_48 = vector.broadcast %div3A_47 : f32 to vector<1000x1xf32>
    %div3A_49 = arith.divf %div3A_48, %add3A_46 : vector<1000x1xf32>
    %mul3A_50 = vector.broadcast %div3A_49 : vector<1000x1xf32> to vector<1000x256xf32>
    %mul3A_51 = arith.mulf %mul3A_50, %mul3A_26 : vector<1000x256xf32>
    %sub3A_52 = arith.constant 1.000000e+00 : f32
    %sub3A_53 = vector.broadcast %sub3A_52 : f32 to vector<1000x1xf32>
    %sub3A_54 = arith.subf %sub3A_53, %div3A_49 : vector<1000x1xf32>
    %mul3A_55 = vector.broadcast %sub3A_54 : vector<1000x1xf32> to vector<1000x256xf32>
    %mul3A_56 = arith.mulf %mul3A_55, %get3A_29 : vector<1000x256xf32>
    %add3A_57 = arith.addf %mul3A_51, %mul3A_56 : vector<1000x256xf32>
    %swap3A = arith.constant 0 : index
    %swap3A_58 = arith.constant 0 : index
    %swap3A_59 = vector.load %arg7[%swap3A, %swap3A_58] : memref<1000x256xf32, #tpu.memory_space<vmem>>, vector<1000x256xf32>
    tpu.vector_store %arg7[%swap3A, %swap3A_58], %add3A_57 {strides = array<i32>} : memref<1000x256xf32, #tpu.memory_space<vmem>>, vector<1000x256xf32>,
    return
  }
  func.func @transform_0(%arg0: i32) -> (i32, i32, i32) {
    %c0_i32 = arith.constant 0 : i32
    %c0_i32_0 = arith.constant 0 : i32
    %c0_i32_1 = arith.constant 0 : i32
    return %c0_i32, %arg0, %c0_i32_0 : i32, i32, i32
  }
  func.func @transform_1(%arg0: i32) -> (i32, i32) {
    %c0_i32 = arith.constant 0 : i32
    %c0_i32_0 = arith.constant 0 : i32
    return %arg0, %c0_i32 : i32, i32
  }
  func.func @transform_2(%arg0: i32) -> (i32, i32) {
    %add3A = arith.constant 10 : i32
    %add3A_0 = arith.addi %arg0, %add3A : i32
    %c0_i32 = arith.constant 0 : i32
    %c0_i32_1 = arith.constant 0 : i32
    return %add3A_0, %c0_i32 : i32, i32
  }
  func.func @transform_3(%arg0: i32) -> (i32, i32) {
    %c0_i32 = arith.constant 0 : i32
    %c0_i32_0 = arith.constant 0 : i32
    return %arg0, %c0_i32 : i32, i32
  }
  func.func @transform_4(%arg0: i32) -> (i32, i32) {
    %c0_i32 = arith.constant 0 : i32
    %c0_i32_0 = arith.constant 0 : i32
    %c0_i32_1 = arith.constant 0 : i32
    return %c0_i32, %c0_i32_0 : i32, i32
  }
  func.func @transform_5(%arg0: i32) -> (i32, i32) {
    %c0_i32 = arith.constant 0 : i32
    %c0_i32_0 = arith.constant 0 : i32
    %c0_i32_1 = arith.constant 0 : i32
    return %c0_i32, %c0_i32_0 : i32, i32
  }
  func.func @transform_6(%arg0: i32) -> (i32, i32) {
    %c0_i32 = arith.constant 0 : i32
    %c0_i32_0 = arith.constant 0 : i32
    return %arg0, %c0_i32 : i32, i32
  }
}

</mosaic_0001>

<sc_bundles>
// kernel: closed_call.30.cloned.1.call-start
scs
__scs_entry_jumppad:
0x0: {  	(pc) =	sbr.rel $0x88, $3  }
0x1: {  	(tag) =	ssettag $0x0;
	lr =	simm.s32 $0x1  }
0x2: {  	[smem:$0x3F95] =	sst lr;
	_ =	strace $0xD0000000  }
0x3: {  	_ = 	snop  }
0x4: {  	_ = 	snop  }
0x5: {  	_ = 	snop  }
0x6: {  	_ = 	snop  }
0x7: {  	_ = 	snop  }
__scs_overlays_trampoline_lowered:
0x8: {  	[smem:$0x3FA4] =	sst s0  }
0x9: {  	[smem:$0x3FA5] =	sst s1  }
0xa: {  	[smem:$0x3FA6] =	sst s2  }
0xb: {  	[smem:$0x3FA7] =	sst s3  }
0xc: {  	[smem:$0x3FA8] =	sst s4  }
0xd: {  	[smem:$0x3FA9] =	sst s5  }
0xe: {  	[smem:$0x3FAA] =	sst s6  }
0xf: {  	[smem:$0x3FAB] =	sst s7  }
0x10: {  	[smem:$0x3FAC] =	sst s8  }
0x11: {  	[smem:$0x3FAD] =	sst s9;
	s0 =	simm.s32 @!p0 $0x0  }
0x12: {  	s1 =	sld [smem:$0x3F93];
	s0 =	simm.s32 @p0 $0x1  }
0x13: {  	[smem:$0x3FAE] =	sst s0;
	s0 =	simm.s32 @!p1 $0x0  }
0x14: {  	s2 =	sld [smem:$0x3F92];
	s0 =	simm.s32 @p1 $0x1  }
0x15: {  	[smem:$0x3FAF] =	sst s0;
	s0 =	simm.s32 @!p2 $0x0  }
0x16: {  	s3 =	sld [smem:$0x3FDB];
	s0 =	simm.s32 @p2 $0x1  }
0x17: {  	s4 =	simm.s32 $0x1BF5;
	[smem:$0x3FB1] =	sst s0  }
0x18: {  	s0 =	sld [smem:$0x3F94];
	_ =	swait.ge [sflag:s4], $0x0  }
0x19: {  	s7 =	sld [smem:$0x3F95]  }
0x1a: {  	s8 =	sadd.s32 $0xFFFFE003, lr  }
0x1b: {  	s9 =	sadd.s32 $0xFFFFFEF7, lr;
	s5 =	simm.s32 $0xFFFFFFFF;
	p2 =	slt.u32 s8, $0xFFFFF086  }
0x1c: {  	p1 =	slt.u32 s9, $0xF7A;
	s5 =	simm.s32 @!p2 $0x0  }
0x1d: {  	s5 =	simm.s32 @p1 $0x1;
	p0 =	seq.s32 s7, s2  }
0x1e: {  	s7 =	smul.u32 @!p0 $0xF7A, s2;
	p2 =	seq.s32 @!p0 s5, $0x0  }
0x1f: {  	s9 =	smul.u32 $0xF7A, s1;
	s8 =	simm.s32 @!p0 $0x1BF5;
	p2 =	por !p2, p0  }
0x20: {  	[sflag:s8] =	ssyncset.s32 @!p0 $0xFFFFF086;
	s6 =	sadd.s32 @!p0 s3, s7;
	s7 =	simm.s32 @!p0 $0x108  }
0x21: {  	s3 =	sadd.s32 s3, s9;
	s6 =	sadd.s32 @!p0 $0x88, s6;
	s7 =	simm.s32 @p2 $0x1082  }
0x22: {  	[simem:s7], [sflag:s8] =	dma.local @!p0 [hbm:s6], $0xF7A  }
0x23: {  	s9 =	sor.u32 $0xD0000000, s2;
	s6 =	simm.s32 $0x108;
	_ =	swait.ge @!p0 [sflag:s8], $0x0  }
0x24: {  	s3 =	sadd.s32 $0x88, s3;
	s6 =	simm.s32 @!p1 $0x1082;
	[sflag:s4] =	ssyncset.s32 $0xFFFFF086  }
0x25: {  	[simem:s6], [sflag:s4] =	dma.local [hbm:s3], $0xF7A  }
0x26: {  	[smem:$0x3F95] =	sst s1;
	(tag) =	ssettag s2;
	_ =	strace s9  }
0x27: {  	s1 =	sld [smem:$0x3FA5]  }
0x28: {  	s2 =	sld [smem:$0x3FA6]  }
0x29: {  	s4 =	sld [smem:$0x3FA8]  }
0x2a: {  	p0 =	seq.s32 s5, $0x0;
	s5 =	sld [smem:$0x3FA9]  }
0x2b: {  	s6 =	sld [smem:$0x3FAA]  }
0x2c: {  	s7 =	sld [smem:$0x3FAB]  }
0x2d: {  	s3 =	simm.s32 $0x108;
	s8 =	sld [smem:$0x3FAC]  }
0x2e: {  	s3 =	simm.s32 @!p0 $0x1082;
	s9 =	sld [smem:$0x3FAD]  }
0x2f: {  	lr =	sadd.s32 s0, s3;
	s0 =	sld [smem:$0x3FA4]  }
0x30: {  	s3 =	sld [smem:$0x3FA7]  }
0x31: {  	[smem:$0x3FB0] =	sst s10  }
0x32: {  	s10 =	sld [smem:$0x3FAE];
	_ =	sdelay $0x3  }
0x33: {  	p0 =	seq.s32 s10, $0x1;
	s10 =	sld [smem:$0x3FB0];
	_ =	sdelay $0x3  }
0x34: {  	[smem:$0x3FB0] =	sst s10  }
0x35: {  	s10 =	sld [smem:$0x3FAF];
	_ =	sdelay $0x3  }
0x36: {  	p1 =	seq.s32 s10, $0x1;
	s10 =	sld [smem:$0x3FB0];
	_ =	sdelay $0x3  }
0x37: {  	[smem:$0x3FB0] =	sst s10  }
0x38: {  	s10 =	sld [smem:$0x3FB1]  }
0x39: {  	_ = 	snop;
	(pc) =	sbr.ind lr, $3  }
0x3a: {  	_ = 	snop  }
0x3b: {  	_ = 	snop  }
0x3c: {  	p2 =	seq.s32 s10, $0x1;
	s10 =	sld [smem:$0x3FB0]  }
0x3d: {  	_ =	shalt  }
0x3e: {  	_ =	shalt  }
0x3f: {  	_ =	shalt  }
0x40: {  	_ =	shalt  }
0x41: {  	_ =	shalt  }
0x42: {  	_ =	shalt  }
0x43: {  	_ =	shalt  }
0x44: {  	_ =	shalt  }
0x45: {  	_ =	shalt  }
0x46: {  	_ =	shalt  }
0x47: {  	_ =	shalt  }
0x48: {  	_ =	shalt  }
0x49: {  	_ =	shalt  }
0x4a: {  	_ =	shalt  }
0x4b: {  	_ =	shalt  }
0x4c: {  	_ =	shalt  }
0x4d: {  	_ =	shalt  }
0x4e: {  	_ =	shalt  }
0x4f: {  	_ =	shalt  }
0x50: {  	_ =	shalt  }
0x51: {  	_ =	shalt  }
0x52: {  	_ =	shalt  }
0x53: {  	_ =	shalt  }
0x54: {  	_ =	shalt  }
0x55: {  	_ =	shalt  }
0x56: {  	_ =	shalt  }
0x57: {  	_ =	shalt  }
0x58: {  	_ =	shalt  }
0x59: {  	_ =	shalt  }
0x5a: {  	_ =	shalt  }
0x5b: {  	_ =	shalt  }
0x5c: {  	_ =	shalt  }
0x5d: {  	_ =	shalt  }
0x5e: {  	_ =	shalt  }
0x5f: {  	_ =	shalt  }
0x60: {  	_ =	shalt  }
0x61: {  	_ =	shalt  }
0x62: {  	_ =	shalt  }
0x63: {  	_ =	shalt  }
0x64: {  	_ =	shalt  }
0x65: {  	_ =	shalt  }
0x66: {  	_ =	shalt  }
0x67: {  	_ =	shalt  }
0x68: {  	_ =	shalt  }
0x69: {  	_ =	shalt  }
0x6a: {  	_ =	shalt  }
0x6b: {  	_ =	shalt  }
0x6c: {  	_ =	shalt  }
0x6d: {  	_ =	shalt  }
0x6e: {  	_ =	shalt  }
0x6f: {  	_ =	shalt  }
0x70: {  	_ =	shalt  }
0x71: {  	_ =	shalt  }
0x72: {  	_ =	shalt  }
0x73: {  	_ =	shalt  }
0x74: {  	_ =	shalt  }
0x75: {  	_ =	shalt  }
0x76: {  	_ =	shalt  }
0x77: {  	_ =	shalt  }
0x78: {  	_ =	shalt  }
0x79: {  	_ =	shalt  }
0x7a: {  	_ =	shalt  }
0x7b: {  	_ =	shalt  }
0x7c: {  	_ =	shalt  }
0x7d: {  	_ =	shalt  }
0x7e: {  	_ =	shalt  }
0x7f: {  	_ =	shalt  }
0x80: {  	_ =	shalt  }
0x81: {  	_ =	shalt  }
0x82: {  	_ =	shalt  }
0x83: {  	_ =	shalt  }
0x84: {  	_ =	shalt  }
0x85: {  	_ =	shalt  }
0x86: {  	_ =	shalt  }
0x87: {  	_ =	shalt  }
.Lfunc_end0:
.L_simem_size_0:
called_computation_lowered:
.L_overlay_start_0:
0x88: {  	s2 =	sld [smem:$0x3FD9]  }
0x89: {  	s3 =	sld [smem:$0x3FFE];
	_ =	sdelay $0x1  }
0x8a: {  	s1 =	srdreg.scid  }
0x8b: {  	s0 =	sand.u32 $0x1, s1  }
0x8c: {  	s16 =	sshll.u32 s0, $0xA;
	s2 =	sadd.s32 s3, s2  }
0x8d: {  	s2 =	sadd.s32 s2, s16  }
0x8e: {  	[smem:$0x3FBC] =	sst s2  }
0x8f: {  	_ = 	snop  }
0x90: {  	(tm) =	ssettm $0x1  }
0x91: {  	s17 =	sld [smem:$0x3FFB];
	_ =	sdelay $0x3  }
0x92: {  	_ =	strace s17  }
0x93: {  	s2 =	sld [smem:$0x3FFC];
	_ =	sdelay $0x3  }
0x94: {  	_ =	strace s2  }
0x95: {  	s2 =	sld [smem:$0x3FFD];
	_ =	sdelay $0x3  }
0x96: {  	_ =	strace s2  }
0x97: {  	_ =	strace $0x8FFFFFFF  }
0x98: {  	s18 =	sld [smem:$0x3FDB];
	_ =	sdelay $0x1  }
0x99: {  	s19 =	simm.s32 $_scs_section_size  }
0x9a: {  	s4 =	simm.s32 $_size__tile_overlayer_lowered;
	s5 =	simm.s32 $_tile_overlayer_lowered  }
0x9b: {  	s22 =	simm.s32 $0x1BFF;
	s21 =	sshll.u32 s5, $0x1;
	s2 =	sadd.s32 s19, s18  }
0x9c: {  	s6 =	simm.s32 $0x0;
	s20 =	sshll.u32 s4, $0x1;
	s4 =	sadd.s32 s21, s2  }
0x9d: {  	[timem:s6], [sflag:s22] =	dma.local [hbm:s4], s20  }
0x9e: {  	_ =	swait.ge [sflag:s22], s20  }
0x9f: {  	s3 =	ssub.s32 $0x0, s20;
	[sflag:s22] =	ssyncset.done $0x0  }
0xa0: {  	[sflag:s22] =	ssyncadd.s32 s3;
	_ =	sdelay $0x1  }
0xa1: {  	s23 =	simm.s32 $0x1B8B  }
0xa2: {  	_ =	swait.ge [sflag:s23], $0x1  }
0xa3: {  	[sflag:s23] =	ssyncset.done $0x0  }
0xa4: {  	s25 =	simm.s32 $0x1B8E;
	s24 =	sld [smem:$0x3FFE];
	[sflag:s23] =	ssyncadd.s32 $0xFFFFFFFF  }
0xa5: {  	s26 =	simm.s32 $execute0_lowered;
	[smem:$0x3FD2] =	sst s25  }
0xa6: {  	s4 =	sshll.u32 s26, $0x1;
	_ =	strace $0x80000046;
	[dreg:$0x1] =	wrdreg $0xFFFFFFFF  }
0xa7: {  	s28 =	simm.s32 $_size_execute0_lowered;
	s2 =	sadd.s32 s2, s4;
	[dreg:$0x0] =	wrdreg $0x0  }
0xa8: {  	s4 =	sshll.u32 s28, $0x1;
	[dreg:$0x2] =	wrdreg s2  }
0xa9: {  	[dreg:$0x3] =	wrdreg s4  }
0xaa: {  	[dreg:$0x4] =	wrdreg $0xC0  }
0xab: {  	_ =	task [dreg:s6], $0x5FFFF  }
0xac: {  	[dreg:$0x1] =	wrdreg $0xFFFFFFFF  }
0xad: {  	[dreg:$0x0] =	wrdreg $0x60  }
0xae: {  	[dreg:$0x2] =	wrdreg s24  }
0xaf: {  	[dreg:$0x3] =	wrdreg $0x103C00  }
0xb0: {  	[dreg:$0x4] =	wrdreg $0x9  }
0xb1: {  	_ =	task.clear_ibuf [dreg:s6], $0x5FFFF;
	_ =	strace $0x90000046  }
0xb2: {  	s29 =	simm.s32 $0x9;
	_ =	strace $0x80000048  }
0xb3: {  	_ =	swait.ge [sflag:s29], $0x1  }
0xb4: {  	[sflag:s29] =	ssyncadd.s32 $0xFFFFFFFF  }
0xb5: {  	_ =	strace $0x90000048  }
0xb6: {  	_ =	sfence  }
0xb7: {  	s30 =	sld [smem:$0x0];
	_ =	sdelay $0x2  }
0xb8: {  	s31 =	sshll.u32 s1, $0xD;
	s1 =	sshrl.u32 s1, $0x2  }
0xb9: {  	s3 =	sand.u32 $0x4000, s31;
	s1 =	sadd.s32 s1, s30  }
0xba: {  	s0 =	sor.u32 s3, s0;
	s1 =	sshll.u32 s1, $0x11  }
0xbb: {  	s0 =	sor.u32 s1, s0  }
0xbc: {  	s0 =	sadd.s32 $0x8F2B, s0  }
0xbd: {  	[sflag:s0] =	ssyncadd.remote.s32 $0x1  }
0xbe: {  	_ =	sfence.sel $0xFFFF  }
0xbf: {  	[dreg:$0x0] =	wrdreg $0xFFFFFFFF;
	(pc) =	sbr.abs _section_cstart, $3  }
0xc0: {  	[dreg:$0x1] =	wrdreg $0xFFFFFFFF  }
0xc1: {  	_ =	task.clear_ibuf [dreg:s6], $0x2FFFF;
	_ =	strace $0x9FFFFFFF  }
0xc2: {  	(tm) =	ssettm $0x7FFFFFFF  }
0xc3: {  	_ =	shalt  }
tec
execute0_lowered:
.L_overlay_start_1:
0x0: {  	(tag) =	ssettag $0x1  }
0x1: {  	s2 =	srdreg.scid;
	s10 =	stileid.u32  }
0x2: {  	s0 =	rddreg [dreg:$0x0];
	s2 =	sand.u32 $0x1, s2;
	s6 =	smul.u32 $0x271, s10  }
0x3: {  	s1 =	rddreg [dreg:$0x1];
	s3 =	simm.s32 $0x0;
	s5 =	smul.u32 $0x2710, s2  }
0x4: {  	[smem:$0x7FF] =	sst s3;
	s4 =	sadd.s32 $0xBFD200, s0;
	s26 =	smul.u32 $0x2800, s10  }
0x5: {  	s8 =	sadd.s32 $0xCC1600, s0;
	s7 =	smul.u32 $0x28000, s2;
	s5 =	sadd.s32 s6, s5  }
0x6: {  	s9 =	sadd.s32 $0xC99600, s0;
	s2 =	ssub.s32 $0x2, s2;
	s5 =	sshll.u32 s5, $0x3  }
0x7: {  	s11 =	sshrl.u32 s2, $0x1;
	s6 =	sadd.s32 s26, s7;
	s0 =	sadd.s32 s5, s0  }
0x8: {  	s5 =	ssub.s32 s2, s11;
	s2 =	sshrl.u32 s6, $0x3;
	s12 =	sadd.s32 $0xCE9600, s0  }
0x9: {  	_ =	strace $0x80000047;
	s13 =	sadd.s32 s8, s2;
	[dreg:$0x3] =	wrdreg s12  }
0xa: {  	s14 =	sadd.s32 $0xCE9A00, s0;
	[dreg:$0x4] =	wrdreg s13  }
0xb: {  	s15 =	sadd.s32 $0xCE9E00, s0;
	[dreg:$0x5] =	wrdreg s14  }
0xc: {  	s16 =	sadd.s32 s9, s2;
	[dreg:$0x6] =	wrdreg s15  }
0xd: {  	s17 =	sadd.s32 $0xCEA200, s0;
	[dreg:$0x7] =	wrdreg s16  }
0xe: {  	s18 =	sadd.s32 $0xCEA600, s0;
	[dreg:$0x8] =	wrdreg s17  }
0xf: {  	s11 =	sadd.s32 $0xD10700, s0;
	[dreg:$0x9] =	wrdreg s18  }
0x10: {  	s22 =	sadd.s32 $0xD10B00, s0;
	[dreg:$0xa] =	wrdreg s11  }
0x11: {  	s23 =	sadd.s32 $0xD10F00, s0;
	[dreg:$0xc] =	wrdreg s22  }
0x12: {  	s20 =	sadd.s32 $0xA000, s2;
	s24 =	sadd.s32 $0xD11300, s0;
	[dreg:$0xd] =	wrdreg s23  }
0x13: {  	s21 =	sadd.s32 s8, s20;
	[dreg:$0xf] =	wrdreg s24  }
0x14: {  	s25 =	sadd.s32 $0x14000, s2;
	s7 =	sadd.s32 s9, s20;
	[dreg:$0xb] =	wrdreg s21  }
0x15: {  	s2 =	sadd.s32 $0x1E000, s2;
	s26 =	sadd.s32 s8, s25;
	[dreg:$0xe] =	wrdreg s7  }
0x16: {  	s12 =	sadd.s32 s8, s2;
	[dreg:$0x10] =	wrdreg s26  }
0x17: {  	s2 =	sadd.s32 s9, s2;
	[dreg:$0x12] =	wrdreg s12  }
0x18: {  	s13 =	sadd.s32 $0xD11700, s0;
	[dreg:$0x13] =	wrdreg s2  }
0x19: {  	s15 =	sadd.s32 $0xD37800, s0;
	[dreg:$0x14] =	wrdreg s13  }
0x1a: {  	s19 =	smul.u32 $0x27800, s10;
	s16 =	sadd.s32 $0xD37C00, s0;
	[dreg:$0x15] =	wrdreg s15  }
0x1b: {  	s18 =	sadd.s32 $0xD38000, s0;
	[dreg:$0x16] =	wrdreg s16  }
0x1c: {  	s14 =	sshrl.u32 s19, $0x2;
	s19 =	sadd.s32 $0xD38400, s0;
	[dreg:$0x17] =	wrdreg s18  }
0x1d: {  	s29 =	simm.s32 $0xE3C0;
	s20 =	sadd.s32 $0xD38800, s0;
	[dreg:$0x18] =	wrdreg s19  }
0x1e: {  	s30 =	simm.s32 $0x1;
	s23 =	sadd.s32 $0xD5ED00, s0;
	[dreg:$0x19] =	wrdreg s20  }
0x1f: {  	s31 =	simm.s32 $0x2;
	s24 =	sadd.s32 $0xD5F100, s0;
	[dreg:$0x1b] =	wrdreg s23  }
0x20: {  	s17 =	smul.u32 $0x27100, s10;
	s7 =	sadd.s32 s9, s25;
	[dreg:$0x1c] =	wrdreg s24  }
0x21: {  	s28 =	sadd.s32 s14, s1;
	s21 =	sadd.s32 $0xD5E900, s0;
	[dreg:$0x11] =	wrdreg s7  }
0x22: {  	s25 =	sadd.s32 $0xD5F500, s0;
	s0 =	sadd.s32 $0xD5F900, s0;
	[dreg:$0x1a] =	wrdreg s21  }
0x23: {  	s26 =	smax.u32 s5, $0x1;
	s20 =	simm.s32 $0x3;
	[dreg:$0x1d] =	wrdreg s25  }
0x24: {  	s23 =	simm.s32 $0x63C0;
	s24 =	simm.s32 $0x83C0;
	[dreg:$0x1e] =	wrdreg s0  }
0x25: {  	s22 =	sshrl.u32 s17, $0x2;
	[dreg:$0x1f] =	wrdreg s26;
	s8 =	sadd.s32 $0x13C0, s28  }
0x26: {  	s9 =	sadd.s32 $0x2780, s28;
	s10 =	sadd.s32 $0x3B40, s28;
	s11 =	sadd.s32 $0x4F00, s28  }
0x27: {  	s12 =	sadd.s32 $0x62C0, s28;
	s13 =	sadd.s32 $0x7680, s28;
	s14 =	sadd.s32 $0x8A40, s28  }
0x28: {  	s25 =	simm.s32 $0xA3C0;
	s26 =	simm.s32 $0xC3C0;
	s2 =	sadd.s32 s22, s1  }
0x29: {  	s0 =	simm.s32 $0x0;
	s22 =	simm.s32 $0x80;
	s15 =	sadd.s32 $0x2000, s2  }
0x2a: {  	v0 =	vimm.f32 $0.0e+00;
	s16 =	sadd.s32 $0x4000, s2;
	s17 =	sadd.s32 $0x6000, s2;
	s18 =	sadd.s32 $0x8000, s2  }
.LBB2_1:
0x2b: {  	s6 =	simm.s32 $0x100;
	s5 =	simm.s32 $0x0  }
.LBB2_2:
0x2c: {  	p0 =	sne.s32 s6, $0x4E00;
	[tilespmem:s5+$0x30] =	vst v0;
	s7 =	smov.u32 s6;
	s6 =	sadd.s32 $0x100, s6  }
.Ltmp0:
0x2d: {  	[tilespmem:s5+$0x20] =	vst v0;
	(pc) =	sbr.rel @p0 .LBB2_2-.Ltmp0, $3  }
0x2e: {  	[tilespmem:s5+$0x0] =	vst v0  }
0x2f: {  	[tilespmem:s5+$0x10] =	vst v0;
	_ =	sdelay $0x1  }
0x30: {  	s5 =	sshra.s32 s7, $0x2  }
0x31: {  	[tilespmem:s5+$0x30] =	vst v0  }
0x32: {  	[tilespmem:s5+$0x20] =	vst v0  }
0x33: {  	[tilespmem:s5+$0x0] =	vst v0  }
0x34: {  	[tilespmem:s5+$0x10] =	vst v0;
	s5 =	simm.s32 $0x0;
	s6 =	rddreg [dreg:$0x4];
	s7 =	simm.s32 $0x13C0  }
0x35: {  	[tilespmem:s7], [sflag:$0x3] =	stream.linear.gather [hbm4b:s6+s5], $0x2800, $0x38;
	[tilespmem:$0x1A1C0] =	vst v63  }
0x36: {  	_ =	swait.ge [sflag:s20], $0x2800  }
0x37: {  	[sflag:s20] =	ssyncset.done $0x0  }
0x38: {  	s21 =	simm.s32 $0x3BC0;
	s19 =	rddreg [dreg:$0x7];
	[sflag:s20] =	ssyncadd.s32 $0xFFFFD800  }
0x39: {  	[tilespmem:s21], [sflag:$0x3] =	stream.linear.gather [hbm4b:s19+s5], $0x2800, $0x38;
	[tilespmem:$0x1A1C0] =	vst v63  }
0x3a: {  	_ =	swait.ge [sflag:s20], $0x2800  }
0x3b: {  	[sflag:s20] =	ssyncset.done $0x0  }
0x3c: {  	[sflag:s20] =	ssyncadd.s32 $0xFFFFD800  }
0x3d: {  	[spmem:s28] =	stream.linear.scatter [tilespmem:s5], [sflag:$0x3], $0x13C0, $0x38;
	[tilespmem:$0x1A1C0] =	vst v63  }
0x3e: {  	_ =	swait.ge [sflag:s20], $0x13C0  }
0x3f: {  	[sflag:s20] =	ssyncset.done $0x0  }
0x40: {  	[sflag:s20] =	ssyncadd.s32 $0xFFFFEC40  }
0x41: {  	[spmem:s8] =	stream.linear.scatter [tilespmem:s5], [sflag:$0x3], $0x13C0, $0x38;
	[tilespmem:$0x1A1C0] =	vst v63  }
0x42: {  	_ =	swait.ge [sflag:s20], $0x13C0  }
0x43: {  	[sflag:s20] =	ssyncset.done $0x0  }
0x44: {  	[sflag:s20] =	ssyncadd.s32 $0xFFFFEC40  }
0x45: {  	[spmem:s9] =	stream.linear.scatter [tilespmem:s5], [sflag:$0x3], $0x13C0, $0x38;
	[tilespmem:$0x1A1C0] =	vst v63  }
0x46: {  	_ =	swait.ge [sflag:s20], $0x13C0  }
0x47: {  	[sflag:s20] =	ssyncset.done $0x0  }
0x48: {  	[sflag:s20] =	ssyncadd.s32 $0xFFFFEC40  }
0x49: {  	[spmem:s10] =	stream.linear.scatter [tilespmem:s5], [sflag:$0x3], $0x13C0, $0x38;
	[tilespmem:$0x1A1C0] =	vst v63  }
0x4a: {  	_ =	swait.ge [sflag:s20], $0x13C0  }
0x4b: {  	[sflag:s20] =	ssyncset.done $0x0  }
0x4c: {  	[sflag:s20] =	ssyncadd.s32 $0xFFFFEC40  }
0x4d: {  	[spmem:s11] =	stream.linear.scatter [tilespmem:s5], [sflag:$0x3], $0x13C0, $0x38;
	[tilespmem:$0x1A1C0] =	vst v63  }
0x4e: {  	_ =	swait.ge [sflag:s20], $0x13C0  }
0x4f: {  	[sflag:s20] =	ssyncset.done $0x0  }
0x50: {  	[sflag:s20] =	ssyncadd.s32 $0xFFFFEC40  }
0x51: {  	[spmem:s12] =	stream.linear.scatter [tilespmem:s5], [sflag:$0x3], $0x13C0, $0x38;
	[tilespmem:$0x1A1C0] =	vst v63  }
0x52: {  	_ =	swait.ge [sflag:s20], $0x13C0  }
0x53: {  	[sflag:s20] =	ssyncset.done $0x0  }
0x54: {  	[sflag:s20] =	ssyncadd.s32 $0xFFFFEC40  }
0x55: {  	[spmem:s13] =	stream.linear.scatter [tilespmem:s5], [sflag:$0x3], $0x13C0, $0x38;
	[tilespmem:$0x1A1C0] =	vst v63  }
0x56: {  	_ =	swait.ge [sflag:s20], $0x13C0  }
0x57: {  	[sflag:s20] =	ssyncset.done $0x0  }
0x58: {  	[sflag:s20] =	ssyncadd.s32 $0xFFFFEC40  }
0x59: {  	[spmem:s14] =	stream.linear.scatter [tilespmem:s5], [sflag:$0x3], $0x13C0, $0x38;
	[tilespmem:$0x1A1C0] =	vst v63  }
0x5a: {  	_ =	swait.ge [sflag:s20], $0x13C0  }
0x5b: {  	[sflag:s20] =	ssyncset.done $0x0  }
0x5c: {  	[sflag:s20] =	ssyncadd.s32 $0xFFFFEC40  }
0x5d: {  	s19 =	simm.s32 $0x13C0;
	[bflag:$0x0] =	sbarrier.arrive $0xFFFF  }
0x5e: {  	[tilespmem:s23], [sflag:$0x1] =	stream.indirect.gather [hbm4b:s4+s22], $0x40, s19, s22, $0xb8;
	[tilespmem:$0x1A1C0] =	vst v63  }
0x5f: {  	s21 =	simm.s32 $0x1440  }
0x60: {  	[tilespmem:s24], [sflag:$0x1] =	stream.indirect.gather [hbm4b:s4+s22], $0x40, s21, s22, $0xb8;
	[tilespmem:$0x1A1C0] =	vst v63  }
0x61: {  	s6 =	simm.s32 $0x14C0  }
0x62: {  	[tilespmem:s25], [sflag:$0x1] =	stream.indirect.gather [hbm4b:s4+s22], $0x40, s6, s22, $0xb8;
	[tilespmem:$0x1A1C0] =	vst v63  }
0x63: {  	s7 =	simm.s32 $0x1540  }
0x64: {  	[tilespmem:s26], [sflag:$0x1] =	stream.indirect.gather [hbm4b:s4+s22], $0x40, s7, s22, $0xb8;
	[tilespmem:$0x1A1C0] =	vst v63  }
0x65: {  	s19 =	simm.s32 $0x15C0  }
0x66: {  	[tilespmem:s29], [sflag:$0x1] =	stream.indirect.gather [hbm4b:s4+s22], $0x40, s19, s22, $0xb8;
	[tilespmem:$0x1A1C0] =	vst v63  }
0x67: {  	_ =	swait.ge [sflag:s30], $0x2000  }
0x68: {  	[sflag:s30] =	ssyncset.done $0x0  }
0x69: {  	[sflag:s30] =	ssyncadd.s32 $0xFFFFE000  }
0x6a: {  	_ =	swait.ge [sflag:s30], $0x2000  }
0x6b: {  	[sflag:s30] =	ssyncset.done $0x0  }
0x6c: {  	[sflag:s30] =	ssyncadd.s32 $0xFFFFE000  }
0x6d: {  	_ =	swait.ge [sflag:s30], $0x2000  }
0x6e: {  	[sflag:s30] =	ssyncset.done $0x0  }
0x6f: {  	[sflag:s30] =	ssyncadd.s32 $0xFFFFE000  }
0x70: {  	_ =	swait.ge [sflag:s30], $0x2000  }
0x71: {  	[sflag:s30] =	ssyncset.done $0x0  }
0x72: {  	[sflag:s30] =	ssyncadd.s32 $0xFFFFE000  }
0x73: {  	_ =	swait.ge [sflag:s30], $0x2000  }
0x74: {  	[sflag:s30] =	ssyncset.done $0x0  }
0x75: {  	s21 =	simm.s32 $0x3BC0;
	[sflag:s30] =	ssyncadd.s32 $0xFFFFE000  }
0x76: {  	[spmem:s1] =	stream.indirect.scatter.add.f32 [tilespmem:s23], [sflag:$0x2], $0x40, s21, s22, $0xb8;
	[tilespmem:$0x1A1C0] =	vst v63  }
0x77: {  	s6 =	simm.s32 $0x3C40  }
0x78: {  	[spmem:s1] =	stream.indirect.scatter.add.f32 [tilespmem:s24], [sflag:$0x2], $0x40, s6, s22, $0xb8;
	[tilespmem:$0x1A1C0] =	vst v63  }
0x79: {  	s7 =	simm.s32 $0x3CC0  }
0x7a: {  	[spmem:s1] =	stream.indirect.scatter.add.f32 [tilespmem:s25], [sflag:$0x2], $0x40, s7, s22, $0xb8;
	[tilespmem:$0x1A1C0] =	vst v63  }
0x7b: {  	s19 =	simm.s32 $0x3D40  }
0x7c: {  	[spmem:s1] =	stream.indirect.scatter.add.f32 [tilespmem:s26], [sflag:$0x2], $0x40, s19, s22, $0xb8;
	[tilespmem:$0x1A1C0] =	vst v63  }
0x7d: {  	s21 =	simm.s32 $0x3DC0  }
0x7e: {  	[spmem:s1] =	stream.indirect.scatter.add.f32 [tilespmem:s29], [sflag:$0x2], $0x40, s21, s22, $0xb8;
	[tilespmem:$0x1A1C0] =	vst v63  }
0x7f: {  	_ =	swait.ge [sflag:s31], $0x2000  }
0x80: {  	[sflag:s31] =	ssyncset.done $0x0  }
0x81: {  	[sflag:s31] =	ssyncadd.s32 $0xFFFFE000  }
0x82: {  	_ =	swait.ge [sflag:s31], $0x2000  }
0x83: {  	[sflag:s31] =	ssyncset.done $0x0  }
0x84: {  	[sflag:s31] =	ssyncadd.s32 $0xFFFFE000  }
0x85: {  	_ =	swait.ge [sflag:s31], $0x2000  }
0x86: {  	[sflag:s31] =	ssyncset.done $0x0  }
0x87: {  	[sflag:s31] =	ssyncadd.s32 $0xFFFFE000  }
0x88: {  	_ =	swait.ge [sflag:s31], $0x2000  }
0x89: {  	[sflag:s31] =	ssyncset.done $0x0  }
0x8a: {  	[sflag:s31] =	ssyncadd.s32 $0xFFFFE000  }
0x8b: {  	_ =	swait.ge [sflag:s31], $0x2000  }
0x8c: {  	s5 =	simm.s32 $0x280;
	s6 =	simm.s32 $0x1400;
	[sflag:s31] =	ssyncset.done $0x0  }
.LBB2_4:
0x8d: {  	s21 =	sadd.s32 $0x13C0, s5  }
0x8e: {  	[sflag:s31] =	ssyncadd.s32 $0xFFFFE000;
	s7 =	smov.u32 s6;
	s19 =	sadd.s32 $0xA00, s6  }
0x8f: {  	[tilespmem:s23], [sflag:$0x1] =	stream.indirect.gather [hbm4b:s4+s22], $0x40, s21, s22, $0xb8;
	[tilespmem:$0x1A1C0] =	vst v63  }
0x90: {  	p0 =	sne.s32 s6, $0x9600;
	s6 =	sadd.s32 $0x1440, s5  }
0x91: {  	[tilespmem:s24], [sflag:$0x1] =	stream.indirect.gather [hbm4b:s4+s22], $0x40, s6, s22, $0xb8;
	[tilespmem:$0x1A1C0] =	vst v63  }
0x92: {  	s6 =	sadd.s32 $0x14C0, s5  }
0x93: {  	[tilespmem:s25], [sflag:$0x1] =	stream.indirect.gather [hbm4b:s4+s22], $0x40, s6, s22, $0xb8;
	[tilespmem:$0x1A1C0] =	vst v63  }
0x94: {  	s6 =	sadd.s32 $0x1540, s5  }
0x95: {  	[tilespmem:s26], [sflag:$0x1] =	stream.indirect.gather [hbm4b:s4+s22], $0x40, s6, s22, $0xb8;
	[tilespmem:$0x1A1C0] =	vst v63  }
0x96: {  	s6 =	sadd.s32 $0x15C0, s5  }
0x97: {  	[tilespmem:s29], [sflag:$0x1] =	stream.indirect.gather [hbm4b:s4+s22], $0x40, s6, s22, $0xb8;
	[tilespmem:$0x1A1C0] =	vst v63  }
0x98: {  	_ =	swait.ge [sflag:s30], $0x2000  }
0x99: {  	[sflag:s30] =	ssyncset.done $0x0  }
0x9a: {  	[sflag:s30] =	ssyncadd.s32 $0xFFFFE000  }
0x9b: {  	_ =	swait.ge [sflag:s30], $0x2000  }
0x9c: {  	[sflag:s30] =	ssyncset.done $0x0  }
0x9d: {  	[sflag:s30] =	ssyncadd.s32 $0xFFFFE000  }
0x9e: {  	_ =	swait.ge [sflag:s30], $0x2000  }
0x9f: {  	[sflag:s30] =	ssyncset.done $0x0  }
0xa0: {  	[sflag:s30] =	ssyncadd.s32 $0xFFFFE000  }
0xa1: {  	_ =	swait.ge [sflag:s30], $0x2000  }
0xa2: {  	[sflag:s30] =	ssyncset.done $0x0  }
0xa3: {  	[sflag:s30] =	ssyncadd.s32 $0xFFFFE000  }
0xa4: {  	_ =	swait.ge [sflag:s30], $0x2000  }
0xa5: {  	[sflag:s30] =	ssyncset.done $0x0  }
0xa6: {  	s6 =	sadd.s32 $0x3BC0, s5;
	[sflag:s30] =	ssyncadd.s32 $0xFFFFE000  }
0xa7: {  	[spmem:s1] =	stream.indirect.scatter.add.f32 [tilespmem:s23], [sflag:$0x2], $0x40, s6, s22, $0xb8;
	[tilespmem:$0x1A1C0] =	vst v63  }
0xa8: {  	s6 =	sadd.s32 $0x3C40, s5  }
0xa9: {  	[spmem:s1] =	stream.indirect.scatter.add.f32 [tilespmem:s24], [sflag:$0x2], $0x40, s6, s22, $0xb8;
	[tilespmem:$0x1A1C0] =	vst v63  }
0xaa: {  	s6 =	sadd.s32 $0x3CC0, s5  }
0xab: {  	[spmem:s1] =	stream.indirect.scatter.add.f32 [tilespmem:s25], [sflag:$0x2], $0x40, s6, s22, $0xb8;
	[tilespmem:$0x1A1C0] =	vst v63  }
0xac: {  	s6 =	sadd.s32 $0x3D40, s5  }
0xad: {  	[spmem:s1] =	stream.indirect.scatter.add.f32 [tilespmem:s26], [sflag:$0x2], $0x40, s6, s22, $0xb8;
	[tilespmem:$0x1A1C0] =	vst v63  }
0xae: {  	s5 =	sadd.s32 $0x3DC0, s5  }
0xaf: {  	[spmem:s1] =	stream.indirect.scatter.add.f32 [tilespmem:s29], [sflag:$0x2], $0x40, s5, s22, $0xb8;
	[tilespmem:$0x1A1C0] =	vst v63  }
0xb0: {  	_ =	swait.ge [sflag:s31], $0x2000  }
0xb1: {  	[sflag:s31] =	ssyncset.done $0x0  }
0xb2: {  	[sflag:s31] =	ssyncadd.s32 $0xFFFFE000  }
0xb3: {  	_ =	swait.ge [sflag:s31], $0x2000  }
0xb4: {  	[sflag:s31] =	ssyncset.done $0x0  }
0xb5: {  	[sflag:s31] =	ssyncadd.s32 $0xFFFFE000  }
0xb6: {  	_ =	swait.ge [sflag:s31], $0x2000  }
0xb7: {  	[sflag:s31] =	ssyncset.done $0x0  }
0xb8: {  	[sflag:s31] =	ssyncadd.s32 $0xFFFFE000  }
.Ltmp1:
0xb9: {  	_ =	swait.ge [sflag:s31], $0x2000;
	(pc) =	sbr.rel @p0 .LBB2_4-.Ltmp1, $4  }
0xba: {  	[sflag:s31] =	ssyncset.done $0x0  }
0xbb: {  	[sflag:s31] =	ssyncadd.s32 $0xFFFFE000  }
0xbc: {  	_ =	swait.ge [sflag:s31], $0x2000  }
0xbd: {  	s6 =	smov.u32 s19;
	s5 =	sshra.s32 s7, $0x2;
	[sflag:s31] =	ssyncset.done $0x0  }
0xbe: {  	s6 =	sadd.s32 $0x13C0, s5;
	[sflag:s31] =	ssyncadd.s32 $0xFFFFE000  }
0xbf: {  	[tilespmem:s23], [sflag:$0x1] =	stream.indirect.gather [hbm4b:s4+s22], $0x40, s6, s22, $0xb8;
	[tilespmem:$0x1A1C0] =	vst v63  }
0xc0: {  	s19 =	sadd.s32 $0x1440, s5  }
0xc1: {  	[tilespmem:s24], [sflag:$0x1] =	stream.indirect.gather [hbm4b:s4+s22], $0x40, s19, s22, $0xb8;
	[tilespmem:$0x1A1C0] =	vst v63  }
0xc2: {  	s21 =	sadd.s32 $0x14C0, s5  }
0xc3: {  	[tilespmem:s25], [sflag:$0x1] =	stream.indirect.gather [hbm4b:s4+s22], $0x40, s21, s22, $0xb8;
	[tilespmem:$0x1A1C0] =	vst v63  }
0xc4: {  	s7 =	sadd.s32 $0x1540, s5  }
0xc5: {  	[tilespmem:s26], [sflag:$0x1] =	stream.indirect.gather [hbm4b:s4+s22], $0x40, s7, s22, $0xb8;
	[tilespmem:$0x1A1C0] =	vst v63  }
0xc6: {  	s19 =	sadd.s32 $0x15C0, s5  }
0xc7: {  	[tilespmem:s29], [sflag:$0x1] =	stream.indirect.gather [hbm4b:s4+s22], $0x40, s19, s22, $0xb8;
	[tilespmem:$0x1A1C0] =	vst v63  }
0xc8: {  	_ =	swait.ge [sflag:s30], $0x2000  }
0xc9: {  	[sflag:s30] =	ssyncset.done $0x0  }
0xca: {  	[sflag:s30] =	ssyncadd.s32 $0xFFFFE000  }
0xcb: {  	_ =	swait.ge [sflag:s30], $0x2000  }
0xcc: {  	[sflag:s30] =	ssyncset.done $0x0  }
0xcd: {  	[sflag:s30] =	ssyncadd.s32 $0xFFFFE000  }
0xce: {  	_ =	swait.ge [sflag:s30], $0x2000  }
0xcf: {  	[sflag:s30] =	ssyncset.done $0x0  }
0xd0: {  	[sflag:s30] =	ssyncadd.s32 $0xFFFFE000  }
0xd1: {  	_ =	swait.ge [sflag:s30], $0x2000  }
0xd2: {  	[sflag:s30] =	ssyncset.done $0x0  }
0xd3: {  	[sflag:s30] =	ssyncadd.s32 $0xFFFFE000  }
0xd4: {  	_ =	swait.ge [sflag:s30], $0x2000  }
0xd5: {  	[sflag:s30] =	ssyncset.done $0x0  }
0xd6: {  	s21 =	sadd.s32 $0x3BC0, s5;
	[sflag:s30] =	ssyncadd.s32 $0xFFFFE000  }
0xd7: {  	[spmem:s1] =	stream.indirect.scatter.add.f32 [tilespmem:s23], [sflag:$0x2], $0x40, s21, s22, $0xb8;
	[tilespmem:$0x1A1C0] =	vst v63  }
0xd8: {  	s7 =	sadd.s32 $0x3C40, s5  }
0xd9: {  	[spmem:s1] =	stream.indirect.scatter.add.f32 [tilespmem:s24], [sflag:$0x2], $0x40, s7, s22, $0xb8;
	[tilespmem:$0x1A1C0] =	vst v63  }
0xda: {  	s19 =	sadd.s32 $0x3CC0, s5  }
0xdb: {  	[spmem:s1] =	stream.indirect.scatter.add.f32 [tilespmem:s25], [sflag:$0x2], $0x40, s19, s22, $0xb8;
	[tilespmem:$0x1A1C0] =	vst v63  }
0xdc: {  	s21 =	sadd.s32 $0x3D40, s5  }
0xdd: {  	[spmem:s1] =	stream.indirect.scatter.add.f32 [tilespmem:s26], [sflag:$0x2], $0x40, s21, s22, $0xb8;
	[tilespmem:$0x1A1C0] =	vst v63  }
0xde: {  	s6 =	sadd.s32 $0x3DC0, s5  }
0xdf: {  	[spmem:s1] =	stream.indirect.scatter.add.f32 [tilespmem:s29], [sflag:$0x2], $0x40, s6, s22, $0xb8;
	[tilespmem:$0x1A1C0] =	vst v63  }
0xe0: {  	_ =	swait.ge [sflag:s31], $0x2000  }
0xe1: {  	[sflag:s31] =	ssyncset.done $0x0  }
0xe2: {  	[sflag:s31] =	ssyncadd.s32 $0xFFFFE000  }
0xe3: {  	_ =	swait.ge [sflag:s31], $0x2000  }
0xe4: {  	[sflag:s31] =	ssyncset.done $0x0  }
0xe5: {  	[sflag:s31] =	ssyncadd.s32 $0xFFFFE000  }
0xe6: {  	_ =	swait.ge [sflag:s31], $0x2000  }
0xe7: {  	[sflag:s31] =	ssyncset.done $0x0  }
0xe8: {  	[sflag:s31] =	ssyncadd.s32 $0xFFFFE000  }
0xe9: {  	_ =	swait.ge [sflag:s31], $0x2000  }
0xea: {  	[sflag:s31] =	ssyncset.done $0x0  }
0xeb: {  	[sflag:s31] =	ssyncadd.s32 $0xFFFFE000  }
0xec: {  	_ =	swait.ge [sflag:s31], $0x2000  }
0xed: {  	[sflag:s31] =	ssyncset.done $0x0  }
0xee: {  	[sflag:s31] =	ssyncadd.s32 $0xFFFFE000  }
0xef: {  	[bflag:$0x0] =	sbarrier.arrive $0xFFFF  }
0xf0: {  	[tilespmem:s23], [sflag:$0x3] =	stream.linear.gather [spmem:s2], $0x2000, $0x38;
	[tilespmem:$0x1A1C0] =	vst v63  }
0xf1: {  	_ =	swait.ge [sflag:s20], $0x2000  }
0xf2: {  	[sflag:s20] =	ssyncset.done $0x0  }
0xf3: {  	s5 =	simm.s32 $0x0;
	s7 =	rddreg [dreg:$0x3];
	[sflag:s20] =	ssyncadd.s32 $0xFFFFE000  }
0xf4: {  	[hbm4b:s7+s5] =	stream.linear.scatter [tilespmem:s23], [sflag:$0x3], $0x2000, $0x38;
	[tilespmem:$0x1A1C0] =	vst v63  }
0xf5: {  	_ =	swait.ge [sflag:s20], $0x2000  }
0xf6: {  	[sflag:s20] =	ssyncset.done $0x0  }
0xf7: {  	[sflag:s20] =	ssyncadd.s32 $0xFFFFE000  }
0xf8: {  	[tilespmem:s23], [sflag:$0x3] =	stream.linear.gather [spmem:s15], $0x2000, $0x38;
	[tilespmem:$0x1A1C0] =	vst v63  }
0xf9: {  	_ =	swait.ge [sflag:s20], $0x2000  }
0xfa: {  	[sflag:s20] =	ssyncset.done $0x0  }
0xfb: {  	s19 =	rddreg [dreg:$0x5];
	[sflag:s20] =	ssyncadd.s32 $0xFFFFE000  }
0xfc: {  	[hbm4b:s19+s5] =	stream.linear.scatter [tilespmem:s23], [sflag:$0x3], $0x2000, $0x38;
	[tilespmem:$0x1A1C0] =	vst v63  }
0xfd: {  	_ =	swait.ge [sflag:s20], $0x2000  }
0xfe: {  	[sflag:s20] =	ssyncset.done $0x0  }
0xff: {  	[sflag:s20] =	ssyncadd.s32 $0xFFFFE000  }
0x100: {  	[tilespmem:s23], [sflag:$0x3] =	stream.linear.gather [spmem:s16], $0x2000, $0x38;
	[tilespmem:$0x1A1C0] =	vst v63  }
0x101: {  	_ =	swait.ge [sflag:s20], $0x2000  }
0x102: {  	[sflag:s20] =	ssyncset.done $0x0  }
0x103: {  	s21 =	rddreg [dreg:$0x6];
	[sflag:s20] =	ssyncadd.s32 $0xFFFFE000  }
0x104: {  	[hbm4b:s21+s5] =	stream.linear.scatter [tilespmem:s23], [sflag:$0x3], $0x2000, $0x38;
	[tilespmem:$0x1A1C0] =	vst v63  }
0x105: {  	_ =	swait.ge [sflag:s20], $0x2000  }
0x106: {  	[sflag:s20] =	ssyncset.done $0x0  }
0x107: {  	[sflag:s20] =	ssyncadd.s32 $0xFFFFE000  }
0x108: {  	[tilespmem:s23], [sflag:$0x3] =	stream.linear.gather [spmem:s17], $0x2000, $0x38;
	[tilespmem:$0x1A1C0] =	vst v63  }
0x109: {  	_ =	swait.ge [sflag:s20], $0x2000  }
0x10a: {  	[sflag:s20] =	ssyncset.done $0x0  }
0x10b: {  	s7 =	rddreg [dreg:$0x8];
	[sflag:s20] =	ssyncadd.s32 $0xFFFFE000  }
0x10c: {  	[hbm4b:s7+s5] =	stream.linear.scatter [tilespmem:s23], [sflag:$0x3], $0x2000, $0x38;
	[tilespmem:$0x1A1C0] =	vst v63  }
0x10d: {  	_ =	swait.ge [sflag:s20], $0x2000  }
0x10e: {  	[sflag:s20] =	ssyncset.done $0x0  }
0x10f: {  	[sflag:s20] =	ssyncadd.s32 $0xFFFFE000  }
0x110: {  	[tilespmem:s23], [sflag:$0x3] =	stream.linear.gather [spmem:s18], $0x1C40, $0x38;
	[tilespmem:$0x1A1C0] =	vst v63  }
0x111: {  	_ =	swait.ge [sflag:s20], $0x1C40  }
0x112: {  	[sflag:s20] =	ssyncset.done $0x0  }
0x113: {  	s19 =	rddreg [dreg:$0x9];
	[sflag:s20] =	ssyncadd.s32 $0xFFFFE3C0  }
0x114: {  	[hbm4b:s19+s5] =	stream.linear.scatter [tilespmem:s23], [sflag:$0x3], $0x1C40, $0x38;
	[tilespmem:$0x1A1C0] =	vst v63  }
0x115: {  	_ =	swait.ge [sflag:s20], $0x1C40  }
0x116: {  	[sflag:s20] =	ssyncset.done $0x0  }
0x117: {  	[sflag:s20] =	ssyncadd.s32 $0xFFFFE3C0  }
0x118: {  	[bflag:$0x0] =	sbarrier.arrive $0xFFFF  }
0x119: {  	s7 =	simm.s32 $0x13C0;
	s21 =	rddreg [dreg:$0xb]  }
0x11a: {  	[tilespmem:s7], [sflag:$0x3] =	stream.linear.gather [hbm4b:s21+s5], $0x2800, $0x38;
	[tilespmem:$0x1A1C0] =	vst v63  }
0x11b: {  	_ =	swait.ge [sflag:s20], $0x2800  }
0x11c: {  	[sflag:s20] =	ssyncset.done $0x0  }
0x11d: {  	s21 =	simm.s32 $0x3BC0;
	s19 =	rddreg [dreg:$0xe];
	[sflag:s20] =	ssyncadd.s32 $0xFFFFD800  }
0x11e: {  	[tilespmem:s21], [sflag:$0x3] =	stream.linear.gather [hbm4b:s19+s5], $0x2800, $0x38;
	[tilespmem:$0x1A1C0] =	vst v63  }
0x11f: {  	_ =	swait.ge [sflag:s20], $0x2800  }
0x120: {  	[sflag:s20] =	ssyncset.done $0x0  }
0x121: {  	[sflag:s20] =	ssyncadd.s32 $0xFFFFD800  }
0x122: {  	[spmem:s28] =	stream.linear.scatter [tilespmem:s5], [sflag:$0x3], $0x13C0, $0x38;
	[tilespmem:$0x1A1C0] =	vst v63  }
0x123: {  	_ =	swait.ge [sflag:s20], $0x13C0  }
0x124: {  	[sflag:s20] =	ssyncset.done $0x0  }
0x125: {  	[sflag:s20] =	ssyncadd.s32 $0xFFFFEC40  }
0x126: {  	[spmem:s8] =	stream.linear.scatter [tilespmem:s5], [sflag:$0x3], $0x13C0, $0x38;
	[tilespmem:$0x1A1C0] =	vst v63  }
0x127: {  	_ =	swait.ge [sflag:s20], $0x13C0  }
0x128: {  	[sflag:s20] =	ssyncset.done $0x0  }
0x129: {  	[sflag:s20] =	ssyncadd.s32 $0xFFFFEC40  }
0x12a: {  	[spmem:s9] =	stream.linear.scatter [tilespmem:s5], [sflag:$0x3], $0x13C0, $0x38;
	[tilespmem:$0x1A1C0] =	vst v63  }
0x12b: {  	_ =	swait.ge [sflag:s20], $0x13C0  }
0x12c: {  	[sflag:s20] =	ssyncset.done $0x0  }
0x12d: {  	[sflag:s20] =	ssyncadd.s32 $0xFFFFEC40  }
0x12e: {  	[spmem:s10] =	stream.linear.scatter [tilespmem:s5], [sflag:$0x3], $0x13C0, $0x38;
	[tilespmem:$0x1A1C0] =	vst v63  }
0x12f: {  	_ =	swait.ge [sflag:s20], $0x13C0  }
0x130: {  	[sflag:s20] =	ssyncset.done $0x0  }
0x131: {  	[sflag:s20] =	ssyncadd.s32 $0xFFFFEC40  }
0x132: {  	[spmem:s11] =	stream.linear.scatter [tilespmem:s5], [sflag:$0x3], $0x13C0, $0x38;
	[tilespmem:$0x1A1C0] =	vst v63  }
0x133: {  	_ =	swait.ge [sflag:s20], $0x13C0  }
0x134: {  	[sflag:s20] =	ssyncset.done $0x0  }
0x135: {  	[sflag:s20] =	ssyncadd.s32 $0xFFFFEC40  }
0x136: {  	[spmem:s12] =	stream.linear.scatter [tilespmem:s5], [sflag:$0x3], $0x13C0, $0x38;
	[tilespmem:$0x1A1C0] =	vst v63  }
0x137: {  	_ =	swait.ge [sflag:s20], $0x13C0  }
0x138: {  	[sflag:s20] =	ssyncset.done $0x0  }
0x139: {  	[sflag:s20] =	ssyncadd.s32 $0xFFFFEC40  }
0x13a: {  	[spmem:s13] =	stream.linear.scatter [tilespmem:s5], [sflag:$0x3], $0x13C0, $0x38;
	[tilespmem:$0x1A1C0] =	vst v63  }
0x13b: {  	_ =	swait.ge [sflag:s20], $0x13C0  }
0x13c: {  	[sflag:s20] =	ssyncset.done $0x0  }
0x13d: {  	[sflag:s20] =	ssyncadd.s32 $0xFFFFEC40  }
0x13e: {  	[spmem:s14] =	stream.linear.scatter [tilespmem:s5], [sflag:$0x3], $0x13C0, $0x38;
	[tilespmem:$0x1A1C0] =	vst v63  }
0x13f: {  	_ =	swait.ge [sflag:s20], $0x13C0  }
0x140: {  	[sflag:s20] =	ssyncset.done $0x0  }
0x141: {  	[sflag:s20] =	ssyncadd.s32 $0xFFFFEC40  }
0x142: {  	s19 =	simm.s32 $0x13C0;
	[bflag:$0x0] =	sbarrier.arrive $0xFFFF  }
0x143: {  	[tilespmem:s23], [sflag:$0x1] =	stream.indirect.gather [hbm4b:s4+s22], $0x40, s19, s22, $0xb8;
	[tilespmem:$0x1A1C0] =	vst v63  }
0x144: {  	s21 =	simm.s32 $0x1440  }
0x145: {  	[tilespmem:s24], [sflag:$0x1] =	stream.indirect.gather [hbm4b:s4+s22], $0x40, s21, s22, $0xb8;
	[tilespmem:$0x1A1C0] =	vst v63  }
0x146: {  	s6 =	simm.s32 $0x14C0  }
0x147: {  	[tilespmem:s25], [sflag:$0x1] =	stream.indirect.gather [hbm4b:s4+s22], $0x40, s6, s22, $0xb8;
	[tilespmem:$0x1A1C0] =	vst v63  }
0x148: {  	s7 =	simm.s32 $0x1540  }
0x149: {  	[tilespmem:s26], [sflag:$0x1] =	stream.indirect.gather [hbm4b:s4+s22], $0x40, s7, s22, $0xb8;
	[tilespmem:$0x1A1C0] =	vst v63  }
0x14a: {  	s19 =	simm.s32 $0x15C0  }
0x14b: {  	[tilespmem:s29], [sflag:$0x1] =	stream.indirect.gather [hbm4b:s4+s22], $0x40, s19, s22, $0xb8;
	[tilespmem:$0x1A1C0] =	vst v63  }
0x14c: {  	_ =	swait.ge [sflag:s30], $0x2000  }
0x14d: {  	[sflag:s30] =	ssyncset.done $0x0  }
0x14e: {  	[sflag:s30] =	ssyncadd.s32 $0xFFFFE000  }
0x14f: {  	_ =	swait.ge [sflag:s30], $0x2000  }
0x150: {  	[sflag:s30] =	ssyncset.done $0x0  }
0x151: {  	[sflag:s30] =	ssyncadd.s32 $0xFFFFE000  }
0x152: {  	_ =	swait.ge [sflag:s30], $0x2000  }
0x153: {  	[sflag:s30] =	ssyncset.done $0x0  }
0x154: {  	[sflag:s30] =	ssyncadd.s32 $0xFFFFE000  }
0x155: {  	_ =	swait.ge [sflag:s30], $0x2000  }
0x156: {  	[sflag:s30] =	ssyncset.done $0x0  }
0x157: {  	[sflag:s30] =	ssyncadd.s32 $0xFFFFE000  }
0x158: {  	_ =	swait.ge [sflag:s30], $0x2000  }
0x159: {  	[sflag:s30] =	ssyncset.done $0x0  }
0x15a: {  	s21 =	simm.s32 $0x3BC0;
	[sflag:s30] =	ssyncadd.s32 $0xFFFFE000  }
0x15b: {  	[spmem:s1] =	stream.indirect.scatter.add.f32 [tilespmem:s23], [sflag:$0x2], $0x40, s21, s22, $0xb8;
	[tilespmem:$0x1A1C0] =	vst v63  }
0x15c: {  	s6 =	simm.s32 $0x3C40  }
0x15d: {  	[spmem:s1] =	stream.indirect.scatter.add.f32 [tilespmem:s24], [sflag:$0x2], $0x40, s6, s22, $0xb8;
	[tilespmem:$0x1A1C0] =	vst v63  }
0x15e: {  	s7 =	simm.s32 $0x3CC0  }
0x15f: {  	[spmem:s1] =	stream.indirect.scatter.add.f32 [tilespmem:s25], [sflag:$0x2], $0x40, s7, s22, $0xb8;
	[tilespmem:$0x1A1C0] =	vst v63  }
0x160: {  	s19 =	simm.s32 $0x3D40  }
0x161: {  	[spmem:s1] =	stream.indirect.scatter.add.f32 [tilespmem:s26], [sflag:$0x2], $0x40, s19, s22, $0xb8;
	[tilespmem:$0x1A1C0] =	vst v63  }
0x162: {  	s21 =	simm.s32 $0x3DC0  }
0x163: {  	[spmem:s1] =	stream.indirect.scatter.add.f32 [tilespmem:s29], [sflag:$0x2], $0x40, s21, s22, $0xb8;
	[tilespmem:$0x1A1C0] =	vst v63  }
0x164: {  	_ =	swait.ge [sflag:s31], $0x2000  }
0x165: {  	[sflag:s31] =	ssyncset.done $0x0  }
0x166: {  	[sflag:s31] =	ssyncadd.s32 $0xFFFFE000  }
0x167: {  	_ =	swait.ge [sflag:s31], $0x2000  }
0x168: {  	[sflag:s31] =	ssyncset.done $0x0  }
0x169: {  	[sflag:s31] =	ssyncadd.s32 $0xFFFFE000  }
0x16a: {  	_ =	swait.ge [sflag:s31], $0x2000  }
0x16b: {  	[sflag:s31] =	ssyncset.done $0x0  }
0x16c: {  	[sflag:s31] =	ssyncadd.s32 $0xFFFFE000  }
0x16d: {  	_ =	swait.ge [sflag:s31], $0x2000  }
0x16e: {  	[sflag:s31] =	ssyncset.done $0x0  }
0x16f: {  	[sflag:s31] =	ssyncadd.s32 $0xFFFFE000  }
0x170: {  	_ =	swait.ge [sflag:s31], $0x2000  }
0x171: {  	s5 =	simm.s32 $0x280;
	s19 =	simm.s32 $0x1400;
	[sflag:s31] =	ssyncset.done $0x0  }
.LBB2_6:
0x172: {  	s21 =	sadd.s32 $0x13C0, s5  }
0x173: {  	[sflag:s31] =	ssyncadd.s32 $0xFFFFE000;
	s7 =	smov.u32 s19;
	s6 =	sadd.s32 $0xA00, s19  }
0x174: {  	[tilespmem:s23], [sflag:$0x1] =	stream.indirect.gather [hbm4b:s4+s22], $0x40, s21, s22, $0xb8;
	[tilespmem:$0x1A1C0] =	vst v63  }
0x175: {  	p0 =	sne.s32 s19, $0x9600;
	s19 =	sadd.s32 $0x1440, s5  }
0x176: {  	[tilespmem:s24], [sflag:$0x1] =	stream.indirect.gather [hbm4b:s4+s22], $0x40, s19, s22, $0xb8;
	[tilespmem:$0x1A1C0] =	vst v63  }
0x177: {  	s19 =	sadd.s32 $0x14C0, s5  }
0x178: {  	[tilespmem:s25], [sflag:$0x1] =	stream.indirect.gather [hbm4b:s4+s22], $0x40, s19, s22, $0xb8;
	[tilespmem:$0x1A1C0] =	vst v63  }
0x179: {  	s19 =	sadd.s32 $0x1540, s5  }
0x17a: {  	[tilespmem:s26], [sflag:$0x1] =	stream.indirect.gather [hbm4b:s4+s22], $0x40, s19, s22, $0xb8;
	[tilespmem:$0x1A1C0] =	vst v63  }
0x17b: {  	s19 =	sadd.s32 $0x15C0, s5  }
0x17c: {  	[tilespmem:s29], [sflag:$0x1] =	stream.indirect.gather [hbm4b:s4+s22], $0x40, s19, s22, $0xb8;
	[tilespmem:$0x1A1C0] =	vst v63  }
0x17d: {  	_ =	swait.ge [sflag:s30], $0x2000  }
0x17e: {  	[sflag:s30] =	ssyncset.done $0x0  }
0x17f: {  	[sflag:s30] =	ssyncadd.s32 $0xFFFFE000  }
0x180: {  	_ =	swait.ge [sflag:s30], $0x2000  }
0x181: {  	[sflag:s30] =	ssyncset.done $0x0  }
0x182: {  	[sflag:s30] =	ssyncadd.s32 $0xFFFFE000  }
0x183: {  	_ =	swait.ge [sflag:s30], $0x2000  }
0x184: {  	[sflag:s30] =	ssyncset.done $0x0  }
0x185: {  	[sflag:s30] =	ssyncadd.s32 $0xFFFFE000  }
0x186: {  	_ =	swait.ge [sflag:s30], $0x2000  }
0x187: {  	[sflag:s30] =	ssyncset.done $0x0  }
0x188: {  	[sflag:s30] =	ssyncadd.s32 $0xFFFFE000  }
0x189: {  	_ =	swait.ge [sflag:s30], $0x2000  }
0x18a: {  	[sflag:s30] =	ssyncset.done $0x0  }
0x18b: {  	s19 =	sadd.s32 $0x3BC0, s5;
	[sflag:s30] =	ssyncadd.s32 $0xFFFFE000  }
0x18c: {  	[spmem:s1] =	stream.indirect.scatter.add.f32 [tilespmem:s23], [sflag:$0x2], $0x40, s19, s22, $0xb8;
	[tilespmem:$0x1A1C0] =	vst v63  }
0x18d: {  	s19 =	sadd.s32 $0x3C40, s5  }
0x18e: {  	[spmem:s1] =	stream.indirect.scatter.add.f32 [tilespmem:s24], [sflag:$0x2], $0x40, s19, s22, $0xb8;
	[tilespmem:$0x1A1C0] =	vst v63  }
0x18f: {  	s19 =	sadd.s32 $0x3CC0, s5  }
0x190: {  	[spmem:s1] =	stream.indirect.scatter.add.f32 [tilespmem:s25], [sflag:$0x2], $0x40, s19, s22, $0xb8;
	[tilespmem:$0x1A1C0] =	vst v63  }
0x191: {  	s19 =	sadd.s32 $0x3D40, s5  }
0x192: {  	[spmem:s1] =	stream.indirect.scatter.add.f32 [tilespmem:s26], [sflag:$0x2], $0x40, s19, s22, $0xb8;
	[tilespmem:$0x1A1C0] =	vst v63  }
0x193: {  	s5 =	sadd.s32 $0x3DC0, s5  }
0x194: {  	[spmem:s1] =	stream.indirect.scatter.add.f32 [tilespmem:s29], [sflag:$0x2], $0x40, s5, s22, $0xb8;
	[tilespmem:$0x1A1C0] =	vst v63  }
0x195: {  	_ =	swait.ge [sflag:s31], $0x2000  }
0x196: {  	[sflag:s31] =	ssyncset.done $0x0  }
0x197: {  	[sflag:s31] =	ssyncadd.s32 $0xFFFFE000  }
0x198: {  	_ =	swait.ge [sflag:s31], $0x2000  }
0x199: {  	[sflag:s31] =	ssyncset.done $0x0  }
0x19a: {  	[sflag:s31] =	ssyncadd.s32 $0xFFFFE000  }
0x19b: {  	_ =	swait.ge [sflag:s31], $0x2000  }
0x19c: {  	[sflag:s31] =	ssyncset.done $0x0  }
0x19d: {  	[sflag:s31] =	ssyncadd.s32 $0xFFFFE000  }
.Ltmp2:
0x19e: {  	_ =	swait.ge [sflag:s31], $0x2000;
	(pc) =	sbr.rel @p0 .LBB2_6-.Ltmp2, $4  }
0x19f: {  	[sflag:s31] =	ssyncset.done $0x0  }
0x1a0: {  	[sflag:s31] =	ssyncadd.s32 $0xFFFFE000  }
0x1a1: {  	_ =	swait.ge [sflag:s31], $0x2000  }
0x1a2: {  	s19 =	smov.u32 s6;
	s5 =	sshra.s32 s7, $0x2;
	[sflag:s31] =	ssyncset.done $0x0  }
0x1a3: {  	s6 =	sadd.s32 $0x13C0, s5;
	[sflag:s31] =	ssyncadd.s32 $0xFFFFE000  }
0x1a4: {  	[tilespmem:s23], [sflag:$0x1] =	stream.indirect.gather [hbm4b:s4+s22], $0x40, s6, s22, $0xb8;
	[tilespmem:$0x1A1C0] =	vst v63  }
0x1a5: {  	s19 =	sadd.s32 $0x1440, s5  }
0x1a6: {  	[tilespmem:s24], [sflag:$0x1] =	stream.indirect.gather [hbm4b:s4+s22], $0x40, s19, s22, $0xb8;
	[tilespmem:$0x1A1C0] =	vst v63  }
0x1a7: {  	s21 =	sadd.s32 $0x14C0, s5  }
0x1a8: {  	[tilespmem:s25], [sflag:$0x1] =	stream.indirect.gather [hbm4b:s4+s22], $0x40, s21, s22, $0xb8;
	[tilespmem:$0x1A1C0] =	vst v63  }
0x1a9: {  	s7 =	sadd.s32 $0x1540, s5  }
0x1aa: {  	[tilespmem:s26], [sflag:$0x1] =	stream.indirect.gather [hbm4b:s4+s22], $0x40, s7, s22, $0xb8;
	[tilespmem:$0x1A1C0] =	vst v63  }
0x1ab: {  	s19 =	sadd.s32 $0x15C0, s5  }
0x1ac: {  	[tilespmem:s29], [sflag:$0x1] =	stream.indirect.gather [hbm4b:s4+s22], $0x40, s19, s22, $0xb8;
	[tilespmem:$0x1A1C0] =	vst v63  }
0x1ad: {  	_ =	swait.ge [sflag:s30], $0x2000  }
0x1ae: {  	[sflag:s30] =	ssyncset.done $0x0  }
0x1af: {  	[sflag:s30] =	ssyncadd.s32 $0xFFFFE000  }
0x1b0: {  	_ =	swait.ge [sflag:s30], $0x2000  }
0x1b1: {  	[sflag:s30] =	ssyncset.done $0x0  }
0x1b2: {  	[sflag:s30] =	ssyncadd.s32 $0xFFFFE000  }
0x1b3: {  	_ =	swait.ge [sflag:s30], $0x2000  }
0x1b4: {  	[sflag:s30] =	ssyncset.done $0x0  }
0x1b5: {  	[sflag:s30] =	ssyncadd.s32 $0xFFFFE000  }
0x1b6: {  	_ =	swait.ge [sflag:s30], $0x2000  }
0x1b7: {  	[sflag:s30] =	ssyncset.done $0x0  }
0x1b8: {  	[sflag:s30] =	ssyncadd.s32 $0xFFFFE000  }
0x1b9: {  	_ =	swait.ge [sflag:s30], $0x2000  }
0x1ba: {  	[sflag:s30] =	ssyncset.done $0x0  }
0x1bb: {  	s21 =	sadd.s32 $0x3BC0, s5;
	[sflag:s30] =	ssyncadd.s32 $0xFFFFE000  }
0x1bc: {  	[spmem:s1] =	stream.indirect.scatter.add.f32 [tilespmem:s23], [sflag:$0x2], $0x40, s21, s22, $0xb8;
	[tilespmem:$0x1A1C0] =	vst v63  }
0x1bd: {  	s7 =	sadd.s32 $0x3C40, s5  }
0x1be: {  	[spmem:s1] =	stream.indirect.scatter.add.f32 [tilespmem:s24], [sflag:$0x2], $0x40, s7, s22, $0xb8;
	[tilespmem:$0x1A1C0] =	vst v63  }
0x1bf: {  	s19 =	sadd.s32 $0x3CC0, s5  }
0x1c0: {  	[spmem:s1] =	stream.indirect.scatter.add.f32 [tilespmem:s25], [sflag:$0x2], $0x40, s19, s22, $0xb8;
	[tilespmem:$0x1A1C0] =	vst v63  }
0x1c1: {  	s21 =	sadd.s32 $0x3D40, s5  }
0x1c2: {  	[spmem:s1] =	stream.indirect.scatter.add.f32 [tilespmem:s26], [sflag:$0x2], $0x40, s21, s22, $0xb8;
	[tilespmem:$0x1A1C0] =	vst v63  }
0x1c3: {  	s6 =	sadd.s32 $0x3DC0, s5  }
0x1c4: {  	[spmem:s1] =	stream.indirect.scatter.add.f32 [tilespmem:s29], [sflag:$0x2], $0x40, s6, s22, $0xb8;
	[tilespmem:$0x1A1C0] =	vst v63  }
0x1c5: {  	_ =	swait.ge [sflag:s31], $0x2000  }
0x1c6: {  	[sflag:s31] =	ssyncset.done $0x0  }
0x1c7: {  	[sflag:s31] =	ssyncadd.s32 $0xFFFFE000  }
0x1c8: {  	_ =	swait.ge [sflag:s31], $0x2000  }
0x1c9: {  	[sflag:s31] =	ssyncset.done $0x0  }
0x1ca: {  	[sflag:s31] =	ssyncadd.s32 $0xFFFFE000  }
0x1cb: {  	_ =	swait.ge [sflag:s31], $0x2000  }
0x1cc: {  	[sflag:s31] =	ssyncset.done $0x0  }
0x1cd: {  	[sflag:s31] =	ssyncadd.s32 $0xFFFFE000  }
0x1ce: {  	_ =	swait.ge [sflag:s31], $0x2000  }
0x1cf: {  	[sflag:s31] =	ssyncset.done $0x0  }
0x1d0: {  	[sflag:s31] =	ssyncadd.s32 $0xFFFFE000  }
0x1d1: {  	_ =	swait.ge [sflag:s31], $0x2000  }
0x1d2: {  	[sflag:s31] =	ssyncset.done $0x0  }
0x1d3: {  	[sflag:s31] =	ssyncadd.s32 $0xFFFFE000  }
0x1d4: {  	[bflag:$0x0] =	sbarrier.arrive $0xFFFF  }
0x1d5: {  	[tilespmem:s23], [sflag:$0x3] =	stream.linear.gather [spmem:s2], $0x2000, $0x38;
	[tilespmem:$0x1A1C0] =	vst v63  }
0x1d6: {  	_ =	swait.ge [sflag:s20], $0x2000  }
0x1d7: {  	[sflag:s20] =	ssyncset.done $0x0  }
0x1d8: {  	s5 =	simm.s32 $0x0;
	s7 =	rddreg [dreg:$0xa];
	[sflag:s20] =	ssyncadd.s32 $0xFFFFE000  }
0x1d9: {  	[hbm4b:s7+s5] =	stream.linear.scatter [tilespmem:s23], [sflag:$0x3], $0x2000, $0x38;
	[tilespmem:$0x1A1C0] =	vst v63  }
0x1da: {  	_ =	swait.ge [sflag:s20], $0x2000  }
0x1db: {  	[sflag:s20] =	ssyncset.done $0x0  }
0x1dc: {  	[sflag:s20] =	ssyncadd.s32 $0xFFFFE000  }
0x1dd: {  	[tilespmem:s23], [sflag:$0x3] =	stream.linear.gather [spmem:s15], $0x2000, $0x38;
	[tilespmem:$0x1A1C0] =	vst v63  }
0x1de: {  	_ =	swait.ge [sflag:s20], $0x2000  }
0x1df: {  	[sflag:s20] =	ssyncset.done $0x0  }
0x1e0: {  	s19 =	rddreg [dreg:$0xc];
	[sflag:s20] =	ssyncadd.s32 $0xFFFFE000  }
0x1e1: {  	[hbm4b:s19+s5] =	stream.linear.scatter [tilespmem:s23], [sflag:$0x3], $0x2000, $0x38;
	[tilespmem:$0x1A1C0] =	vst v63  }
0x1e2: {  	_ =	swait.ge [sflag:s20], $0x2000  }
0x1e3: {  	[sflag:s20] =	ssyncset.done $0x0  }
0x1e4: {  	[sflag:s20] =	ssyncadd.s32 $0xFFFFE000  }
0x1e5: {  	[tilespmem:s23], [sflag:$0x3] =	stream.linear.gather [spmem:s16], $0x2000, $0x38;
	[tilespmem:$0x1A1C0] =	vst v63  }
0x1e6: {  	_ =	swait.ge [sflag:s20], $0x2000  }
0x1e7: {  	[sflag:s20] =	ssyncset.done $0x0  }
0x1e8: {  	s21 =	rddreg [dreg:$0xd];
	[sflag:s20] =	ssyncadd.s32 $0xFFFFE000  }
0x1e9: {  	[hbm4b:s21+s5] =	stream.linear.scatter [tilespmem:s23], [sflag:$0x3], $0x2000, $0x38;
	[tilespmem:$0x1A1C0] =	vst v63  }
0x1ea: {  	_ =	swait.ge [sflag:s20], $0x2000  }
0x1eb: {  	[sflag:s20] =	ssyncset.done $0x0  }
0x1ec: {  	[sflag:s20] =	ssyncadd.s32 $0xFFFFE000  }
0x1ed: {  	[tilespmem:s23], [sflag:$0x3] =	stream.linear.gather [spmem:s17], $0x2000, $0x38;
	[tilespmem:$0x1A1C0] =	vst v63  }
0x1ee: {  	_ =	swait.ge [sflag:s20], $0x2000  }
0x1ef: {  	[sflag:s20] =	ssyncset.done $0x0  }
0x1f0: {  	s7 =	rddreg [dreg:$0xf];
	[sflag:s20] =	ssyncadd.s32 $0xFFFFE000  }
0x1f1: {  	[hbm4b:s7+s5] =	stream.linear.scatter [tilespmem:s23], [sflag:$0x3], $0x2000, $0x38;
	[tilespmem:$0x1A1C0] =	vst v63  }
0x1f2: {  	_ =	swait.ge [sflag:s20], $0x2000  }
0x1f3: {  	[sflag:s20] =	ssyncset.done $0x0  }
0x1f4: {  	[sflag:s20] =	ssyncadd.s32 $0xFFFFE000  }
0x1f5: {  	[tilespmem:s23], [sflag:$0x3] =	stream.linear.gather [spmem:s18], $0x1C40, $0x38;
	[tilespmem:$0x1A1C0] =	vst v63  }
0x1f6: {  	_ =	swait.ge [sflag:s20], $0x1C40  }
0x1f7: {  	[sflag:s20] =	ssyncset.done $0x0  }
0x1f8: {  	s19 =	rddreg [dreg:$0x14];
	[sflag:s20] =	ssyncadd.s32 $0xFFFFE3C0  }
0x1f9: {  	[hbm4b:s19+s5] =	stream.linear.scatter [tilespmem:s23], [sflag:$0x3], $0x1C40, $0x38;
	[tilespmem:$0x1A1C0] =	vst v63  }
0x1fa: {  	_ =	swait.ge [sflag:s20], $0x1C40  }
0x1fb: {  	[sflag:s20] =	ssyncset.done $0x0  }
0x1fc: {  	[sflag:s20] =	ssyncadd.s32 $0xFFFFE3C0  }
0x1fd: {  	[bflag:$0x0] =	sbarrier.arrive $0xFFFF  }
0x1fe: {  	s7 =	simm.s32 $0x13C0;
	s21 =	rddreg [dreg:$0x10]  }
0x1ff: {  	[tilespmem:s7], [sflag:$0x3] =	stream.linear.gather [hbm4b:s21+s5], $0x2800, $0x38;
	[tilespmem:$0x1A1C0] =	vst v63  }
0x200: {  	_ =	swait.ge [sflag:s20], $0x2800  }
0x201: {  	[sflag:s20] =	ssyncset.done $0x0  }
0x202: {  	s21 =	simm.s32 $0x3BC0;
	s19 =	rddreg [dreg:$0x11];
	[sflag:s20] =	ssyncadd.s32 $0xFFFFD800  }
0x203: {  	[tilespmem:s21], [sflag:$0x3] =	stream.linear.gather [hbm4b:s19+s5], $0x2800, $0x38;
	[tilespmem:$0x1A1C0] =	vst v63  }
0x204: {  	_ =	swait.ge [sflag:s20], $0x2800  }
0x205: {  	[sflag:s20] =	ssyncset.done $0x0  }
0x206: {  	[sflag:s20] =	ssyncadd.s32 $0xFFFFD800  }
0x207: {  	[spmem:s28] =	stream.linear.scatter [tilespmem:s5], [sflag:$0x3], $0x13C0, $0x38;
	[tilespmem:$0x1A1C0] =	vst v63  }
0x208: {  	_ =	swait.ge [sflag:s20], $0x13C0  }
0x209: {  	[sflag:s20] =	ssyncset.done $0x0  }
0x20a: {  	[sflag:s20] =	ssyncadd.s32 $0xFFFFEC40  }
0x20b: {  	[spmem:s8] =	stream.linear.scatter [tilespmem:s5], [sflag:$0x3], $0x13C0, $0x38;
	[tilespmem:$0x1A1C0] =	vst v63  }
0x20c: {  	_ =	swait.ge [sflag:s20], $0x13C0  }
0x20d: {  	[sflag:s20] =	ssyncset.done $0x0  }
0x20e: {  	[sflag:s20] =	ssyncadd.s32 $0xFFFFEC40  }
0x20f: {  	[spmem:s9] =	stream.linear.scatter [tilespmem:s5], [sflag:$0x3], $0x13C0, $0x38;
	[tilespmem:$0x1A1C0] =	vst v63  }
0x210: {  	_ =	swait.ge [sflag:s20], $0x13C0  }
0x211: {  	[sflag:s20] =	ssyncset.done $0x0  }
0x212: {  	[sflag:s20] =	ssyncadd.s32 $0xFFFFEC40  }
0x213: {  	[spmem:s10] =	stream.linear.scatter [tilespmem:s5], [sflag:$0x3], $0x13C0, $0x38;
	[tilespmem:$0x1A1C0] =	vst v63  }
0x214: {  	_ =	swait.ge [sflag:s20], $0x13C0  }
0x215: {  	[sflag:s20] =	ssyncset.done $0x0  }
0x216: {  	[sflag:s20] =	ssyncadd.s32 $0xFFFFEC40  }
0x217: {  	[spmem:s11] =	stream.linear.scatter [tilespmem:s5], [sflag:$0x3], $0x13C0, $0x38;
	[tilespmem:$0x1A1C0] =	vst v63  }
0x218: {  	_ =	swait.ge [sflag:s20], $0x13C0  }
0x219: {  	[sflag:s20] =	ssyncset.done $0x0  }
0x21a: {  	[sflag:s20] =	ssyncadd.s32 $0xFFFFEC40  }
0x21b: {  	[spmem:s12] =	stream.linear.scatter [tilespmem:s5], [sflag:$0x3], $0x13C0, $0x38;
	[tilespmem:$0x1A1C0] =	vst v63  }
0x21c: {  	_ =	swait.ge [sflag:s20], $0x13C0  }
0x21d: {  	[sflag:s20] =	ssyncset.done $0x0  }
0x21e: {  	[sflag:s20] =	ssyncadd.s32 $0xFFFFEC40  }
0x21f: {  	[spmem:s13] =	stream.linear.scatter [tilespmem:s5], [sflag:$0x3], $0x13C0, $0x38;
	[tilespmem:$0x1A1C0] =	vst v63  }
0x220: {  	_ =	swait.ge [sflag:s20], $0x13C0  }
0x221: {  	[sflag:s20] =	ssyncset.done $0x0  }
0x222: {  	[sflag:s20] =	ssyncadd.s32 $0xFFFFEC40  }
0x223: {  	[spmem:s14] =	stream.linear.scatter [tilespmem:s5], [sflag:$0x3], $0x13C0, $0x38;
	[tilespmem:$0x1A1C0] =	vst v63  }
0x224: {  	_ =	swait.ge [sflag:s20], $0x13C0  }
0x225: {  	[sflag:s20] =	ssyncset.done $0x0  }
0x226: {  	[sflag:s20] =	ssyncadd.s32 $0xFFFFEC40  }
0x227: {  	s19 =	simm.s32 $0x13C0;
	[bflag:$0x0] =	sbarrier.arrive $0xFFFF  }
0x228: {  	[tilespmem:s23], [sflag:$0x1] =	stream.indirect.gather [hbm4b:s4+s22], $0x40, s19, s22, $0xb8;
	[tilespmem:$0x1A1C0] =	vst v63  }
0x229: {  	s21 =	simm.s32 $0x1440  }
0x22a: {  	[tilespmem:s24], [sflag:$0x1] =	stream.indirect.gather [hbm4b:s4+s22], $0x40, s21, s22, $0xb8;
	[tilespmem:$0x1A1C0] =	vst v63  }
0x22b: {  	s6 =	simm.s32 $0x14C0  }
0x22c: {  	[tilespmem:s25], [sflag:$0x1] =	stream.indirect.gather [hbm4b:s4+s22], $0x40, s6, s22, $0xb8;
	[tilespmem:$0x1A1C0] =	vst v63  }
0x22d: {  	s7 =	simm.s32 $0x1540  }
0x22e: {  	[tilespmem:s26], [sflag:$0x1] =	stream.indirect.gather [hbm4b:s4+s22], $0x40, s7, s22, $0xb8;
	[tilespmem:$0x1A1C0] =	vst v63  }
0x22f: {  	s19 =	simm.s32 $0x15C0  }
0x230: {  	[tilespmem:s29], [sflag:$0x1] =	stream.indirect.gather [hbm4b:s4+s22], $0x40, s19, s22, $0xb8;
	[tilespmem:$0x1A1C0] =	vst v63  }
0x231: {  	_ =	swait.ge [sflag:s30], $0x2000  }
0x232: {  	[sflag:s30] =	ssyncset.done $0x0  }
0x233: {  	[sflag:s30] =	ssyncadd.s32 $0xFFFFE000  }
0x234: {  	_ =	swait.ge [sflag:s30], $0x2000  }
0x235: {  	[sflag:s30] =	ssyncset.done $0x0  }
0x236: {  	[sflag:s30] =	ssyncadd.s32 $0xFFFFE000  }
0x237: {  	_ =	swait.ge [sflag:s30], $0x2000  }
0x238: {  	[sflag:s30] =	ssyncset.done $0x0  }
0x239: {  	[sflag:s30] =	ssyncadd.s32 $0xFFFFE000  }
0x23a: {  	_ =	swait.ge [sflag:s30], $0x2000  }
0x23b: {  	[sflag:s30] =	ssyncset.done $0x0  }
0x23c: {  	[sflag:s30] =	ssyncadd.s32 $0xFFFFE000  }
0x23d: {  	_ =	swait.ge [sflag:s30], $0x2000  }
0x23e: {  	[sflag:s30] =	ssyncset.done $0x0  }
0x23f: {  	s21 =	simm.s32 $0x3BC0;
	[sflag:s30] =	ssyncadd.s32 $0xFFFFE000  }
0x240: {  	[spmem:s1] =	stream.indirect.scatter.add.f32 [tilespmem:s23], [sflag:$0x2], $0x40, s21, s22, $0xb8;
	[tilespmem:$0x1A1C0] =	vst v63  }
0x241: {  	s6 =	simm.s32 $0x3C40  }
0x242: {  	[spmem:s1] =	stream.indirect.scatter.add.f32 [tilespmem:s24], [sflag:$0x2], $0x40, s6, s22, $0xb8;
	[tilespmem:$0x1A1C0] =	vst v63  }
0x243: {  	s7 =	simm.s32 $0x3CC0  }
0x244: {  	[spmem:s1] =	stream.indirect.scatter.add.f32 [tilespmem:s25], [sflag:$0x2], $0x40, s7, s22, $0xb8;
	[tilespmem:$0x1A1C0] =	vst v63  }
0x245: {  	s19 =	simm.s32 $0x3D40  }
0x246: {  	[spmem:s1] =	stream.indirect.scatter.add.f32 [tilespmem:s26], [sflag:$0x2], $0x40, s19, s22, $0xb8;
	[tilespmem:$0x1A1C0] =	vst v63  }
0x247: {  	s21 =	simm.s32 $0x3DC0  }
0x248: {  	[spmem:s1] =	stream.indirect.scatter.add.f32 [tilespmem:s29], [sflag:$0x2], $0x40, s21, s22, $0xb8;
	[tilespmem:$0x1A1C0] =	vst v63  }
0x249: {  	_ =	swait.ge [sflag:s31], $0x2000  }
0x24a: {  	[sflag:s31] =	ssyncset.done $0x0  }
0x24b: {  	[sflag:s31] =	ssyncadd.s32 $0xFFFFE000  }
0x24c: {  	_ =	swait.ge [sflag:s31], $0x2000  }
0x24d: {  	[sflag:s31] =	ssyncset.done $0x0  }
0x24e: {  	[sflag:s31] =	ssyncadd.s32 $0xFFFFE000  }
0x24f: {  	_ =	swait.ge [sflag:s31], $0x2000  }
0x250: {  	[sflag:s31] =	ssyncset.done $0x0  }
0x251: {  	[sflag:s31] =	ssyncadd.s32 $0xFFFFE000  }
0x252: {  	_ =	swait.ge [sflag:s31], $0x2000  }
0x253: {  	[sflag:s31] =	ssyncset.done $0x0  }
0x254: {  	[sflag:s31] =	ssyncadd.s32 $0xFFFFE000  }
0x255: {  	_ =	swait.ge [sflag:s31], $0x2000  }
0x256: {  	s5 =	simm.s32 $0x280;
	s19 =	simm.s32 $0x1400;
	[sflag:s31] =	ssyncset.done $0x0  }
.LBB2_8:
0x257: {  	s21 =	sadd.s32 $0x13C0, s5  }
0x258: {  	[sflag:s31] =	ssyncadd.s32 $0xFFFFE000;
	s7 =	smov.u32 s19;
	s6 =	sadd.s32 $0xA00, s19  }
0x259: {  	[tilespmem:s23], [sflag:$0x1] =	stream.indirect.gather [hbm4b:s4+s22], $0x40, s21, s22, $0xb8;
	[tilespmem:$0x1A1C0] =	vst v63  }
0x25a: {  	p0 =	sne.s32 s19, $0x9600;
	s19 =	sadd.s32 $0x1440, s5  }
0x25b: {  	[tilespmem:s24], [sflag:$0x1] =	stream.indirect.gather [hbm4b:s4+s22], $0x40, s19, s22, $0xb8;
	[tilespmem:$0x1A1C0] =	vst v63  }
0x25c: {  	s19 =	sadd.s32 $0x14C0, s5  }
0x25d: {  	[tilespmem:s25], [sflag:$0x1] =	stream.indirect.gather [hbm4b:s4+s22], $0x40, s19, s22, $0xb8;
	[tilespmem:$0x1A1C0] =	vst v63  }
0x25e: {  	s19 =	sadd.s32 $0x1540, s5  }
0x25f: {  	[tilespmem:s26], [sflag:$0x1] =	stream.indirect.gather [hbm4b:s4+s22], $0x40, s19, s22, $0xb8;
	[tilespmem:$0x1A1C0] =	vst v63  }
0x260: {  	s19 =	sadd.s32 $0x15C0, s5  }
0x261: {  	[tilespmem:s29], [sflag:$0x1] =	stream.indirect.gather [hbm4b:s4+s22], $0x40, s19, s22, $0xb8;
	[tilespmem:$0x1A1C0] =	vst v63  }
0x262: {  	_ =	swait.ge [sflag:s30], $0x2000  }
0x263: {  	[sflag:s30] =	ssyncset.done $0x0  }
0x264: {  	[sflag:s30] =	ssyncadd.s32 $0xFFFFE000  }
0x265: {  	_ =	swait.ge [sflag:s30], $0x2000  }
0x266: {  	[sflag:s30] =	ssyncset.done $0x0  }
0x267: {  	[sflag:s30] =	ssyncadd.s32 $0xFFFFE000  }
0x268: {  	_ =	swait.ge [sflag:s30], $0x2000  }
0x269: {  	[sflag:s30] =	ssyncset.done $0x0  }
0x26a: {  	[sflag:s30] =	ssyncadd.s32 $0xFFFFE000  }
0x26b: {  	_ =	swait.ge [sflag:s30], $0x2000  }
0x26c: {  	[sflag:s30] =	ssyncset.done $0x0  }
0x26d: {  	[sflag:s30] =	ssyncadd.s32 $0xFFFFE000  }
0x26e: {  	_ =	swait.ge [sflag:s30], $0x2000  }
0x26f: {  	[sflag:s30] =	ssyncset.done $0x0  }
0x270: {  	s19 =	sadd.s32 $0x3BC0, s5;
	[sflag:s30] =	ssyncadd.s32 $0xFFFFE000  }
0x271: {  	[spmem:s1] =	stream.indirect.scatter.add.f32 [tilespmem:s23], [sflag:$0x2], $0x40, s19, s22, $0xb8;
	[tilespmem:$0x1A1C0] =	vst v63  }
0x272: {  	s19 =	sadd.s32 $0x3C40, s5  }
0x273: {  	[spmem:s1] =	stream.indirect.scatter.add.f32 [tilespmem:s24], [sflag:$0x2], $0x40, s19, s22, $0xb8;
	[tilespmem:$0x1A1C0] =	vst v63  }
0x274: {  	s19 =	sadd.s32 $0x3CC0, s5  }
0x275: {  	[spmem:s1] =	stream.indirect.scatter.add.f32 [tilespmem:s25], [sflag:$0x2], $0x40, s19, s22, $0xb8;
	[tilespmem:$0x1A1C0] =	vst v63  }
0x276: {  	s19 =	sadd.s32 $0x3D40, s5  }
0x277: {  	[spmem:s1] =	stream.indirect.scatter.add.f32 [tilespmem:s26], [sflag:$0x2], $0x40, s19, s22, $0xb8;
	[tilespmem:$0x1A1C0] =	vst v63  }
0x278: {  	s5 =	sadd.s32 $0x3DC0, s5  }
0x279: {  	[spmem:s1] =	stream.indirect.scatter.add.f32 [tilespmem:s29], [sflag:$0x2], $0x40, s5, s22, $0xb8;
	[tilespmem:$0x1A1C0] =	vst v63  }
0x27a: {  	_ =	swait.ge [sflag:s31], $0x2000  }
0x27b: {  	[sflag:s31] =	ssyncset.done $0x0  }
0x27c: {  	[sflag:s31] =	ssyncadd.s32 $0xFFFFE000  }
0x27d: {  	_ =	swait.ge [sflag:s31], $0x2000  }
0x27e: {  	[sflag:s31] =	ssyncset.done $0x0  }
0x27f: {  	[sflag:s31] =	ssyncadd.s32 $0xFFFFE000  }
0x280: {  	_ =	swait.ge [sflag:s31], $0x2000  }
0x281: {  	[sflag:s31] =	ssyncset.done $0x0  }
0x282: {  	[sflag:s31] =	ssyncadd.s32 $0xFFFFE000  }
.Ltmp3:
0x283: {  	_ =	swait.ge [sflag:s31], $0x2000;
	(pc) =	sbr.rel @p0 .LBB2_8-.Ltmp3, $4  }
0x284: {  	[sflag:s31] =	ssyncset.done $0x0  }
0x285: {  	[sflag:s31] =	ssyncadd.s32 $0xFFFFE000  }
0x286: {  	_ =	swait.ge [sflag:s31], $0x2000  }
0x287: {  	s19 =	smov.u32 s6;
	s5 =	sshra.s32 s7, $0x2;
	[sflag:s31] =	ssyncset.done $0x0  }
0x288: {  	s6 =	sadd.s32 $0x13C0, s5;
	[sflag:s31] =	ssyncadd.s32 $0xFFFFE000  }
0x289: {  	[tilespmem:s23], [sflag:$0x1] =	stream.indirect.gather [hbm4b:s4+s22], $0x40, s6, s22, $0xb8;
	[tilespmem:$0x1A1C0] =	vst v63  }
0x28a: {  	s19 =	sadd.s32 $0x1440, s5  }
0x28b: {  	[tilespmem:s24], [sflag:$0x1] =	stream.indirect.gather [hbm4b:s4+s22], $0x40, s19, s22, $0xb8;
	[tilespmem:$0x1A1C0] =	vst v63  }
0x28c: {  	s21 =	sadd.s32 $0x14C0, s5  }
0x28d: {  	[tilespmem:s25], [sflag:$0x1] =	stream.indirect.gather [hbm4b:s4+s22], $0x40, s21, s22, $0xb8;
	[tilespmem:$0x1A1C0] =	vst v63  }
0x28e: {  	s7 =	sadd.s32 $0x1540, s5  }
0x28f: {  	[tilespmem:s26], [sflag:$0x1] =	stream.indirect.gather [hbm4b:s4+s22], $0x40, s7, s22, $0xb8;
	[tilespmem:$0x1A1C0] =	vst v63  }
0x290: {  	s19 =	sadd.s32 $0x15C0, s5  }
0x291: {  	[tilespmem:s29], [sflag:$0x1] =	stream.indirect.gather [hbm4b:s4+s22], $0x40, s19, s22, $0xb8;
	[tilespmem:$0x1A1C0] =	vst v63  }
0x292: {  	_ =	swait.ge [sflag:s30], $0x2000  }
0x293: {  	[sflag:s30] =	ssyncset.done $0x0  }
0x294: {  	[sflag:s30] =	ssyncadd.s32 $0xFFFFE000  }
0x295: {  	_ =	swait.ge [sflag:s30], $0x2000  }
0x296: {  	[sflag:s30] =	ssyncset.done $0x0  }
0x297: {  	[sflag:s30] =	ssyncadd.s32 $0xFFFFE000  }
0x298: {  	_ =	swait.ge [sflag:s30], $0x2000  }
0x299: {  	[sflag:s30] =	ssyncset.done $0x0  }
0x29a: {  	[sflag:s30] =	ssyncadd.s32 $0xFFFFE000  }
0x29b: {  	_ =	swait.ge [sflag:s30], $0x2000  }
0x29c: {  	[sflag:s30] =	ssyncset.done $0x0  }
0x29d: {  	[sflag:s30] =	ssyncadd.s32 $0xFFFFE000  }
0x29e: {  	_ =	swait.ge [sflag:s30], $0x2000  }
0x29f: {  	[sflag:s30] =	ssyncset.done $0x0  }
0x2a0: {  	s21 =	sadd.s32 $0x3BC0, s5;
	[sflag:s30] =	ssyncadd.s32 $0xFFFFE000  }
0x2a1: {  	[spmem:s1] =	stream.indirect.scatter.add.f32 [tilespmem:s23], [sflag:$0x2], $0x40, s21, s22, $0xb8;
	[tilespmem:$0x1A1C0] =	vst v63  }
0x2a2: {  	s7 =	sadd.s32 $0x3C40, s5  }
0x2a3: {  	[spmem:s1] =	stream.indirect.scatter.add.f32 [tilespmem:s24], [sflag:$0x2], $0x40, s7, s22, $0xb8;
	[tilespmem:$0x1A1C0] =	vst v63  }
0x2a4: {  	s19 =	sadd.s32 $0x3CC0, s5  }
0x2a5: {  	[spmem:s1] =	stream.indirect.scatter.add.f32 [tilespmem:s25], [sflag:$0x2], $0x40, s19, s22, $0xb8;
	[tilespmem:$0x1A1C0] =	vst v63  }
0x2a6: {  	s21 =	sadd.s32 $0x3D40, s5  }
0x2a7: {  	[spmem:s1] =	stream.indirect.scatter.add.f32 [tilespmem:s26], [sflag:$0x2], $0x40, s21, s22, $0xb8;
	[tilespmem:$0x1A1C0] =	vst v63  }
0x2a8: {  	s6 =	sadd.s32 $0x3DC0, s5  }
0x2a9: {  	[spmem:s1] =	stream.indirect.scatter.add.f32 [tilespmem:s29], [sflag:$0x2], $0x40, s6, s22, $0xb8;
	[tilespmem:$0x1A1C0] =	vst v63  }
0x2aa: {  	_ =	swait.ge [sflag:s31], $0x2000  }
0x2ab: {  	[sflag:s31] =	ssyncset.done $0x0  }
0x2ac: {  	[sflag:s31] =	ssyncadd.s32 $0xFFFFE000  }
0x2ad: {  	_ =	swait.ge [sflag:s31], $0x2000  }
0x2ae: {  	[sflag:s31] =	ssyncset.done $0x0  }
0x2af: {  	[sflag:s31] =	ssyncadd.s32 $0xFFFFE000  }
0x2b0: {  	_ =	swait.ge [sflag:s31], $0x2000  }
0x2b1: {  	[sflag:s31] =	ssyncset.done $0x0  }
0x2b2: {  	[sflag:s31] =	ssyncadd.s32 $0xFFFFE000  }
0x2b3: {  	_ =	swait.ge [sflag:s31], $0x2000  }
0x2b4: {  	[sflag:s31] =	ssyncset.done $0x0  }
0x2b5: {  	[sflag:s31] =	ssyncadd.s32 $0xFFFFE000  }
0x2b6: {  	_ =	swait.ge [sflag:s31], $0x2000  }
0x2b7: {  	[sflag:s31] =	ssyncset.done $0x0  }
0x2b8: {  	[sflag:s31] =	ssyncadd.s32 $0xFFFFE000  }
0x2b9: {  	[bflag:$0x0] =	sbarrier.arrive $0xFFFF  }
0x2ba: {  	[tilespmem:s23], [sflag:$0x3] =	stream.linear.gather [spmem:s2], $0x2000, $0x38;
	[tilespmem:$0x1A1C0] =	vst v63  }
0x2bb: {  	_ =	swait.ge [sflag:s20], $0x2000  }
0x2bc: {  	[sflag:s20] =	ssyncset.done $0x0  }
0x2bd: {  	s5 =	simm.s32 $0x0;
	s7 =	rddreg [dreg:$0x15];
	[sflag:s20] =	ssyncadd.s32 $0xFFFFE000  }
0x2be: {  	[hbm4b:s7+s5] =	stream.linear.scatter [tilespmem:s23], [sflag:$0x3], $0x2000, $0x38;
	[tilespmem:$0x1A1C0] =	vst v63  }
0x2bf: {  	_ =	swait.ge [sflag:s20], $0x2000  }
0x2c0: {  	[sflag:s20] =	ssyncset.done $0x0  }
0x2c1: {  	[sflag:s20] =	ssyncadd.s32 $0xFFFFE000  }
0x2c2: {  	[tilespmem:s23], [sflag:$0x3] =	stream.linear.gather [spmem:s15], $0x2000, $0x38;
	[tilespmem:$0x1A1C0] =	vst v63  }
0x2c3: {  	_ =	swait.ge [sflag:s20], $0x2000  }
0x2c4: {  	[sflag:s20] =	ssyncset.done $0x0  }
0x2c5: {  	s19 =	rddreg [dreg:$0x16];
	[sflag:s20] =	ssyncadd.s32 $0xFFFFE000  }
0x2c6: {  	[hbm4b:s19+s5] =	stream.linear.scatter [tilespmem:s23], [sflag:$0x3], $0x2000, $0x38;
	[tilespmem:$0x1A1C0] =	vst v63  }
0x2c7: {  	_ =	swait.ge [sflag:s20], $0x2000  }
0x2c8: {  	[sflag:s20] =	ssyncset.done $0x0  }
0x2c9: {  	[sflag:s20] =	ssyncadd.s32 $0xFFFFE000  }
0x2ca: {  	[tilespmem:s23], [sflag:$0x3] =	stream.linear.gather [spmem:s16], $0x2000, $0x38;
	[tilespmem:$0x1A1C0] =	vst v63  }
0x2cb: {  	_ =	swait.ge [sflag:s20], $0x2000  }
0x2cc: {  	[sflag:s20] =	ssyncset.done $0x0  }
0x2cd: {  	s21 =	rddreg [dreg:$0x17];
	[sflag:s20] =	ssyncadd.s32 $0xFFFFE000  }
0x2ce: {  	[hbm4b:s21+s5] =	stream.linear.scatter [tilespmem:s23], [sflag:$0x3], $0x2000, $0x38;
	[tilespmem:$0x1A1C0] =	vst v63  }
0x2cf: {  	_ =	swait.ge [sflag:s20], $0x2000  }
0x2d0: {  	[sflag:s20] =	ssyncset.done $0x0  }
0x2d1: {  	[sflag:s20] =	ssyncadd.s32 $0xFFFFE000  }
0x2d2: {  	[tilespmem:s23], [sflag:$0x3] =	stream.linear.gather [spmem:s17], $0x2000, $0x38;
	[tilespmem:$0x1A1C0] =	vst v63  }
0x2d3: {  	_ =	swait.ge [sflag:s20], $0x2000  }
0x2d4: {  	[sflag:s20] =	ssyncset.done $0x0  }
0x2d5: {  	s7 =	rddreg [dreg:$0x18];
	[sflag:s20] =	ssyncadd.s32 $0xFFFFE000  }
0x2d6: {  	[hbm4b:s7+s5] =	stream.linear.scatter [tilespmem:s23], [sflag:$0x3], $0x2000, $0x38;
	[tilespmem:$0x1A1C0] =	vst v63  }
0x2d7: {  	_ =	swait.ge [sflag:s20], $0x2000  }
0x2d8: {  	[sflag:s20] =	ssyncset.done $0x0  }
0x2d9: {  	[sflag:s20] =	ssyncadd.s32 $0xFFFFE000  }
0x2da: {  	[tilespmem:s23], [sflag:$0x3] =	stream.linear.gather [spmem:s18], $0x1C40, $0x38;
	[tilespmem:$0x1A1C0] =	vst v63  }
0x2db: {  	_ =	swait.ge [sflag:s20], $0x1C40  }
0x2dc: {  	[sflag:s20] =	ssyncset.done $0x0  }
0x2dd: {  	s19 =	rddreg [dreg:$0x19];
	[sflag:s20] =	ssyncadd.s32 $0xFFFFE3C0  }
0x2de: {  	[hbm4b:s19+s5] =	stream.linear.scatter [tilespmem:s23], [sflag:$0x3], $0x1C40, $0x38;
	[tilespmem:$0x1A1C0] =	vst v63  }
0x2df: {  	_ =	swait.ge [sflag:s20], $0x1C40  }
0x2e0: {  	[sflag:s20] =	ssyncset.done $0x0  }
0x2e1: {  	[sflag:s20] =	ssyncadd.s32 $0xFFFFE3C0  }
0x2e2: {  	[bflag:$0x0] =	sbarrier.arrive $0xFFFF  }
0x2e3: {  	s7 =	simm.s32 $0x13C0;
	s21 =	rddreg [dreg:$0x12]  }
0x2e4: {  	[tilespmem:s7], [sflag:$0x3] =	stream.linear.gather [hbm4b:s21+s5], $0x2800, $0x38;
	[tilespmem:$0x1A1C0] =	vst v63  }
0x2e5: {  	_ =	swait.ge [sflag:s20], $0x2800  }
0x2e6: {  	[sflag:s20] =	ssyncset.done $0x0  }
0x2e7: {  	s21 =	simm.s32 $0x3BC0;
	s19 =	rddreg [dreg:$0x13];
	[sflag:s20] =	ssyncadd.s32 $0xFFFFD800  }
0x2e8: {  	[tilespmem:s21], [sflag:$0x3] =	stream.linear.gather [hbm4b:s19+s5], $0x2800, $0x38;
	[tilespmem:$0x1A1C0] =	vst v63  }
0x2e9: {  	_ =	swait.ge [sflag:s20], $0x2800  }
0x2ea: {  	[sflag:s20] =	ssyncset.done $0x0  }
0x2eb: {  	[sflag:s20] =	ssyncadd.s32 $0xFFFFD800  }
0x2ec: {  	[spmem:s28] =	stream.linear.scatter [tilespmem:s5], [sflag:$0x3], $0x13C0, $0x38;
	[tilespmem:$0x1A1C0] =	vst v63  }
0x2ed: {  	_ =	swait.ge [sflag:s20], $0x13C0  }
0x2ee: {  	[sflag:s20] =	ssyncset.done $0x0  }
0x2ef: {  	[sflag:s20] =	ssyncadd.s32 $0xFFFFEC40  }
0x2f0: {  	[spmem:s8] =	stream.linear.scatter [tilespmem:s5], [sflag:$0x3], $0x13C0, $0x38;
	[tilespmem:$0x1A1C0] =	vst v63  }
0x2f1: {  	_ =	swait.ge [sflag:s20], $0x13C0  }
0x2f2: {  	[sflag:s20] =	ssyncset.done $0x0  }
0x2f3: {  	[sflag:s20] =	ssyncadd.s32 $0xFFFFEC40  }
0x2f4: {  	[spmem:s9] =	stream.linear.scatter [tilespmem:s5], [sflag:$0x3], $0x13C0, $0x38;
	[tilespmem:$0x1A1C0] =	vst v63  }
0x2f5: {  	_ =	swait.ge [sflag:s20], $0x13C0  }
0x2f6: {  	[sflag:s20] =	ssyncset.done $0x0  }
0x2f7: {  	[sflag:s20] =	ssyncadd.s32 $0xFFFFEC40  }
0x2f8: {  	[spmem:s10] =	stream.linear.scatter [tilespmem:s5], [sflag:$0x3], $0x13C0, $0x38;
	[tilespmem:$0x1A1C0] =	vst v63  }
0x2f9: {  	_ =	swait.ge [sflag:s20], $0x13C0  }
0x2fa: {  	[sflag:s20] =	ssyncset.done $0x0  }
0x2fb: {  	[sflag:s20] =	ssyncadd.s32 $0xFFFFEC40  }
0x2fc: {  	[spmem:s11] =	stream.linear.scatter [tilespmem:s5], [sflag:$0x3], $0x13C0, $0x38;
	[tilespmem:$0x1A1C0] =	vst v63  }
0x2fd: {  	_ =	swait.ge [sflag:s20], $0x13C0  }
0x2fe: {  	[sflag:s20] =	ssyncset.done $0x0  }
0x2ff: {  	[sflag:s20] =	ssyncadd.s32 $0xFFFFEC40  }
0x300: {  	[spmem:s12] =	stream.linear.scatter [tilespmem:s5], [sflag:$0x3], $0x13C0, $0x38;
	[tilespmem:$0x1A1C0] =	vst v63  }
0x301: {  	_ =	swait.ge [sflag:s20], $0x13C0  }
0x302: {  	[sflag:s20] =	ssyncset.done $0x0  }
0x303: {  	[sflag:s20] =	ssyncadd.s32 $0xFFFFEC40  }
0x304: {  	[spmem:s13] =	stream.linear.scatter [tilespmem:s5], [sflag:$0x3], $0x13C0, $0x38;
	[tilespmem:$0x1A1C0] =	vst v63  }
0x305: {  	_ =	swait.ge [sflag:s20], $0x13C0  }
0x306: {  	[sflag:s20] =	ssyncset.done $0x0  }
0x307: {  	[sflag:s20] =	ssyncadd.s32 $0xFFFFEC40  }
0x308: {  	[spmem:s14] =	stream.linear.scatter [tilespmem:s5], [sflag:$0x3], $0x13C0, $0x38;
	[tilespmem:$0x1A1C0] =	vst v63  }
0x309: {  	_ =	swait.ge [sflag:s20], $0x13C0  }
0x30a: {  	[sflag:s20] =	ssyncset.done $0x0  }
0x30b: {  	[sflag:s20] =	ssyncadd.s32 $0xFFFFEC40  }
0x30c: {  	s19 =	simm.s32 $0x13C0;
	[bflag:$0x0] =	sbarrier.arrive $0xFFFF  }
0x30d: {  	[tilespmem:s23], [sflag:$0x1] =	stream.indirect.gather [hbm4b:s4+s22], $0x40, s19, s22, $0xb8;
	[tilespmem:$0x1A1C0] =	vst v63  }
0x30e: {  	s21 =	simm.s32 $0x1440  }
0x30f: {  	[tilespmem:s24], [sflag:$0x1] =	stream.indirect.gather [hbm4b:s4+s22], $0x40, s21, s22, $0xb8;
	[tilespmem:$0x1A1C0] =	vst v63  }
0x310: {  	s6 =	simm.s32 $0x14C0  }
0x311: {  	[tilespmem:s25], [sflag:$0x1] =	stream.indirect.gather [hbm4b:s4+s22], $0x40, s6, s22, $0xb8;
	[tilespmem:$0x1A1C0] =	vst v63  }
0x312: {  	s7 =	simm.s32 $0x1540  }
0x313: {  	[tilespmem:s26], [sflag:$0x1] =	stream.indirect.gather [hbm4b:s4+s22], $0x40, s7, s22, $0xb8;
	[tilespmem:$0x1A1C0] =	vst v63  }
0x314: {  	s19 =	simm.s32 $0x15C0  }
0x315: {  	[tilespmem:s29], [sflag:$0x1] =	stream.indirect.gather [hbm4b:s4+s22], $0x40, s19, s22, $0xb8;
	[tilespmem:$0x1A1C0] =	vst v63  }
0x316: {  	_ =	swait.ge [sflag:s30], $0x2000  }
0x317: {  	[sflag:s30] =	ssyncset.done $0x0  }
0x318: {  	[sflag:s30] =	ssyncadd.s32 $0xFFFFE000  }
0x319: {  	_ =	swait.ge [sflag:s30], $0x2000  }
0x31a: {  	[sflag:s30] =	ssyncset.done $0x0  }
0x31b: {  	[sflag:s30] =	ssyncadd.s32 $0xFFFFE000  }
0x31c: {  	_ =	swait.ge [sflag:s30], $0x2000  }
0x31d: {  	[sflag:s30] =	ssyncset.done $0x0  }
0x31e: {  	[sflag:s30] =	ssyncadd.s32 $0xFFFFE000  }
0x31f: {  	_ =	swait.ge [sflag:s30], $0x2000  }
0x320: {  	[sflag:s30] =	ssyncset.done $0x0  }
0x321: {  	[sflag:s30] =	ssyncadd.s32 $0xFFFFE000  }
0x322: {  	_ =	swait.ge [sflag:s30], $0x2000  }
0x323: {  	[sflag:s30] =	ssyncset.done $0x0  }
0x324: {  	s21 =	simm.s32 $0x3BC0;
	[sflag:s30] =	ssyncadd.s32 $0xFFFFE000  }
0x325: {  	[spmem:s1] =	stream.indirect.scatter.add.f32 [tilespmem:s23], [sflag:$0x2], $0x40, s21, s22, $0xb8;
	[tilespmem:$0x1A1C0] =	vst v63  }
0x326: {  	s6 =	simm.s32 $0x3C40  }
0x327: {  	[spmem:s1] =	stream.indirect.scatter.add.f32 [tilespmem:s24], [sflag:$0x2], $0x40, s6, s22, $0xb8;
	[tilespmem:$0x1A1C0] =	vst v63  }
0x328: {  	s7 =	simm.s32 $0x3CC0  }
0x329: {  	[spmem:s1] =	stream.indirect.scatter.add.f32 [tilespmem:s25], [sflag:$0x2], $0x40, s7, s22, $0xb8;
	[tilespmem:$0x1A1C0] =	vst v63  }
0x32a: {  	s19 =	simm.s32 $0x3D40  }
0x32b: {  	[spmem:s1] =	stream.indirect.scatter.add.f32 [tilespmem:s26], [sflag:$0x2], $0x40, s19, s22, $0xb8;
	[tilespmem:$0x1A1C0] =	vst v63  }
0x32c: {  	s21 =	simm.s32 $0x3DC0  }
0x32d: {  	[spmem:s1] =	stream.indirect.scatter.add.f32 [tilespmem:s29], [sflag:$0x2], $0x40, s21, s22, $0xb8;
	[tilespmem:$0x1A1C0] =	vst v63  }
0x32e: {  	_ =	swait.ge [sflag:s31], $0x2000  }
0x32f: {  	[sflag:s31] =	ssyncset.done $0x0  }
0x330: {  	[sflag:s31] =	ssyncadd.s32 $0xFFFFE000  }
0x331: {  	_ =	swait.ge [sflag:s31], $0x2000  }
0x332: {  	[sflag:s31] =	ssyncset.done $0x0  }
0x333: {  	[sflag:s31] =	ssyncadd.s32 $0xFFFFE000  }
0x334: {  	_ =	swait.ge [sflag:s31], $0x2000  }
0x335: {  	[sflag:s31] =	ssyncset.done $0x0  }
0x336: {  	[sflag:s31] =	ssyncadd.s32 $0xFFFFE000  }
0x337: {  	_ =	swait.ge [sflag:s31], $0x2000  }
0x338: {  	[sflag:s31] =	ssyncset.done $0x0  }
0x339: {  	[sflag:s31] =	ssyncadd.s32 $0xFFFFE000  }
0x33a: {  	_ =	swait.ge [sflag:s31], $0x2000  }
0x33b: {  	s5 =	simm.s32 $0x280;
	s19 =	simm.s32 $0x1400;
	[sflag:s31] =	ssyncset.done $0x0  }
.LBB2_10:
0x33c: {  	s21 =	sadd.s32 $0x13C0, s5  }
0x33d: {  	[sflag:s31] =	ssyncadd.s32 $0xFFFFE000;
	s7 =	smov.u32 s19;
	s6 =	sadd.s32 $0xA00, s19  }
0x33e: {  	[tilespmem:s23], [sflag:$0x1] =	stream.indirect.gather [hbm4b:s4+s22], $0x40, s21, s22, $0xb8;
	[tilespmem:$0x1A1C0] =	vst v63  }
0x33f: {  	p0 =	sne.s32 s19, $0x9600;
	s19 =	sadd.s32 $0x1440, s5  }
0x340: {  	[tilespmem:s24], [sflag:$0x1] =	stream.indirect.gather [hbm4b:s4+s22], $0x40, s19, s22, $0xb8;
	[tilespmem:$0x1A1C0] =	vst v63  }
0x341: {  	s19 =	sadd.s32 $0x14C0, s5  }
0x342: {  	[tilespmem:s25], [sflag:$0x1] =	stream.indirect.gather [hbm4b:s4+s22], $0x40, s19, s22, $0xb8;
	[tilespmem:$0x1A1C0] =	vst v63  }
0x343: {  	s19 =	sadd.s32 $0x1540, s5  }
0x344: {  	[tilespmem:s26], [sflag:$0x1] =	stream.indirect.gather [hbm4b:s4+s22], $0x40, s19, s22, $0xb8;
	[tilespmem:$0x1A1C0] =	vst v63  }
0x345: {  	s19 =	sadd.s32 $0x15C0, s5  }
0x346: {  	[tilespmem:s29], [sflag:$0x1] =	stream.indirect.gather [hbm4b:s4+s22], $0x40, s19, s22, $0xb8;
	[tilespmem:$0x1A1C0] =	vst v63  }
0x347: {  	_ =	swait.ge [sflag:s30], $0x2000  }
0x348: {  	[sflag:s30] =	ssyncset.done $0x0  }
0x349: {  	[sflag:s30] =	ssyncadd.s32 $0xFFFFE000  }
0x34a: {  	_ =	swait.ge [sflag:s30], $0x2000  }
0x34b: {  	[sflag:s30] =	ssyncset.done $0x0  }
0x34c: {  	[sflag:s30] =	ssyncadd.s32 $0xFFFFE000  }
0x34d: {  	_ =	swait.ge [sflag:s30], $0x2000  }
0x34e: {  	[sflag:s30] =	ssyncset.done $0x0  }
0x34f: {  	[sflag:s30] =	ssyncadd.s32 $0xFFFFE000  }
0x350: {  	_ =	swait.ge [sflag:s30], $0x2000  }
0x351: {  	[sflag:s30] =	ssyncset.done $0x0  }
0x352: {  	[sflag:s30] =	ssyncadd.s32 $0xFFFFE000  }
0x353: {  	_ =	swait.ge [sflag:s30], $0x2000  }
0x354: {  	[sflag:s30] =	ssyncset.done $0x0  }
0x355: {  	s19 =	sadd.s32 $0x3BC0, s5;
	[sflag:s30] =	ssyncadd.s32 $0xFFFFE000  }
0x356: {  	[spmem:s1] =	stream.indirect.scatter.add.f32 [tilespmem:s23], [sflag:$0x2], $0x40, s19, s22, $0xb8;
	[tilespmem:$0x1A1C0] =	vst v63  }
0x357: {  	s19 =	sadd.s32 $0x3C40, s5  }
0x358: {  	[spmem:s1] =	stream.indirect.scatter.add.f32 [tilespmem:s24], [sflag:$0x2], $0x40, s19, s22, $0xb8;
	[tilespmem:$0x1A1C0] =	vst v63  }
0x359: {  	s19 =	sadd.s32 $0x3CC0, s5  }
0x35a: {  	[spmem:s1] =	stream.indirect.scatter.add.f32 [tilespmem:s25], [sflag:$0x2], $0x40, s19, s22, $0xb8;
	[tilespmem:$0x1A1C0] =	vst v63  }
0x35b: {  	s19 =	sadd.s32 $0x3D40, s5  }
0x35c: {  	[spmem:s1] =	stream.indirect.scatter.add.f32 [tilespmem:s26], [sflag:$0x2], $0x40, s19, s22, $0xb8;
	[tilespmem:$0x1A1C0] =	vst v63  }
0x35d: {  	s5 =	sadd.s32 $0x3DC0, s5  }
0x35e: {  	[spmem:s1] =	stream.indirect.scatter.add.f32 [tilespmem:s29], [sflag:$0x2], $0x40, s5, s22, $0xb8;
	[tilespmem:$0x1A1C0] =	vst v63  }
0x35f: {  	_ =	swait.ge [sflag:s31], $0x2000  }
0x360: {  	[sflag:s31] =	ssyncset.done $0x0  }
0x361: {  	[sflag:s31] =	ssyncadd.s32 $0xFFFFE000  }
0x362: {  	_ =	swait.ge [sflag:s31], $0x2000  }
0x363: {  	[sflag:s31] =	ssyncset.done $0x0  }
0x364: {  	[sflag:s31] =	ssyncadd.s32 $0xFFFFE000  }
0x365: {  	_ =	swait.ge [sflag:s31], $0x2000  }
0x366: {  	[sflag:s31] =	ssyncset.done $0x0  }
0x367: {  	[sflag:s31] =	ssyncadd.s32 $0xFFFFE000  }
.Ltmp4:
0x368: {  	_ =	swait.ge [sflag:s31], $0x2000;
	(pc) =	sbr.rel @p0 .LBB2_10-.Ltmp4, $4  }
0x369: {  	[sflag:s31] =	ssyncset.done $0x0  }
0x36a: {  	[sflag:s31] =	ssyncadd.s32 $0xFFFFE000  }
0x36b: {  	_ =	swait.ge [sflag:s31], $0x2000  }
0x36c: {  	s19 =	smov.u32 s6;
	s5 =	sshra.s32 s7, $0x2;
	[sflag:s31] =	ssyncset.done $0x0  }
0x36d: {  	s6 =	sadd.s32 $0x13C0, s5;
	[sflag:s31] =	ssyncadd.s32 $0xFFFFE000  }
0x36e: {  	[tilespmem:s23], [sflag:$0x1] =	stream.indirect.gather [hbm4b:s4+s22], $0x40, s6, s22, $0xb8;
	[tilespmem:$0x1A1C0] =	vst v63  }
0x36f: {  	s19 =	sadd.s32 $0x1440, s5  }
0x370: {  	[tilespmem:s24], [sflag:$0x1] =	stream.indirect.gather [hbm4b:s4+s22], $0x40, s19, s22, $0xb8;
	[tilespmem:$0x1A1C0] =	vst v63  }
0x371: {  	s21 =	sadd.s32 $0x14C0, s5  }
0x372: {  	[tilespmem:s25], [sflag:$0x1] =	stream.indirect.gather [hbm4b:s4+s22], $0x40, s21, s22, $0xb8;
	[tilespmem:$0x1A1C0] =	vst v63  }
0x373: {  	s7 =	sadd.s32 $0x1540, s5  }
0x374: {  	[tilespmem:s26], [sflag:$0x1] =	stream.indirect.gather [hbm4b:s4+s22], $0x40, s7, s22, $0xb8;
	[tilespmem:$0x1A1C0] =	vst v63  }
0x375: {  	s19 =	sadd.s32 $0x15C0, s5  }
0x376: {  	[tilespmem:s29], [sflag:$0x1] =	stream.indirect.gather [hbm4b:s4+s22], $0x40, s19, s22, $0xb8;
	[tilespmem:$0x1A1C0] =	vst v63  }
0x377: {  	_ =	swait.ge [sflag:s30], $0x2000  }
0x378: {  	[sflag:s30] =	ssyncset.done $0x0  }
0x379: {  	[sflag:s30] =	ssyncadd.s32 $0xFFFFE000  }
0x37a: {  	_ =	swait.ge [sflag:s30], $0x2000  }
0x37b: {  	[sflag:s30] =	ssyncset.done $0x0  }
0x37c: {  	[sflag:s30] =	ssyncadd.s32 $0xFFFFE000  }
0x37d: {  	_ =	swait.ge [sflag:s30], $0x2000  }
0x37e: {  	[sflag:s30] =	ssyncset.done $0x0  }
0x37f: {  	[sflag:s30] =	ssyncadd.s32 $0xFFFFE000  }
0x380: {  	_ =	swait.ge [sflag:s30], $0x2000  }
0x381: {  	[sflag:s30] =	ssyncset.done $0x0  }
0x382: {  	[sflag:s30] =	ssyncadd.s32 $0xFFFFE000  }
0x383: {  	_ =	swait.ge [sflag:s30], $0x2000  }
0x384: {  	[sflag:s30] =	ssyncset.done $0x0  }
0x385: {  	s21 =	sadd.s32 $0x3BC0, s5;
	[sflag:s30] =	ssyncadd.s32 $0xFFFFE000  }
0x386: {  	[spmem:s1] =	stream.indirect.scatter.add.f32 [tilespmem:s23], [sflag:$0x2], $0x40, s21, s22, $0xb8;
	[tilespmem:$0x1A1C0] =	vst v63  }
0x387: {  	s7 =	sadd.s32 $0x3C40, s5  }
0x388: {  	[spmem:s1] =	stream.indirect.scatter.add.f32 [tilespmem:s24], [sflag:$0x2], $0x40, s7, s22, $0xb8;
	[tilespmem:$0x1A1C0] =	vst v63  }
0x389: {  	s19 =	sadd.s32 $0x3CC0, s5  }
0x38a: {  	[spmem:s1] =	stream.indirect.scatter.add.f32 [tilespmem:s25], [sflag:$0x2], $0x40, s19, s22, $0xb8;
	[tilespmem:$0x1A1C0] =	vst v63  }
0x38b: {  	s21 =	sadd.s32 $0x3D40, s5  }
0x38c: {  	[spmem:s1] =	stream.indirect.scatter.add.f32 [tilespmem:s26], [sflag:$0x2], $0x40, s21, s22, $0xb8;
	[tilespmem:$0x1A1C0] =	vst v63  }
0x38d: {  	s7 =	sadd.s32 $0x3DC0, s5  }
0x38e: {  	[spmem:s1] =	stream.indirect.scatter.add.f32 [tilespmem:s29], [sflag:$0x2], $0x40, s7, s22, $0xb8;
	[tilespmem:$0x1A1C0] =	vst v63  }
0x38f: {  	_ =	swait.ge [sflag:s31], $0x2000  }
0x390: {  	[sflag:s31] =	ssyncset.done $0x0  }
0x391: {  	[sflag:s31] =	ssyncadd.s32 $0xFFFFE000  }
0x392: {  	_ =	swait.ge [sflag:s31], $0x2000  }
0x393: {  	[sflag:s31] =	ssyncset.done $0x0  }
0x394: {  	[sflag:s31] =	ssyncadd.s32 $0xFFFFE000  }
0x395: {  	_ =	swait.ge [sflag:s31], $0x2000  }
0x396: {  	[sflag:s31] =	ssyncset.done $0x0  }
0x397: {  	[sflag:s31] =	ssyncadd.s32 $0xFFFFE000  }
0x398: {  	_ =	swait.ge [sflag:s31], $0x2000  }
0x399: {  	[sflag:s31] =	ssyncset.done $0x0  }
0x39a: {  	[sflag:s31] =	ssyncadd.s32 $0xFFFFE000  }
0x39b: {  	_ =	swait.ge [sflag:s31], $0x2000  }
0x39c: {  	[sflag:s31] =	ssyncset.done $0x0  }
0x39d: {  	[sflag:s31] =	ssyncadd.s32 $0xFFFFE000  }
0x39e: {  	[bflag:$0x0] =	sbarrier.arrive $0xFFFF  }
0x39f: {  	[tilespmem:s23], [sflag:$0x3] =	stream.linear.gather [spmem:s2], $0x2000, $0x38;
	[tilespmem:$0x1A1C0] =	vst v63  }
0x3a0: {  	_ =	swait.ge [sflag:s20], $0x2000  }
0x3a1: {  	[sflag:s20] =	ssyncset.done $0x0  }
0x3a2: {  	s19 =	rddreg [dreg:$0x1a];
	[sflag:s20] =	ssyncadd.s32 $0xFFFFE000  }
0x3a3: {  	[hbm4b:s19+s3] =	stream.linear.scatter [tilespmem:s23], [sflag:$0x3], $0x2000, $0x38;
	[tilespmem:$0x1A1C0] =	vst v63  }
0x3a4: {  	_ =	swait.ge [sflag:s20], $0x2000  }
0x3a5: {  	[sflag:s20] =	ssyncset.done $0x0  }
0x3a6: {  	[sflag:s20] =	ssyncadd.s32 $0xFFFFE000  }
0x3a7: {  	[tilespmem:s23], [sflag:$0x3] =	stream.linear.gather [spmem:s15], $0x2000, $0x38;
	[tilespmem:$0x1A1C0] =	vst v63  }
0x3a8: {  	_ =	swait.ge [sflag:s20], $0x2000  }
0x3a9: {  	[sflag:s20] =	ssyncset.done $0x0  }
0x3aa: {  	s21 =	rddreg [dreg:$0x1b];
	[sflag:s20] =	ssyncadd.s32 $0xFFFFE000  }
0x3ab: {  	[hbm4b:s21+s3] =	stream.linear.scatter [tilespmem:s23], [sflag:$0x3], $0x2000, $0x38;
	[tilespmem:$0x1A1C0] =	vst v63  }
0x3ac: {  	_ =	swait.ge [sflag:s20], $0x2000  }
0x3ad: {  	[sflag:s20] =	ssyncset.done $0x0  }
0x3ae: {  	[sflag:s20] =	ssyncadd.s32 $0xFFFFE000  }
0x3af: {  	[tilespmem:s23], [sflag:$0x3] =	stream.linear.gather [spmem:s16], $0x2000, $0x38;
	[tilespmem:$0x1A1C0] =	vst v63  }
0x3b0: {  	_ =	swait.ge [sflag:s20], $0x2000  }
0x3b1: {  	[sflag:s20] =	ssyncset.done $0x0  }
0x3b2: {  	s6 =	rddreg [dreg:$0x1c];
	[sflag:s20] =	ssyncadd.s32 $0xFFFFE000  }
0x3b3: {  	[hbm4b:s6+s3] =	stream.linear.scatter [tilespmem:s23], [sflag:$0x3], $0x2000, $0x38;
	[tilespmem:$0x1A1C0] =	vst v63  }
0x3b4: {  	_ =	swait.ge [sflag:s20], $0x2000  }
0x3b5: {  	[sflag:s20] =	ssyncset.done $0x0  }
0x3b6: {  	[sflag:s20] =	ssyncadd.s32 $0xFFFFE000  }
0x3b7: {  	[tilespmem:s23], [sflag:$0x3] =	stream.linear.gather [spmem:s17], $0x2000, $0x38;
	[tilespmem:$0x1A1C0] =	vst v63  }
0x3b8: {  	_ =	swait.ge [sflag:s20], $0x2000  }
0x3b9: {  	[sflag:s20] =	ssyncset.done $0x0  }
0x3ba: {  	s7 =	rddreg [dreg:$0x1d];
	[sflag:s20] =	ssyncadd.s32 $0xFFFFE000  }
0x3bb: {  	[hbm4b:s7+s3] =	stream.linear.scatter [tilespmem:s23], [sflag:$0x3], $0x2000, $0x38;
	[tilespmem:$0x1A1C0] =	vst v63  }
0x3bc: {  	_ =	swait.ge [sflag:s20], $0x2000  }
0x3bd: {  	[sflag:s20] =	ssyncset.done $0x0  }
0x3be: {  	[sflag:s20] =	ssyncadd.s32 $0xFFFFE000  }
0x3bf: {  	[tilespmem:s23], [sflag:$0x3] =	stream.linear.gather [spmem:s18], $0x1C40, $0x38;
	[tilespmem:$0x1A1C0] =	vst v63  }
0x3c0: {  	_ =	swait.ge [sflag:s20], $0x1C40  }
0x3c1: {  	[sflag:s20] =	ssyncset.done $0x0  }
0x3c2: {  	s19 =	rddreg [dreg:$0x1e];
	[sflag:s20] =	ssyncadd.s32 $0xFFFFE3C0  }
0x3c3: {  	[hbm4b:s19+s3] =	stream.linear.scatter [tilespmem:s23], [sflag:$0x3], $0x1C40, $0x38;
	[tilespmem:$0x1A1C0] =	vst v63  }
0x3c4: {  	_ =	swait.ge [sflag:s20], $0x1C40  }
0x3c5: {  	s0 =	sadd.s32 $0x1, s0;
	s21 =	rddreg [dreg:$0x1f]  }
0x3c6: {  	p0 =	sne.s32 s0, s21  }
.Ltmp5:
0x3c7: {  	_ = 	snop;
	(pc) =	sbr.rel @p0 .LBB2_1-.Ltmp5, $3  }
0x3c8: {  	[sflag:s20] =	ssyncset.done $0x0  }
0x3c9: {  	[sflag:s20] =	ssyncadd.s32 $0xFFFFE3C0  }
0x3ca: {  	[bflag:$0x0] =	sbarrier.arrive $0xFFFF;
	_ =	sdelay $0x1  }
0x3cb: {  	_ =	sfence.sel $0x180000  }
0x3cc: {  	[bflag:$0x0] =	sbarrier.arrive $0xFFFF  }
0x3cd: {  	_ =	strace $0x90000047  }
0x3ce: {  	s0 =	stileid.u32;
	[bflag:$0x2] =	sbarrier.arrive $0xFFFF  }
0x3cf: {  	p0 =	sne.s32 s0, $0x0;
	s0 =	rddreg [dreg:$0x2]  }
0x3d0: {  	s0 =	sadd.s32 @!p0 $0x100000, s0  }
0x3d1: {  	[sflag:s0] =	ssyncadd.tile.s32 @!p0 $0x1;
	_ =	shalt  }
.Lfunc_end2:
_tile_overlayer_lowered:
.L_overlay_start_2:
0x3d2: {  	(tag) =	ssettag $0x2  }
0x3d3: {  	s0 =	rddreg [dreg:$0x0];
	s2 =	stileid.u32  }
0x3d4: {  	s1 =	rddreg [dreg:$0x1];
	p0 =	sne.s32 s2, $0x0  }
0x3d5: {  	s3 =	rddreg [dreg:$0x2];
	[bflag:$0x3] =	sbarrier.arrive $0xFFFF;
	s2 =	simm.s32 @!p0 $0x1C03  }
0x3d6: {  	[timem:s3], [sflag:s2] =	dma.local @!p0 [hbm:s0], s1  }
0x3d7: {  	s0 =	simm.s32 @!p0 $0x3  }
0x3d8: {  	_ =	swait.ge @!p0 [sflag:s0], s1  }
0x3d9: {  	s1 =	ssub.s32 @!p0 $0x0, s1;
	[sflag:s0] =	ssyncset.done @!p0 $0x0  }
0x3da: {  	[sflag:s0] =	ssyncadd.s32 @!p0 s1  }
0x3db: {  	[bflag:$0x3] =	sbarrier.arrive $0xFFFF  }
0x3dc: {  	_ =	shalt  }

</sc_bundles>
